<compile_context>
chip_gen: v7x
topology: tpu7x:2x2x1
jax: 0.10.2.dev20260603
libtpu: 0.0.44.dev20260713+nightly
codegen_flags: <defaults>
</compile_context>

<pallas_src>
import functools

import jax
import jax.numpy as jnp
from jax import lax
from jax.experimental import pallas as pl
from jax.experimental.pallas import tpu as pltpu
from jax.experimental.pallas import tpu_sc as plsc


@functools.lru_cache(maxsize=None)
def _make_gather_kernel(V, NB, T):
    D = 64
    DP = 128
    NG = 4
    info = plsc.get_sparse_core_info()
    NW = info.num_cores * info.num_subcores
    assert NB % DP == 0
    NBL = NB // DP
    n_units = T * NBL
    assert n_units % NW == 0
    u_per_w = n_units // NW
    assert u_per_w % NG == 0
    tok_per_w = u_per_w * DP

    mesh = plsc.VectorSubcoreMesh(core_axis_name="c", subcore_axis_name="s")

    @functools.partial(
        pl.kernel,
        mesh=mesh,
        out_type=jax.ShapeDtypeStruct((T, D, NB), jnp.float32),
        scratch_types=[
            pltpu.VMEM((tok_per_w,), jnp.int32),
            pltpu.VMEM((NG, DP, DP), jnp.float32),
            pltpu.VMEM((NG, D, DP), jnp.float32),
            pltpu.SemaphoreType.DMA,
            pltpu.SemaphoreType.DMA,
            pltpu.SemaphoreType.DMA,
            pltpu.SemaphoreType.DMA,
            pltpu.SemaphoreType.DMA,
            pltpu.SemaphoreType.DMA,
            pltpu.SemaphoreType.DMA,
            pltpu.SemaphoreType.DMA,
        ],
        compiler_params=pltpu.CompilerParams(needs_layout_passes=False),
    )
    def gather_kernel(idx_hbm, table_hbm, out_hbm, idx_v, g_v, o_v,
                      gsem0, gsem1, gsem2, gsem3, ssem0, ssem1, ssem2, ssem3):
        wid = lax.axis_index("s") * info.num_cores + lax.axis_index("c")
        ubase = wid * u_per_w
        gsem = (gsem0, gsem1, gsem2, gsem3)
        ssem = (ssem0, ssem1, ssem2, ssem3)

        pltpu.sync_copy(idx_hbm.at[pl.ds(wid * tok_per_w, tok_per_w)], idx_v)

        def start_gather(u_local, b):
            pltpu.async_copy(
                table_hbm.at[idx_v.at[pl.ds(u_local * DP, DP)]],
                g_v.at[b], gsem[b])

        def wait_gather(b):
            pltpu.make_async_copy(table_hbm.at[pl.ds(0, DP)], g_v.at[b],
                                  gsem[b]).wait()

        def start_store(u_local, o):
            u = ubase + u_local
            t = u // NBL
            tb = u % NBL
            pltpu.async_copy(o_v.at[o], out_hbm.at[t, :, pl.ds(tb * DP, DP)],
                             ssem[o])

        def wait_store(o):
            pltpu.make_async_copy(o_v.at[o], out_hbm.at[0, :, pl.ds(0, DP)],
                                  ssem[o]).wait()

        lane = lax.iota(jnp.int32, 16)

        def transpose_unit(b, o):
            @pl.loop(0, D, unroll=4)
            def _col(c0):
                c0vec = lax.broadcast_in_dim(c0, (16,), ())
                cols = (c0vec + lane) & (D - 1)
                for k in range(DP // 16):
                    rows = lane + (16 * k)
                    vals = plsc.load_gather(g_v.at[b], [rows, cols])
                    plsc.store_scatter(o_v.at[o], [cols, rows], vals)

        for b in range(NG):
            start_gather(b, b)
        for b in range(NG):
            start_store(b, b)

        @pl.loop(0, u_per_w, step=NG)
        def _steady(g):
            for b in range(NG):
                i = g + b
                o = b
                wait_gather(b)
                wait_store(o)
                transpose_unit(b, o)
                start_store(i, o)

                @pl.when(i + NG < u_per_w)
                def _refill():
                    start_gather(i + NG, b)

        for o in range(NG):
            wait_store(o)

    return gather_kernel


@jax.jit
def kernel(x, table):
    V, D = table.shape
    NB, T = x.shape
    table_p = jnp.pad(table, ((0, 0), (0, 128 - D)))
    flat_idx = x.T.reshape(NB * T).astype(jnp.int32)
    out_t = _make_gather_kernel(V, NB, T)(flat_idx, table_p)
    return out_t.transpose(2, 0, 1)

# --- scband reference (transcript-rebuilt; emitter-appended) ---
"""Pipeline reference for scband-tok-embedding-18210661335113 (READ-ONLY COPY).

The authoritative reference and input builder live on the scoring server;
editing this copy changes nothing except your own understanding.
"""

import jax, jax.numpy as jnp
import numpy as np

VOCAB = 1000000
DIM = 64
PAD = 0

def setup_inputs(seed: int = 0) -> dict:
    key = jax.random.key(seed)
    k1, k2 = jax.random.split(key)
    x = jax.random.randint(k1, (4096, 200), 0, VOCAB, dtype=jnp.int64 if jax.config.read('jax_enable_x64') else jnp.int32)
    table = jax.random.normal(k2, (VOCAB, DIM), dtype=jnp.float32)
    # nn.Embedding with padding_idx zero-initializes that row
    table = table.at[PAD].set(0.0)
    return {"x": x, "table": table}

def reference(x, table):
    # faithful to nn.Embedding forward: pure gather
    return jnp.take(table, x, axis=0)

if __name__ == "__main__":
    import jax
    _d = setup_inputs()
    print(jax.jit(kernel)(*tuple(_d.values())))

</pallas_src>

<mosaic_0001>
#map = affine_map<(d0, d1) -> (0)>
#map1 = affine_map<(d0, d1) -> (0, 0)>
#map2 = affine_map<(d0, d1) -> (0, 0, 0)>
module attributes {stable_mosaic.version = 14 : i64} {
  func.func @gather_kernel(%arg0: i32, %arg1: i32, %arg2: memref<819200xi32, #tpu.memory_space<hbm>>, %arg3: memref<1000000x128xf32, #tpu.memory_space<hbm>>, %arg4: memref<200x64x4096xf32, #tpu.memory_space<hbm>>, %arg5: memref<25600xi32, #tpu.memory_space<vmem>>, %arg6: memref<4x128x128xf32, #tpu.memory_space<vmem>>, %arg7: memref<4x64x128xf32, #tpu.memory_space<vmem>>, %arg8: memref<!tpu.dma_semaphore, #tpu.memory_space<semaphore_mem>>, %arg9: memref<!tpu.dma_semaphore, #tpu.memory_space<semaphore_mem>>, %arg10: memref<!tpu.dma_semaphore, #tpu.memory_space<semaphore_mem>>, %arg11: memref<!tpu.dma_semaphore, #tpu.memory_space<semaphore_mem>>, %arg12: memref<!tpu.dma_semaphore, #tpu.memory_space<semaphore_mem>>, %arg13: memref<!tpu.dma_semaphore, #tpu.memory_space<semaphore_mem>>, %arg14: memref<!tpu.dma_semaphore, #tpu.memory_space<semaphore_mem>>, %arg15: memref<!tpu.dma_semaphore, #tpu.memory_space<semaphore_mem>>) attributes {dimension_semantics = [#tpu.dimension_semantics<core_parallel>, #tpu.dimension_semantics<subcore_parallel>], iteration_bounds = array<i64: 2, 16>, scalar_prefetch = 0 : i64, scratch_operands = 11 : i64, tpu.core_type = #tpu.core_type<sc_vector_subcore>, window_params = [{transform_indices = #map}, {transform_indices = #map1}, {transform_indices = #map2}]} {
    %mul3A = arith.constant 2 : i32
    %mul3A_0 = arith.muli %arg1, %mul3A : i32
    %add3A = arith.addi %mul3A_0, %arg0 : i32
    %mul3A_1 = arith.constant 200 : i32
    %mul3A_2 = arith.muli %add3A, %mul3A_1 : i32
    %mul3A_3 = arith.constant 25600 : i32
    %mul3A_4 = arith.muli %add3A, %mul3A_3 : i32
    "tpu.region"() ({
      %run_scoped3A = tpu.sem_alloc : memref<!tpu.dma_semaphore, #tpu.memory_space<semaphore_mem>>
      %dma_start3A_345 = tpu.memref_slice %arg2[%mul3A_4] : memref<819200xi32, #tpu.memory_space<hbm>> -> memref<25600xi32, #tpu.memory_space<hbm>>
      %dma_start3A_346 = tpu.memref_slice %arg2[%mul3A_4] : memref<819200xi32, #tpu.memory_space<hbm>> -> memref<25600xi32, #tpu.memory_space<hbm>>
      tpu.enqueue_dma source(%dma_start3A_346 : memref<25600xi32, #tpu.memory_space<hbm>>) target(%arg5 : memref<25600xi32, #tpu.memory_space<vmem>>) target_semaphore(%run_scoped3A : memref<!tpu.dma_semaphore, #tpu.memory_space<semaphore_mem>>)
      %dma_wait3A_347 = tpu.memref_slice %arg2[%mul3A_4] : memref<819200xi32, #tpu.memory_space<hbm>> -> memref<25600xi32, #tpu.memory_space<hbm>>
      %dma_wait3A_348 = tpu.memref_slice %arg2[%mul3A_4] : memref<819200xi32, #tpu.memory_space<hbm>> -> memref<25600xi32, #tpu.memory_space<hbm>>
      tpu.wait_dma2 semaphore(%run_scoped3A : memref<!tpu.dma_semaphore, #tpu.memory_space<semaphore_mem>>) src(%dma_wait3A_348 : memref<25600xi32, #tpu.memory_space<hbm>>) dst(%arg5 : memref<25600xi32, #tpu.memory_space<vmem>>)
      tpu.yield
    }) : () -> ()
    %iota3A = tpu.iota {dimensions = array<i32: 0>} : vector<16xi32>
    %dma_start3A = arith.constant 0 : i32
    %dma_start3A_5 = arith.constant 0 : i32
    %dma_start3A_6 = arith.constant 0 : i32
    %dma_start3A_7 = tpu.memref_slice %arg6[%dma_start3A, %dma_start3A_5, %dma_start3A_6] : memref<4x128x128xf32, #tpu.memory_space<vmem>> -> memref<1x128x128xf32, #tpu.memory_space<vmem>>
    %dma_start3A_8 = tpu.memref_squeeze %dma_start3A_7 : memref<1x128x128xf32, #tpu.memory_space<vmem>> -> memref<128x128xf32, #tpu.memory_space<vmem>>
    %dma_start3A_9 = arith.constant 0 : i32
    %dma_start3A_10 = tpu.memref_slice %arg5[%dma_start3A_9] : memref<25600xi32, #tpu.memory_space<vmem>> -> memref<128xi32, #tpu.memory_space<vmem>>
    %dma_start3A_11 = arith.constant 0 : i32
    %dma_start3A_12 = arith.constant 0 : i32
    %dma_start3A_13 = tpu.memref_slice %arg3[%dma_start3A_11, %dma_start3A_12] : memref<1000000x128xf32, #tpu.memory_space<hbm>> -> memref<1000000x128xf32, #tpu.memory_space<hbm>>
    tpu.enqueue_indirect_dma source(%dma_start3A_13 : memref<1000000x128xf32, #tpu.memory_space<hbm>>) target(%dma_start3A_8 : memref<128x128xf32, #tpu.memory_space<vmem>>) offsets(%dma_start3A_10 : memref<128xi32, #tpu.memory_space<vmem>>) semaphore(%arg8 : memref<!tpu.dma_semaphore, #tpu.memory_space<semaphore_mem>>)
    %dma_start3A_14 = arith.constant 1 : i32
    %dma_start3A_15 = arith.constant 0 : i32
    %dma_start3A_16 = arith.constant 0 : i32
    %dma_start3A_17 = tpu.memref_slice %arg6[%dma_start3A_14, %dma_start3A_15, %dma_start3A_16] : memref<4x128x128xf32, #tpu.memory_space<vmem>> -> memref<1x128x128xf32, #tpu.memory_space<vmem>>
    %dma_start3A_18 = tpu.memref_squeeze %dma_start3A_17 : memref<1x128x128xf32, #tpu.memory_space<vmem>> -> memref<128x128xf32, #tpu.memory_space<vmem>>
    %dma_start3A_19 = arith.constant 128 : i32
    %dma_start3A_20 = tpu.memref_slice %arg5[%dma_start3A_19] : memref<25600xi32, #tpu.memory_space<vmem>> -> memref<128xi32, #tpu.memory_space<vmem>>
    %dma_start3A_21 = arith.constant 0 : i32
    %dma_start3A_22 = arith.constant 0 : i32
    %dma_start3A_23 = tpu.memref_slice %arg3[%dma_start3A_21, %dma_start3A_22] : memref<1000000x128xf32, #tpu.memory_space<hbm>> -> memref<1000000x128xf32, #tpu.memory_space<hbm>>
    tpu.enqueue_indirect_dma source(%dma_start3A_23 : memref<1000000x128xf32, #tpu.memory_space<hbm>>) target(%dma_start3A_18 : memref<128x128xf32, #tpu.memory_space<vmem>>) offsets(%dma_start3A_20 : memref<128xi32, #tpu.memory_space<vmem>>) semaphore(%arg9 : memref<!tpu.dma_semaphore, #tpu.memory_space<semaphore_mem>>)
    %dma_start3A_24 = arith.constant 2 : i32
    %dma_start3A_25 = arith.constant 0 : i32
    %dma_start3A_26 = arith.constant 0 : i32
    %dma_start3A_27 = tpu.memref_slice %arg6[%dma_start3A_24, %dma_start3A_25, %dma_start3A_26] : memref<4x128x128xf32, #tpu.memory_space<vmem>> -> memref<1x128x128xf32, #tpu.memory_space<vmem>>
    %dma_start3A_28 = tpu.memref_squeeze %dma_start3A_27 : memref<1x128x128xf32, #tpu.memory_space<vmem>> -> memref<128x128xf32, #tpu.memory_space<vmem>>
    %dma_start3A_29 = arith.constant 256 : i32
    %dma_start3A_30 = tpu.memref_slice %arg5[%dma_start3A_29] : memref<25600xi32, #tpu.memory_space<vmem>> -> memref<128xi32, #tpu.memory_space<vmem>>
    %dma_start3A_31 = arith.constant 0 : i32
    %dma_start3A_32 = arith.constant 0 : i32
    %dma_start3A_33 = tpu.memref_slice %arg3[%dma_start3A_31, %dma_start3A_32] : memref<1000000x128xf32, #tpu.memory_space<hbm>> -> memref<1000000x128xf32, #tpu.memory_space<hbm>>
    tpu.enqueue_indirect_dma source(%dma_start3A_33 : memref<1000000x128xf32, #tpu.memory_space<hbm>>) target(%dma_start3A_28 : memref<128x128xf32, #tpu.memory_space<vmem>>) offsets(%dma_start3A_30 : memref<128xi32, #tpu.memory_space<vmem>>) semaphore(%arg10 : memref<!tpu.dma_semaphore, #tpu.memory_space<semaphore_mem>>)
    %dma_start3A_34 = arith.constant 3 : i32
    %dma_start3A_35 = arith.constant 0 : i32
    %dma_start3A_36 = arith.constant 0 : i32
    %dma_start3A_37 = tpu.memref_slice %arg6[%dma_start3A_34, %dma_start3A_35, %dma_start3A_36] : memref<4x128x128xf32, #tpu.memory_space<vmem>> -> memref<1x128x128xf32, #tpu.memory_space<vmem>>
    %dma_start3A_38 = tpu.memref_squeeze %dma_start3A_37 : memref<1x128x128xf32, #tpu.memory_space<vmem>> -> memref<128x128xf32, #tpu.memory_space<vmem>>
    %dma_start3A_39 = arith.constant 384 : i32
    %dma_start3A_40 = tpu.memref_slice %arg5[%dma_start3A_39] : memref<25600xi32, #tpu.memory_space<vmem>> -> memref<128xi32, #tpu.memory_space<vmem>>
    %dma_start3A_41 = arith.constant 0 : i32
    %dma_start3A_42 = arith.constant 0 : i32
    %dma_start3A_43 = tpu.memref_slice %arg3[%dma_start3A_41, %dma_start3A_42] : memref<1000000x128xf32, #tpu.memory_space<hbm>> -> memref<1000000x128xf32, #tpu.memory_space<hbm>>
    tpu.enqueue_indirect_dma source(%dma_start3A_43 : memref<1000000x128xf32, #tpu.memory_space<hbm>>) target(%dma_start3A_38 : memref<128x128xf32, #tpu.memory_space<vmem>>) offsets(%dma_start3A_40 : memref<128xi32, #tpu.memory_space<vmem>>) semaphore(%arg11 : memref<!tpu.dma_semaphore, #tpu.memory_space<semaphore_mem>>)
    %add3A_44 = arith.constant 0 : i32
    %add3A_45 = arith.addi %mul3A_2, %add3A_44 : i32
    %jit3A = arith.constant 32 : i32
    %div3A = arith.divsi %add3A_45, %jit3A : i32
    %sign3A = arith.constant 0 : i32
    %sign3A_46 = arith.cmpi sgt, %add3A_45, %sign3A : i32
    %sign3A_47 = arith.extui %sign3A_46 : i1 to i32
    %sign3A_48 = arith.constant 0 : i32
    %sign3A_49 = arith.cmpi slt, %add3A_45, %sign3A_48 : i32
    %sign3A_50 = arith.extui %sign3A_49 : i1 to i32
    %sign3A_51 = arith.subi %sign3A_47, %sign3A_50 : i32
    %sign3A_52 = arith.constant 0 : i32
    %sign3A_53 = arith.cmpi sgt, %jit3A, %sign3A_52 : i32
    %sign3A_54 = arith.extui %sign3A_53 : i1 to i32
    %sign3A_55 = arith.constant 0 : i32
    %sign3A_56 = arith.cmpi slt, %jit3A, %sign3A_55 : i32
    %sign3A_57 = arith.extui %sign3A_56 : i1 to i32
    %sign3A_58 = arith.subi %sign3A_54, %sign3A_57 : i32
    %ne3A = arith.cmpi ne, %sign3A_51, %sign3A_58 : i32
    %rem3A = arith.remsi %add3A_45, %jit3A : i32
    %ne3A_59 = arith.constant 0 : i32
    %ne3A_60 = arith.cmpi ne, %rem3A, %ne3A_59 : i32
    %and3A = arith.andi %ne3A, %ne3A_60 : i1
    %sub3A = arith.constant 1 : i32
    %sub3A_61 = arith.subi %div3A, %sub3A : i32
    %select_n3A = arith.select %and3A, %sub3A_61, %div3A : i32
    %jit3A_62 = arith.constant 32 : i32
    %eq3A = arith.constant 0 : i32
    %eq3A_63 = arith.cmpi eq, %jit3A_62, %eq3A : i32
    %jit3A_64 = arith.constant 1 : i32
    %select_n3A_65 = arith.select %eq3A_63, %jit3A_64, %jit3A_62 : i32
    %rem3A_66 = arith.remsi %add3A_45, %select_n3A_65 : i32
    %ne3A_67 = arith.constant 0 : i32
    %ne3A_68 = arith.cmpi ne, %rem3A_66, %ne3A_67 : i32
    %lt3A = arith.constant 0 : i32
    %lt3A_69 = arith.cmpi slt, %rem3A_66, %lt3A : i32
    %lt3A_70 = arith.constant 0 : i32
    %lt3A_71 = arith.cmpi slt, %select_n3A_65, %lt3A_70 : i32
    %ne3A_72 = arith.xori %lt3A_69, %lt3A_71 : i1
    %and3A_73 = arith.andi %ne3A_72, %ne3A_68 : i1
    %add3A_74 = arith.addi %rem3A_66, %select_n3A_65 : i32
    %select_n3A_75 = arith.select %and3A_73, %add3A_74, %rem3A_66 : i32
    %mul3A_76 = arith.constant 128 : i32
    %mul3A_77 = arith.muli %select_n3A_75, %mul3A_76 : i32
    %dma_start3A_78 = arith.constant 0 : i32
    %dma_start3A_79 = arith.constant 0 : i32
    %dma_start3A_80 = arith.constant 0 : i32
    %dma_start3A_81 = tpu.memref_slice %arg7[%dma_start3A_78, %dma_start3A_79, %dma_start3A_80] : memref<4x64x128xf32, #tpu.memory_space<vmem>> -> memref<1x64x128xf32, #tpu.memory_space<vmem>>
    %dma_start3A_82 = tpu.memref_squeeze %dma_start3A_81 : memref<1x64x128xf32, #tpu.memory_space<vmem>> -> memref<64x128xf32, #tpu.memory_space<vmem>>
    %dma_start3A_83 = arith.constant 0 : i32
    %dma_start3A_84 = tpu.memref_slice %arg4[%select_n3A, %dma_start3A_83, %mul3A_77] : memref<200x64x4096xf32, #tpu.memory_space<hbm>> -> memref<1x64x128xf32, #tpu.memory_space<hbm>>
    %dma_start3A_85 = tpu.memref_squeeze %dma_start3A_84 : memref<1x64x128xf32, #tpu.memory_space<hbm>> -> memref<64x128xf32, #tpu.memory_space<hbm>>
    %dma_start3A_86 = arith.constant 0 : i32
    %dma_start3A_87 = tpu.memref_slice %arg4[%select_n3A, %dma_start3A_86, %mul3A_77] : memref<200x64x4096xf32, #tpu.memory_space<hbm>> -> memref<1x64x128xf32, #tpu.memory_space<hbm>>
    %dma_start3A_88 = tpu.memref_squeeze %dma_start3A_87 : memref<1x64x128xf32, #tpu.memory_space<hbm>> -> memref<64x128xf32, #tpu.memory_space<hbm>>
    %dma_start3A_89 = arith.constant 0 : i32
    %dma_start3A_90 = arith.constant 0 : i32
    %dma_start3A_91 = tpu.memref_slice %arg7[%dma_start3A_78, %dma_start3A_89, %dma_start3A_90] : memref<4x64x128xf32, #tpu.memory_space<vmem>> -> memref<1x64x128xf32, #tpu.memory_space<vmem>>
    %dma_start3A_92 = tpu.memref_squeeze %dma_start3A_91 : memref<1x64x128xf32, #tpu.memory_space<vmem>> -> memref<64x128xf32, #tpu.memory_space<vmem>>
    tpu.enqueue_dma source(%dma_start3A_92 : memref<64x128xf32, #tpu.memory_space<vmem>>) target(%dma_start3A_88 : memref<64x128xf32, #tpu.memory_space<hbm>>) target_semaphore(%arg12 : memref<!tpu.dma_semaphore, #tpu.memory_space<semaphore_mem>>)
    %add3A_93 = arith.constant 1 : i32
    %add3A_94 = arith.addi %mul3A_2, %add3A_93 : i32
    %jit3A_95 = arith.constant 32 : i32
    %div3A_96 = arith.divsi %add3A_94, %jit3A_95 : i32
    %sign3A_97 = arith.constant 0 : i32
    %sign3A_98 = arith.cmpi sgt, %add3A_94, %sign3A_97 : i32
    %sign3A_99 = arith.extui %sign3A_98 : i1 to i32
    %sign3A_100 = arith.constant 0 : i32
    %sign3A_101 = arith.cmpi slt, %add3A_94, %sign3A_100 : i32
    %sign3A_102 = arith.extui %sign3A_101 : i1 to i32
    %sign3A_103 = arith.subi %sign3A_99, %sign3A_102 : i32
    %sign3A_104 = arith.constant 0 : i32
    %sign3A_105 = arith.cmpi sgt, %jit3A_95, %sign3A_104 : i32
    %sign3A_106 = arith.extui %sign3A_105 : i1 to i32
    %sign3A_107 = arith.constant 0 : i32
    %sign3A_108 = arith.cmpi slt, %jit3A_95, %sign3A_107 : i32
    %sign3A_109 = arith.extui %sign3A_108 : i1 to i32
    %sign3A_110 = arith.subi %sign3A_106, %sign3A_109 : i32
    %ne3A_111 = arith.cmpi ne, %sign3A_103, %sign3A_110 : i32
    %rem3A_112 = arith.remsi %add3A_94, %jit3A_95 : i32
    %ne3A_113 = arith.constant 0 : i32
    %ne3A_114 = arith.cmpi ne, %rem3A_112, %ne3A_113 : i32
    %and3A_115 = arith.andi %ne3A_111, %ne3A_114 : i1
    %sub3A_116 = arith.constant 1 : i32
    %sub3A_117 = arith.subi %div3A_96, %sub3A_116 : i32
    %select_n3A_118 = arith.select %and3A_115, %sub3A_117, %div3A_96 : i32
    %jit3A_119 = arith.constant 32 : i32
    %eq3A_120 = arith.constant 0 : i32
    %eq3A_121 = arith.cmpi eq, %jit3A_119, %eq3A_120 : i32
    %jit3A_122 = arith.constant 1 : i32
    %select_n3A_123 = arith.select %eq3A_121, %jit3A_122, %jit3A_119 : i32
    %rem3A_124 = arith.remsi %add3A_94, %select_n3A_123 : i32
    %ne3A_125 = arith.constant 0 : i32
    %ne3A_126 = arith.cmpi ne, %rem3A_124, %ne3A_125 : i32
    %lt3A_127 = arith.constant 0 : i32
    %lt3A_128 = arith.cmpi slt, %rem3A_124, %lt3A_127 : i32
    %lt3A_129 = arith.constant 0 : i32
    %lt3A_130 = arith.cmpi slt, %select_n3A_123, %lt3A_129 : i32
    %ne3A_131 = arith.xori %lt3A_128, %lt3A_130 : i1
    %and3A_132 = arith.andi %ne3A_131, %ne3A_126 : i1
    %add3A_133 = arith.addi %rem3A_124, %select_n3A_123 : i32
    %select_n3A_134 = arith.select %and3A_132, %add3A_133, %rem3A_124 : i32
    %mul3A_135 = arith.constant 128 : i32
    %mul3A_136 = arith.muli %select_n3A_134, %mul3A_135 : i32
    %dma_start3A_137 = arith.constant 1 : i32
    %dma_start3A_138 = arith.constant 0 : i32
    %dma_start3A_139 = arith.constant 0 : i32
    %dma_start3A_140 = tpu.memref_slice %arg7[%dma_start3A_137, %dma_start3A_138, %dma_start3A_139] : memref<4x64x128xf32, #tpu.memory_space<vmem>> -> memref<1x64x128xf32, #tpu.memory_space<vmem>>
    %dma_start3A_141 = tpu.memref_squeeze %dma_start3A_140 : memref<1x64x128xf32, #tpu.memory_space<vmem>> -> memref<64x128xf32, #tpu.memory_space<vmem>>
    %dma_start3A_142 = arith.constant 0 : i32
    %dma_start3A_143 = tpu.memref_slice %arg4[%select_n3A_118, %dma_start3A_142, %mul3A_136] : memref<200x64x4096xf32, #tpu.memory_space<hbm>> -> memref<1x64x128xf32, #tpu.memory_space<hbm>>
    %dma_start3A_144 = tpu.memref_squeeze %dma_start3A_143 : memref<1x64x128xf32, #tpu.memory_space<hbm>> -> memref<64x128xf32, #tpu.memory_space<hbm>>
    %dma_start3A_145 = arith.constant 0 : i32
    %dma_start3A_146 = tpu.memref_slice %arg4[%select_n3A_118, %dma_start3A_145, %mul3A_136] : memref<200x64x4096xf32, #tpu.memory_space<hbm>> -> memref<1x64x128xf32, #tpu.memory_space<hbm>>
    %dma_start3A_147 = tpu.memref_squeeze %dma_start3A_146 : memref<1x64x128xf32, #tpu.memory_space<hbm>> -> memref<64x128xf32, #tpu.memory_space<hbm>>
    %dma_start3A_148 = arith.constant 0 : i32
    %dma_start3A_149 = arith.constant 0 : i32
    %dma_start3A_150 = tpu.memref_slice %arg7[%dma_start3A_137, %dma_start3A_148, %dma_start3A_149] : memref<4x64x128xf32, #tpu.memory_space<vmem>> -> memref<1x64x128xf32, #tpu.memory_space<vmem>>
    %dma_start3A_151 = tpu.memref_squeeze %dma_start3A_150 : memref<1x64x128xf32, #tpu.memory_space<vmem>> -> memref<64x128xf32, #tpu.memory_space<vmem>>
    tpu.enqueue_dma source(%dma_start3A_151 : memref<64x128xf32, #tpu.memory_space<vmem>>) target(%dma_start3A_147 : memref<64x128xf32, #tpu.memory_space<hbm>>) target_semaphore(%arg13 : memref<!tpu.dma_semaphore, #tpu.memory_space<semaphore_mem>>)
    %add3A_152 = arith.constant 2 : i32
    %add3A_153 = arith.addi %mul3A_2, %add3A_152 : i32
    %jit3A_154 = arith.constant 32 : i32
    %div3A_155 = arith.divsi %add3A_153, %jit3A_154 : i32
    %sign3A_156 = arith.constant 0 : i32
    %sign3A_157 = arith.cmpi sgt, %add3A_153, %sign3A_156 : i32
    %sign3A_158 = arith.extui %sign3A_157 : i1 to i32
    %sign3A_159 = arith.constant 0 : i32
    %sign3A_160 = arith.cmpi slt, %add3A_153, %sign3A_159 : i32
    %sign3A_161 = arith.extui %sign3A_160 : i1 to i32
    %sign3A_162 = arith.subi %sign3A_158, %sign3A_161 : i32
    %sign3A_163 = arith.constant 0 : i32
    %sign3A_164 = arith.cmpi sgt, %jit3A_154, %sign3A_163 : i32
    %sign3A_165 = arith.extui %sign3A_164 : i1 to i32
    %sign3A_166 = arith.constant 0 : i32
    %sign3A_167 = arith.cmpi slt, %jit3A_154, %sign3A_166 : i32
    %sign3A_168 = arith.extui %sign3A_167 : i1 to i32
    %sign3A_169 = arith.subi %sign3A_165, %sign3A_168 : i32
    %ne3A_170 = arith.cmpi ne, %sign3A_162, %sign3A_169 : i32
    %rem3A_171 = arith.remsi %add3A_153, %jit3A_154 : i32
    %ne3A_172 = arith.constant 0 : i32
    %ne3A_173 = arith.cmpi ne, %rem3A_171, %ne3A_172 : i32
    %and3A_174 = arith.andi %ne3A_170, %ne3A_173 : i1
    %sub3A_175 = arith.constant 1 : i32
    %sub3A_176 = arith.subi %div3A_155, %sub3A_175 : i32
    %select_n3A_177 = arith.select %and3A_174, %sub3A_176, %div3A_155 : i32
    %jit3A_178 = arith.constant 32 : i32
    %eq3A_179 = arith.constant 0 : i32
    %eq3A_180 = arith.cmpi eq, %jit3A_178, %eq3A_179 : i32
    %jit3A_181 = arith.constant 1 : i32
    %select_n3A_182 = arith.select %eq3A_180, %jit3A_181, %jit3A_178 : i32
    %rem3A_183 = arith.remsi %add3A_153, %select_n3A_182 : i32
    %ne3A_184 = arith.constant 0 : i32
    %ne3A_185 = arith.cmpi ne, %rem3A_183, %ne3A_184 : i32
    %lt3A_186 = arith.constant 0 : i32
    %lt3A_187 = arith.cmpi slt, %rem3A_183, %lt3A_186 : i32
    %lt3A_188 = arith.constant 0 : i32
    %lt3A_189 = arith.cmpi slt, %select_n3A_182, %lt3A_188 : i32
    %ne3A_190 = arith.xori %lt3A_187, %lt3A_189 : i1
    %and3A_191 = arith.andi %ne3A_190, %ne3A_185 : i1
    %add3A_192 = arith.addi %rem3A_183, %select_n3A_182 : i32
    %select_n3A_193 = arith.select %and3A_191, %add3A_192, %rem3A_183 : i32
    %mul3A_194 = arith.constant 128 : i32
    %mul3A_195 = arith.muli %select_n3A_193, %mul3A_194 : i32
    %dma_start3A_196 = arith.constant 2 : i32
    %dma_start3A_197 = arith.constant 0 : i32
    %dma_start3A_198 = arith.constant 0 : i32
    %dma_start3A_199 = tpu.memref_slice %arg7[%dma_start3A_196, %dma_start3A_197, %dma_start3A_198] : memref<4x64x128xf32, #tpu.memory_space<vmem>> -> memref<1x64x128xf32, #tpu.memory_space<vmem>>
    %dma_start3A_200 = tpu.memref_squeeze %dma_start3A_199 : memref<1x64x128xf32, #tpu.memory_space<vmem>> -> memref<64x128xf32, #tpu.memory_space<vmem>>
    %dma_start3A_201 = arith.constant 0 : i32
    %dma_start3A_202 = tpu.memref_slice %arg4[%select_n3A_177, %dma_start3A_201, %mul3A_195] : memref<200x64x4096xf32, #tpu.memory_space<hbm>> -> memref<1x64x128xf32, #tpu.memory_space<hbm>>
    %dma_start3A_203 = tpu.memref_squeeze %dma_start3A_202 : memref<1x64x128xf32, #tpu.memory_space<hbm>> -> memref<64x128xf32, #tpu.memory_space<hbm>>
    %dma_start3A_204 = arith.constant 0 : i32
    %dma_start3A_205 = tpu.memref_slice %arg4[%select_n3A_177, %dma_start3A_204, %mul3A_195] : memref<200x64x4096xf32, #tpu.memory_space<hbm>> -> memref<1x64x128xf32, #tpu.memory_space<hbm>>
    %dma_start3A_206 = tpu.memref_squeeze %dma_start3A_205 : memref<1x64x128xf32, #tpu.memory_space<hbm>> -> memref<64x128xf32, #tpu.memory_space<hbm>>
    %dma_start3A_207 = arith.constant 0 : i32
    %dma_start3A_208 = arith.constant 0 : i32
    %dma_start3A_209 = tpu.memref_slice %arg7[%dma_start3A_196, %dma_start3A_207, %dma_start3A_208] : memref<4x64x128xf32, #tpu.memory_space<vmem>> -> memref<1x64x128xf32, #tpu.memory_space<vmem>>
    %dma_start3A_210 = tpu.memref_squeeze %dma_start3A_209 : memref<1x64x128xf32, #tpu.memory_space<vmem>> -> memref<64x128xf32, #tpu.memory_space<vmem>>
    tpu.enqueue_dma source(%dma_start3A_210 : memref<64x128xf32, #tpu.memory_space<vmem>>) target(%dma_start3A_206 : memref<64x128xf32, #tpu.memory_space<hbm>>) target_semaphore(%arg14 : memref<!tpu.dma_semaphore, #tpu.memory_space<semaphore_mem>>)
    %add3A_211 = arith.constant 3 : i32
    %add3A_212 = arith.addi %mul3A_2, %add3A_211 : i32
    %jit3A_213 = arith.constant 32 : i32
    %div3A_214 = arith.divsi %add3A_212, %jit3A_213 : i32
    %sign3A_215 = arith.constant 0 : i32
    %sign3A_216 = arith.cmpi sgt, %add3A_212, %sign3A_215 : i32
    %sign3A_217 = arith.extui %sign3A_216 : i1 to i32
    %sign3A_218 = arith.constant 0 : i32
    %sign3A_219 = arith.cmpi slt, %add3A_212, %sign3A_218 : i32
    %sign3A_220 = arith.extui %sign3A_219 : i1 to i32
    %sign3A_221 = arith.subi %sign3A_217, %sign3A_220 : i32
    %sign3A_222 = arith.constant 0 : i32
    %sign3A_223 = arith.cmpi sgt, %jit3A_213, %sign3A_222 : i32
    %sign3A_224 = arith.extui %sign3A_223 : i1 to i32
    %sign3A_225 = arith.constant 0 : i32
    %sign3A_226 = arith.cmpi slt, %jit3A_213, %sign3A_225 : i32
    %sign3A_227 = arith.extui %sign3A_226 : i1 to i32
    %sign3A_228 = arith.subi %sign3A_224, %sign3A_227 : i32
    %ne3A_229 = arith.cmpi ne, %sign3A_221, %sign3A_228 : i32
    %rem3A_230 = arith.remsi %add3A_212, %jit3A_213 : i32
    %ne3A_231 = arith.constant 0 : i32
    %ne3A_232 = arith.cmpi ne, %rem3A_230, %ne3A_231 : i32
    %and3A_233 = arith.andi %ne3A_229, %ne3A_232 : i1
    %sub3A_234 = arith.constant 1 : i32
    %sub3A_235 = arith.subi %div3A_214, %sub3A_234 : i32
    %select_n3A_236 = arith.select %and3A_233, %sub3A_235, %div3A_214 : i32
    %jit3A_237 = arith.constant 32 : i32
    %eq3A_238 = arith.constant 0 : i32
    %eq3A_239 = arith.cmpi eq, %jit3A_237, %eq3A_238 : i32
    %jit3A_240 = arith.constant 1 : i32
    %select_n3A_241 = arith.select %eq3A_239, %jit3A_240, %jit3A_237 : i32
    %rem3A_242 = arith.remsi %add3A_212, %select_n3A_241 : i32
    %ne3A_243 = arith.constant 0 : i32
    %ne3A_244 = arith.cmpi ne, %rem3A_242, %ne3A_243 : i32
    %lt3A_245 = arith.constant 0 : i32
    %lt3A_246 = arith.cmpi slt, %rem3A_242, %lt3A_245 : i32
    %lt3A_247 = arith.constant 0 : i32
    %lt3A_248 = arith.cmpi slt, %select_n3A_241, %lt3A_247 : i32
    %ne3A_249 = arith.xori %lt3A_246, %lt3A_248 : i1
    %and3A_250 = arith.andi %ne3A_249, %ne3A_244 : i1
    %add3A_251 = arith.addi %rem3A_242, %select_n3A_241 : i32
    %select_n3A_252 = arith.select %and3A_250, %add3A_251, %rem3A_242 : i32
    %mul3A_253 = arith.constant 128 : i32
    %mul3A_254 = arith.muli %select_n3A_252, %mul3A_253 : i32
    %dma_start3A_255 = arith.constant 3 : i32
    %dma_start3A_256 = arith.constant 0 : i32
    %dma_start3A_257 = arith.constant 0 : i32
    %dma_start3A_258 = tpu.memref_slice %arg7[%dma_start3A_255, %dma_start3A_256, %dma_start3A_257] : memref<4x64x128xf32, #tpu.memory_space<vmem>> -> memref<1x64x128xf32, #tpu.memory_space<vmem>>
    %dma_start3A_259 = tpu.memref_squeeze %dma_start3A_258 : memref<1x64x128xf32, #tpu.memory_space<vmem>> -> memref<64x128xf32, #tpu.memory_space<vmem>>
    %dma_start3A_260 = arith.constant 0 : i32
    %dma_start3A_261 = tpu.memref_slice %arg4[%select_n3A_236, %dma_start3A_260, %mul3A_254] : memref<200x64x4096xf32, #tpu.memory_space<hbm>> -> memref<1x64x128xf32, #tpu.memory_space<hbm>>
    %dma_start3A_262 = tpu.memref_squeeze %dma_start3A_261 : memref<1x64x128xf32, #tpu.memory_space<hbm>> -> memref<64x128xf32, #tpu.memory_space<hbm>>
    %dma_start3A_263 = arith.constant 0 : i32
    %dma_start3A_264 = tpu.memref_slice %arg4[%select_n3A_236, %dma_start3A_263, %mul3A_254] : memref<200x64x4096xf32, #tpu.memory_space<hbm>> -> memref<1x64x128xf32, #tpu.memory_space<hbm>>
    %dma_start3A_265 = tpu.memref_squeeze %dma_start3A_264 : memref<1x64x128xf32, #tpu.memory_space<hbm>> -> memref<64x128xf32, #tpu.memory_space<hbm>>
    %dma_start3A_266 = arith.constant 0 : i32
    %dma_start3A_267 = arith.constant 0 : i32
    %dma_start3A_268 = tpu.memref_slice %arg7[%dma_start3A_255, %dma_start3A_266, %dma_start3A_267] : memref<4x64x128xf32, #tpu.memory_space<vmem>> -> memref<1x64x128xf32, #tpu.memory_space<vmem>>
    %dma_start3A_269 = tpu.memref_squeeze %dma_start3A_268 : memref<1x64x128xf32, #tpu.memory_space<vmem>> -> memref<64x128xf32, #tpu.memory_space<vmem>>
    tpu.enqueue_dma source(%dma_start3A_269 : memref<64x128xf32, #tpu.memory_space<vmem>>) target(%dma_start3A_265 : memref<64x128xf32, #tpu.memory_space<hbm>>) target_semaphore(%arg15 : memref<!tpu.dma_semaphore, #tpu.memory_space<semaphore_mem>>)
    %scan3A = arith.constant 0 : i32
    %scan3A_270 = arith.constant 50 : i32
    %scan3A_271 = arith.addi %scan3A, %scan3A_270 : i32
    %scan3A_272 = arith.constant 1 : i32
    scf.for %scan3A_345 = %scan3A to %scan3A_271 step %scan3A_272  : i32 {
      %mul3A_346 = arith.constant 4 : i32
      %mul3A_347 = arith.muli %scan3A_345, %mul3A_346 : i32
      %add3A_348 = arith.constant 0 : i32
      %add3A_349 = arith.addi %add3A_348, %mul3A_347 : i32
      %add3A_350 = arith.constant 0 : i32
      %add3A_351 = arith.addi %add3A_349, %add3A_350 : i32
      %dma_wait3A_352 = arith.constant 0 : i32
      %dma_wait3A_353 = arith.constant 0 : i32
      %dma_wait3A_354 = arith.constant 0 : i32
      %dma_wait3A_355 = tpu.memref_slice %arg6[%dma_wait3A_352, %dma_wait3A_353, %dma_wait3A_354] : memref<4x128x128xf32, #tpu.memory_space<vmem>> -> memref<1x128x128xf32, #tpu.memory_space<vmem>>
      %dma_wait3A_356 = tpu.memref_squeeze %dma_wait3A_355 : memref<1x128x128xf32, #tpu.memory_space<vmem>> -> memref<128x128xf32, #tpu.memory_space<vmem>>
      %dma_wait3A_357 = arith.constant 0 : i32
      %dma_wait3A_358 = arith.constant 0 : i32
      %dma_wait3A_359 = tpu.memref_slice %arg3[%dma_wait3A_357, %dma_wait3A_358] : memref<1000000x128xf32, #tpu.memory_space<hbm>> -> memref<128x128xf32, #tpu.memory_space<hbm>>
      %dma_wait3A_360 = arith.constant 0 : i32
      %dma_wait3A_361 = arith.constant 0 : i32
      %dma_wait3A_362 = tpu.memref_slice %arg6[%dma_wait3A_352, %dma_wait3A_360, %dma_wait3A_361] : memref<4x128x128xf32, #tpu.memory_space<vmem>> -> memref<1x128x128xf32, #tpu.memory_space<vmem>>
      %dma_wait3A_363 = tpu.memref_squeeze %dma_wait3A_362 : memref<1x128x128xf32, #tpu.memory_space<vmem>> -> memref<128x128xf32, #tpu.memory_space<vmem>>
      %dma_wait3A_364 = arith.constant 0 : i32
      %dma_wait3A_365 = arith.constant 0 : i32
      %dma_wait3A_366 = tpu.memref_slice %arg3[%dma_wait3A_364, %dma_wait3A_365] : memref<1000000x128xf32, #tpu.memory_space<hbm>> -> memref<128x128xf32, #tpu.memory_space<hbm>>
      tpu.wait_dma2 semaphore(%arg8 : memref<!tpu.dma_semaphore, #tpu.memory_space<semaphore_mem>>) src(%dma_wait3A_366 : memref<128x128xf32, #tpu.memory_space<hbm>>) dst(%dma_wait3A_363 : memref<128x128xf32, #tpu.memory_space<vmem>>)
      %dma_wait3A_367 = arith.constant 0 : i32
      %dma_wait3A_368 = arith.constant 0 : i32
      %dma_wait3A_369 = arith.constant 0 : i32
      %dma_wait3A_370 = arith.constant 0 : i32
      %dma_wait3A_371 = tpu.memref_slice %arg7[%dma_wait3A_367, %dma_wait3A_369, %dma_wait3A_370] : memref<4x64x128xf32, #tpu.memory_space<vmem>> -> memref<1x64x128xf32, #tpu.memory_space<vmem>>
      %dma_wait3A_372 = tpu.memref_squeeze %dma_wait3A_371 : memref<1x64x128xf32, #tpu.memory_space<vmem>> -> memref<64x128xf32, #tpu.memory_space<vmem>>
      %dma_wait3A_373 = arith.constant 0 : i32
      %dma_wait3A_374 = arith.constant 0 : i32
      %dma_wait3A_375 = tpu.memref_slice %arg4[%dma_wait3A_368, %dma_wait3A_373, %dma_wait3A_374] : memref<200x64x4096xf32, #tpu.memory_space<hbm>> -> memref<1x64x128xf32, #tpu.memory_space<hbm>>
      %dma_wait3A_376 = tpu.memref_squeeze %dma_wait3A_375 : memref<1x64x128xf32, #tpu.memory_space<hbm>> -> memref<64x128xf32, #tpu.memory_space<hbm>>
      %dma_wait3A_377 = arith.constant 0 : i32
      %dma_wait3A_378 = arith.constant 0 : i32
      %dma_wait3A_379 = tpu.memref_slice %arg4[%dma_wait3A_368, %dma_wait3A_377, %dma_wait3A_378] : memref<200x64x4096xf32, #tpu.memory_space<hbm>> -> memref<1x64x128xf32, #tpu.memory_space<hbm>>
      %dma_wait3A_380 = tpu.memref_squeeze %dma_wait3A_379 : memref<1x64x128xf32, #tpu.memory_space<hbm>> -> memref<64x128xf32, #tpu.memory_space<hbm>>
      %dma_wait3A_381 = arith.constant 0 : i32
      %dma_wait3A_382 = arith.constant 0 : i32
      %dma_wait3A_383 = tpu.memref_slice %arg7[%dma_wait3A_367, %dma_wait3A_381, %dma_wait3A_382] : memref<4x64x128xf32, #tpu.memory_space<vmem>> -> memref<1x64x128xf32, #tpu.memory_space<vmem>>
      %dma_wait3A_384 = tpu.memref_squeeze %dma_wait3A_383 : memref<1x64x128xf32, #tpu.memory_space<vmem>> -> memref<64x128xf32, #tpu.memory_space<vmem>>
      tpu.wait_dma2 semaphore(%arg12 : memref<!tpu.dma_semaphore, #tpu.memory_space<semaphore_mem>>) src(%dma_wait3A_384 : memref<64x128xf32, #tpu.memory_space<vmem>>) dst(%dma_wait3A_380 : memref<64x128xf32, #tpu.memory_space<hbm>>)
      %scan3A_385 = arith.constant 0 : i32
      %scan3A_386 = arith.constant 64 : i32
      %scan3A_387 = arith.addi %scan3A_385, %scan3A_386 : i32
      %scan3A_388 = arith.constant 4 : i32
      scf.for %scan3A_768 = %scan3A_385 to %scan3A_387 step %scan3A_388  : i32 {
        %mul3A_769 = arith.constant 1 : i32
        %mul3A_770 = arith.muli %scan3A_768, %mul3A_769 : i32
        %add3A_771 = arith.constant 0 : i32
        %add3A_772 = arith.addi %add3A_771, %mul3A_770 : i32
        %broadcast_in_dim3A = vector.broadcast %add3A_772 : i32 to vector<16xi32>
        %add3A_773 = arith.addi %broadcast_in_dim3A, %iota3A : vector<16xi32>
        %and3A_774 = arith.constant 63 : i32
        %and3A_775 = vector.broadcast %and3A_774 : i32 to vector<16xi32>
        %and3A_776 = arith.andi %add3A_773, %and3A_775 : vector<16xi32>
        %add3A_777 = arith.constant 0 : i32
        %add3A_778 = vector.broadcast %add3A_777 : i32 to vector<16xi32>
        %add3A_779 = arith.addi %iota3A, %add3A_778 : vector<16xi32>
        %gather3A = arith.constant 0 : i32
        %gather3A_780 = arith.constant 0 : i32
        %gather3A_781 = arith.constant 0 : i32
        %gather3A_782 = tpu.memref_slice %arg6[%gather3A, %gather3A_780, %gather3A_781] : memref<4x128x128xf32, #tpu.memory_space<vmem>> -> memref<1x128x128xf32, #tpu.memory_space<vmem>>
        %gather3A_783 = tpu.memref_squeeze %gather3A_782 : memref<1x128x128xf32, #tpu.memory_space<vmem>> -> memref<128x128xf32, #tpu.memory_space<vmem>>
        %gather3A_784 = tpu.vector_load_idx %gather3A_783[%add3A_779, %and3A_776] : memref<128x128xf32, #tpu.memory_space<vmem>>[vector<16xi32>, vector<16xi32>], vector<16xf32>,
        %scatter3A = arith.constant 0 : i32
        %scatter3A_785 = arith.constant 0 : i32
        %scatter3A_786 = arith.constant 0 : i32
        %scatter3A_787 = tpu.memref_slice %arg7[%scatter3A, %scatter3A_785, %scatter3A_786] : memref<4x64x128xf32, #tpu.memory_space<vmem>> -> memref<1x64x128xf32, #tpu.memory_space<vmem>>
        %scatter3A_788 = tpu.memref_squeeze %scatter3A_787 : memref<1x64x128xf32, #tpu.memory_space<vmem>> -> memref<64x128xf32, #tpu.memory_space<vmem>>
        tpu.vector_store_idx %scatter3A_788[%and3A_776, %add3A_779], %gather3A_784 : memref<64x128xf32, #tpu.memory_space<vmem>>[vector<16xi32>, vector<16xi32>], vector<16xf32>,
        %add3A_789 = arith.constant 16 : i32
        %add3A_790 = vector.broadcast %add3A_789 : i32 to vector<16xi32>
        %add3A_791 = arith.addi %iota3A, %add3A_790 : vector<16xi32>
        %gather3A_792 = arith.constant 0 : i32
        %gather3A_793 = arith.constant 0 : i32
        %gather3A_794 = arith.constant 0 : i32
        %gather3A_795 = tpu.memref_slice %arg6[%gather3A_792, %gather3A_793, %gather3A_794] : memref<4x128x128xf32, #tpu.memory_space<vmem>> -> memref<1x128x128xf32, #tpu.memory_space<vmem>>
        %gather3A_796 = tpu.memref_squeeze %gather3A_795 : memref<1x128x128xf32, #tpu.memory_space<vmem>> -> memref<128x128xf32, #tpu.memory_space<vmem>>
        %gather3A_797 = tpu.vector_load_idx %gather3A_796[%add3A_791, %and3A_776] : memref<128x128xf32, #tpu.memory_space<vmem>>[vector<16xi32>, vector<16xi32>], vector<16xf32>,
        %scatter3A_798 = arith.constant 0 : i32
        %scatter3A_799 = arith.constant 0 : i32
        %scatter3A_800 = arith.constant 0 : i32
        %scatter3A_801 = tpu.memref_slice %arg7[%scatter3A_798, %scatter3A_799, %scatter3A_800] : memref<4x64x128xf32, #tpu.memory_space<vmem>> -> memref<1x64x128xf32, #tpu.memory_space<vmem>>
        %scatter3A_802 = tpu.memref_squeeze %scatter3A_801 : memref<1x64x128xf32, #tpu.memory_space<vmem>> -> memref<64x128xf32, #tpu.memory_space<vmem>>
        tpu.vector_store_idx %scatter3A_802[%and3A_776, %add3A_791], %gather3A_797 : memref<64x128xf32, #tpu.memory_space<vmem>>[vector<16xi32>, vector<16xi32>], vector<16xf32>,
        %add3A_803 = arith.constant 32 : i32
        %add3A_804 = vector.broadcast %add3A_803 : i32 to vector<16xi32>
        %add3A_805 = arith.addi %iota3A, %add3A_804 : vector<16xi32>
        %gather3A_806 = arith.constant 0 : i32
        %gather3A_807 = arith.constant 0 : i32
        %gather3A_808 = arith.constant 0 : i32
        %gather3A_809 = tpu.memref_slice %arg6[%gather3A_806, %gather3A_807, %gather3A_808] : memref<4x128x128xf32, #tpu.memory_space<vmem>> -> memref<1x128x128xf32, #tpu.memory_space<vmem>>
        %gather3A_810 = tpu.memref_squeeze %gather3A_809 : memref<1x128x128xf32, #tpu.memory_space<vmem>> -> memref<128x128xf32, #tpu.memory_space<vmem>>
        %gather3A_811 = tpu.vector_load_idx %gather3A_810[%add3A_805, %and3A_776] : memref<128x128xf32, #tpu.memory_space<vmem>>[vector<16xi32>, vector<16xi32>], vector<16xf32>,
        %scatter3A_812 = arith.constant 0 : i32
        %scatter3A_813 = arith.constant 0 : i32
        %scatter3A_814 = arith.constant 0 : i32
        %scatter3A_815 = tpu.memref_slice %arg7[%scatter3A_812, %scatter3A_813, %scatter3A_814] : memref<4x64x128xf32, #tpu.memory_space<vmem>> -> memref<1x64x128xf32, #tpu.memory_space<vmem>>
        %scatter3A_816 = tpu.memref_squeeze %scatter3A_815 : memref<1x64x128xf32, #tpu.memory_space<vmem>> -> memref<64x128xf32, #tpu.memory_space<vmem>>
        tpu.vector_store_idx %scatter3A_816[%and3A_776, %add3A_805], %gather3A_811 : memref<64x128xf32, #tpu.memory_space<vmem>>[vector<16xi32>, vector<16xi32>], vector<16xf32>,
        %add3A_817 = arith.constant 48 : i32
        %add3A_818 = vector.broadcast %add3A_817 : i32 to vector<16xi32>
        %add3A_819 = arith.addi %iota3A, %add3A_818 : vector<16xi32>
        %gather3A_820 = arith.constant 0 : i32
        %gather3A_821 = arith.constant 0 : i32
        %gather3A_822 = arith.constant 0 : i32
        %gather3A_823 = tpu.memref_slice %arg6[%gather3A_820, %gather3A_821, %gather3A_822] : memref<4x128x128xf32, #tpu.memory_space<vmem>> -> memref<1x128x128xf32, #tpu.memory_space<vmem>>
        %gather3A_824 = tpu.memref_squeeze %gather3A_823 : memref<1x128x128xf32, #tpu.memory_space<vmem>> -> memref<128x128xf32, #tpu.memory_space<vmem>>
        %gather3A_825 = tpu.vector_load_idx %gather3A_824[%add3A_819, %and3A_776] : memref<128x128xf32, #tpu.memory_space<vmem>>[vector<16xi32>, vector<16xi32>], vector<16xf32>,
        %scatter3A_826 = arith.constant 0 : i32
        %scatter3A_827 = arith.constant 0 : i32
        %scatter3A_828 = arith.constant 0 : i32
        %scatter3A_829 = tpu.memref_slice %arg7[%scatter3A_826, %scatter3A_827, %scatter3A_828] : memref<4x64x128xf32, #tpu.memory_space<vmem>> -> memref<1x64x128xf32, #tpu.memory_space<vmem>>
        %scatter3A_830 = tpu.memref_squeeze %scatter3A_829 : memref<1x64x128xf32, #tpu.memory_space<vmem>> -> memref<64x128xf32, #tpu.memory_space<vmem>>
        tpu.vector_store_idx %scatter3A_830[%and3A_776, %add3A_819], %gather3A_825 : memref<64x128xf32, #tpu.memory_space<vmem>>[vector<16xi32>, vector<16xi32>], vector<16xf32>,
        %add3A_831 = arith.constant 64 : i32
        %add3A_832 = vector.broadcast %add3A_831 : i32 to vector<16xi32>
        %add3A_833 = arith.addi %iota3A, %add3A_832 : vector<16xi32>
        %gather3A_834 = arith.constant 0 : i32
        %gather3A_835 = arith.constant 0 : i32
        %gather3A_836 = arith.constant 0 : i32
        %gather3A_837 = tpu.memref_slice %arg6[%gather3A_834, %gather3A_835, %gather3A_836] : memref<4x128x128xf32, #tpu.memory_space<vmem>> -> memref<1x128x128xf32, #tpu.memory_space<vmem>>
        %gather3A_838 = tpu.memref_squeeze %gather3A_837 : memref<1x128x128xf32, #tpu.memory_space<vmem>> -> memref<128x128xf32, #tpu.memory_space<vmem>>
        %gather3A_839 = tpu.vector_load_idx %gather3A_838[%add3A_833, %and3A_776] : memref<128x128xf32, #tpu.memory_space<vmem>>[vector<16xi32>, vector<16xi32>], vector<16xf32>,
        %scatter3A_840 = arith.constant 0 : i32
        %scatter3A_841 = arith.constant 0 : i32
        %scatter3A_842 = arith.constant 0 : i32
        %scatter3A_843 = tpu.memref_slice %arg7[%scatter3A_840, %scatter3A_841, %scatter3A_842] : memref<4x64x128xf32, #tpu.memory_space<vmem>> -> memref<1x64x128xf32, #tpu.memory_space<vmem>>
        %scatter3A_844 = tpu.memref_squeeze %scatter3A_843 : memref<1x64x128xf32, #tpu.memory_space<vmem>> -> memref<64x128xf32, #tpu.memory_space<vmem>>
        tpu.vector_store_idx %scatter3A_844[%and3A_776, %add3A_833], %gather3A_839 : memref<64x128xf32, #tpu.memory_space<vmem>>[vector<16xi32>, vector<16xi32>], vector<16xf32>,
        %add3A_845 = arith.constant 80 : i32
        %add3A_846 = vector.broadcast %add3A_845 : i32 to vector<16xi32>
        %add3A_847 = arith.addi %iota3A, %add3A_846 : vector<16xi32>
        %gather3A_848 = arith.constant 0 : i32
        %gather3A_849 = arith.constant 0 : i32
        %gather3A_850 = arith.constant 0 : i32
        %gather3A_851 = tpu.memref_slice %arg6[%gather3A_848, %gather3A_849, %gather3A_850] : memref<4x128x128xf32, #tpu.memory_space<vmem>> -> memref<1x128x128xf32, #tpu.memory_space<vmem>>
        %gather3A_852 = tpu.memref_squeeze %gather3A_851 : memref<1x128x128xf32, #tpu.memory_space<vmem>> -> memref<128x128xf32, #tpu.memory_space<vmem>>
        %gather3A_853 = tpu.vector_load_idx %gather3A_852[%add3A_847, %and3A_776] : memref<128x128xf32, #tpu.memory_space<vmem>>[vector<16xi32>, vector<16xi32>], vector<16xf32>,
        %scatter3A_854 = arith.constant 0 : i32
        %scatter3A_855 = arith.constant 0 : i32
        %scatter3A_856 = arith.constant 0 : i32
        %scatter3A_857 = tpu.memref_slice %arg7[%scatter3A_854, %scatter3A_855, %scatter3A_856] : memref<4x64x128xf32, #tpu.memory_space<vmem>> -> memref<1x64x128xf32, #tpu.memory_space<vmem>>
        %scatter3A_858 = tpu.memref_squeeze %scatter3A_857 : memref<1x64x128xf32, #tpu.memory_space<vmem>> -> memref<64x128xf32, #tpu.memory_space<vmem>>
        tpu.vector_store_idx %scatter3A_858[%and3A_776, %add3A_847], %gather3A_853 : memref<64x128xf32, #tpu.memory_space<vmem>>[vector<16xi32>, vector<16xi32>], vector<16xf32>,
        %add3A_859 = arith.constant 96 : i32
        %add3A_860 = vector.broadcast %add3A_859 : i32 to vector<16xi32>
        %add3A_861 = arith.addi %iota3A, %add3A_860 : vector<16xi32>
        %gather3A_862 = arith.constant 0 : i32
        %gather3A_863 = arith.constant 0 : i32
        %gather3A_864 = arith.constant 0 : i32
        %gather3A_865 = tpu.memref_slice %arg6[%gather3A_862, %gather3A_863, %gather3A_864] : memref<4x128x128xf32, #tpu.memory_space<vmem>> -> memref<1x128x128xf32, #tpu.memory_space<vmem>>
        %gather3A_866 = tpu.memref_squeeze %gather3A_865 : memref<1x128x128xf32, #tpu.memory_space<vmem>> -> memref<128x128xf32, #tpu.memory_space<vmem>>
        %gather3A_867 = tpu.vector_load_idx %gather3A_866[%add3A_861, %and3A_776] : memref<128x128xf32, #tpu.memory_space<vmem>>[vector<16xi32>, vector<16xi32>], vector<16xf32>,
        %scatter3A_868 = arith.constant 0 : i32
        %scatter3A_869 = arith.constant 0 : i32
        %scatter3A_870 = arith.constant 0 : i32
        %scatter3A_871 = tpu.memref_slice %arg7[%scatter3A_868, %scatter3A_869, %scatter3A_870] : memref<4x64x128xf32, #tpu.memory_space<vmem>> -> memref<1x64x128xf32, #tpu.memory_space<vmem>>
        %scatter3A_872 = tpu.memref_squeeze %scatter3A_871 : memref<1x64x128xf32, #tpu.memory_space<vmem>> -> memref<64x128xf32, #tpu.memory_space<vmem>>
        tpu.vector_store_idx %scatter3A_872[%and3A_776, %add3A_861], %gather3A_867 : memref<64x128xf32, #tpu.memory_space<vmem>>[vector<16xi32>, vector<16xi32>], vector<16xf32>,
        %add3A_873 = arith.constant 112 : i32
        %add3A_874 = vector.broadcast %add3A_873 : i32 to vector<16xi32>
        %add3A_875 = arith.addi %iota3A, %add3A_874 : vector<16xi32>
        %gather3A_876 = arith.constant 0 : i32
        %gather3A_877 = arith.constant 0 : i32
        %gather3A_878 = arith.constant 0 : i32
        %gather3A_879 = tpu.memref_slice %arg6[%gather3A_876, %gather3A_877, %gather3A_878] : memref<4x128x128xf32, #tpu.memory_space<vmem>> -> memref<1x128x128xf32, #tpu.memory_space<vmem>>
        %gather3A_880 = tpu.memref_squeeze %gather3A_879 : memref<1x128x128xf32, #tpu.memory_space<vmem>> -> memref<128x128xf32, #tpu.memory_space<vmem>>
        %gather3A_881 = tpu.vector_load_idx %gather3A_880[%add3A_875, %and3A_776] : memref<128x128xf32, #tpu.memory_space<vmem>>[vector<16xi32>, vector<16xi32>], vector<16xf32>,
        %scatter3A_882 = arith.constant 0 : i32
        %scatter3A_883 = arith.constant 0 : i32
        %scatter3A_884 = arith.constant 0 : i32
        %scatter3A_885 = tpu.memref_slice %arg7[%scatter3A_882, %scatter3A_883, %scatter3A_884] : memref<4x64x128xf32, #tpu.memory_space<vmem>> -> memref<1x64x128xf32, #tpu.memory_space<vmem>>
        %scatter3A_886 = tpu.memref_squeeze %scatter3A_885 : memref<1x64x128xf32, #tpu.memory_space<vmem>> -> memref<64x128xf32, #tpu.memory_space<vmem>>
        tpu.vector_store_idx %scatter3A_886[%and3A_776, %add3A_875], %gather3A_881 : memref<64x128xf32, #tpu.memory_space<vmem>>[vector<16xi32>, vector<16xi32>], vector<16xf32>,
        %scan3A_887 = arith.constant 1 : i32
        %scan3A_888 = arith.addi %scan3A_768, %scan3A_887 : i32
        %mul3A_889 = arith.constant 1 : i32
        %mul3A_890 = arith.muli %scan3A_888, %mul3A_889 : i32
        %add3A_891 = arith.constant 0 : i32
        %add3A_892 = arith.addi %add3A_891, %mul3A_890 : i32
        %broadcast_in_dim3A_893 = vector.broadcast %add3A_892 : i32 to vector<16xi32>
        %add3A_894 = arith.addi %broadcast_in_dim3A_893, %iota3A : vector<16xi32>
        %and3A_895 = arith.constant 63 : i32
        %and3A_896 = vector.broadcast %and3A_895 : i32 to vector<16xi32>
        %and3A_897 = arith.andi %add3A_894, %and3A_896 : vector<16xi32>
        %add3A_898 = arith.constant 0 : i32
        %add3A_899 = vector.broadcast %add3A_898 : i32 to vector<16xi32>
        %add3A_900 = arith.addi %iota3A, %add3A_899 : vector<16xi32>
        %gather3A_901 = arith.constant 0 : i32
        %gather3A_902 = arith.constant 0 : i32
        %gather3A_903 = arith.constant 0 : i32
        %gather3A_904 = tpu.memref_slice %arg6[%gather3A_901, %gather3A_902, %gather3A_903] : memref<4x128x128xf32, #tpu.memory_space<vmem>> -> memref<1x128x128xf32, #tpu.memory_space<vmem>>
        %gather3A_905 = tpu.memref_squeeze %gather3A_904 : memref<1x128x128xf32, #tpu.memory_space<vmem>> -> memref<128x128xf32, #tpu.memory_space<vmem>>
        %gather3A_906 = tpu.vector_load_idx %gather3A_905[%add3A_900, %and3A_897] : memref<128x128xf32, #tpu.memory_space<vmem>>[vector<16xi32>, vector<16xi32>], vector<16xf32>,
        %scatter3A_907 = arith.constant 0 : i32
        %scatter3A_908 = arith.constant 0 : i32
        %scatter3A_909 = arith.constant 0 : i32
        %scatter3A_910 = tpu.memref_slice %arg7[%scatter3A_907, %scatter3A_908, %scatter3A_909] : memref<4x64x128xf32, #tpu.memory_space<vmem>> -> memref<1x64x128xf32, #tpu.memory_space<vmem>>
        %scatter3A_911 = tpu.memref_squeeze %scatter3A_910 : memref<1x64x128xf32, #tpu.memory_space<vmem>> -> memref<64x128xf32, #tpu.memory_space<vmem>>
        tpu.vector_store_idx %scatter3A_911[%and3A_897, %add3A_900], %gather3A_906 : memref<64x128xf32, #tpu.memory_space<vmem>>[vector<16xi32>, vector<16xi32>], vector<16xf32>,
        %add3A_912 = arith.constant 16 : i32
        %add3A_913 = vector.broadcast %add3A_912 : i32 to vector<16xi32>
        %add3A_914 = arith.addi %iota3A, %add3A_913 : vector<16xi32>
        %gather3A_915 = arith.constant 0 : i32
        %gather3A_916 = arith.constant 0 : i32
        %gather3A_917 = arith.constant 0 : i32
        %gather3A_918 = tpu.memref_slice %arg6[%gather3A_915, %gather3A_916, %gather3A_917] : memref<4x128x128xf32, #tpu.memory_space<vmem>> -> memref<1x128x128xf32, #tpu.memory_space<vmem>>
        %gather3A_919 = tpu.memref_squeeze %gather3A_918 : memref<1x128x128xf32, #tpu.memory_space<vmem>> -> memref<128x128xf32, #tpu.memory_space<vmem>>
        %gather3A_920 = tpu.vector_load_idx %gather3A_919[%add3A_914, %and3A_897] : memref<128x128xf32, #tpu.memory_space<vmem>>[vector<16xi32>, vector<16xi32>], vector<16xf32>,
        %scatter3A_921 = arith.constant 0 : i32
        %scatter3A_922 = arith.constant 0 : i32
        %scatter3A_923 = arith.constant 0 : i32
        %scatter3A_924 = tpu.memref_slice %arg7[%scatter3A_921, %scatter3A_922, %scatter3A_923] : memref<4x64x128xf32, #tpu.memory_space<vmem>> -> memref<1x64x128xf32, #tpu.memory_space<vmem>>
        %scatter3A_925 = tpu.memref_squeeze %scatter3A_924 : memref<1x64x128xf32, #tpu.memory_space<vmem>> -> memref<64x128xf32, #tpu.memory_space<vmem>>
        tpu.vector_store_idx %scatter3A_925[%and3A_897, %add3A_914], %gather3A_920 : memref<64x128xf32, #tpu.memory_space<vmem>>[vector<16xi32>, vector<16xi32>], vector<16xf32>,
        %add3A_926 = arith.constant 32 : i32
        %add3A_927 = vector.broadcast %add3A_926 : i32 to vector<16xi32>
        %add3A_928 = arith.addi %iota3A, %add3A_927 : vector<16xi32>
        %gather3A_929 = arith.constant 0 : i32
        %gather3A_930 = arith.constant 0 : i32
        %gather3A_931 = arith.constant 0 : i32
        %gather3A_932 = tpu.memref_slice %arg6[%gather3A_929, %gather3A_930, %gather3A_931] : memref<4x128x128xf32, #tpu.memory_space<vmem>> -> memref<1x128x128xf32, #tpu.memory_space<vmem>>
        %gather3A_933 = tpu.memref_squeeze %gather3A_932 : memref<1x128x128xf32, #tpu.memory_space<vmem>> -> memref<128x128xf32, #tpu.memory_space<vmem>>
        %gather3A_934 = tpu.vector_load_idx %gather3A_933[%add3A_928, %and3A_897] : memref<128x128xf32, #tpu.memory_space<vmem>>[vector<16xi32>, vector<16xi32>], vector<16xf32>,
        %scatter3A_935 = arith.constant 0 : i32
        %scatter3A_936 = arith.constant 0 : i32
        %scatter3A_937 = arith.constant 0 : i32
        %scatter3A_938 = tpu.memref_slice %arg7[%scatter3A_935, %scatter3A_936, %scatter3A_937] : memref<4x64x128xf32, #tpu.memory_space<vmem>> -> memref<1x64x128xf32, #tpu.memory_space<vmem>>
        %scatter3A_939 = tpu.memref_squeeze %scatter3A_938 : memref<1x64x128xf32, #tpu.memory_space<vmem>> -> memref<64x128xf32, #tpu.memory_space<vmem>>
        tpu.vector_store_idx %scatter3A_939[%and3A_897, %add3A_928], %gather3A_934 : memref<64x128xf32, #tpu.memory_space<vmem>>[vector<16xi32>, vector<16xi32>], vector<16xf32>,
        %add3A_940 = arith.constant 48 : i32
        %add3A_941 = vector.broadcast %add3A_940 : i32 to vector<16xi32>
        %add3A_942 = arith.addi %iota3A, %add3A_941 : vector<16xi32>
        %gather3A_943 = arith.constant 0 : i32
        %gather3A_944 = arith.constant 0 : i32
        %gather3A_945 = arith.constant 0 : i32
        %gather3A_946 = tpu.memref_slice %arg6[%gather3A_943, %gather3A_944, %gather3A_945] : memref<4x128x128xf32, #tpu.memory_space<vmem>> -> memref<1x128x128xf32, #tpu.memory_space<vmem>>
        %gather3A_947 = tpu.memref_squeeze %gather3A_946 : memref<1x128x128xf32, #tpu.memory_space<vmem>> -> memref<128x128xf32, #tpu.memory_space<vmem>>
        %gather3A_948 = tpu.vector_load_idx %gather3A_947[%add3A_942, %and3A_897] : memref<128x128xf32, #tpu.memory_space<vmem>>[vector<16xi32>, vector<16xi32>], vector<16xf32>,
        %scatter3A_949 = arith.constant 0 : i32
        %scatter3A_950 = arith.constant 0 : i32
        %scatter3A_951 = arith.constant 0 : i32
        %scatter3A_952 = tpu.memref_slice %arg7[%scatter3A_949, %scatter3A_950, %scatter3A_951] : memref<4x64x128xf32, #tpu.memory_space<vmem>> -> memref<1x64x128xf32, #tpu.memory_space<vmem>>
        %scatter3A_953 = tpu.memref_squeeze %scatter3A_952 : memref<1x64x128xf32, #tpu.memory_space<vmem>> -> memref<64x128xf32, #tpu.memory_space<vmem>>
        tpu.vector_store_idx %scatter3A_953[%and3A_897, %add3A_942], %gather3A_948 : memref<64x128xf32, #tpu.memory_space<vmem>>[vector<16xi32>, vector<16xi32>], vector<16xf32>,
        %add3A_954 = arith.constant 64 : i32
        %add3A_955 = vector.broadcast %add3A_954 : i32 to vector<16xi32>
        %add3A_956 = arith.addi %iota3A, %add3A_955 : vector<16xi32>
        %gather3A_957 = arith.constant 0 : i32
        %gather3A_958 = arith.constant 0 : i32
        %gather3A_959 = arith.constant 0 : i32
        %gather3A_960 = tpu.memref_slice %arg6[%gather3A_957, %gather3A_958, %gather3A_959] : memref<4x128x128xf32, #tpu.memory_space<vmem>> -> memref<1x128x128xf32, #tpu.memory_space<vmem>>
        %gather3A_961 = tpu.memref_squeeze %gather3A_960 : memref<1x128x128xf32, #tpu.memory_space<vmem>> -> memref<128x128xf32, #tpu.memory_space<vmem>>
        %gather3A_962 = tpu.vector_load_idx %gather3A_961[%add3A_956, %and3A_897] : memref<128x128xf32, #tpu.memory_space<vmem>>[vector<16xi32>, vector<16xi32>], vector<16xf32>,
        %scatter3A_963 = arith.constant 0 : i32
        %scatter3A_964 = arith.constant 0 : i32
        %scatter3A_965 = arith.constant 0 : i32
        %scatter3A_966 = tpu.memref_slice %arg7[%scatter3A_963, %scatter3A_964, %scatter3A_965] : memref<4x64x128xf32, #tpu.memory_space<vmem>> -> memref<1x64x128xf32, #tpu.memory_space<vmem>>
        %scatter3A_967 = tpu.memref_squeeze %scatter3A_966 : memref<1x64x128xf32, #tpu.memory_space<vmem>> -> memref<64x128xf32, #tpu.memory_space<vmem>>
        tpu.vector_store_idx %scatter3A_967[%and3A_897, %add3A_956], %gather3A_962 : memref<64x128xf32, #tpu.memory_space<vmem>>[vector<16xi32>, vector<16xi32>], vector<16xf32>,
        %add3A_968 = arith.constant 80 : i32
        %add3A_969 = vector.broadcast %add3A_968 : i32 to vector<16xi32>
        %add3A_970 = arith.addi %iota3A, %add3A_969 : vector<16xi32>
        %gather3A_971 = arith.constant 0 : i32
        %gather3A_972 = arith.constant 0 : i32
        %gather3A_973 = arith.constant 0 : i32
        %gather3A_974 = tpu.memref_slice %arg6[%gather3A_971, %gather3A_972, %gather3A_973] : memref<4x128x128xf32, #tpu.memory_space<vmem>> -> memref<1x128x128xf32, #tpu.memory_space<vmem>>
        %gather3A_975 = tpu.memref_squeeze %gather3A_974 : memref<1x128x128xf32, #tpu.memory_space<vmem>> -> memref<128x128xf32, #tpu.memory_space<vmem>>
        %gather3A_976 = tpu.vector_load_idx %gather3A_975[%add3A_970, %and3A_897] : memref<128x128xf32, #tpu.memory_space<vmem>>[vector<16xi32>, vector<16xi32>], vector<16xf32>,
        %scatter3A_977 = arith.constant 0 : i32
        %scatter3A_978 = arith.constant 0 : i32
        %scatter3A_979 = arith.constant 0 : i32
        %scatter3A_980 = tpu.memref_slice %arg7[%scatter3A_977, %scatter3A_978, %scatter3A_979] : memref<4x64x128xf32, #tpu.memory_space<vmem>> -> memref<1x64x128xf32, #tpu.memory_space<vmem>>
        %scatter3A_981 = tpu.memref_squeeze %scatter3A_980 : memref<1x64x128xf32, #tpu.memory_space<vmem>> -> memref<64x128xf32, #tpu.memory_space<vmem>>
        tpu.vector_store_idx %scatter3A_981[%and3A_897, %add3A_970], %gather3A_976 : memref<64x128xf32, #tpu.memory_space<vmem>>[vector<16xi32>, vector<16xi32>], vector<16xf32>,
        %add3A_982 = arith.constant 96 : i32
        %add3A_983 = vector.broadcast %add3A_982 : i32 to vector<16xi32>
        %add3A_984 = arith.addi %iota3A, %add3A_983 : vector<16xi32>
        %gather3A_985 = arith.constant 0 : i32
        %gather3A_986 = arith.constant 0 : i32
        %gather3A_987 = arith.constant 0 : i32
        %gather3A_988 = tpu.memref_slice %arg6[%gather3A_985, %gather3A_986, %gather3A_987] : memref<4x128x128xf32, #tpu.memory_space<vmem>> -> memref<1x128x128xf32, #tpu.memory_space<vmem>>
        %gather3A_989 = tpu.memref_squeeze %gather3A_988 : memref<1x128x128xf32, #tpu.memory_space<vmem>> -> memref<128x128xf32, #tpu.memory_space<vmem>>
        %gather3A_990 = tpu.vector_load_idx %gather3A_989[%add3A_984, %and3A_897] : memref<128x128xf32, #tpu.memory_space<vmem>>[vector<16xi32>, vector<16xi32>], vector<16xf32>,
        %scatter3A_991 = arith.constant 0 : i32
        %scatter3A_992 = arith.constant 0 : i32
        %scatter3A_993 = arith.constant 0 : i32
        %scatter3A_994 = tpu.memref_slice %arg7[%scatter3A_991, %scatter3A_992, %scatter3A_993] : memref<4x64x128xf32, #tpu.memory_space<vmem>> -> memref<1x64x128xf32, #tpu.memory_space<vmem>>
        %scatter3A_995 = tpu.memref_squeeze %scatter3A_994 : memref<1x64x128xf32, #tpu.memory_space<vmem>> -> memref<64x128xf32, #tpu.memory_space<vmem>>
        tpu.vector_store_idx %scatter3A_995[%and3A_897, %add3A_984], %gather3A_990 : memref<64x128xf32, #tpu.memory_space<vmem>>[vector<16xi32>, vector<16xi32>], vector<16xf32>,
        %add3A_996 = arith.constant 112 : i32
        %add3A_997 = vector.broadcast %add3A_996 : i32 to vector<16xi32>
        %add3A_998 = arith.addi %iota3A, %add3A_997 : vector<16xi32>
        %gather3A_999 = arith.constant 0 : i32
        %gather3A_1000 = arith.constant 0 : i32
        %gather3A_1001 = arith.constant 0 : i32
        %gather3A_1002 = tpu.memref_slice %arg6[%gather3A_999, %gather3A_1000, %gather3A_1001] : memref<4x128x128xf32, #tpu.memory_space<vmem>> -> memref<1x128x128xf32, #tpu.memory_space<vmem>>
        %gather3A_1003 = tpu.memref_squeeze %gather3A_1002 : memref<1x128x128xf32, #tpu.memory_space<vmem>> -> memref<128x128xf32, #tpu.memory_space<vmem>>
        %gather3A_1004 = tpu.vector_load_idx %gather3A_1003[%add3A_998, %and3A_897] : memref<128x128xf32, #tpu.memory_space<vmem>>[vector<16xi32>, vector<16xi32>], vector<16xf32>,
        %scatter3A_1005 = arith.constant 0 : i32
        %scatter3A_1006 = arith.constant 0 : i32
        %scatter3A_1007 = arith.constant 0 : i32
        %scatter3A_1008 = tpu.memref_slice %arg7[%scatter3A_1005, %scatter3A_1006, %scatter3A_1007] : memref<4x64x128xf32, #tpu.memory_space<vmem>> -> memref<1x64x128xf32, #tpu.memory_space<vmem>>
        %scatter3A_1009 = tpu.memref_squeeze %scatter3A_1008 : memref<1x64x128xf32, #tpu.memory_space<vmem>> -> memref<64x128xf32, #tpu.memory_space<vmem>>
        tpu.vector_store_idx %scatter3A_1009[%and3A_897, %add3A_998], %gather3A_1004 : memref<64x128xf32, #tpu.memory_space<vmem>>[vector<16xi32>, vector<16xi32>], vector<16xf32>,
        %scan3A_1010 = arith.constant 2 : i32
        %scan3A_1011 = arith.addi %scan3A_768, %scan3A_1010 : i32
        %mul3A_1012 = arith.constant 1 : i32
        %mul3A_1013 = arith.muli %scan3A_1011, %mul3A_1012 : i32
        %add3A_1014 = arith.constant 0 : i32
        %add3A_1015 = arith.addi %add3A_1014, %mul3A_1013 : i32
        %broadcast_in_dim3A_1016 = vector.broadcast %add3A_1015 : i32 to vector<16xi32>
        %add3A_1017 = arith.addi %broadcast_in_dim3A_1016, %iota3A : vector<16xi32>
        %and3A_1018 = arith.constant 63 : i32
        %and3A_1019 = vector.broadcast %and3A_1018 : i32 to vector<16xi32>
        %and3A_1020 = arith.andi %add3A_1017, %and3A_1019 : vector<16xi32>
        %add3A_1021 = arith.constant 0 : i32
        %add3A_1022 = vector.broadcast %add3A_1021 : i32 to vector<16xi32>
        %add3A_1023 = arith.addi %iota3A, %add3A_1022 : vector<16xi32>
        %gather3A_1024 = arith.constant 0 : i32
        %gather3A_1025 = arith.constant 0 : i32
        %gather3A_1026 = arith.constant 0 : i32
        %gather3A_1027 = tpu.memref_slice %arg6[%gather3A_1024, %gather3A_1025, %gather3A_1026] : memref<4x128x128xf32, #tpu.memory_space<vmem>> -> memref<1x128x128xf32, #tpu.memory_space<vmem>>
        %gather3A_1028 = tpu.memref_squeeze %gather3A_1027 : memref<1x128x128xf32, #tpu.memory_space<vmem>> -> memref<128x128xf32, #tpu.memory_space<vmem>>
        %gather3A_1029 = tpu.vector_load_idx %gather3A_1028[%add3A_1023, %and3A_1020] : memref<128x128xf32, #tpu.memory_space<vmem>>[vector<16xi32>, vector<16xi32>], vector<16xf32>,
        %scatter3A_1030 = arith.constant 0 : i32
        %scatter3A_1031 = arith.constant 0 : i32
        %scatter3A_1032 = arith.constant 0 : i32
        %scatter3A_1033 = tpu.memref_slice %arg7[%scatter3A_1030, %scatter3A_1031, %scatter3A_1032] : memref<4x64x128xf32, #tpu.memory_space<vmem>> -> memref<1x64x128xf32, #tpu.memory_space<vmem>>
        %scatter3A_1034 = tpu.memref_squeeze %scatter3A_1033 : memref<1x64x128xf32, #tpu.memory_space<vmem>> -> memref<64x128xf32, #tpu.memory_space<vmem>>
        tpu.vector_store_idx %scatter3A_1034[%and3A_1020, %add3A_1023], %gather3A_1029 : memref<64x128xf32, #tpu.memory_space<vmem>>[vector<16xi32>, vector<16xi32>], vector<16xf32>,
        %add3A_1035 = arith.constant 16 : i32
        %add3A_1036 = vector.broadcast %add3A_1035 : i32 to vector<16xi32>
        %add3A_1037 = arith.addi %iota3A, %add3A_1036 : vector<16xi32>
        %gather3A_1038 = arith.constant 0 : i32
        %gather3A_1039 = arith.constant 0 : i32
        %gather3A_1040 = arith.constant 0 : i32
        %gather3A_1041 = tpu.memref_slice %arg6[%gather3A_1038, %gather3A_1039, %gather3A_1040] : memref<4x128x128xf32, #tpu.memory_space<vmem>> -> memref<1x128x128xf32, #tpu.memory_space<vmem>>
        %gather3A_1042 = tpu.memref_squeeze %gather3A_1041 : memref<1x128x128xf32, #tpu.memory_space<vmem>> -> memref<128x128xf32, #tpu.memory_space<vmem>>
        %gather3A_1043 = tpu.vector_load_idx %gather3A_1042[%add3A_1037, %and3A_1020] : memref<128x128xf32, #tpu.memory_space<vmem>>[vector<16xi32>, vector<16xi32>], vector<16xf32>,
        %scatter3A_1044 = arith.constant 0 : i32
        %scatter3A_1045 = arith.constant 0 : i32
        %scatter3A_1046 = arith.constant 0 : i32
        %scatter3A_1047 = tpu.memref_slice %arg7[%scatter3A_1044, %scatter3A_1045, %scatter3A_1046] : memref<4x64x128xf32, #tpu.memory_space<vmem>> -> memref<1x64x128xf32, #tpu.memory_space<vmem>>
        %scatter3A_1048 = tpu.memref_squeeze %scatter3A_1047 : memref<1x64x128xf32, #tpu.memory_space<vmem>> -> memref<64x128xf32, #tpu.memory_space<vmem>>
        tpu.vector_store_idx %scatter3A_1048[%and3A_1020, %add3A_1037], %gather3A_1043 : memref<64x128xf32, #tpu.memory_space<vmem>>[vector<16xi32>, vector<16xi32>], vector<16xf32>,
        %add3A_1049 = arith.constant 32 : i32
        %add3A_1050 = vector.broadcast %add3A_1049 : i32 to vector<16xi32>
        %add3A_1051 = arith.addi %iota3A, %add3A_1050 : vector<16xi32>
        %gather3A_1052 = arith.constant 0 : i32
        %gather3A_1053 = arith.constant 0 : i32
        %gather3A_1054 = arith.constant 0 : i32
        %gather3A_1055 = tpu.memref_slice %arg6[%gather3A_1052, %gather3A_1053, %gather3A_1054] : memref<4x128x128xf32, #tpu.memory_space<vmem>> -> memref<1x128x128xf32, #tpu.memory_space<vmem>>
        %gather3A_1056 = tpu.memref_squeeze %gather3A_1055 : memref<1x128x128xf32, #tpu.memory_space<vmem>> -> memref<128x128xf32, #tpu.memory_space<vmem>>
        %gather3A_1057 = tpu.vector_load_idx %gather3A_1056[%add3A_1051, %and3A_1020] : memref<128x128xf32, #tpu.memory_space<vmem>>[vector<16xi32>, vector<16xi32>], vector<16xf32>,
        %scatter3A_1058 = arith.constant 0 : i32
        %scatter3A_1059 = arith.constant 0 : i32
        %scatter3A_1060 = arith.constant 0 : i32
        %scatter3A_1061 = tpu.memref_slice %arg7[%scatter3A_1058, %scatter3A_1059, %scatter3A_1060] : memref<4x64x128xf32, #tpu.memory_space<vmem>> -> memref<1x64x128xf32, #tpu.memory_space<vmem>>
        %scatter3A_1062 = tpu.memref_squeeze %scatter3A_1061 : memref<1x64x128xf32, #tpu.memory_space<vmem>> -> memref<64x128xf32, #tpu.memory_space<vmem>>
        tpu.vector_store_idx %scatter3A_1062[%and3A_1020, %add3A_1051], %gather3A_1057 : memref<64x128xf32, #tpu.memory_space<vmem>>[vector<16xi32>, vector<16xi32>], vector<16xf32>,
        %add3A_1063 = arith.constant 48 : i32
        %add3A_1064 = vector.broadcast %add3A_1063 : i32 to vector<16xi32>
        %add3A_1065 = arith.addi %iota3A, %add3A_1064 : vector<16xi32>
        %gather3A_1066 = arith.constant 0 : i32
        %gather3A_1067 = arith.constant 0 : i32
        %gather3A_1068 = arith.constant 0 : i32
        %gather3A_1069 = tpu.memref_slice %arg6[%gather3A_1066, %gather3A_1067, %gather3A_1068] : memref<4x128x128xf32, #tpu.memory_space<vmem>> -> memref<1x128x128xf32, #tpu.memory_space<vmem>>
        %gather3A_1070 = tpu.memref_squeeze %gather3A_1069 : memref<1x128x128xf32, #tpu.memory_space<vmem>> -> memref<128x128xf32, #tpu.memory_space<vmem>>
        %gather3A_1071 = tpu.vector_load_idx %gather3A_1070[%add3A_1065, %and3A_1020] : memref<128x128xf32, #tpu.memory_space<vmem>>[vector<16xi32>, vector<16xi32>], vector<16xf32>,
        %scatter3A_1072 = arith.constant 0 : i32
        %scatter3A_1073 = arith.constant 0 : i32
        %scatter3A_1074 = arith.constant 0 : i32
        %scatter3A_1075 = tpu.memref_slice %arg7[%scatter3A_1072, %scatter3A_1073, %scatter3A_1074] : memref<4x64x128xf32, #tpu.memory_space<vmem>> -> memref<1x64x128xf32, #tpu.memory_space<vmem>>
        %scatter3A_1076 = tpu.memref_squeeze %scatter3A_1075 : memref<1x64x128xf32, #tpu.memory_space<vmem>> -> memref<64x128xf32, #tpu.memory_space<vmem>>
        tpu.vector_store_idx %scatter3A_1076[%and3A_1020, %add3A_1065], %gather3A_1071 : memref<64x128xf32, #tpu.memory_space<vmem>>[vector<16xi32>, vector<16xi32>], vector<16xf32>,
        %add3A_1077 = arith.constant 64 : i32
        %add3A_1078 = vector.broadcast %add3A_1077 : i32 to vector<16xi32>
        %add3A_1079 = arith.addi %iota3A, %add3A_1078 : vector<16xi32>
        %gather3A_1080 = arith.constant 0 : i32
        %gather3A_1081 = arith.constant 0 : i32
        %gather3A_1082 = arith.constant 0 : i32
        %gather3A_1083 = tpu.memref_slice %arg6[%gather3A_1080, %gather3A_1081, %gather3A_1082] : memref<4x128x128xf32, #tpu.memory_space<vmem>> -> memref<1x128x128xf32, #tpu.memory_space<vmem>>
        %gather3A_1084 = tpu.memref_squeeze %gather3A_1083 : memref<1x128x128xf32, #tpu.memory_space<vmem>> -> memref<128x128xf32, #tpu.memory_space<vmem>>
        %gather3A_1085 = tpu.vector_load_idx %gather3A_1084[%add3A_1079, %and3A_1020] : memref<128x128xf32, #tpu.memory_space<vmem>>[vector<16xi32>, vector<16xi32>], vector<16xf32>,
        %scatter3A_1086 = arith.constant 0 : i32
        %scatter3A_1087 = arith.constant 0 : i32
        %scatter3A_1088 = arith.constant 0 : i32
        %scatter3A_1089 = tpu.memref_slice %arg7[%scatter3A_1086, %scatter3A_1087, %scatter3A_1088] : memref<4x64x128xf32, #tpu.memory_space<vmem>> -> memref<1x64x128xf32, #tpu.memory_space<vmem>>
        %scatter3A_1090 = tpu.memref_squeeze %scatter3A_1089 : memref<1x64x128xf32, #tpu.memory_space<vmem>> -> memref<64x128xf32, #tpu.memory_space<vmem>>
        tpu.vector_store_idx %scatter3A_1090[%and3A_1020, %add3A_1079], %gather3A_1085 : memref<64x128xf32, #tpu.memory_space<vmem>>[vector<16xi32>, vector<16xi32>], vector<16xf32>,
        %add3A_1091 = arith.constant 80 : i32
        %add3A_1092 = vector.broadcast %add3A_1091 : i32 to vector<16xi32>
        %add3A_1093 = arith.addi %iota3A, %add3A_1092 : vector<16xi32>
        %gather3A_1094 = arith.constant 0 : i32
        %gather3A_1095 = arith.constant 0 : i32
        %gather3A_1096 = arith.constant 0 : i32
        %gather3A_1097 = tpu.memref_slice %arg6[%gather3A_1094, %gather3A_1095, %gather3A_1096] : memref<4x128x128xf32, #tpu.memory_space<vmem>> -> memref<1x128x128xf32, #tpu.memory_space<vmem>>
        %gather3A_1098 = tpu.memref_squeeze %gather3A_1097 : memref<1x128x128xf32, #tpu.memory_space<vmem>> -> memref<128x128xf32, #tpu.memory_space<vmem>>
        %gather3A_1099 = tpu.vector_load_idx %gather3A_1098[%add3A_1093, %and3A_1020] : memref<128x128xf32, #tpu.memory_space<vmem>>[vector<16xi32>, vector<16xi32>], vector<16xf32>,
        %scatter3A_1100 = arith.constant 0 : i32
        %scatter3A_1101 = arith.constant 0 : i32
        %scatter3A_1102 = arith.constant 0 : i32
        %scatter3A_1103 = tpu.memref_slice %arg7[%scatter3A_1100, %scatter3A_1101, %scatter3A_1102] : memref<4x64x128xf32, #tpu.memory_space<vmem>> -> memref<1x64x128xf32, #tpu.memory_space<vmem>>
        %scatter3A_1104 = tpu.memref_squeeze %scatter3A_1103 : memref<1x64x128xf32, #tpu.memory_space<vmem>> -> memref<64x128xf32, #tpu.memory_space<vmem>>
        tpu.vector_store_idx %scatter3A_1104[%and3A_1020, %add3A_1093], %gather3A_1099 : memref<64x128xf32, #tpu.memory_space<vmem>>[vector<16xi32>, vector<16xi32>], vector<16xf32>,
        %add3A_1105 = arith.constant 96 : i32
        %add3A_1106 = vector.broadcast %add3A_1105 : i32 to vector<16xi32>
        %add3A_1107 = arith.addi %iota3A, %add3A_1106 : vector<16xi32>
        %gather3A_1108 = arith.constant 0 : i32
        %gather3A_1109 = arith.constant 0 : i32
        %gather3A_1110 = arith.constant 0 : i32
        %gather3A_1111 = tpu.memref_slice %arg6[%gather3A_1108, %gather3A_1109, %gather3A_1110] : memref<4x128x128xf32, #tpu.memory_space<vmem>> -> memref<1x128x128xf32, #tpu.memory_space<vmem>>
        %gather3A_1112 = tpu.memref_squeeze %gather3A_1111 : memref<1x128x128xf32, #tpu.memory_space<vmem>> -> memref<128x128xf32, #tpu.memory_space<vmem>>
        %gather3A_1113 = tpu.vector_load_idx %gather3A_1112[%add3A_1107, %and3A_1020] : memref<128x128xf32, #tpu.memory_space<vmem>>[vector<16xi32>, vector<16xi32>], vector<16xf32>,
        %scatter3A_1114 = arith.constant 0 : i32
        %scatter3A_1115 = arith.constant 0 : i32
        %scatter3A_1116 = arith.constant 0 : i32
        %scatter3A_1117 = tpu.memref_slice %arg7[%scatter3A_1114, %scatter3A_1115, %scatter3A_1116] : memref<4x64x128xf32, #tpu.memory_space<vmem>> -> memref<1x64x128xf32, #tpu.memory_space<vmem>>
        %scatter3A_1118 = tpu.memref_squeeze %scatter3A_1117 : memref<1x64x128xf32, #tpu.memory_space<vmem>> -> memref<64x128xf32, #tpu.memory_space<vmem>>
        tpu.vector_store_idx %scatter3A_1118[%and3A_1020, %add3A_1107], %gather3A_1113 : memref<64x128xf32, #tpu.memory_space<vmem>>[vector<16xi32>, vector<16xi32>], vector<16xf32>,
        %add3A_1119 = arith.constant 112 : i32
        %add3A_1120 = vector.broadcast %add3A_1119 : i32 to vector<16xi32>
        %add3A_1121 = arith.addi %iota3A, %add3A_1120 : vector<16xi32>
        %gather3A_1122 = arith.constant 0 : i32
        %gather3A_1123 = arith.constant 0 : i32
        %gather3A_1124 = arith.constant 0 : i32
        %gather3A_1125 = tpu.memref_slice %arg6[%gather3A_1122, %gather3A_1123, %gather3A_1124] : memref<4x128x128xf32, #tpu.memory_space<vmem>> -> memref<1x128x128xf32, #tpu.memory_space<vmem>>
        %gather3A_1126 = tpu.memref_squeeze %gather3A_1125 : memref<1x128x128xf32, #tpu.memory_space<vmem>> -> memref<128x128xf32, #tpu.memory_space<vmem>>
        %gather3A_1127 = tpu.vector_load_idx %gather3A_1126[%add3A_1121, %and3A_1020] : memref<128x128xf32, #tpu.memory_space<vmem>>[vector<16xi32>, vector<16xi32>], vector<16xf32>,
        %scatter3A_1128 = arith.constant 0 : i32
        %scatter3A_1129 = arith.constant 0 : i32
        %scatter3A_1130 = arith.constant 0 : i32
        %scatter3A_1131 = tpu.memref_slice %arg7[%scatter3A_1128, %scatter3A_1129, %scatter3A_1130] : memref<4x64x128xf32, #tpu.memory_space<vmem>> -> memref<1x64x128xf32, #tpu.memory_space<vmem>>
        %scatter3A_1132 = tpu.memref_squeeze %scatter3A_1131 : memref<1x64x128xf32, #tpu.memory_space<vmem>> -> memref<64x128xf32, #tpu.memory_space<vmem>>
        tpu.vector_store_idx %scatter3A_1132[%and3A_1020, %add3A_1121], %gather3A_1127 : memref<64x128xf32, #tpu.memory_space<vmem>>[vector<16xi32>, vector<16xi32>], vector<16xf32>,
        %scan3A_1133 = arith.constant 3 : i32
        %scan3A_1134 = arith.addi %scan3A_768, %scan3A_1133 : i32
        %mul3A_1135 = arith.constant 1 : i32
        %mul3A_1136 = arith.muli %scan3A_1134, %mul3A_1135 : i32
        %add3A_1137 = arith.constant 0 : i32
        %add3A_1138 = arith.addi %add3A_1137, %mul3A_1136 : i32
        %broadcast_in_dim3A_1139 = vector.broadcast %add3A_1138 : i32 to vector<16xi32>
        %add3A_1140 = arith.addi %broadcast_in_dim3A_1139, %iota3A : vector<16xi32>
        %and3A_1141 = arith.constant 63 : i32
        %and3A_1142 = vector.broadcast %and3A_1141 : i32 to vector<16xi32>
        %and3A_1143 = arith.andi %add3A_1140, %and3A_1142 : vector<16xi32>
        %add3A_1144 = arith.constant 0 : i32
        %add3A_1145 = vector.broadcast %add3A_1144 : i32 to vector<16xi32>
        %add3A_1146 = arith.addi %iota3A, %add3A_1145 : vector<16xi32>
        %gather3A_1147 = arith.constant 0 : i32
        %gather3A_1148 = arith.constant 0 : i32
        %gather3A_1149 = arith.constant 0 : i32
        %gather3A_1150 = tpu.memref_slice %arg6[%gather3A_1147, %gather3A_1148, %gather3A_1149] : memref<4x128x128xf32, #tpu.memory_space<vmem>> -> memref<1x128x128xf32, #tpu.memory_space<vmem>>
        %gather3A_1151 = tpu.memref_squeeze %gather3A_1150 : memref<1x128x128xf32, #tpu.memory_space<vmem>> -> memref<128x128xf32, #tpu.memory_space<vmem>>
        %gather3A_1152 = tpu.vector_load_idx %gather3A_1151[%add3A_1146, %and3A_1143] : memref<128x128xf32, #tpu.memory_space<vmem>>[vector<16xi32>, vector<16xi32>], vector<16xf32>,
        %scatter3A_1153 = arith.constant 0 : i32
        %scatter3A_1154 = arith.constant 0 : i32
        %scatter3A_1155 = arith.constant 0 : i32
        %scatter3A_1156 = tpu.memref_slice %arg7[%scatter3A_1153, %scatter3A_1154, %scatter3A_1155] : memref<4x64x128xf32, #tpu.memory_space<vmem>> -> memref<1x64x128xf32, #tpu.memory_space<vmem>>
        %scatter3A_1157 = tpu.memref_squeeze %scatter3A_1156 : memref<1x64x128xf32, #tpu.memory_space<vmem>> -> memref<64x128xf32, #tpu.memory_space<vmem>>
        tpu.vector_store_idx %scatter3A_1157[%and3A_1143, %add3A_1146], %gather3A_1152 : memref<64x128xf32, #tpu.memory_space<vmem>>[vector<16xi32>, vector<16xi32>], vector<16xf32>,
        %add3A_1158 = arith.constant 16 : i32
        %add3A_1159 = vector.broadcast %add3A_1158 : i32 to vector<16xi32>
        %add3A_1160 = arith.addi %iota3A, %add3A_1159 : vector<16xi32>
        %gather3A_1161 = arith.constant 0 : i32
        %gather3A_1162 = arith.constant 0 : i32
        %gather3A_1163 = arith.constant 0 : i32
        %gather3A_1164 = tpu.memref_slice %arg6[%gather3A_1161, %gather3A_1162, %gather3A_1163] : memref<4x128x128xf32, #tpu.memory_space<vmem>> -> memref<1x128x128xf32, #tpu.memory_space<vmem>>
        %gather3A_1165 = tpu.memref_squeeze %gather3A_1164 : memref<1x128x128xf32, #tpu.memory_space<vmem>> -> memref<128x128xf32, #tpu.memory_space<vmem>>
        %gather3A_1166 = tpu.vector_load_idx %gather3A_1165[%add3A_1160, %and3A_1143] : memref<128x128xf32, #tpu.memory_space<vmem>>[vector<16xi32>, vector<16xi32>], vector<16xf32>,
        %scatter3A_1167 = arith.constant 0 : i32
        %scatter3A_1168 = arith.constant 0 : i32
        %scatter3A_1169 = arith.constant 0 : i32
        %scatter3A_1170 = tpu.memref_slice %arg7[%scatter3A_1167, %scatter3A_1168, %scatter3A_1169] : memref<4x64x128xf32, #tpu.memory_space<vmem>> -> memref<1x64x128xf32, #tpu.memory_space<vmem>>
        %scatter3A_1171 = tpu.memref_squeeze %scatter3A_1170 : memref<1x64x128xf32, #tpu.memory_space<vmem>> -> memref<64x128xf32, #tpu.memory_space<vmem>>
        tpu.vector_store_idx %scatter3A_1171[%and3A_1143, %add3A_1160], %gather3A_1166 : memref<64x128xf32, #tpu.memory_space<vmem>>[vector<16xi32>, vector<16xi32>], vector<16xf32>,
        %add3A_1172 = arith.constant 32 : i32
        %add3A_1173 = vector.broadcast %add3A_1172 : i32 to vector<16xi32>
        %add3A_1174 = arith.addi %iota3A, %add3A_1173 : vector<16xi32>
        %gather3A_1175 = arith.constant 0 : i32
        %gather3A_1176 = arith.constant 0 : i32
        %gather3A_1177 = arith.constant 0 : i32
        %gather3A_1178 = tpu.memref_slice %arg6[%gather3A_1175, %gather3A_1176, %gather3A_1177] : memref<4x128x128xf32, #tpu.memory_space<vmem>> -> memref<1x128x128xf32, #tpu.memory_space<vmem>>
        %gather3A_1179 = tpu.memref_squeeze %gather3A_1178 : memref<1x128x128xf32, #tpu.memory_space<vmem>> -> memref<128x128xf32, #tpu.memory_space<vmem>>
        %gather3A_1180 = tpu.vector_load_idx %gather3A_1179[%add3A_1174, %and3A_1143] : memref<128x128xf32, #tpu.memory_space<vmem>>[vector<16xi32>, vector<16xi32>], vector<16xf32>,
        %scatter3A_1181 = arith.constant 0 : i32
        %scatter3A_1182 = arith.constant 0 : i32
        %scatter3A_1183 = arith.constant 0 : i32
        %scatter3A_1184 = tpu.memref_slice %arg7[%scatter3A_1181, %scatter3A_1182, %scatter3A_1183] : memref<4x64x128xf32, #tpu.memory_space<vmem>> -> memref<1x64x128xf32, #tpu.memory_space<vmem>>
        %scatter3A_1185 = tpu.memref_squeeze %scatter3A_1184 : memref<1x64x128xf32, #tpu.memory_space<vmem>> -> memref<64x128xf32, #tpu.memory_space<vmem>>
        tpu.vector_store_idx %scatter3A_1185[%and3A_1143, %add3A_1174], %gather3A_1180 : memref<64x128xf32, #tpu.memory_space<vmem>>[vector<16xi32>, vector<16xi32>], vector<16xf32>,
        %add3A_1186 = arith.constant 48 : i32
        %add3A_1187 = vector.broadcast %add3A_1186 : i32 to vector<16xi32>
        %add3A_1188 = arith.addi %iota3A, %add3A_1187 : vector<16xi32>
        %gather3A_1189 = arith.constant 0 : i32
        %gather3A_1190 = arith.constant 0 : i32
        %gather3A_1191 = arith.constant 0 : i32
        %gather3A_1192 = tpu.memref_slice %arg6[%gather3A_1189, %gather3A_1190, %gather3A_1191] : memref<4x128x128xf32, #tpu.memory_space<vmem>> -> memref<1x128x128xf32, #tpu.memory_space<vmem>>
        %gather3A_1193 = tpu.memref_squeeze %gather3A_1192 : memref<1x128x128xf32, #tpu.memory_space<vmem>> -> memref<128x128xf32, #tpu.memory_space<vmem>>
        %gather3A_1194 = tpu.vector_load_idx %gather3A_1193[%add3A_1188, %and3A_1143] : memref<128x128xf32, #tpu.memory_space<vmem>>[vector<16xi32>, vector<16xi32>], vector<16xf32>,
        %scatter3A_1195 = arith.constant 0 : i32
        %scatter3A_1196 = arith.constant 0 : i32
        %scatter3A_1197 = arith.constant 0 : i32
        %scatter3A_1198 = tpu.memref_slice %arg7[%scatter3A_1195, %scatter3A_1196, %scatter3A_1197] : memref<4x64x128xf32, #tpu.memory_space<vmem>> -> memref<1x64x128xf32, #tpu.memory_space<vmem>>
        %scatter3A_1199 = tpu.memref_squeeze %scatter3A_1198 : memref<1x64x128xf32, #tpu.memory_space<vmem>> -> memref<64x128xf32, #tpu.memory_space<vmem>>
        tpu.vector_store_idx %scatter3A_1199[%and3A_1143, %add3A_1188], %gather3A_1194 : memref<64x128xf32, #tpu.memory_space<vmem>>[vector<16xi32>, vector<16xi32>], vector<16xf32>,
        %add3A_1200 = arith.constant 64 : i32
        %add3A_1201 = vector.broadcast %add3A_1200 : i32 to vector<16xi32>
        %add3A_1202 = arith.addi %iota3A, %add3A_1201 : vector<16xi32>
        %gather3A_1203 = arith.constant 0 : i32
        %gather3A_1204 = arith.constant 0 : i32
        %gather3A_1205 = arith.constant 0 : i32
        %gather3A_1206 = tpu.memref_slice %arg6[%gather3A_1203, %gather3A_1204, %gather3A_1205] : memref<4x128x128xf32, #tpu.memory_space<vmem>> -> memref<1x128x128xf32, #tpu.memory_space<vmem>>
        %gather3A_1207 = tpu.memref_squeeze %gather3A_1206 : memref<1x128x128xf32, #tpu.memory_space<vmem>> -> memref<128x128xf32, #tpu.memory_space<vmem>>
        %gather3A_1208 = tpu.vector_load_idx %gather3A_1207[%add3A_1202, %and3A_1143] : memref<128x128xf32, #tpu.memory_space<vmem>>[vector<16xi32>, vector<16xi32>], vector<16xf32>,
        %scatter3A_1209 = arith.constant 0 : i32
        %scatter3A_1210 = arith.constant 0 : i32
        %scatter3A_1211 = arith.constant 0 : i32
        %scatter3A_1212 = tpu.memref_slice %arg7[%scatter3A_1209, %scatter3A_1210, %scatter3A_1211] : memref<4x64x128xf32, #tpu.memory_space<vmem>> -> memref<1x64x128xf32, #tpu.memory_space<vmem>>
        %scatter3A_1213 = tpu.memref_squeeze %scatter3A_1212 : memref<1x64x128xf32, #tpu.memory_space<vmem>> -> memref<64x128xf32, #tpu.memory_space<vmem>>
        tpu.vector_store_idx %scatter3A_1213[%and3A_1143, %add3A_1202], %gather3A_1208 : memref<64x128xf32, #tpu.memory_space<vmem>>[vector<16xi32>, vector<16xi32>], vector<16xf32>,
        %add3A_1214 = arith.constant 80 : i32
        %add3A_1215 = vector.broadcast %add3A_1214 : i32 to vector<16xi32>
        %add3A_1216 = arith.addi %iota3A, %add3A_1215 : vector<16xi32>
        %gather3A_1217 = arith.constant 0 : i32
        %gather3A_1218 = arith.constant 0 : i32
        %gather3A_1219 = arith.constant 0 : i32
        %gather3A_1220 = tpu.memref_slice %arg6[%gather3A_1217, %gather3A_1218, %gather3A_1219] : memref<4x128x128xf32, #tpu.memory_space<vmem>> -> memref<1x128x128xf32, #tpu.memory_space<vmem>>
        %gather3A_1221 = tpu.memref_squeeze %gather3A_1220 : memref<1x128x128xf32, #tpu.memory_space<vmem>> -> memref<128x128xf32, #tpu.memory_space<vmem>>
        %gather3A_1222 = tpu.vector_load_idx %gather3A_1221[%add3A_1216, %and3A_1143] : memref<128x128xf32, #tpu.memory_space<vmem>>[vector<16xi32>, vector<16xi32>], vector<16xf32>,
        %scatter3A_1223 = arith.constant 0 : i32
        %scatter3A_1224 = arith.constant 0 : i32
        %scatter3A_1225 = arith.constant 0 : i32
        %scatter3A_1226 = tpu.memref_slice %arg7[%scatter3A_1223, %scatter3A_1224, %scatter3A_1225] : memref<4x64x128xf32, #tpu.memory_space<vmem>> -> memref<1x64x128xf32, #tpu.memory_space<vmem>>
        %scatter3A_1227 = tpu.memref_squeeze %scatter3A_1226 : memref<1x64x128xf32, #tpu.memory_space<vmem>> -> memref<64x128xf32, #tpu.memory_space<vmem>>
        tpu.vector_store_idx %scatter3A_1227[%and3A_1143, %add3A_1216], %gather3A_1222 : memref<64x128xf32, #tpu.memory_space<vmem>>[vector<16xi32>, vector<16xi32>], vector<16xf32>,
        %add3A_1228 = arith.constant 96 : i32
        %add3A_1229 = vector.broadcast %add3A_1228 : i32 to vector<16xi32>
        %add3A_1230 = arith.addi %iota3A, %add3A_1229 : vector<16xi32>
        %gather3A_1231 = arith.constant 0 : i32
        %gather3A_1232 = arith.constant 0 : i32
        %gather3A_1233 = arith.constant 0 : i32
        %gather3A_1234 = tpu.memref_slice %arg6[%gather3A_1231, %gather3A_1232, %gather3A_1233] : memref<4x128x128xf32, #tpu.memory_space<vmem>> -> memref<1x128x128xf32, #tpu.memory_space<vmem>>
        %gather3A_1235 = tpu.memref_squeeze %gather3A_1234 : memref<1x128x128xf32, #tpu.memory_space<vmem>> -> memref<128x128xf32, #tpu.memory_space<vmem>>
        %gather3A_1236 = tpu.vector_load_idx %gather3A_1235[%add3A_1230, %and3A_1143] : memref<128x128xf32, #tpu.memory_space<vmem>>[vector<16xi32>, vector<16xi32>], vector<16xf32>,
        %scatter3A_1237 = arith.constant 0 : i32
        %scatter3A_1238 = arith.constant 0 : i32
        %scatter3A_1239 = arith.constant 0 : i32
        %scatter3A_1240 = tpu.memref_slice %arg7[%scatter3A_1237, %scatter3A_1238, %scatter3A_1239] : memref<4x64x128xf32, #tpu.memory_space<vmem>> -> memref<1x64x128xf32, #tpu.memory_space<vmem>>
        %scatter3A_1241 = tpu.memref_squeeze %scatter3A_1240 : memref<1x64x128xf32, #tpu.memory_space<vmem>> -> memref<64x128xf32, #tpu.memory_space<vmem>>
        tpu.vector_store_idx %scatter3A_1241[%and3A_1143, %add3A_1230], %gather3A_1236 : memref<64x128xf32, #tpu.memory_space<vmem>>[vector<16xi32>, vector<16xi32>], vector<16xf32>,
        %add3A_1242 = arith.constant 112 : i32
        %add3A_1243 = vector.broadcast %add3A_1242 : i32 to vector<16xi32>
        %add3A_1244 = arith.addi %iota3A, %add3A_1243 : vector<16xi32>
        %gather3A_1245 = arith.constant 0 : i32
        %gather3A_1246 = arith.constant 0 : i32
        %gather3A_1247 = arith.constant 0 : i32
        %gather3A_1248 = tpu.memref_slice %arg6[%gather3A_1245, %gather3A_1246, %gather3A_1247] : memref<4x128x128xf32, #tpu.memory_space<vmem>> -> memref<1x128x128xf32, #tpu.memory_space<vmem>>
        %gather3A_1249 = tpu.memref_squeeze %gather3A_1248 : memref<1x128x128xf32, #tpu.memory_space<vmem>> -> memref<128x128xf32, #tpu.memory_space<vmem>>
        %gather3A_1250 = tpu.vector_load_idx %gather3A_1249[%add3A_1244, %and3A_1143] : memref<128x128xf32, #tpu.memory_space<vmem>>[vector<16xi32>, vector<16xi32>], vector<16xf32>,
        %scatter3A_1251 = arith.constant 0 : i32
        %scatter3A_1252 = arith.constant 0 : i32
        %scatter3A_1253 = arith.constant 0 : i32
        %scatter3A_1254 = tpu.memref_slice %arg7[%scatter3A_1251, %scatter3A_1252, %scatter3A_1253] : memref<4x64x128xf32, #tpu.memory_space<vmem>> -> memref<1x64x128xf32, #tpu.memory_space<vmem>>
        %scatter3A_1255 = tpu.memref_squeeze %scatter3A_1254 : memref<1x64x128xf32, #tpu.memory_space<vmem>> -> memref<64x128xf32, #tpu.memory_space<vmem>>
        tpu.vector_store_idx %scatter3A_1255[%and3A_1143, %add3A_1244], %gather3A_1250 : memref<64x128xf32, #tpu.memory_space<vmem>>[vector<16xi32>, vector<16xi32>], vector<16xf32>,
      }
      %scan3A_389 = arith.constant 64 : i32
      %add3A_390 = arith.addi %mul3A_2, %add3A_351 : i32
      %jit3A_391 = arith.constant 32 : i32
      %div3A_392 = arith.divsi %add3A_390, %jit3A_391 : i32
      %sign3A_393 = arith.constant 0 : i32
      %sign3A_394 = arith.cmpi sgt, %add3A_390, %sign3A_393 : i32
      %sign3A_395 = arith.extui %sign3A_394 : i1 to i32
      %sign3A_396 = arith.constant 0 : i32
      %sign3A_397 = arith.cmpi slt, %add3A_390, %sign3A_396 : i32
      %sign3A_398 = arith.extui %sign3A_397 : i1 to i32
      %sign3A_399 = arith.subi %sign3A_395, %sign3A_398 : i32
      %sign3A_400 = arith.constant 0 : i32
      %sign3A_401 = arith.cmpi sgt, %jit3A_391, %sign3A_400 : i32
      %sign3A_402 = arith.extui %sign3A_401 : i1 to i32
      %sign3A_403 = arith.constant 0 : i32
      %sign3A_404 = arith.cmpi slt, %jit3A_391, %sign3A_403 : i32
      %sign3A_405 = arith.extui %sign3A_404 : i1 to i32
      %sign3A_406 = arith.subi %sign3A_402, %sign3A_405 : i32
      %ne3A_407 = arith.cmpi ne, %sign3A_399, %sign3A_406 : i32
      %rem3A_408 = arith.remsi %add3A_390, %jit3A_391 : i32
      %ne3A_409 = arith.constant 0 : i32
      %ne3A_410 = arith.cmpi ne, %rem3A_408, %ne3A_409 : i32
      %and3A_411 = arith.andi %ne3A_407, %ne3A_410 : i1
      %sub3A_412 = arith.constant 1 : i32
      %sub3A_413 = arith.subi %div3A_392, %sub3A_412 : i32
      %select_n3A_414 = arith.select %and3A_411, %sub3A_413, %div3A_392 : i32
      %jit3A_415 = arith.constant 32 : i32
      %eq3A_416 = arith.constant 0 : i32
      %eq3A_417 = arith.cmpi eq, %jit3A_415, %eq3A_416 : i32
      %jit3A_418 = arith.constant 1 : i32
      %select_n3A_419 = arith.select %eq3A_417, %jit3A_418, %jit3A_415 : i32
      %rem3A_420 = arith.remsi %add3A_390, %select_n3A_419 : i32
      %ne3A_421 = arith.constant 0 : i32
      %ne3A_422 = arith.cmpi ne, %rem3A_420, %ne3A_421 : i32
      %lt3A_423 = arith.constant 0 : i32
      %lt3A_424 = arith.cmpi slt, %rem3A_420, %lt3A_423 : i32
      %lt3A_425 = arith.constant 0 : i32
      %lt3A_426 = arith.cmpi slt, %select_n3A_419, %lt3A_425 : i32
      %ne3A_427 = arith.xori %lt3A_424, %lt3A_426 : i1
      %and3A_428 = arith.andi %ne3A_427, %ne3A_422 : i1
      %add3A_429 = arith.addi %rem3A_420, %select_n3A_419 : i32
      %select_n3A_430 = arith.select %and3A_428, %add3A_429, %rem3A_420 : i32
      %mul3A_431 = arith.constant 128 : i32
      %mul3A_432 = arith.muli %select_n3A_430, %mul3A_431 : i32
      %dma_start3A_433 = arith.constant 0 : i32
      %dma_start3A_434 = arith.constant 0 : i32
      %dma_start3A_435 = arith.constant 0 : i32
      %dma_start3A_436 = tpu.memref_slice %arg7[%dma_start3A_433, %dma_start3A_434, %dma_start3A_435] : memref<4x64x128xf32, #tpu.memory_space<vmem>> -> memref<1x64x128xf32, #tpu.memory_space<vmem>>
      %dma_start3A_437 = tpu.memref_squeeze %dma_start3A_436 : memref<1x64x128xf32, #tpu.memory_space<vmem>> -> memref<64x128xf32, #tpu.memory_space<vmem>>
      %dma_start3A_438 = arith.constant 0 : i32
      %dma_start3A_439 = tpu.memref_slice %arg4[%select_n3A_414, %dma_start3A_438, %mul3A_432] : memref<200x64x4096xf32, #tpu.memory_space<hbm>> -> memref<1x64x128xf32, #tpu.memory_space<hbm>>
      %dma_start3A_440 = tpu.memref_squeeze %dma_start3A_439 : memref<1x64x128xf32, #tpu.memory_space<hbm>> -> memref<64x128xf32, #tpu.memory_space<hbm>>
      %dma_start3A_441 = arith.constant 0 : i32
      %dma_start3A_442 = tpu.memref_slice %arg4[%select_n3A_414, %dma_start3A_441, %mul3A_432] : memref<200x64x4096xf32, #tpu.memory_space<hbm>> -> memref<1x64x128xf32, #tpu.memory_space<hbm>>
      %dma_start3A_443 = tpu.memref_squeeze %dma_start3A_442 : memref<1x64x128xf32, #tpu.memory_space<hbm>> -> memref<64x128xf32, #tpu.memory_space<hbm>>
      %dma_start3A_444 = arith.constant 0 : i32
      %dma_start3A_445 = arith.constant 0 : i32
      %dma_start3A_446 = tpu.memref_slice %arg7[%dma_start3A_433, %dma_start3A_444, %dma_start3A_445] : memref<4x64x128xf32, #tpu.memory_space<vmem>> -> memref<1x64x128xf32, #tpu.memory_space<vmem>>
      %dma_start3A_447 = tpu.memref_squeeze %dma_start3A_446 : memref<1x64x128xf32, #tpu.memory_space<vmem>> -> memref<64x128xf32, #tpu.memory_space<vmem>>
      tpu.enqueue_dma source(%dma_start3A_447 : memref<64x128xf32, #tpu.memory_space<vmem>>) target(%dma_start3A_443 : memref<64x128xf32, #tpu.memory_space<hbm>>) target_semaphore(%arg12 : memref<!tpu.dma_semaphore, #tpu.memory_space<semaphore_mem>>)
      %add3A_448 = arith.constant 4 : i32
      %add3A_449 = arith.addi %add3A_351, %add3A_448 : i32
      %lt3A_450 = arith.constant 200 : i32
      %lt3A_451 = arith.cmpi slt, %add3A_449, %lt3A_450 : i32
      %convert_element_type3A = arith.extui %lt3A_451 : i1 to i32
      %cond3A = arith.constant 0 : i32
      %cond3A_452 = arith.cmpi ne, %convert_element_type3A, %cond3A : i32
      scf.if %cond3A_452 {
        %add3A_768 = arith.constant 4 : i32
        %add3A_769 = arith.addi %add3A_351, %add3A_768 : i32
        %mul3A_770 = arith.constant 128 : i32
        %mul3A_771 = arith.muli %add3A_769, %mul3A_770 : i32
        %dma_start3A_772 = arith.constant 0 : i32
        %dma_start3A_773 = arith.constant 0 : i32
        %dma_start3A_774 = arith.constant 0 : i32
        %dma_start3A_775 = tpu.memref_slice %arg6[%dma_start3A_772, %dma_start3A_773, %dma_start3A_774] : memref<4x128x128xf32, #tpu.memory_space<vmem>> -> memref<1x128x128xf32, #tpu.memory_space<vmem>>
        %dma_start3A_776 = tpu.memref_squeeze %dma_start3A_775 : memref<1x128x128xf32, #tpu.memory_space<vmem>> -> memref<128x128xf32, #tpu.memory_space<vmem>>
        %dma_start3A_777 = tpu.memref_slice %arg5[%mul3A_771] : memref<25600xi32, #tpu.memory_space<vmem>> -> memref<128xi32, #tpu.memory_space<vmem>>
        %dma_start3A_778 = arith.constant 0 : i32
        %dma_start3A_779 = arith.constant 0 : i32
        %dma_start3A_780 = tpu.memref_slice %arg3[%dma_start3A_778, %dma_start3A_779] : memref<1000000x128xf32, #tpu.memory_space<hbm>> -> memref<1000000x128xf32, #tpu.memory_space<hbm>>
        tpu.enqueue_indirect_dma source(%dma_start3A_780 : memref<1000000x128xf32, #tpu.memory_space<hbm>>) target(%dma_start3A_776 : memref<128x128xf32, #tpu.memory_space<vmem>>) offsets(%dma_start3A_777 : memref<128xi32, #tpu.memory_space<vmem>>) semaphore(%arg8 : memref<!tpu.dma_semaphore, #tpu.memory_space<semaphore_mem>>)
      } else {
      }
      %add3A_453 = arith.constant 1 : i32
      %add3A_454 = arith.addi %add3A_349, %add3A_453 : i32
      %dma_wait3A_455 = arith.constant 1 : i32
      %dma_wait3A_456 = arith.constant 0 : i32
      %dma_wait3A_457 = arith.constant 0 : i32
      %dma_wait3A_458 = tpu.memref_slice %arg6[%dma_wait3A_455, %dma_wait3A_456, %dma_wait3A_457] : memref<4x128x128xf32, #tpu.memory_space<vmem>> -> memref<1x128x128xf32, #tpu.memory_space<vmem>>
      %dma_wait3A_459 = tpu.memref_squeeze %dma_wait3A_458 : memref<1x128x128xf32, #tpu.memory_space<vmem>> -> memref<128x128xf32, #tpu.memory_space<vmem>>
      %dma_wait3A_460 = arith.constant 0 : i32
      %dma_wait3A_461 = arith.constant 0 : i32
      %dma_wait3A_462 = tpu.memref_slice %arg3[%dma_wait3A_460, %dma_wait3A_461] : memref<1000000x128xf32, #tpu.memory_space<hbm>> -> memref<128x128xf32, #tpu.memory_space<hbm>>
      %dma_wait3A_463 = arith.constant 0 : i32
      %dma_wait3A_464 = arith.constant 0 : i32
      %dma_wait3A_465 = tpu.memref_slice %arg6[%dma_wait3A_455, %dma_wait3A_463, %dma_wait3A_464] : memref<4x128x128xf32, #tpu.memory_space<vmem>> -> memref<1x128x128xf32, #tpu.memory_space<vmem>>
      %dma_wait3A_466 = tpu.memref_squeeze %dma_wait3A_465 : memref<1x128x128xf32, #tpu.memory_space<vmem>> -> memref<128x128xf32, #tpu.memory_space<vmem>>
      %dma_wait3A_467 = arith.constant 0 : i32
      %dma_wait3A_468 = arith.constant 0 : i32
      %dma_wait3A_469 = tpu.memref_slice %arg3[%dma_wait3A_467, %dma_wait3A_468] : memref<1000000x128xf32, #tpu.memory_space<hbm>> -> memref<128x128xf32, #tpu.memory_space<hbm>>
      tpu.wait_dma2 semaphore(%arg9 : memref<!tpu.dma_semaphore, #tpu.memory_space<semaphore_mem>>) src(%dma_wait3A_469 : memref<128x128xf32, #tpu.memory_space<hbm>>) dst(%dma_wait3A_466 : memref<128x128xf32, #tpu.memory_space<vmem>>)
      %dma_wait3A_470 = arith.constant 1 : i32
      %dma_wait3A_471 = arith.constant 0 : i32
      %dma_wait3A_472 = arith.constant 0 : i32
      %dma_wait3A_473 = arith.constant 0 : i32
      %dma_wait3A_474 = tpu.memref_slice %arg7[%dma_wait3A_470, %dma_wait3A_472, %dma_wait3A_473] : memref<4x64x128xf32, #tpu.memory_space<vmem>> -> memref<1x64x128xf32, #tpu.memory_space<vmem>>
      %dma_wait3A_475 = tpu.memref_squeeze %dma_wait3A_474 : memref<1x64x128xf32, #tpu.memory_space<vmem>> -> memref<64x128xf32, #tpu.memory_space<vmem>>
      %dma_wait3A_476 = arith.constant 0 : i32
      %dma_wait3A_477 = arith.constant 0 : i32
      %dma_wait3A_478 = tpu.memref_slice %arg4[%dma_wait3A_471, %dma_wait3A_476, %dma_wait3A_477] : memref<200x64x4096xf32, #tpu.memory_space<hbm>> -> memref<1x64x128xf32, #tpu.memory_space<hbm>>
      %dma_wait3A_479 = tpu.memref_squeeze %dma_wait3A_478 : memref<1x64x128xf32, #tpu.memory_space<hbm>> -> memref<64x128xf32, #tpu.memory_space<hbm>>
      %dma_wait3A_480 = arith.constant 0 : i32
      %dma_wait3A_481 = arith.constant 0 : i32
      %dma_wait3A_482 = tpu.memref_slice %arg4[%dma_wait3A_471, %dma_wait3A_480, %dma_wait3A_481] : memref<200x64x4096xf32, #tpu.memory_space<hbm>> -> memref<1x64x128xf32, #tpu.memory_space<hbm>>
      %dma_wait3A_483 = tpu.memref_squeeze %dma_wait3A_482 : memref<1x64x128xf32, #tpu.memory_space<hbm>> -> memref<64x128xf32, #tpu.memory_space<hbm>>
      %dma_wait3A_484 = arith.constant 0 : i32
      %dma_wait3A_485 = arith.constant 0 : i32
      %dma_wait3A_486 = tpu.memref_slice %arg7[%dma_wait3A_470, %dma_wait3A_484, %dma_wait3A_485] : memref<4x64x128xf32, #tpu.memory_space<vmem>> -> memref<1x64x128xf32, #tpu.memory_space<vmem>>
      %dma_wait3A_487 = tpu.memref_squeeze %dma_wait3A_486 : memref<1x64x128xf32, #tpu.memory_space<vmem>> -> memref<64x128xf32, #tpu.memory_space<vmem>>
      tpu.wait_dma2 semaphore(%arg13 : memref<!tpu.dma_semaphore, #tpu.memory_space<semaphore_mem>>) src(%dma_wait3A_487 : memref<64x128xf32, #tpu.memory_space<vmem>>) dst(%dma_wait3A_483 : memref<64x128xf32, #tpu.memory_space<hbm>>)
      %scan3A_488 = arith.constant 0 : i32
      %scan3A_489 = arith.constant 64 : i32
      %scan3A_490 = arith.addi %scan3A_488, %scan3A_489 : i32
      %scan3A_491 = arith.constant 4 : i32
      scf.for %scan3A_768 = %scan3A_488 to %scan3A_490 step %scan3A_491  : i32 {
        %mul3A_769 = arith.constant 1 : i32
        %mul3A_770 = arith.muli %scan3A_768, %mul3A_769 : i32
        %add3A_771 = arith.constant 0 : i32
        %add3A_772 = arith.addi %add3A_771, %mul3A_770 : i32
        %broadcast_in_dim3A = vector.broadcast %add3A_772 : i32 to vector<16xi32>
        %add3A_773 = arith.addi %broadcast_in_dim3A, %iota3A : vector<16xi32>
        %and3A_774 = arith.constant 63 : i32
        %and3A_775 = vector.broadcast %and3A_774 : i32 to vector<16xi32>
        %and3A_776 = arith.andi %add3A_773, %and3A_775 : vector<16xi32>
        %add3A_777 = arith.constant 0 : i32
        %add3A_778 = vector.broadcast %add3A_777 : i32 to vector<16xi32>
        %add3A_779 = arith.addi %iota3A, %add3A_778 : vector<16xi32>
        %gather3A = arith.constant 1 : i32
        %gather3A_780 = arith.constant 0 : i32
        %gather3A_781 = arith.constant 0 : i32
        %gather3A_782 = tpu.memref_slice %arg6[%gather3A, %gather3A_780, %gather3A_781] : memref<4x128x128xf32, #tpu.memory_space<vmem>> -> memref<1x128x128xf32, #tpu.memory_space<vmem>>
        %gather3A_783 = tpu.memref_squeeze %gather3A_782 : memref<1x128x128xf32, #tpu.memory_space<vmem>> -> memref<128x128xf32, #tpu.memory_space<vmem>>
        %gather3A_784 = tpu.vector_load_idx %gather3A_783[%add3A_779, %and3A_776] : memref<128x128xf32, #tpu.memory_space<vmem>>[vector<16xi32>, vector<16xi32>], vector<16xf32>,
        %scatter3A = arith.constant 1 : i32
        %scatter3A_785 = arith.constant 0 : i32
        %scatter3A_786 = arith.constant 0 : i32
        %scatter3A_787 = tpu.memref_slice %arg7[%scatter3A, %scatter3A_785, %scatter3A_786] : memref<4x64x128xf32, #tpu.memory_space<vmem>> -> memref<1x64x128xf32, #tpu.memory_space<vmem>>
        %scatter3A_788 = tpu.memref_squeeze %scatter3A_787 : memref<1x64x128xf32, #tpu.memory_space<vmem>> -> memref<64x128xf32, #tpu.memory_space<vmem>>
        tpu.vector_store_idx %scatter3A_788[%and3A_776, %add3A_779], %gather3A_784 : memref<64x128xf32, #tpu.memory_space<vmem>>[vector<16xi32>, vector<16xi32>], vector<16xf32>,
        %add3A_789 = arith.constant 16 : i32
        %add3A_790 = vector.broadcast %add3A_789 : i32 to vector<16xi32>
        %add3A_791 = arith.addi %iota3A, %add3A_790 : vector<16xi32>
        %gather3A_792 = arith.constant 1 : i32
        %gather3A_793 = arith.constant 0 : i32
        %gather3A_794 = arith.constant 0 : i32
        %gather3A_795 = tpu.memref_slice %arg6[%gather3A_792, %gather3A_793, %gather3A_794] : memref<4x128x128xf32, #tpu.memory_space<vmem>> -> memref<1x128x128xf32, #tpu.memory_space<vmem>>
        %gather3A_796 = tpu.memref_squeeze %gather3A_795 : memref<1x128x128xf32, #tpu.memory_space<vmem>> -> memref<128x128xf32, #tpu.memory_space<vmem>>
        %gather3A_797 = tpu.vector_load_idx %gather3A_796[%add3A_791, %and3A_776] : memref<128x128xf32, #tpu.memory_space<vmem>>[vector<16xi32>, vector<16xi32>], vector<16xf32>,
        %scatter3A_798 = arith.constant 1 : i32
        %scatter3A_799 = arith.constant 0 : i32
        %scatter3A_800 = arith.constant 0 : i32
        %scatter3A_801 = tpu.memref_slice %arg7[%scatter3A_798, %scatter3A_799, %scatter3A_800] : memref<4x64x128xf32, #tpu.memory_space<vmem>> -> memref<1x64x128xf32, #tpu.memory_space<vmem>>
        %scatter3A_802 = tpu.memref_squeeze %scatter3A_801 : memref<1x64x128xf32, #tpu.memory_space<vmem>> -> memref<64x128xf32, #tpu.memory_space<vmem>>
        tpu.vector_store_idx %scatter3A_802[%and3A_776, %add3A_791], %gather3A_797 : memref<64x128xf32, #tpu.memory_space<vmem>>[vector<16xi32>, vector<16xi32>], vector<16xf32>,
        %add3A_803 = arith.constant 32 : i32
        %add3A_804 = vector.broadcast %add3A_803 : i32 to vector<16xi32>
        %add3A_805 = arith.addi %iota3A, %add3A_804 : vector<16xi32>
        %gather3A_806 = arith.constant 1 : i32
        %gather3A_807 = arith.constant 0 : i32
        %gather3A_808 = arith.constant 0 : i32
        %gather3A_809 = tpu.memref_slice %arg6[%gather3A_806, %gather3A_807, %gather3A_808] : memref<4x128x128xf32, #tpu.memory_space<vmem>> -> memref<1x128x128xf32, #tpu.memory_space<vmem>>
        %gather3A_810 = tpu.memref_squeeze %gather3A_809 : memref<1x128x128xf32, #tpu.memory_space<vmem>> -> memref<128x128xf32, #tpu.memory_space<vmem>>
        %gather3A_811 = tpu.vector_load_idx %gather3A_810[%add3A_805, %and3A_776] : memref<128x128xf32, #tpu.memory_space<vmem>>[vector<16xi32>, vector<16xi32>], vector<16xf32>,
        %scatter3A_812 = arith.constant 1 : i32
        %scatter3A_813 = arith.constant 0 : i32
        %scatter3A_814 = arith.constant 0 : i32
        %scatter3A_815 = tpu.memref_slice %arg7[%scatter3A_812, %scatter3A_813, %scatter3A_814] : memref<4x64x128xf32, #tpu.memory_space<vmem>> -> memref<1x64x128xf32, #tpu.memory_space<vmem>>
        %scatter3A_816 = tpu.memref_squeeze %scatter3A_815 : memref<1x64x128xf32, #tpu.memory_space<vmem>> -> memref<64x128xf32, #tpu.memory_space<vmem>>
        tpu.vector_store_idx %scatter3A_816[%and3A_776, %add3A_805], %gather3A_811 : memref<64x128xf32, #tpu.memory_space<vmem>>[vector<16xi32>, vector<16xi32>], vector<16xf32>,
        %add3A_817 = arith.constant 48 : i32
        %add3A_818 = vector.broadcast %add3A_817 : i32 to vector<16xi32>
        %add3A_819 = arith.addi %iota3A, %add3A_818 : vector<16xi32>
        %gather3A_820 = arith.constant 1 : i32
        %gather3A_821 = arith.constant 0 : i32
        %gather3A_822 = arith.constant 0 : i32
        %gather3A_823 = tpu.memref_slice %arg6[%gather3A_820, %gather3A_821, %gather3A_822] : memref<4x128x128xf32, #tpu.memory_space<vmem>> -> memref<1x128x128xf32, #tpu.memory_space<vmem>>
        %gather3A_824 = tpu.memref_squeeze %gather3A_823 : memref<1x128x128xf32, #tpu.memory_space<vmem>> -> memref<128x128xf32, #tpu.memory_space<vmem>>
        %gather3A_825 = tpu.vector_load_idx %gather3A_824[%add3A_819, %and3A_776] : memref<128x128xf32, #tpu.memory_space<vmem>>[vector<16xi32>, vector<16xi32>], vector<16xf32>,
        %scatter3A_826 = arith.constant 1 : i32
        %scatter3A_827 = arith.constant 0 : i32
        %scatter3A_828 = arith.constant 0 : i32
        %scatter3A_829 = tpu.memref_slice %arg7[%scatter3A_826, %scatter3A_827, %scatter3A_828] : memref<4x64x128xf32, #tpu.memory_space<vmem>> -> memref<1x64x128xf32, #tpu.memory_space<vmem>>
        %scatter3A_830 = tpu.memref_squeeze %scatter3A_829 : memref<1x64x128xf32, #tpu.memory_space<vmem>> -> memref<64x128xf32, #tpu.memory_space<vmem>>
        tpu.vector_store_idx %scatter3A_830[%and3A_776, %add3A_819], %gather3A_825 : memref<64x128xf32, #tpu.memory_space<vmem>>[vector<16xi32>, vector<16xi32>], vector<16xf32>,
        %add3A_831 = arith.constant 64 : i32
        %add3A_832 = vector.broadcast %add3A_831 : i32 to vector<16xi32>
        %add3A_833 = arith.addi %iota3A, %add3A_832 : vector<16xi32>
        %gather3A_834 = arith.constant 1 : i32
        %gather3A_835 = arith.constant 0 : i32
        %gather3A_836 = arith.constant 0 : i32
        %gather3A_837 = tpu.memref_slice %arg6[%gather3A_834, %gather3A_835, %gather3A_836] : memref<4x128x128xf32, #tpu.memory_space<vmem>> -> memref<1x128x128xf32, #tpu.memory_space<vmem>>
        %gather3A_838 = tpu.memref_squeeze %gather3A_837 : memref<1x128x128xf32, #tpu.memory_space<vmem>> -> memref<128x128xf32, #tpu.memory_space<vmem>>
        %gather3A_839 = tpu.vector_load_idx %gather3A_838[%add3A_833, %and3A_776] : memref<128x128xf32, #tpu.memory_space<vmem>>[vector<16xi32>, vector<16xi32>], vector<16xf32>,
        %scatter3A_840 = arith.constant 1 : i32
        %scatter3A_841 = arith.constant 0 : i32
        %scatter3A_842 = arith.constant 0 : i32
        %scatter3A_843 = tpu.memref_slice %arg7[%scatter3A_840, %scatter3A_841, %scatter3A_842] : memref<4x64x128xf32, #tpu.memory_space<vmem>> -> memref<1x64x128xf32, #tpu.memory_space<vmem>>
        %scatter3A_844 = tpu.memref_squeeze %scatter3A_843 : memref<1x64x128xf32, #tpu.memory_space<vmem>> -> memref<64x128xf32, #tpu.memory_space<vmem>>
        tpu.vector_store_idx %scatter3A_844[%and3A_776, %add3A_833], %gather3A_839 : memref<64x128xf32, #tpu.memory_space<vmem>>[vector<16xi32>, vector<16xi32>], vector<16xf32>,
        %add3A_845 = arith.constant 80 : i32
        %add3A_846 = vector.broadcast %add3A_845 : i32 to vector<16xi32>
        %add3A_847 = arith.addi %iota3A, %add3A_846 : vector<16xi32>
        %gather3A_848 = arith.constant 1 : i32
        %gather3A_849 = arith.constant 0 : i32
        %gather3A_850 = arith.constant 0 : i32
        %gather3A_851 = tpu.memref_slice %arg6[%gather3A_848, %gather3A_849, %gather3A_850] : memref<4x128x128xf32, #tpu.memory_space<vmem>> -> memref<1x128x128xf32, #tpu.memory_space<vmem>>
        %gather3A_852 = tpu.memref_squeeze %gather3A_851 : memref<1x128x128xf32, #tpu.memory_space<vmem>> -> memref<128x128xf32, #tpu.memory_space<vmem>>
        %gather3A_853 = tpu.vector_load_idx %gather3A_852[%add3A_847, %and3A_776] : memref<128x128xf32, #tpu.memory_space<vmem>>[vector<16xi32>, vector<16xi32>], vector<16xf32>,
        %scatter3A_854 = arith.constant 1 : i32
        %scatter3A_855 = arith.constant 0 : i32
        %scatter3A_856 = arith.constant 0 : i32
        %scatter3A_857 = tpu.memref_slice %arg7[%scatter3A_854, %scatter3A_855, %scatter3A_856] : memref<4x64x128xf32, #tpu.memory_space<vmem>> -> memref<1x64x128xf32, #tpu.memory_space<vmem>>
        %scatter3A_858 = tpu.memref_squeeze %scatter3A_857 : memref<1x64x128xf32, #tpu.memory_space<vmem>> -> memref<64x128xf32, #tpu.memory_space<vmem>>
        tpu.vector_store_idx %scatter3A_858[%and3A_776, %add3A_847], %gather3A_853 : memref<64x128xf32, #tpu.memory_space<vmem>>[vector<16xi32>, vector<16xi32>], vector<16xf32>,
        %add3A_859 = arith.constant 96 : i32
        %add3A_860 = vector.broadcast %add3A_859 : i32 to vector<16xi32>
        %add3A_861 = arith.addi %iota3A, %add3A_860 : vector<16xi32>
        %gather3A_862 = arith.constant 1 : i32
        %gather3A_863 = arith.constant 0 : i32
        %gather3A_864 = arith.constant 0 : i32
        %gather3A_865 = tpu.memref_slice %arg6[%gather3A_862, %gather3A_863, %gather3A_864] : memref<4x128x128xf32, #tpu.memory_space<vmem>> -> memref<1x128x128xf32, #tpu.memory_space<vmem>>
        %gather3A_866 = tpu.memref_squeeze %gather3A_865 : memref<1x128x128xf32, #tpu.memory_space<vmem>> -> memref<128x128xf32, #tpu.memory_space<vmem>>
        %gather3A_867 = tpu.vector_load_idx %gather3A_866[%add3A_861, %and3A_776] : memref<128x128xf32, #tpu.memory_space<vmem>>[vector<16xi32>, vector<16xi32>], vector<16xf32>,
        %scatter3A_868 = arith.constant 1 : i32
        %scatter3A_869 = arith.constant 0 : i32
        %scatter3A_870 = arith.constant 0 : i32
        %scatter3A_871 = tpu.memref_slice %arg7[%scatter3A_868, %scatter3A_869, %scatter3A_870] : memref<4x64x128xf32, #tpu.memory_space<vmem>> -> memref<1x64x128xf32, #tpu.memory_space<vmem>>
        %scatter3A_872 = tpu.memref_squeeze %scatter3A_871 : memref<1x64x128xf32, #tpu.memory_space<vmem>> -> memref<64x128xf32, #tpu.memory_space<vmem>>
        tpu.vector_store_idx %scatter3A_872[%and3A_776, %add3A_861], %gather3A_867 : memref<64x128xf32, #tpu.memory_space<vmem>>[vector<16xi32>, vector<16xi32>], vector<16xf32>,
        %add3A_873 = arith.constant 112 : i32
        %add3A_874 = vector.broadcast %add3A_873 : i32 to vector<16xi32>
        %add3A_875 = arith.addi %iota3A, %add3A_874 : vector<16xi32>
        %gather3A_876 = arith.constant 1 : i32
        %gather3A_877 = arith.constant 0 : i32
        %gather3A_878 = arith.constant 0 : i32
        %gather3A_879 = tpu.memref_slice %arg6[%gather3A_876, %gather3A_877, %gather3A_878] : memref<4x128x128xf32, #tpu.memory_space<vmem>> -> memref<1x128x128xf32, #tpu.memory_space<vmem>>
        %gather3A_880 = tpu.memref_squeeze %gather3A_879 : memref<1x128x128xf32, #tpu.memory_space<vmem>> -> memref<128x128xf32, #tpu.memory_space<vmem>>
        %gather3A_881 = tpu.vector_load_idx %gather3A_880[%add3A_875, %and3A_776] : memref<128x128xf32, #tpu.memory_space<vmem>>[vector<16xi32>, vector<16xi32>], vector<16xf32>,
        %scatter3A_882 = arith.constant 1 : i32
        %scatter3A_883 = arith.constant 0 : i32
        %scatter3A_884 = arith.constant 0 : i32
        %scatter3A_885 = tpu.memref_slice %arg7[%scatter3A_882, %scatter3A_883, %scatter3A_884] : memref<4x64x128xf32, #tpu.memory_space<vmem>> -> memref<1x64x128xf32, #tpu.memory_space<vmem>>
        %scatter3A_886 = tpu.memref_squeeze %scatter3A_885 : memref<1x64x128xf32, #tpu.memory_space<vmem>> -> memref<64x128xf32, #tpu.memory_space<vmem>>
        tpu.vector_store_idx %scatter3A_886[%and3A_776, %add3A_875], %gather3A_881 : memref<64x128xf32, #tpu.memory_space<vmem>>[vector<16xi32>, vector<16xi32>], vector<16xf32>,
        %scan3A_887 = arith.constant 1 : i32
        %scan3A_888 = arith.addi %scan3A_768, %scan3A_887 : i32
        %mul3A_889 = arith.constant 1 : i32
        %mul3A_890 = arith.muli %scan3A_888, %mul3A_889 : i32
        %add3A_891 = arith.constant 0 : i32
        %add3A_892 = arith.addi %add3A_891, %mul3A_890 : i32
        %broadcast_in_dim3A_893 = vector.broadcast %add3A_892 : i32 to vector<16xi32>
        %add3A_894 = arith.addi %broadcast_in_dim3A_893, %iota3A : vector<16xi32>
        %and3A_895 = arith.constant 63 : i32
        %and3A_896 = vector.broadcast %and3A_895 : i32 to vector<16xi32>
        %and3A_897 = arith.andi %add3A_894, %and3A_896 : vector<16xi32>
        %add3A_898 = arith.constant 0 : i32
        %add3A_899 = vector.broadcast %add3A_898 : i32 to vector<16xi32>
        %add3A_900 = arith.addi %iota3A, %add3A_899 : vector<16xi32>
        %gather3A_901 = arith.constant 1 : i32
        %gather3A_902 = arith.constant 0 : i32
        %gather3A_903 = arith.constant 0 : i32
        %gather3A_904 = tpu.memref_slice %arg6[%gather3A_901, %gather3A_902, %gather3A_903] : memref<4x128x128xf32, #tpu.memory_space<vmem>> -> memref<1x128x128xf32, #tpu.memory_space<vmem>>
        %gather3A_905 = tpu.memref_squeeze %gather3A_904 : memref<1x128x128xf32, #tpu.memory_space<vmem>> -> memref<128x128xf32, #tpu.memory_space<vmem>>
        %gather3A_906 = tpu.vector_load_idx %gather3A_905[%add3A_900, %and3A_897] : memref<128x128xf32, #tpu.memory_space<vmem>>[vector<16xi32>, vector<16xi32>], vector<16xf32>,
        %scatter3A_907 = arith.constant 1 : i32
        %scatter3A_908 = arith.constant 0 : i32
        %scatter3A_909 = arith.constant 0 : i32
        %scatter3A_910 = tpu.memref_slice %arg7[%scatter3A_907, %scatter3A_908, %scatter3A_909] : memref<4x64x128xf32, #tpu.memory_space<vmem>> -> memref<1x64x128xf32, #tpu.memory_space<vmem>>
        %scatter3A_911 = tpu.memref_squeeze %scatter3A_910 : memref<1x64x128xf32, #tpu.memory_space<vmem>> -> memref<64x128xf32, #tpu.memory_space<vmem>>
        tpu.vector_store_idx %scatter3A_911[%and3A_897, %add3A_900], %gather3A_906 : memref<64x128xf32, #tpu.memory_space<vmem>>[vector<16xi32>, vector<16xi32>], vector<16xf32>,
        %add3A_912 = arith.constant 16 : i32
        %add3A_913 = vector.broadcast %add3A_912 : i32 to vector<16xi32>
        %add3A_914 = arith.addi %iota3A, %add3A_913 : vector<16xi32>
        %gather3A_915 = arith.constant 1 : i32
        %gather3A_916 = arith.constant 0 : i32
        %gather3A_917 = arith.constant 0 : i32
        %gather3A_918 = tpu.memref_slice %arg6[%gather3A_915, %gather3A_916, %gather3A_917] : memref<4x128x128xf32, #tpu.memory_space<vmem>> -> memref<1x128x128xf32, #tpu.memory_space<vmem>>
        %gather3A_919 = tpu.memref_squeeze %gather3A_918 : memref<1x128x128xf32, #tpu.memory_space<vmem>> -> memref<128x128xf32, #tpu.memory_space<vmem>>
        %gather3A_920 = tpu.vector_load_idx %gather3A_919[%add3A_914, %and3A_897] : memref<128x128xf32, #tpu.memory_space<vmem>>[vector<16xi32>, vector<16xi32>], vector<16xf32>,
        %scatter3A_921 = arith.constant 1 : i32
        %scatter3A_922 = arith.constant 0 : i32
        %scatter3A_923 = arith.constant 0 : i32
        %scatter3A_924 = tpu.memref_slice %arg7[%scatter3A_921, %scatter3A_922, %scatter3A_923] : memref<4x64x128xf32, #tpu.memory_space<vmem>> -> memref<1x64x128xf32, #tpu.memory_space<vmem>>
        %scatter3A_925 = tpu.memref_squeeze %scatter3A_924 : memref<1x64x128xf32, #tpu.memory_space<vmem>> -> memref<64x128xf32, #tpu.memory_space<vmem>>
        tpu.vector_store_idx %scatter3A_925[%and3A_897, %add3A_914], %gather3A_920 : memref<64x128xf32, #tpu.memory_space<vmem>>[vector<16xi32>, vector<16xi32>], vector<16xf32>,
        %add3A_926 = arith.constant 32 : i32
        %add3A_927 = vector.broadcast %add3A_926 : i32 to vector<16xi32>
        %add3A_928 = arith.addi %iota3A, %add3A_927 : vector<16xi32>
        %gather3A_929 = arith.constant 1 : i32
        %gather3A_930 = arith.constant 0 : i32
        %gather3A_931 = arith.constant 0 : i32
        %gather3A_932 = tpu.memref_slice %arg6[%gather3A_929, %gather3A_930, %gather3A_931] : memref<4x128x128xf32, #tpu.memory_space<vmem>> -> memref<1x128x128xf32, #tpu.memory_space<vmem>>
        %gather3A_933 = tpu.memref_squeeze %gather3A_932 : memref<1x128x128xf32, #tpu.memory_space<vmem>> -> memref<128x128xf32, #tpu.memory_space<vmem>>
        %gather3A_934 = tpu.vector_load_idx %gather3A_933[%add3A_928, %and3A_897] : memref<128x128xf32, #tpu.memory_space<vmem>>[vector<16xi32>, vector<16xi32>], vector<16xf32>,
        %scatter3A_935 = arith.constant 1 : i32
        %scatter3A_936 = arith.constant 0 : i32
        %scatter3A_937 = arith.constant 0 : i32
        %scatter3A_938 = tpu.memref_slice %arg7[%scatter3A_935, %scatter3A_936, %scatter3A_937] : memref<4x64x128xf32, #tpu.memory_space<vmem>> -> memref<1x64x128xf32, #tpu.memory_space<vmem>>
        %scatter3A_939 = tpu.memref_squeeze %scatter3A_938 : memref<1x64x128xf32, #tpu.memory_space<vmem>> -> memref<64x128xf32, #tpu.memory_space<vmem>>
        tpu.vector_store_idx %scatter3A_939[%and3A_897, %add3A_928], %gather3A_934 : memref<64x128xf32, #tpu.memory_space<vmem>>[vector<16xi32>, vector<16xi32>], vector<16xf32>,
        %add3A_940 = arith.constant 48 : i32
        %add3A_941 = vector.broadcast %add3A_940 : i32 to vector<16xi32>
        %add3A_942 = arith.addi %iota3A, %add3A_941 : vector<16xi32>
        %gather3A_943 = arith.constant 1 : i32
        %gather3A_944 = arith.constant 0 : i32
        %gather3A_945 = arith.constant 0 : i32
        %gather3A_946 = tpu.memref_slice %arg6[%gather3A_943, %gather3A_944, %gather3A_945] : memref<4x128x128xf32, #tpu.memory_space<vmem>> -> memref<1x128x128xf32, #tpu.memory_space<vmem>>
        %gather3A_947 = tpu.memref_squeeze %gather3A_946 : memref<1x128x128xf32, #tpu.memory_space<vmem>> -> memref<128x128xf32, #tpu.memory_space<vmem>>
        %gather3A_948 = tpu.vector_load_idx %gather3A_947[%add3A_942, %and3A_897] : memref<128x128xf32, #tpu.memory_space<vmem>>[vector<16xi32>, vector<16xi32>], vector<16xf32>,
        %scatter3A_949 = arith.constant 1 : i32
        %scatter3A_950 = arith.constant 0 : i32
        %scatter3A_951 = arith.constant 0 : i32
        %scatter3A_952 = tpu.memref_slice %arg7[%scatter3A_949, %scatter3A_950, %scatter3A_951] : memref<4x64x128xf32, #tpu.memory_space<vmem>> -> memref<1x64x128xf32, #tpu.memory_space<vmem>>
        %scatter3A_953 = tpu.memref_squeeze %scatter3A_952 : memref<1x64x128xf32, #tpu.memory_space<vmem>> -> memref<64x128xf32, #tpu.memory_space<vmem>>
        tpu.vector_store_idx %scatter3A_953[%and3A_897, %add3A_942], %gather3A_948 : memref<64x128xf32, #tpu.memory_space<vmem>>[vector<16xi32>, vector<16xi32>], vector<16xf32>,
        %add3A_954 = arith.constant 64 : i32
        %add3A_955 = vector.broadcast %add3A_954 : i32 to vector<16xi32>
        %add3A_956 = arith.addi %iota3A, %add3A_955 : vector<16xi32>
        %gather3A_957 = arith.constant 1 : i32
        %gather3A_958 = arith.constant 0 : i32
        %gather3A_959 = arith.constant 0 : i32
        %gather3A_960 = tpu.memref_slice %arg6[%gather3A_957, %gather3A_958, %gather3A_959] : memref<4x128x128xf32, #tpu.memory_space<vmem>> -> memref<1x128x128xf32, #tpu.memory_space<vmem>>
        %gather3A_961 = tpu.memref_squeeze %gather3A_960 : memref<1x128x128xf32, #tpu.memory_space<vmem>> -> memref<128x128xf32, #tpu.memory_space<vmem>>
        %gather3A_962 = tpu.vector_load_idx %gather3A_961[%add3A_956, %and3A_897] : memref<128x128xf32, #tpu.memory_space<vmem>>[vector<16xi32>, vector<16xi32>], vector<16xf32>,
        %scatter3A_963 = arith.constant 1 : i32
        %scatter3A_964 = arith.constant 0 : i32
        %scatter3A_965 = arith.constant 0 : i32
        %scatter3A_966 = tpu.memref_slice %arg7[%scatter3A_963, %scatter3A_964, %scatter3A_965] : memref<4x64x128xf32, #tpu.memory_space<vmem>> -> memref<1x64x128xf32, #tpu.memory_space<vmem>>
        %scatter3A_967 = tpu.memref_squeeze %scatter3A_966 : memref<1x64x128xf32, #tpu.memory_space<vmem>> -> memref<64x128xf32, #tpu.memory_space<vmem>>
        tpu.vector_store_idx %scatter3A_967[%and3A_897, %add3A_956], %gather3A_962 : memref<64x128xf32, #tpu.memory_space<vmem>>[vector<16xi32>, vector<16xi32>], vector<16xf32>,
        %add3A_968 = arith.constant 80 : i32
        %add3A_969 = vector.broadcast %add3A_968 : i32 to vector<16xi32>
        %add3A_970 = arith.addi %iota3A, %add3A_969 : vector<16xi32>
        %gather3A_971 = arith.constant 1 : i32
        %gather3A_972 = arith.constant 0 : i32
        %gather3A_973 = arith.constant 0 : i32
        %gather3A_974 = tpu.memref_slice %arg6[%gather3A_971, %gather3A_972, %gather3A_973] : memref<4x128x128xf32, #tpu.memory_space<vmem>> -> memref<1x128x128xf32, #tpu.memory_space<vmem>>
        %gather3A_975 = tpu.memref_squeeze %gather3A_974 : memref<1x128x128xf32, #tpu.memory_space<vmem>> -> memref<128x128xf32, #tpu.memory_space<vmem>>
        %gather3A_976 = tpu.vector_load_idx %gather3A_975[%add3A_970, %and3A_897] : memref<128x128xf32, #tpu.memory_space<vmem>>[vector<16xi32>, vector<16xi32>], vector<16xf32>,
        %scatter3A_977 = arith.constant 1 : i32
        %scatter3A_978 = arith.constant 0 : i32
        %scatter3A_979 = arith.constant 0 : i32
        %scatter3A_980 = tpu.memref_slice %arg7[%scatter3A_977, %scatter3A_978, %scatter3A_979] : memref<4x64x128xf32, #tpu.memory_space<vmem>> -> memref<1x64x128xf32, #tpu.memory_space<vmem>>
        %scatter3A_981 = tpu.memref_squeeze %scatter3A_980 : memref<1x64x128xf32, #tpu.memory_space<vmem>> -> memref<64x128xf32, #tpu.memory_space<vmem>>
        tpu.vector_store_idx %scatter3A_981[%and3A_897, %add3A_970], %gather3A_976 : memref<64x128xf32, #tpu.memory_space<vmem>>[vector<16xi32>, vector<16xi32>], vector<16xf32>,
        %add3A_982 = arith.constant 96 : i32
        %add3A_983 = vector.broadcast %add3A_982 : i32 to vector<16xi32>
        %add3A_984 = arith.addi %iota3A, %add3A_983 : vector<16xi32>
        %gather3A_985 = arith.constant 1 : i32
        %gather3A_986 = arith.constant 0 : i32
        %gather3A_987 = arith.constant 0 : i32
        %gather3A_988 = tpu.memref_slice %arg6[%gather3A_985, %gather3A_986, %gather3A_987] : memref<4x128x128xf32, #tpu.memory_space<vmem>> -> memref<1x128x128xf32, #tpu.memory_space<vmem>>
        %gather3A_989 = tpu.memref_squeeze %gather3A_988 : memref<1x128x128xf32, #tpu.memory_space<vmem>> -> memref<128x128xf32, #tpu.memory_space<vmem>>
        %gather3A_990 = tpu.vector_load_idx %gather3A_989[%add3A_984, %and3A_897] : memref<128x128xf32, #tpu.memory_space<vmem>>[vector<16xi32>, vector<16xi32>], vector<16xf32>,
        %scatter3A_991 = arith.constant 1 : i32
        %scatter3A_992 = arith.constant 0 : i32
        %scatter3A_993 = arith.constant 0 : i32
        %scatter3A_994 = tpu.memref_slice %arg7[%scatter3A_991, %scatter3A_992, %scatter3A_993] : memref<4x64x128xf32, #tpu.memory_space<vmem>> -> memref<1x64x128xf32, #tpu.memory_space<vmem>>
        %scatter3A_995 = tpu.memref_squeeze %scatter3A_994 : memref<1x64x128xf32, #tpu.memory_space<vmem>> -> memref<64x128xf32, #tpu.memory_space<vmem>>
        tpu.vector_store_idx %scatter3A_995[%and3A_897, %add3A_984], %gather3A_990 : memref<64x128xf32, #tpu.memory_space<vmem>>[vector<16xi32>, vector<16xi32>], vector<16xf32>,
        %add3A_996 = arith.constant 112 : i32
        %add3A_997 = vector.broadcast %add3A_996 : i32 to vector<16xi32>
        %add3A_998 = arith.addi %iota3A, %add3A_997 : vector<16xi32>
        %gather3A_999 = arith.constant 1 : i32
        %gather3A_1000 = arith.constant 0 : i32
        %gather3A_1001 = arith.constant 0 : i32
        %gather3A_1002 = tpu.memref_slice %arg6[%gather3A_999, %gather3A_1000, %gather3A_1001] : memref<4x128x128xf32, #tpu.memory_space<vmem>> -> memref<1x128x128xf32, #tpu.memory_space<vmem>>
        %gather3A_1003 = tpu.memref_squeeze %gather3A_1002 : memref<1x128x128xf32, #tpu.memory_space<vmem>> -> memref<128x128xf32, #tpu.memory_space<vmem>>
        %gather3A_1004 = tpu.vector_load_idx %gather3A_1003[%add3A_998, %and3A_897] : memref<128x128xf32, #tpu.memory_space<vmem>>[vector<16xi32>, vector<16xi32>], vector<16xf32>,
        %scatter3A_1005 = arith.constant 1 : i32
        %scatter3A_1006 = arith.constant 0 : i32
        %scatter3A_1007 = arith.constant 0 : i32
        %scatter3A_1008 = tpu.memref_slice %arg7[%scatter3A_1005, %scatter3A_1006, %scatter3A_1007] : memref<4x64x128xf32, #tpu.memory_space<vmem>> -> memref<1x64x128xf32, #tpu.memory_space<vmem>>
        %scatter3A_1009 = tpu.memref_squeeze %scatter3A_1008 : memref<1x64x128xf32, #tpu.memory_space<vmem>> -> memref<64x128xf32, #tpu.memory_space<vmem>>
        tpu.vector_store_idx %scatter3A_1009[%and3A_897, %add3A_998], %gather3A_1004 : memref<64x128xf32, #tpu.memory_space<vmem>>[vector<16xi32>, vector<16xi32>], vector<16xf32>,
        %scan3A_1010 = arith.constant 2 : i32
        %scan3A_1011 = arith.addi %scan3A_768, %scan3A_1010 : i32
        %mul3A_1012 = arith.constant 1 : i32
        %mul3A_1013 = arith.muli %scan3A_1011, %mul3A_1012 : i32
        %add3A_1014 = arith.constant 0 : i32
        %add3A_1015 = arith.addi %add3A_1014, %mul3A_1013 : i32
        %broadcast_in_dim3A_1016 = vector.broadcast %add3A_1015 : i32 to vector<16xi32>
        %add3A_1017 = arith.addi %broadcast_in_dim3A_1016, %iota3A : vector<16xi32>
        %and3A_1018 = arith.constant 63 : i32
        %and3A_1019 = vector.broadcast %and3A_1018 : i32 to vector<16xi32>
        %and3A_1020 = arith.andi %add3A_1017, %and3A_1019 : vector<16xi32>
        %add3A_1021 = arith.constant 0 : i32
        %add3A_1022 = vector.broadcast %add3A_1021 : i32 to vector<16xi32>
        %add3A_1023 = arith.addi %iota3A, %add3A_1022 : vector<16xi32>
        %gather3A_1024 = arith.constant 1 : i32
        %gather3A_1025 = arith.constant 0 : i32
        %gather3A_1026 = arith.constant 0 : i32
        %gather3A_1027 = tpu.memref_slice %arg6[%gather3A_1024, %gather3A_1025, %gather3A_1026] : memref<4x128x128xf32, #tpu.memory_space<vmem>> -> memref<1x128x128xf32, #tpu.memory_space<vmem>>
        %gather3A_1028 = tpu.memref_squeeze %gather3A_1027 : memref<1x128x128xf32, #tpu.memory_space<vmem>> -> memref<128x128xf32, #tpu.memory_space<vmem>>
        %gather3A_1029 = tpu.vector_load_idx %gather3A_1028[%add3A_1023, %and3A_1020] : memref<128x128xf32, #tpu.memory_space<vmem>>[vector<16xi32>, vector<16xi32>], vector<16xf32>,
        %scatter3A_1030 = arith.constant 1 : i32
        %scatter3A_1031 = arith.constant 0 : i32
        %scatter3A_1032 = arith.constant 0 : i32
        %scatter3A_1033 = tpu.memref_slice %arg7[%scatter3A_1030, %scatter3A_1031, %scatter3A_1032] : memref<4x64x128xf32, #tpu.memory_space<vmem>> -> memref<1x64x128xf32, #tpu.memory_space<vmem>>
        %scatter3A_1034 = tpu.memref_squeeze %scatter3A_1033 : memref<1x64x128xf32, #tpu.memory_space<vmem>> -> memref<64x128xf32, #tpu.memory_space<vmem>>
        tpu.vector_store_idx %scatter3A_1034[%and3A_1020, %add3A_1023], %gather3A_1029 : memref<64x128xf32, #tpu.memory_space<vmem>>[vector<16xi32>, vector<16xi32>], vector<16xf32>,
        %add3A_1035 = arith.constant 16 : i32
        %add3A_1036 = vector.broadcast %add3A_1035 : i32 to vector<16xi32>
        %add3A_1037 = arith.addi %iota3A, %add3A_1036 : vector<16xi32>
        %gather3A_1038 = arith.constant 1 : i32
        %gather3A_1039 = arith.constant 0 : i32
        %gather3A_1040 = arith.constant 0 : i32
        %gather3A_1041 = tpu.memref_slice %arg6[%gather3A_1038, %gather3A_1039, %gather3A_1040] : memref<4x128x128xf32, #tpu.memory_space<vmem>> -> memref<1x128x128xf32, #tpu.memory_space<vmem>>
        %gather3A_1042 = tpu.memref_squeeze %gather3A_1041 : memref<1x128x128xf32, #tpu.memory_space<vmem>> -> memref<128x128xf32, #tpu.memory_space<vmem>>
        %gather3A_1043 = tpu.vector_load_idx %gather3A_1042[%add3A_1037, %and3A_1020] : memref<128x128xf32, #tpu.memory_space<vmem>>[vector<16xi32>, vector<16xi32>], vector<16xf32>,
        %scatter3A_1044 = arith.constant 1 : i32
        %scatter3A_1045 = arith.constant 0 : i32
        %scatter3A_1046 = arith.constant 0 : i32
        %scatter3A_1047 = tpu.memref_slice %arg7[%scatter3A_1044, %scatter3A_1045, %scatter3A_1046] : memref<4x64x128xf32, #tpu.memory_space<vmem>> -> memref<1x64x128xf32, #tpu.memory_space<vmem>>
        %scatter3A_1048 = tpu.memref_squeeze %scatter3A_1047 : memref<1x64x128xf32, #tpu.memory_space<vmem>> -> memref<64x128xf32, #tpu.memory_space<vmem>>
        tpu.vector_store_idx %scatter3A_1048[%and3A_1020, %add3A_1037], %gather3A_1043 : memref<64x128xf32, #tpu.memory_space<vmem>>[vector<16xi32>, vector<16xi32>], vector<16xf32>,
        %add3A_1049 = arith.constant 32 : i32
        %add3A_1050 = vector.broadcast %add3A_1049 : i32 to vector<16xi32>
        %add3A_1051 = arith.addi %iota3A, %add3A_1050 : vector<16xi32>
        %gather3A_1052 = arith.constant 1 : i32
        %gather3A_1053 = arith.constant 0 : i32
        %gather3A_1054 = arith.constant 0 : i32
        %gather3A_1055 = tpu.memref_slice %arg6[%gather3A_1052, %gather3A_1053, %gather3A_1054] : memref<4x128x128xf32, #tpu.memory_space<vmem>> -> memref<1x128x128xf32, #tpu.memory_space<vmem>>
        %gather3A_1056 = tpu.memref_squeeze %gather3A_1055 : memref<1x128x128xf32, #tpu.memory_space<vmem>> -> memref<128x128xf32, #tpu.memory_space<vmem>>
        %gather3A_1057 = tpu.vector_load_idx %gather3A_1056[%add3A_1051, %and3A_1020] : memref<128x128xf32, #tpu.memory_space<vmem>>[vector<16xi32>, vector<16xi32>], vector<16xf32>,
        %scatter3A_1058 = arith.constant 1 : i32
        %scatter3A_1059 = arith.constant 0 : i32
        %scatter3A_1060 = arith.constant 0 : i32
        %scatter3A_1061 = tpu.memref_slice %arg7[%scatter3A_1058, %scatter3A_1059, %scatter3A_1060] : memref<4x64x128xf32, #tpu.memory_space<vmem>> -> memref<1x64x128xf32, #tpu.memory_space<vmem>>
        %scatter3A_1062 = tpu.memref_squeeze %scatter3A_1061 : memref<1x64x128xf32, #tpu.memory_space<vmem>> -> memref<64x128xf32, #tpu.memory_space<vmem>>
        tpu.vector_store_idx %scatter3A_1062[%and3A_1020, %add3A_1051], %gather3A_1057 : memref<64x128xf32, #tpu.memory_space<vmem>>[vector<16xi32>, vector<16xi32>], vector<16xf32>,
        %add3A_1063 = arith.constant 48 : i32
        %add3A_1064 = vector.broadcast %add3A_1063 : i32 to vector<16xi32>
        %add3A_1065 = arith.addi %iota3A, %add3A_1064 : vector<16xi32>
        %gather3A_1066 = arith.constant 1 : i32
        %gather3A_1067 = arith.constant 0 : i32
        %gather3A_1068 = arith.constant 0 : i32
        %gather3A_1069 = tpu.memref_slice %arg6[%gather3A_1066, %gather3A_1067, %gather3A_1068] : memref<4x128x128xf32, #tpu.memory_space<vmem>> -> memref<1x128x128xf32, #tpu.memory_space<vmem>>
        %gather3A_1070 = tpu.memref_squeeze %gather3A_1069 : memref<1x128x128xf32, #tpu.memory_space<vmem>> -> memref<128x128xf32, #tpu.memory_space<vmem>>
        %gather3A_1071 = tpu.vector_load_idx %gather3A_1070[%add3A_1065, %and3A_1020] : memref<128x128xf32, #tpu.memory_space<vmem>>[vector<16xi32>, vector<16xi32>], vector<16xf32>,
        %scatter3A_1072 = arith.constant 1 : i32
        %scatter3A_1073 = arith.constant 0 : i32
        %scatter3A_1074 = arith.constant 0 : i32
        %scatter3A_1075 = tpu.memref_slice %arg7[%scatter3A_1072, %scatter3A_1073, %scatter3A_1074] : memref<4x64x128xf32, #tpu.memory_space<vmem>> -> memref<1x64x128xf32, #tpu.memory_space<vmem>>
        %scatter3A_1076 = tpu.memref_squeeze %scatter3A_1075 : memref<1x64x128xf32, #tpu.memory_space<vmem>> -> memref<64x128xf32, #tpu.memory_space<vmem>>
        tpu.vector_store_idx %scatter3A_1076[%and3A_1020, %add3A_1065], %gather3A_1071 : memref<64x128xf32, #tpu.memory_space<vmem>>[vector<16xi32>, vector<16xi32>], vector<16xf32>,
        %add3A_1077 = arith.constant 64 : i32
        %add3A_1078 = vector.broadcast %add3A_1077 : i32 to vector<16xi32>
        %add3A_1079 = arith.addi %iota3A, %add3A_1078 : vector<16xi32>
        %gather3A_1080 = arith.constant 1 : i32
        %gather3A_1081 = arith.constant 0 : i32
        %gather3A_1082 = arith.constant 0 : i32
        %gather3A_1083 = tpu.memref_slice %arg6[%gather3A_1080, %gather3A_1081, %gather3A_1082] : memref<4x128x128xf32, #tpu.memory_space<vmem>> -> memref<1x128x128xf32, #tpu.memory_space<vmem>>
        %gather3A_1084 = tpu.memref_squeeze %gather3A_1083 : memref<1x128x128xf32, #tpu.memory_space<vmem>> -> memref<128x128xf32, #tpu.memory_space<vmem>>
        %gather3A_1085 = tpu.vector_load_idx %gather3A_1084[%add3A_1079, %and3A_1020] : memref<128x128xf32, #tpu.memory_space<vmem>>[vector<16xi32>, vector<16xi32>], vector<16xf32>,
        %scatter3A_1086 = arith.constant 1 : i32
        %scatter3A_1087 = arith.constant 0 : i32
        %scatter3A_1088 = arith.constant 0 : i32
        %scatter3A_1089 = tpu.memref_slice %arg7[%scatter3A_1086, %scatter3A_1087, %scatter3A_1088] : memref<4x64x128xf32, #tpu.memory_space<vmem>> -> memref<1x64x128xf32, #tpu.memory_space<vmem>>
        %scatter3A_1090 = tpu.memref_squeeze %scatter3A_1089 : memref<1x64x128xf32, #tpu.memory_space<vmem>> -> memref<64x128xf32, #tpu.memory_space<vmem>>
        tpu.vector_store_idx %scatter3A_1090[%and3A_1020, %add3A_1079], %gather3A_1085 : memref<64x128xf32, #tpu.memory_space<vmem>>[vector<16xi32>, vector<16xi32>], vector<16xf32>,
        %add3A_1091 = arith.constant 80 : i32
        %add3A_1092 = vector.broadcast %add3A_1091 : i32 to vector<16xi32>
        %add3A_1093 = arith.addi %iota3A, %add3A_1092 : vector<16xi32>
        %gather3A_1094 = arith.constant 1 : i32
        %gather3A_1095 = arith.constant 0 : i32
        %gather3A_1096 = arith.constant 0 : i32
        %gather3A_1097 = tpu.memref_slice %arg6[%gather3A_1094, %gather3A_1095, %gather3A_1096] : memref<4x128x128xf32, #tpu.memory_space<vmem>> -> memref<1x128x128xf32, #tpu.memory_space<vmem>>
        %gather3A_1098 = tpu.memref_squeeze %gather3A_1097 : memref<1x128x128xf32, #tpu.memory_space<vmem>> -> memref<128x128xf32, #tpu.memory_space<vmem>>
        %gather3A_1099 = tpu.vector_load_idx %gather3A_1098[%add3A_1093, %and3A_1020] : memref<128x128xf32, #tpu.memory_space<vmem>>[vector<16xi32>, vector<16xi32>], vector<16xf32>,
        %scatter3A_1100 = arith.constant 1 : i32
        %scatter3A_1101 = arith.constant 0 : i32
        %scatter3A_1102 = arith.constant 0 : i32
        %scatter3A_1103 = tpu.memref_slice %arg7[%scatter3A_1100, %scatter3A_1101, %scatter3A_1102] : memref<4x64x128xf32, #tpu.memory_space<vmem>> -> memref<1x64x128xf32, #tpu.memory_space<vmem>>
        %scatter3A_1104 = tpu.memref_squeeze %scatter3A_1103 : memref<1x64x128xf32, #tpu.memory_space<vmem>> -> memref<64x128xf32, #tpu.memory_space<vmem>>
        tpu.vector_store_idx %scatter3A_1104[%and3A_1020, %add3A_1093], %gather3A_1099 : memref<64x128xf32, #tpu.memory_space<vmem>>[vector<16xi32>, vector<16xi32>], vector<16xf32>,
        %add3A_1105 = arith.constant 96 : i32
        %add3A_1106 = vector.broadcast %add3A_1105 : i32 to vector<16xi32>
        %add3A_1107 = arith.addi %iota3A, %add3A_1106 : vector<16xi32>
        %gather3A_1108 = arith.constant 1 : i32
        %gather3A_1109 = arith.constant 0 : i32
        %gather3A_1110 = arith.constant 0 : i32
        %gather3A_1111 = tpu.memref_slice %arg6[%gather3A_1108, %gather3A_1109, %gather3A_1110] : memref<4x128x128xf32, #tpu.memory_space<vmem>> -> memref<1x128x128xf32, #tpu.memory_space<vmem>>
        %gather3A_1112 = tpu.memref_squeeze %gather3A_1111 : memref<1x128x128xf32, #tpu.memory_space<vmem>> -> memref<128x128xf32, #tpu.memory_space<vmem>>
        %gather3A_1113 = tpu.vector_load_idx %gather3A_1112[%add3A_1107, %and3A_1020] : memref<128x128xf32, #tpu.memory_space<vmem>>[vector<16xi32>, vector<16xi32>], vector<16xf32>,
        %scatter3A_1114 = arith.constant 1 : i32
        %scatter3A_1115 = arith.constant 0 : i32
        %scatter3A_1116 = arith.constant 0 : i32
        %scatter3A_1117 = tpu.memref_slice %arg7[%scatter3A_1114, %scatter3A_1115, %scatter3A_1116] : memref<4x64x128xf32, #tpu.memory_space<vmem>> -> memref<1x64x128xf32, #tpu.memory_space<vmem>>
        %scatter3A_1118 = tpu.memref_squeeze %scatter3A_1117 : memref<1x64x128xf32, #tpu.memory_space<vmem>> -> memref<64x128xf32, #tpu.memory_space<vmem>>
        tpu.vector_store_idx %scatter3A_1118[%and3A_1020, %add3A_1107], %gather3A_1113 : memref<64x128xf32, #tpu.memory_space<vmem>>[vector<16xi32>, vector<16xi32>], vector<16xf32>,
        %add3A_1119 = arith.constant 112 : i32
        %add3A_1120 = vector.broadcast %add3A_1119 : i32 to vector<16xi32>
        %add3A_1121 = arith.addi %iota3A, %add3A_1120 : vector<16xi32>
        %gather3A_1122 = arith.constant 1 : i32
        %gather3A_1123 = arith.constant 0 : i32
        %gather3A_1124 = arith.constant 0 : i32
        %gather3A_1125 = tpu.memref_slice %arg6[%gather3A_1122, %gather3A_1123, %gather3A_1124] : memref<4x128x128xf32, #tpu.memory_space<vmem>> -> memref<1x128x128xf32, #tpu.memory_space<vmem>>
        %gather3A_1126 = tpu.memref_squeeze %gather3A_1125 : memref<1x128x128xf32, #tpu.memory_space<vmem>> -> memref<128x128xf32, #tpu.memory_space<vmem>>
        %gather3A_1127 = tpu.vector_load_idx %gather3A_1126[%add3A_1121, %and3A_1020] : memref<128x128xf32, #tpu.memory_space<vmem>>[vector<16xi32>, vector<16xi32>], vector<16xf32>,
        %scatter3A_1128 = arith.constant 1 : i32
        %scatter3A_1129 = arith.constant 0 : i32
        %scatter3A_1130 = arith.constant 0 : i32
        %scatter3A_1131 = tpu.memref_slice %arg7[%scatter3A_1128, %scatter3A_1129, %scatter3A_1130] : memref<4x64x128xf32, #tpu.memory_space<vmem>> -> memref<1x64x128xf32, #tpu.memory_space<vmem>>
        %scatter3A_1132 = tpu.memref_squeeze %scatter3A_1131 : memref<1x64x128xf32, #tpu.memory_space<vmem>> -> memref<64x128xf32, #tpu.memory_space<vmem>>
        tpu.vector_store_idx %scatter3A_1132[%and3A_1020, %add3A_1121], %gather3A_1127 : memref<64x128xf32, #tpu.memory_space<vmem>>[vector<16xi32>, vector<16xi32>], vector<16xf32>,
        %scan3A_1133 = arith.constant 3 : i32
        %scan3A_1134 = arith.addi %scan3A_768, %scan3A_1133 : i32
        %mul3A_1135 = arith.constant 1 : i32
        %mul3A_1136 = arith.muli %scan3A_1134, %mul3A_1135 : i32
        %add3A_1137 = arith.constant 0 : i32
        %add3A_1138 = arith.addi %add3A_1137, %mul3A_1136 : i32
        %broadcast_in_dim3A_1139 = vector.broadcast %add3A_1138 : i32 to vector<16xi32>
        %add3A_1140 = arith.addi %broadcast_in_dim3A_1139, %iota3A : vector<16xi32>
        %and3A_1141 = arith.constant 63 : i32
        %and3A_1142 = vector.broadcast %and3A_1141 : i32 to vector<16xi32>
        %and3A_1143 = arith.andi %add3A_1140, %and3A_1142 : vector<16xi32>
        %add3A_1144 = arith.constant 0 : i32
        %add3A_1145 = vector.broadcast %add3A_1144 : i32 to vector<16xi32>
        %add3A_1146 = arith.addi %iota3A, %add3A_1145 : vector<16xi32>
        %gather3A_1147 = arith.constant 1 : i32
        %gather3A_1148 = arith.constant 0 : i32
        %gather3A_1149 = arith.constant 0 : i32
        %gather3A_1150 = tpu.memref_slice %arg6[%gather3A_1147, %gather3A_1148, %gather3A_1149] : memref<4x128x128xf32, #tpu.memory_space<vmem>> -> memref<1x128x128xf32, #tpu.memory_space<vmem>>
        %gather3A_1151 = tpu.memref_squeeze %gather3A_1150 : memref<1x128x128xf32, #tpu.memory_space<vmem>> -> memref<128x128xf32, #tpu.memory_space<vmem>>
        %gather3A_1152 = tpu.vector_load_idx %gather3A_1151[%add3A_1146, %and3A_1143] : memref<128x128xf32, #tpu.memory_space<vmem>>[vector<16xi32>, vector<16xi32>], vector<16xf32>,
        %scatter3A_1153 = arith.constant 1 : i32
        %scatter3A_1154 = arith.constant 0 : i32
        %scatter3A_1155 = arith.constant 0 : i32
        %scatter3A_1156 = tpu.memref_slice %arg7[%scatter3A_1153, %scatter3A_1154, %scatter3A_1155] : memref<4x64x128xf32, #tpu.memory_space<vmem>> -> memref<1x64x128xf32, #tpu.memory_space<vmem>>
        %scatter3A_1157 = tpu.memref_squeeze %scatter3A_1156 : memref<1x64x128xf32, #tpu.memory_space<vmem>> -> memref<64x128xf32, #tpu.memory_space<vmem>>
        tpu.vector_store_idx %scatter3A_1157[%and3A_1143, %add3A_1146], %gather3A_1152 : memref<64x128xf32, #tpu.memory_space<vmem>>[vector<16xi32>, vector<16xi32>], vector<16xf32>,
        %add3A_1158 = arith.constant 16 : i32
        %add3A_1159 = vector.broadcast %add3A_1158 : i32 to vector<16xi32>
        %add3A_1160 = arith.addi %iota3A, %add3A_1159 : vector<16xi32>
        %gather3A_1161 = arith.constant 1 : i32
        %gather3A_1162 = arith.constant 0 : i32
        %gather3A_1163 = arith.constant 0 : i32
        %gather3A_1164 = tpu.memref_slice %arg6[%gather3A_1161, %gather3A_1162, %gather3A_1163] : memref<4x128x128xf32, #tpu.memory_space<vmem>> -> memref<1x128x128xf32, #tpu.memory_space<vmem>>
        %gather3A_1165 = tpu.memref_squeeze %gather3A_1164 : memref<1x128x128xf32, #tpu.memory_space<vmem>> -> memref<128x128xf32, #tpu.memory_space<vmem>>
        %gather3A_1166 = tpu.vector_load_idx %gather3A_1165[%add3A_1160, %and3A_1143] : memref<128x128xf32, #tpu.memory_space<vmem>>[vector<16xi32>, vector<16xi32>], vector<16xf32>,
        %scatter3A_1167 = arith.constant 1 : i32
        %scatter3A_1168 = arith.constant 0 : i32
        %scatter3A_1169 = arith.constant 0 : i32
        %scatter3A_1170 = tpu.memref_slice %arg7[%scatter3A_1167, %scatter3A_1168, %scatter3A_1169] : memref<4x64x128xf32, #tpu.memory_space<vmem>> -> memref<1x64x128xf32, #tpu.memory_space<vmem>>
        %scatter3A_1171 = tpu.memref_squeeze %scatter3A_1170 : memref<1x64x128xf32, #tpu.memory_space<vmem>> -> memref<64x128xf32, #tpu.memory_space<vmem>>
        tpu.vector_store_idx %scatter3A_1171[%and3A_1143, %add3A_1160], %gather3A_1166 : memref<64x128xf32, #tpu.memory_space<vmem>>[vector<16xi32>, vector<16xi32>], vector<16xf32>,
        %add3A_1172 = arith.constant 32 : i32
        %add3A_1173 = vector.broadcast %add3A_1172 : i32 to vector<16xi32>
        %add3A_1174 = arith.addi %iota3A, %add3A_1173 : vector<16xi32>
        %gather3A_1175 = arith.constant 1 : i32
        %gather3A_1176 = arith.constant 0 : i32
        %gather3A_1177 = arith.constant 0 : i32
        %gather3A_1178 = tpu.memref_slice %arg6[%gather3A_1175, %gather3A_1176, %gather3A_1177] : memref<4x128x128xf32, #tpu.memory_space<vmem>> -> memref<1x128x128xf32, #tpu.memory_space<vmem>>
        %gather3A_1179 = tpu.memref_squeeze %gather3A_1178 : memref<1x128x128xf32, #tpu.memory_space<vmem>> -> memref<128x128xf32, #tpu.memory_space<vmem>>
        %gather3A_1180 = tpu.vector_load_idx %gather3A_1179[%add3A_1174, %and3A_1143] : memref<128x128xf32, #tpu.memory_space<vmem>>[vector<16xi32>, vector<16xi32>], vector<16xf32>,
        %scatter3A_1181 = arith.constant 1 : i32
        %scatter3A_1182 = arith.constant 0 : i32
        %scatter3A_1183 = arith.constant 0 : i32
        %scatter3A_1184 = tpu.memref_slice %arg7[%scatter3A_1181, %scatter3A_1182, %scatter3A_1183] : memref<4x64x128xf32, #tpu.memory_space<vmem>> -> memref<1x64x128xf32, #tpu.memory_space<vmem>>
        %scatter3A_1185 = tpu.memref_squeeze %scatter3A_1184 : memref<1x64x128xf32, #tpu.memory_space<vmem>> -> memref<64x128xf32, #tpu.memory_space<vmem>>
        tpu.vector_store_idx %scatter3A_1185[%and3A_1143, %add3A_1174], %gather3A_1180 : memref<64x128xf32, #tpu.memory_space<vmem>>[vector<16xi32>, vector<16xi32>], vector<16xf32>,
        %add3A_1186 = arith.constant 48 : i32
        %add3A_1187 = vector.broadcast %add3A_1186 : i32 to vector<16xi32>
        %add3A_1188 = arith.addi %iota3A, %add3A_1187 : vector<16xi32>
        %gather3A_1189 = arith.constant 1 : i32
        %gather3A_1190 = arith.constant 0 : i32
        %gather3A_1191 = arith.constant 0 : i32
        %gather3A_1192 = tpu.memref_slice %arg6[%gather3A_1189, %gather3A_1190, %gather3A_1191] : memref<4x128x128xf32, #tpu.memory_space<vmem>> -> memref<1x128x128xf32, #tpu.memory_space<vmem>>
        %gather3A_1193 = tpu.memref_squeeze %gather3A_1192 : memref<1x128x128xf32, #tpu.memory_space<vmem>> -> memref<128x128xf32, #tpu.memory_space<vmem>>
        %gather3A_1194 = tpu.vector_load_idx %gather3A_1193[%add3A_1188, %and3A_1143] : memref<128x128xf32, #tpu.memory_space<vmem>>[vector<16xi32>, vector<16xi32>], vector<16xf32>,
        %scatter3A_1195 = arith.constant 1 : i32
        %scatter3A_1196 = arith.constant 0 : i32
        %scatter3A_1197 = arith.constant 0 : i32
        %scatter3A_1198 = tpu.memref_slice %arg7[%scatter3A_1195, %scatter3A_1196, %scatter3A_1197] : memref<4x64x128xf32, #tpu.memory_space<vmem>> -> memref<1x64x128xf32, #tpu.memory_space<vmem>>
        %scatter3A_1199 = tpu.memref_squeeze %scatter3A_1198 : memref<1x64x128xf32, #tpu.memory_space<vmem>> -> memref<64x128xf32, #tpu.memory_space<vmem>>
        tpu.vector_store_idx %scatter3A_1199[%and3A_1143, %add3A_1188], %gather3A_1194 : memref<64x128xf32, #tpu.memory_space<vmem>>[vector<16xi32>, vector<16xi32>], vector<16xf32>,
        %add3A_1200 = arith.constant 64 : i32
        %add3A_1201 = vector.broadcast %add3A_1200 : i32 to vector<16xi32>
        %add3A_1202 = arith.addi %iota3A, %add3A_1201 : vector<16xi32>
        %gather3A_1203 = arith.constant 1 : i32
        %gather3A_1204 = arith.constant 0 : i32
        %gather3A_1205 = arith.constant 0 : i32
        %gather3A_1206 = tpu.memref_slice %arg6[%gather3A_1203, %gather3A_1204, %gather3A_1205] : memref<4x128x128xf32, #tpu.memory_space<vmem>> -> memref<1x128x128xf32, #tpu.memory_space<vmem>>
        %gather3A_1207 = tpu.memref_squeeze %gather3A_1206 : memref<1x128x128xf32, #tpu.memory_space<vmem>> -> memref<128x128xf32, #tpu.memory_space<vmem>>
        %gather3A_1208 = tpu.vector_load_idx %gather3A_1207[%add3A_1202, %and3A_1143] : memref<128x128xf32, #tpu.memory_space<vmem>>[vector<16xi32>, vector<16xi32>], vector<16xf32>,
        %scatter3A_1209 = arith.constant 1 : i32
        %scatter3A_1210 = arith.constant 0 : i32
        %scatter3A_1211 = arith.constant 0 : i32
        %scatter3A_1212 = tpu.memref_slice %arg7[%scatter3A_1209, %scatter3A_1210, %scatter3A_1211] : memref<4x64x128xf32, #tpu.memory_space<vmem>> -> memref<1x64x128xf32, #tpu.memory_space<vmem>>
        %scatter3A_1213 = tpu.memref_squeeze %scatter3A_1212 : memref<1x64x128xf32, #tpu.memory_space<vmem>> -> memref<64x128xf32, #tpu.memory_space<vmem>>
        tpu.vector_store_idx %scatter3A_1213[%and3A_1143, %add3A_1202], %gather3A_1208 : memref<64x128xf32, #tpu.memory_space<vmem>>[vector<16xi32>, vector<16xi32>], vector<16xf32>,
        %add3A_1214 = arith.constant 80 : i32
        %add3A_1215 = vector.broadcast %add3A_1214 : i32 to vector<16xi32>
        %add3A_1216 = arith.addi %iota3A, %add3A_1215 : vector<16xi32>
        %gather3A_1217 = arith.constant 1 : i32
        %gather3A_1218 = arith.constant 0 : i32
        %gather3A_1219 = arith.constant 0 : i32
        %gather3A_1220 = tpu.memref_slice %arg6[%gather3A_1217, %gather3A_1218, %gather3A_1219] : memref<4x128x128xf32, #tpu.memory_space<vmem>> -> memref<1x128x128xf32, #tpu.memory_space<vmem>>
        %gather3A_1221 = tpu.memref_squeeze %gather3A_1220 : memref<1x128x128xf32, #tpu.memory_space<vmem>> -> memref<128x128xf32, #tpu.memory_space<vmem>>
        %gather3A_1222 = tpu.vector_load_idx %gather3A_1221[%add3A_1216, %and3A_1143] : memref<128x128xf32, #tpu.memory_space<vmem>>[vector<16xi32>, vector<16xi32>], vector<16xf32>,
        %scatter3A_1223 = arith.constant 1 : i32
        %scatter3A_1224 = arith.constant 0 : i32
        %scatter3A_1225 = arith.constant 0 : i32
        %scatter3A_1226 = tpu.memref_slice %arg7[%scatter3A_1223, %scatter3A_1224, %scatter3A_1225] : memref<4x64x128xf32, #tpu.memory_space<vmem>> -> memref<1x64x128xf32, #tpu.memory_space<vmem>>
        %scatter3A_1227 = tpu.memref_squeeze %scatter3A_1226 : memref<1x64x128xf32, #tpu.memory_space<vmem>> -> memref<64x128xf32, #tpu.memory_space<vmem>>
        tpu.vector_store_idx %scatter3A_1227[%and3A_1143, %add3A_1216], %gather3A_1222 : memref<64x128xf32, #tpu.memory_space<vmem>>[vector<16xi32>, vector<16xi32>], vector<16xf32>,
        %add3A_1228 = arith.constant 96 : i32
        %add3A_1229 = vector.broadcast %add3A_1228 : i32 to vector<16xi32>
        %add3A_1230 = arith.addi %iota3A, %add3A_1229 : vector<16xi32>
        %gather3A_1231 = arith.constant 1 : i32
        %gather3A_1232 = arith.constant 0 : i32
        %gather3A_1233 = arith.constant 0 : i32
        %gather3A_1234 = tpu.memref_slice %arg6[%gather3A_1231, %gather3A_1232, %gather3A_1233] : memref<4x128x128xf32, #tpu.memory_space<vmem>> -> memref<1x128x128xf32, #tpu.memory_space<vmem>>
        %gather3A_1235 = tpu.memref_squeeze %gather3A_1234 : memref<1x128x128xf32, #tpu.memory_space<vmem>> -> memref<128x128xf32, #tpu.memory_space<vmem>>
        %gather3A_1236 = tpu.vector_load_idx %gather3A_1235[%add3A_1230, %and3A_1143] : memref<128x128xf32, #tpu.memory_space<vmem>>[vector<16xi32>, vector<16xi32>], vector<16xf32>,
        %scatter3A_1237 = arith.constant 1 : i32
        %scatter3A_1238 = arith.constant 0 : i32
        %scatter3A_1239 = arith.constant 0 : i32
        %scatter3A_1240 = tpu.memref_slice %arg7[%scatter3A_1237, %scatter3A_1238, %scatter3A_1239] : memref<4x64x128xf32, #tpu.memory_space<vmem>> -> memref<1x64x128xf32, #tpu.memory_space<vmem>>
        %scatter3A_1241 = tpu.memref_squeeze %scatter3A_1240 : memref<1x64x128xf32, #tpu.memory_space<vmem>> -> memref<64x128xf32, #tpu.memory_space<vmem>>
        tpu.vector_store_idx %scatter3A_1241[%and3A_1143, %add3A_1230], %gather3A_1236 : memref<64x128xf32, #tpu.memory_space<vmem>>[vector<16xi32>, vector<16xi32>], vector<16xf32>,
        %add3A_1242 = arith.constant 112 : i32
        %add3A_1243 = vector.broadcast %add3A_1242 : i32 to vector<16xi32>
        %add3A_1244 = arith.addi %iota3A, %add3A_1243 : vector<16xi32>
        %gather3A_1245 = arith.constant 1 : i32
        %gather3A_1246 = arith.constant 0 : i32
        %gather3A_1247 = arith.constant 0 : i32
        %gather3A_1248 = tpu.memref_slice %arg6[%gather3A_1245, %gather3A_1246, %gather3A_1247] : memref<4x128x128xf32, #tpu.memory_space<vmem>> -> memref<1x128x128xf32, #tpu.memory_space<vmem>>
        %gather3A_1249 = tpu.memref_squeeze %gather3A_1248 : memref<1x128x128xf32, #tpu.memory_space<vmem>> -> memref<128x128xf32, #tpu.memory_space<vmem>>
        %gather3A_1250 = tpu.vector_load_idx %gather3A_1249[%add3A_1244, %and3A_1143] : memref<128x128xf32, #tpu.memory_space<vmem>>[vector<16xi32>, vector<16xi32>], vector<16xf32>,
        %scatter3A_1251 = arith.constant 1 : i32
        %scatter3A_1252 = arith.constant 0 : i32
        %scatter3A_1253 = arith.constant 0 : i32
        %scatter3A_1254 = tpu.memref_slice %arg7[%scatter3A_1251, %scatter3A_1252, %scatter3A_1253] : memref<4x64x128xf32, #tpu.memory_space<vmem>> -> memref<1x64x128xf32, #tpu.memory_space<vmem>>
        %scatter3A_1255 = tpu.memref_squeeze %scatter3A_1254 : memref<1x64x128xf32, #tpu.memory_space<vmem>> -> memref<64x128xf32, #tpu.memory_space<vmem>>
        tpu.vector_store_idx %scatter3A_1255[%and3A_1143, %add3A_1244], %gather3A_1250 : memref<64x128xf32, #tpu.memory_space<vmem>>[vector<16xi32>, vector<16xi32>], vector<16xf32>,
      }
      %scan3A_492 = arith.constant 64 : i32
      %add3A_493 = arith.addi %mul3A_2, %add3A_454 : i32
      %jit3A_494 = arith.constant 32 : i32
      %div3A_495 = arith.divsi %add3A_493, %jit3A_494 : i32
      %sign3A_496 = arith.constant 0 : i32
      %sign3A_497 = arith.cmpi sgt, %add3A_493, %sign3A_496 : i32
      %sign3A_498 = arith.extui %sign3A_497 : i1 to i32
      %sign3A_499 = arith.constant 0 : i32
      %sign3A_500 = arith.cmpi slt, %add3A_493, %sign3A_499 : i32
      %sign3A_501 = arith.extui %sign3A_500 : i1 to i32
      %sign3A_502 = arith.subi %sign3A_498, %sign3A_501 : i32
      %sign3A_503 = arith.constant 0 : i32
      %sign3A_504 = arith.cmpi sgt, %jit3A_494, %sign3A_503 : i32
      %sign3A_505 = arith.extui %sign3A_504 : i1 to i32
      %sign3A_506 = arith.constant 0 : i32
      %sign3A_507 = arith.cmpi slt, %jit3A_494, %sign3A_506 : i32
      %sign3A_508 = arith.extui %sign3A_507 : i1 to i32
      %sign3A_509 = arith.subi %sign3A_505, %sign3A_508 : i32
      %ne3A_510 = arith.cmpi ne, %sign3A_502, %sign3A_509 : i32
      %rem3A_511 = arith.remsi %add3A_493, %jit3A_494 : i32
      %ne3A_512 = arith.constant 0 : i32
      %ne3A_513 = arith.cmpi ne, %rem3A_511, %ne3A_512 : i32
      %and3A_514 = arith.andi %ne3A_510, %ne3A_513 : i1
      %sub3A_515 = arith.constant 1 : i32
      %sub3A_516 = arith.subi %div3A_495, %sub3A_515 : i32
      %select_n3A_517 = arith.select %and3A_514, %sub3A_516, %div3A_495 : i32
      %jit3A_518 = arith.constant 32 : i32
      %eq3A_519 = arith.constant 0 : i32
      %eq3A_520 = arith.cmpi eq, %jit3A_518, %eq3A_519 : i32
      %jit3A_521 = arith.constant 1 : i32
      %select_n3A_522 = arith.select %eq3A_520, %jit3A_521, %jit3A_518 : i32
      %rem3A_523 = arith.remsi %add3A_493, %select_n3A_522 : i32
      %ne3A_524 = arith.constant 0 : i32
      %ne3A_525 = arith.cmpi ne, %rem3A_523, %ne3A_524 : i32
      %lt3A_526 = arith.constant 0 : i32
      %lt3A_527 = arith.cmpi slt, %rem3A_523, %lt3A_526 : i32
      %lt3A_528 = arith.constant 0 : i32
      %lt3A_529 = arith.cmpi slt, %select_n3A_522, %lt3A_528 : i32
      %ne3A_530 = arith.xori %lt3A_527, %lt3A_529 : i1
      %and3A_531 = arith.andi %ne3A_530, %ne3A_525 : i1
      %add3A_532 = arith.addi %rem3A_523, %select_n3A_522 : i32
      %select_n3A_533 = arith.select %and3A_531, %add3A_532, %rem3A_523 : i32
      %mul3A_534 = arith.constant 128 : i32
      %mul3A_535 = arith.muli %select_n3A_533, %mul3A_534 : i32
      %dma_start3A_536 = arith.constant 1 : i32
      %dma_start3A_537 = arith.constant 0 : i32
      %dma_start3A_538 = arith.constant 0 : i32
      %dma_start3A_539 = tpu.memref_slice %arg7[%dma_start3A_536, %dma_start3A_537, %dma_start3A_538] : memref<4x64x128xf32, #tpu.memory_space<vmem>> -> memref<1x64x128xf32, #tpu.memory_space<vmem>>
      %dma_start3A_540 = tpu.memref_squeeze %dma_start3A_539 : memref<1x64x128xf32, #tpu.memory_space<vmem>> -> memref<64x128xf32, #tpu.memory_space<vmem>>
      %dma_start3A_541 = arith.constant 0 : i32
      %dma_start3A_542 = tpu.memref_slice %arg4[%select_n3A_517, %dma_start3A_541, %mul3A_535] : memref<200x64x4096xf32, #tpu.memory_space<hbm>> -> memref<1x64x128xf32, #tpu.memory_space<hbm>>
      %dma_start3A_543 = tpu.memref_squeeze %dma_start3A_542 : memref<1x64x128xf32, #tpu.memory_space<hbm>> -> memref<64x128xf32, #tpu.memory_space<hbm>>
      %dma_start3A_544 = arith.constant 0 : i32
      %dma_start3A_545 = tpu.memref_slice %arg4[%select_n3A_517, %dma_start3A_544, %mul3A_535] : memref<200x64x4096xf32, #tpu.memory_space<hbm>> -> memref<1x64x128xf32, #tpu.memory_space<hbm>>
      %dma_start3A_546 = tpu.memref_squeeze %dma_start3A_545 : memref<1x64x128xf32, #tpu.memory_space<hbm>> -> memref<64x128xf32, #tpu.memory_space<hbm>>
      %dma_start3A_547 = arith.constant 0 : i32
      %dma_start3A_548 = arith.constant 0 : i32
      %dma_start3A_549 = tpu.memref_slice %arg7[%dma_start3A_536, %dma_start3A_547, %dma_start3A_548] : memref<4x64x128xf32, #tpu.memory_space<vmem>> -> memref<1x64x128xf32, #tpu.memory_space<vmem>>
      %dma_start3A_550 = tpu.memref_squeeze %dma_start3A_549 : memref<1x64x128xf32, #tpu.memory_space<vmem>> -> memref<64x128xf32, #tpu.memory_space<vmem>>
      tpu.enqueue_dma source(%dma_start3A_550 : memref<64x128xf32, #tpu.memory_space<vmem>>) target(%dma_start3A_546 : memref<64x128xf32, #tpu.memory_space<hbm>>) target_semaphore(%arg13 : memref<!tpu.dma_semaphore, #tpu.memory_space<semaphore_mem>>)
      %add3A_551 = arith.constant 4 : i32
      %add3A_552 = arith.addi %add3A_454, %add3A_551 : i32
      %lt3A_553 = arith.constant 200 : i32
      %lt3A_554 = arith.cmpi slt, %add3A_552, %lt3A_553 : i32
      %convert_element_type3A_555 = arith.extui %lt3A_554 : i1 to i32
      %cond3A_556 = arith.constant 0 : i32
      %cond3A_557 = arith.cmpi ne, %convert_element_type3A_555, %cond3A_556 : i32
      scf.if %cond3A_557 {
        %add3A_768 = arith.constant 4 : i32
        %add3A_769 = arith.addi %add3A_454, %add3A_768 : i32
        %mul3A_770 = arith.constant 128 : i32
        %mul3A_771 = arith.muli %add3A_769, %mul3A_770 : i32
        %dma_start3A_772 = arith.constant 1 : i32
        %dma_start3A_773 = arith.constant 0 : i32
        %dma_start3A_774 = arith.constant 0 : i32
        %dma_start3A_775 = tpu.memref_slice %arg6[%dma_start3A_772, %dma_start3A_773, %dma_start3A_774] : memref<4x128x128xf32, #tpu.memory_space<vmem>> -> memref<1x128x128xf32, #tpu.memory_space<vmem>>
        %dma_start3A_776 = tpu.memref_squeeze %dma_start3A_775 : memref<1x128x128xf32, #tpu.memory_space<vmem>> -> memref<128x128xf32, #tpu.memory_space<vmem>>
        %dma_start3A_777 = tpu.memref_slice %arg5[%mul3A_771] : memref<25600xi32, #tpu.memory_space<vmem>> -> memref<128xi32, #tpu.memory_space<vmem>>
        %dma_start3A_778 = arith.constant 0 : i32
        %dma_start3A_779 = arith.constant 0 : i32
        %dma_start3A_780 = tpu.memref_slice %arg3[%dma_start3A_778, %dma_start3A_779] : memref<1000000x128xf32, #tpu.memory_space<hbm>> -> memref<1000000x128xf32, #tpu.memory_space<hbm>>
        tpu.enqueue_indirect_dma source(%dma_start3A_780 : memref<1000000x128xf32, #tpu.memory_space<hbm>>) target(%dma_start3A_776 : memref<128x128xf32, #tpu.memory_space<vmem>>) offsets(%dma_start3A_777 : memref<128xi32, #tpu.memory_space<vmem>>) semaphore(%arg9 : memref<!tpu.dma_semaphore, #tpu.memory_space<semaphore_mem>>)
      } else {
      }
      %add3A_558 = arith.constant 2 : i32
      %add3A_559 = arith.addi %add3A_349, %add3A_558 : i32
      %dma_wait3A_560 = arith.constant 2 : i32
      %dma_wait3A_561 = arith.constant 0 : i32
      %dma_wait3A_562 = arith.constant 0 : i32
      %dma_wait3A_563 = tpu.memref_slice %arg6[%dma_wait3A_560, %dma_wait3A_561, %dma_wait3A_562] : memref<4x128x128xf32, #tpu.memory_space<vmem>> -> memref<1x128x128xf32, #tpu.memory_space<vmem>>
      %dma_wait3A_564 = tpu.memref_squeeze %dma_wait3A_563 : memref<1x128x128xf32, #tpu.memory_space<vmem>> -> memref<128x128xf32, #tpu.memory_space<vmem>>
      %dma_wait3A_565 = arith.constant 0 : i32
      %dma_wait3A_566 = arith.constant 0 : i32
      %dma_wait3A_567 = tpu.memref_slice %arg3[%dma_wait3A_565, %dma_wait3A_566] : memref<1000000x128xf32, #tpu.memory_space<hbm>> -> memref<128x128xf32, #tpu.memory_space<hbm>>
      %dma_wait3A_568 = arith.constant 0 : i32
      %dma_wait3A_569 = arith.constant 0 : i32
      %dma_wait3A_570 = tpu.memref_slice %arg6[%dma_wait3A_560, %dma_wait3A_568, %dma_wait3A_569] : memref<4x128x128xf32, #tpu.memory_space<vmem>> -> memref<1x128x128xf32, #tpu.memory_space<vmem>>
      %dma_wait3A_571 = tpu.memref_squeeze %dma_wait3A_570 : memref<1x128x128xf32, #tpu.memory_space<vmem>> -> memref<128x128xf32, #tpu.memory_space<vmem>>
      %dma_wait3A_572 = arith.constant 0 : i32
      %dma_wait3A_573 = arith.constant 0 : i32
      %dma_wait3A_574 = tpu.memref_slice %arg3[%dma_wait3A_572, %dma_wait3A_573] : memref<1000000x128xf32, #tpu.memory_space<hbm>> -> memref<128x128xf32, #tpu.memory_space<hbm>>
      tpu.wait_dma2 semaphore(%arg10 : memref<!tpu.dma_semaphore, #tpu.memory_space<semaphore_mem>>) src(%dma_wait3A_574 : memref<128x128xf32, #tpu.memory_space<hbm>>) dst(%dma_wait3A_571 : memref<128x128xf32, #tpu.memory_space<vmem>>)
      %dma_wait3A_575 = arith.constant 2 : i32
      %dma_wait3A_576 = arith.constant 0 : i32
      %dma_wait3A_577 = arith.constant 0 : i32
      %dma_wait3A_578 = arith.constant 0 : i32
      %dma_wait3A_579 = tpu.memref_slice %arg7[%dma_wait3A_575, %dma_wait3A_577, %dma_wait3A_578] : memref<4x64x128xf32, #tpu.memory_space<vmem>> -> memref<1x64x128xf32, #tpu.memory_space<vmem>>
      %dma_wait3A_580 = tpu.memref_squeeze %dma_wait3A_579 : memref<1x64x128xf32, #tpu.memory_space<vmem>> -> memref<64x128xf32, #tpu.memory_space<vmem>>
      %dma_wait3A_581 = arith.constant 0 : i32
      %dma_wait3A_582 = arith.constant 0 : i32
      %dma_wait3A_583 = tpu.memref_slice %arg4[%dma_wait3A_576, %dma_wait3A_581, %dma_wait3A_582] : memref<200x64x4096xf32, #tpu.memory_space<hbm>> -> memref<1x64x128xf32, #tpu.memory_space<hbm>>
      %dma_wait3A_584 = tpu.memref_squeeze %dma_wait3A_583 : memref<1x64x128xf32, #tpu.memory_space<hbm>> -> memref<64x128xf32, #tpu.memory_space<hbm>>
      %dma_wait3A_585 = arith.constant 0 : i32
      %dma_wait3A_586 = arith.constant 0 : i32
      %dma_wait3A_587 = tpu.memref_slice %arg4[%dma_wait3A_576, %dma_wait3A_585, %dma_wait3A_586] : memref<200x64x4096xf32, #tpu.memory_space<hbm>> -> memref<1x64x128xf32, #tpu.memory_space<hbm>>
      %dma_wait3A_588 = tpu.memref_squeeze %dma_wait3A_587 : memref<1x64x128xf32, #tpu.memory_space<hbm>> -> memref<64x128xf32, #tpu.memory_space<hbm>>
      %dma_wait3A_589 = arith.constant 0 : i32
      %dma_wait3A_590 = arith.constant 0 : i32
      %dma_wait3A_591 = tpu.memref_slice %arg7[%dma_wait3A_575, %dma_wait3A_589, %dma_wait3A_590] : memref<4x64x128xf32, #tpu.memory_space<vmem>> -> memref<1x64x128xf32, #tpu.memory_space<vmem>>
      %dma_wait3A_592 = tpu.memref_squeeze %dma_wait3A_591 : memref<1x64x128xf32, #tpu.memory_space<vmem>> -> memref<64x128xf32, #tpu.memory_space<vmem>>
      tpu.wait_dma2 semaphore(%arg14 : memref<!tpu.dma_semaphore, #tpu.memory_space<semaphore_mem>>) src(%dma_wait3A_592 : memref<64x128xf32, #tpu.memory_space<vmem>>) dst(%dma_wait3A_588 : memref<64x128xf32, #tpu.memory_space<hbm>>)
      %scan3A_593 = arith.constant 0 : i32
      %scan3A_594 = arith.constant 64 : i32
      %scan3A_595 = arith.addi %scan3A_593, %scan3A_594 : i32
      %scan3A_596 = arith.constant 4 : i32
      scf.for %scan3A_768 = %scan3A_593 to %scan3A_595 step %scan3A_596  : i32 {
        %mul3A_769 = arith.constant 1 : i32
        %mul3A_770 = arith.muli %scan3A_768, %mul3A_769 : i32
        %add3A_771 = arith.constant 0 : i32
        %add3A_772 = arith.addi %add3A_771, %mul3A_770 : i32
        %broadcast_in_dim3A = vector.broadcast %add3A_772 : i32 to vector<16xi32>
        %add3A_773 = arith.addi %broadcast_in_dim3A, %iota3A : vector<16xi32>
        %and3A_774 = arith.constant 63 : i32
        %and3A_775 = vector.broadcast %and3A_774 : i32 to vector<16xi32>
        %and3A_776 = arith.andi %add3A_773, %and3A_775 : vector<16xi32>
        %add3A_777 = arith.constant 0 : i32
        %add3A_778 = vector.broadcast %add3A_777 : i32 to vector<16xi32>
        %add3A_779 = arith.addi %iota3A, %add3A_778 : vector<16xi32>
        %gather3A = arith.constant 2 : i32
        %gather3A_780 = arith.constant 0 : i32
        %gather3A_781 = arith.constant 0 : i32
        %gather3A_782 = tpu.memref_slice %arg6[%gather3A, %gather3A_780, %gather3A_781] : memref<4x128x128xf32, #tpu.memory_space<vmem>> -> memref<1x128x128xf32, #tpu.memory_space<vmem>>
        %gather3A_783 = tpu.memref_squeeze %gather3A_782 : memref<1x128x128xf32, #tpu.memory_space<vmem>> -> memref<128x128xf32, #tpu.memory_space<vmem>>
        %gather3A_784 = tpu.vector_load_idx %gather3A_783[%add3A_779, %and3A_776] : memref<128x128xf32, #tpu.memory_space<vmem>>[vector<16xi32>, vector<16xi32>], vector<16xf32>,
        %scatter3A = arith.constant 2 : i32
        %scatter3A_785 = arith.constant 0 : i32
        %scatter3A_786 = arith.constant 0 : i32
        %scatter3A_787 = tpu.memref_slice %arg7[%scatter3A, %scatter3A_785, %scatter3A_786] : memref<4x64x128xf32, #tpu.memory_space<vmem>> -> memref<1x64x128xf32, #tpu.memory_space<vmem>>
        %scatter3A_788 = tpu.memref_squeeze %scatter3A_787 : memref<1x64x128xf32, #tpu.memory_space<vmem>> -> memref<64x128xf32, #tpu.memory_space<vmem>>
        tpu.vector_store_idx %scatter3A_788[%and3A_776, %add3A_779], %gather3A_784 : memref<64x128xf32, #tpu.memory_space<vmem>>[vector<16xi32>, vector<16xi32>], vector<16xf32>,
        %add3A_789 = arith.constant 16 : i32
        %add3A_790 = vector.broadcast %add3A_789 : i32 to vector<16xi32>
        %add3A_791 = arith.addi %iota3A, %add3A_790 : vector<16xi32>
        %gather3A_792 = arith.constant 2 : i32
        %gather3A_793 = arith.constant 0 : i32
        %gather3A_794 = arith.constant 0 : i32
        %gather3A_795 = tpu.memref_slice %arg6[%gather3A_792, %gather3A_793, %gather3A_794] : memref<4x128x128xf32, #tpu.memory_space<vmem>> -> memref<1x128x128xf32, #tpu.memory_space<vmem>>
        %gather3A_796 = tpu.memref_squeeze %gather3A_795 : memref<1x128x128xf32, #tpu.memory_space<vmem>> -> memref<128x128xf32, #tpu.memory_space<vmem>>
        %gather3A_797 = tpu.vector_load_idx %gather3A_796[%add3A_791, %and3A_776] : memref<128x128xf32, #tpu.memory_space<vmem>>[vector<16xi32>, vector<16xi32>], vector<16xf32>,
        %scatter3A_798 = arith.constant 2 : i32
        %scatter3A_799 = arith.constant 0 : i32
        %scatter3A_800 = arith.constant 0 : i32
        %scatter3A_801 = tpu.memref_slice %arg7[%scatter3A_798, %scatter3A_799, %scatter3A_800] : memref<4x64x128xf32, #tpu.memory_space<vmem>> -> memref<1x64x128xf32, #tpu.memory_space<vmem>>
        %scatter3A_802 = tpu.memref_squeeze %scatter3A_801 : memref<1x64x128xf32, #tpu.memory_space<vmem>> -> memref<64x128xf32, #tpu.memory_space<vmem>>
        tpu.vector_store_idx %scatter3A_802[%and3A_776, %add3A_791], %gather3A_797 : memref<64x128xf32, #tpu.memory_space<vmem>>[vector<16xi32>, vector<16xi32>], vector<16xf32>,
        %add3A_803 = arith.constant 32 : i32
        %add3A_804 = vector.broadcast %add3A_803 : i32 to vector<16xi32>
        %add3A_805 = arith.addi %iota3A, %add3A_804 : vector<16xi32>
        %gather3A_806 = arith.constant 2 : i32
        %gather3A_807 = arith.constant 0 : i32
        %gather3A_808 = arith.constant 0 : i32
        %gather3A_809 = tpu.memref_slice %arg6[%gather3A_806, %gather3A_807, %gather3A_808] : memref<4x128x128xf32, #tpu.memory_space<vmem>> -> memref<1x128x128xf32, #tpu.memory_space<vmem>>
        %gather3A_810 = tpu.memref_squeeze %gather3A_809 : memref<1x128x128xf32, #tpu.memory_space<vmem>> -> memref<128x128xf32, #tpu.memory_space<vmem>>
        %gather3A_811 = tpu.vector_load_idx %gather3A_810[%add3A_805, %and3A_776] : memref<128x128xf32, #tpu.memory_space<vmem>>[vector<16xi32>, vector<16xi32>], vector<16xf32>,
        %scatter3A_812 = arith.constant 2 : i32
        %scatter3A_813 = arith.constant 0 : i32
        %scatter3A_814 = arith.constant 0 : i32
        %scatter3A_815 = tpu.memref_slice %arg7[%scatter3A_812, %scatter3A_813, %scatter3A_814] : memref<4x64x128xf32, #tpu.memory_space<vmem>> -> memref<1x64x128xf32, #tpu.memory_space<vmem>>
        %scatter3A_816 = tpu.memref_squeeze %scatter3A_815 : memref<1x64x128xf32, #tpu.memory_space<vmem>> -> memref<64x128xf32, #tpu.memory_space<vmem>>
        tpu.vector_store_idx %scatter3A_816[%and3A_776, %add3A_805], %gather3A_811 : memref<64x128xf32, #tpu.memory_space<vmem>>[vector<16xi32>, vector<16xi32>], vector<16xf32>,
        %add3A_817 = arith.constant 48 : i32
        %add3A_818 = vector.broadcast %add3A_817 : i32 to vector<16xi32>
        %add3A_819 = arith.addi %iota3A, %add3A_818 : vector<16xi32>
        %gather3A_820 = arith.constant 2 : i32
        %gather3A_821 = arith.constant 0 : i32
        %gather3A_822 = arith.constant 0 : i32
        %gather3A_823 = tpu.memref_slice %arg6[%gather3A_820, %gather3A_821, %gather3A_822] : memref<4x128x128xf32, #tpu.memory_space<vmem>> -> memref<1x128x128xf32, #tpu.memory_space<vmem>>
        %gather3A_824 = tpu.memref_squeeze %gather3A_823 : memref<1x128x128xf32, #tpu.memory_space<vmem>> -> memref<128x128xf32, #tpu.memory_space<vmem>>
        %gather3A_825 = tpu.vector_load_idx %gather3A_824[%add3A_819, %and3A_776] : memref<128x128xf32, #tpu.memory_space<vmem>>[vector<16xi32>, vector<16xi32>], vector<16xf32>,
        %scatter3A_826 = arith.constant 2 : i32
        %scatter3A_827 = arith.constant 0 : i32
        %scatter3A_828 = arith.constant 0 : i32
        %scatter3A_829 = tpu.memref_slice %arg7[%scatter3A_826, %scatter3A_827, %scatter3A_828] : memref<4x64x128xf32, #tpu.memory_space<vmem>> -> memref<1x64x128xf32, #tpu.memory_space<vmem>>
        %scatter3A_830 = tpu.memref_squeeze %scatter3A_829 : memref<1x64x128xf32, #tpu.memory_space<vmem>> -> memref<64x128xf32, #tpu.memory_space<vmem>>
        tpu.vector_store_idx %scatter3A_830[%and3A_776, %add3A_819], %gather3A_825 : memref<64x128xf32, #tpu.memory_space<vmem>>[vector<16xi32>, vector<16xi32>], vector<16xf32>,
        %add3A_831 = arith.constant 64 : i32
        %add3A_832 = vector.broadcast %add3A_831 : i32 to vector<16xi32>
        %add3A_833 = arith.addi %iota3A, %add3A_832 : vector<16xi32>
        %gather3A_834 = arith.constant 2 : i32
        %gather3A_835 = arith.constant 0 : i32
        %gather3A_836 = arith.constant 0 : i32
        %gather3A_837 = tpu.memref_slice %arg6[%gather3A_834, %gather3A_835, %gather3A_836] : memref<4x128x128xf32, #tpu.memory_space<vmem>> -> memref<1x128x128xf32, #tpu.memory_space<vmem>>
        %gather3A_838 = tpu.memref_squeeze %gather3A_837 : memref<1x128x128xf32, #tpu.memory_space<vmem>> -> memref<128x128xf32, #tpu.memory_space<vmem>>
        %gather3A_839 = tpu.vector_load_idx %gather3A_838[%add3A_833, %and3A_776] : memref<128x128xf32, #tpu.memory_space<vmem>>[vector<16xi32>, vector<16xi32>], vector<16xf32>,
        %scatter3A_840 = arith.constant 2 : i32
        %scatter3A_841 = arith.constant 0 : i32
        %scatter3A_842 = arith.constant 0 : i32
        %scatter3A_843 = tpu.memref_slice %arg7[%scatter3A_840, %scatter3A_841, %scatter3A_842] : memref<4x64x128xf32, #tpu.memory_space<vmem>> -> memref<1x64x128xf32, #tpu.memory_space<vmem>>
        %scatter3A_844 = tpu.memref_squeeze %scatter3A_843 : memref<1x64x128xf32, #tpu.memory_space<vmem>> -> memref<64x128xf32, #tpu.memory_space<vmem>>
        tpu.vector_store_idx %scatter3A_844[%and3A_776, %add3A_833], %gather3A_839 : memref<64x128xf32, #tpu.memory_space<vmem>>[vector<16xi32>, vector<16xi32>], vector<16xf32>,
        %add3A_845 = arith.constant 80 : i32
        %add3A_846 = vector.broadcast %add3A_845 : i32 to vector<16xi32>
        %add3A_847 = arith.addi %iota3A, %add3A_846 : vector<16xi32>
        %gather3A_848 = arith.constant 2 : i32
        %gather3A_849 = arith.constant 0 : i32
        %gather3A_850 = arith.constant 0 : i32
        %gather3A_851 = tpu.memref_slice %arg6[%gather3A_848, %gather3A_849, %gather3A_850] : memref<4x128x128xf32, #tpu.memory_space<vmem>> -> memref<1x128x128xf32, #tpu.memory_space<vmem>>
        %gather3A_852 = tpu.memref_squeeze %gather3A_851 : memref<1x128x128xf32, #tpu.memory_space<vmem>> -> memref<128x128xf32, #tpu.memory_space<vmem>>
        %gather3A_853 = tpu.vector_load_idx %gather3A_852[%add3A_847, %and3A_776] : memref<128x128xf32, #tpu.memory_space<vmem>>[vector<16xi32>, vector<16xi32>], vector<16xf32>,
        %scatter3A_854 = arith.constant 2 : i32
        %scatter3A_855 = arith.constant 0 : i32
        %scatter3A_856 = arith.constant 0 : i32
        %scatter3A_857 = tpu.memref_slice %arg7[%scatter3A_854, %scatter3A_855, %scatter3A_856] : memref<4x64x128xf32, #tpu.memory_space<vmem>> -> memref<1x64x128xf32, #tpu.memory_space<vmem>>
        %scatter3A_858 = tpu.memref_squeeze %scatter3A_857 : memref<1x64x128xf32, #tpu.memory_space<vmem>> -> memref<64x128xf32, #tpu.memory_space<vmem>>
        tpu.vector_store_idx %scatter3A_858[%and3A_776, %add3A_847], %gather3A_853 : memref<64x128xf32, #tpu.memory_space<vmem>>[vector<16xi32>, vector<16xi32>], vector<16xf32>,
        %add3A_859 = arith.constant 96 : i32
        %add3A_860 = vector.broadcast %add3A_859 : i32 to vector<16xi32>
        %add3A_861 = arith.addi %iota3A, %add3A_860 : vector<16xi32>
        %gather3A_862 = arith.constant 2 : i32
        %gather3A_863 = arith.constant 0 : i32
        %gather3A_864 = arith.constant 0 : i32
        %gather3A_865 = tpu.memref_slice %arg6[%gather3A_862, %gather3A_863, %gather3A_864] : memref<4x128x128xf32, #tpu.memory_space<vmem>> -> memref<1x128x128xf32, #tpu.memory_space<vmem>>
        %gather3A_866 = tpu.memref_squeeze %gather3A_865 : memref<1x128x128xf32, #tpu.memory_space<vmem>> -> memref<128x128xf32, #tpu.memory_space<vmem>>
        %gather3A_867 = tpu.vector_load_idx %gather3A_866[%add3A_861, %and3A_776] : memref<128x128xf32, #tpu.memory_space<vmem>>[vector<16xi32>, vector<16xi32>], vector<16xf32>,
        %scatter3A_868 = arith.constant 2 : i32
        %scatter3A_869 = arith.constant 0 : i32
        %scatter3A_870 = arith.constant 0 : i32
        %scatter3A_871 = tpu.memref_slice %arg7[%scatter3A_868, %scatter3A_869, %scatter3A_870] : memref<4x64x128xf32, #tpu.memory_space<vmem>> -> memref<1x64x128xf32, #tpu.memory_space<vmem>>
        %scatter3A_872 = tpu.memref_squeeze %scatter3A_871 : memref<1x64x128xf32, #tpu.memory_space<vmem>> -> memref<64x128xf32, #tpu.memory_space<vmem>>
        tpu.vector_store_idx %scatter3A_872[%and3A_776, %add3A_861], %gather3A_867 : memref<64x128xf32, #tpu.memory_space<vmem>>[vector<16xi32>, vector<16xi32>], vector<16xf32>,
        %add3A_873 = arith.constant 112 : i32
        %add3A_874 = vector.broadcast %add3A_873 : i32 to vector<16xi32>
        %add3A_875 = arith.addi %iota3A, %add3A_874 : vector<16xi32>
        %gather3A_876 = arith.constant 2 : i32
        %gather3A_877 = arith.constant 0 : i32
        %gather3A_878 = arith.constant 0 : i32
        %gather3A_879 = tpu.memref_slice %arg6[%gather3A_876, %gather3A_877, %gather3A_878] : memref<4x128x128xf32, #tpu.memory_space<vmem>> -> memref<1x128x128xf32, #tpu.memory_space<vmem>>
        %gather3A_880 = tpu.memref_squeeze %gather3A_879 : memref<1x128x128xf32, #tpu.memory_space<vmem>> -> memref<128x128xf32, #tpu.memory_space<vmem>>
        %gather3A_881 = tpu.vector_load_idx %gather3A_880[%add3A_875, %and3A_776] : memref<128x128xf32, #tpu.memory_space<vmem>>[vector<16xi32>, vector<16xi32>], vector<16xf32>,
        %scatter3A_882 = arith.constant 2 : i32
        %scatter3A_883 = arith.constant 0 : i32
        %scatter3A_884 = arith.constant 0 : i32
        %scatter3A_885 = tpu.memref_slice %arg7[%scatter3A_882, %scatter3A_883, %scatter3A_884] : memref<4x64x128xf32, #tpu.memory_space<vmem>> -> memref<1x64x128xf32, #tpu.memory_space<vmem>>
        %scatter3A_886 = tpu.memref_squeeze %scatter3A_885 : memref<1x64x128xf32, #tpu.memory_space<vmem>> -> memref<64x128xf32, #tpu.memory_space<vmem>>
        tpu.vector_store_idx %scatter3A_886[%and3A_776, %add3A_875], %gather3A_881 : memref<64x128xf32, #tpu.memory_space<vmem>>[vector<16xi32>, vector<16xi32>], vector<16xf32>,
        %scan3A_887 = arith.constant 1 : i32
        %scan3A_888 = arith.addi %scan3A_768, %scan3A_887 : i32
        %mul3A_889 = arith.constant 1 : i32
        %mul3A_890 = arith.muli %scan3A_888, %mul3A_889 : i32
        %add3A_891 = arith.constant 0 : i32
        %add3A_892 = arith.addi %add3A_891, %mul3A_890 : i32
        %broadcast_in_dim3A_893 = vector.broadcast %add3A_892 : i32 to vector<16xi32>
        %add3A_894 = arith.addi %broadcast_in_dim3A_893, %iota3A : vector<16xi32>
        %and3A_895 = arith.constant 63 : i32
        %and3A_896 = vector.broadcast %and3A_895 : i32 to vector<16xi32>
        %and3A_897 = arith.andi %add3A_894, %and3A_896 : vector<16xi32>
        %add3A_898 = arith.constant 0 : i32
        %add3A_899 = vector.broadcast %add3A_898 : i32 to vector<16xi32>
        %add3A_900 = arith.addi %iota3A, %add3A_899 : vector<16xi32>
        %gather3A_901 = arith.constant 2 : i32
        %gather3A_902 = arith.constant 0 : i32
        %gather3A_903 = arith.constant 0 : i32
        %gather3A_904 = tpu.memref_slice %arg6[%gather3A_901, %gather3A_902, %gather3A_903] : memref<4x128x128xf32, #tpu.memory_space<vmem>> -> memref<1x128x128xf32, #tpu.memory_space<vmem>>
        %gather3A_905 = tpu.memref_squeeze %gather3A_904 : memref<1x128x128xf32, #tpu.memory_space<vmem>> -> memref<128x128xf32, #tpu.memory_space<vmem>>
        %gather3A_906 = tpu.vector_load_idx %gather3A_905[%add3A_900, %and3A_897] : memref<128x128xf32, #tpu.memory_space<vmem>>[vector<16xi32>, vector<16xi32>], vector<16xf32>,
        %scatter3A_907 = arith.constant 2 : i32
        %scatter3A_908 = arith.constant 0 : i32
        %scatter3A_909 = arith.constant 0 : i32
        %scatter3A_910 = tpu.memref_slice %arg7[%scatter3A_907, %scatter3A_908, %scatter3A_909] : memref<4x64x128xf32, #tpu.memory_space<vmem>> -> memref<1x64x128xf32, #tpu.memory_space<vmem>>
        %scatter3A_911 = tpu.memref_squeeze %scatter3A_910 : memref<1x64x128xf32, #tpu.memory_space<vmem>> -> memref<64x128xf32, #tpu.memory_space<vmem>>
        tpu.vector_store_idx %scatter3A_911[%and3A_897, %add3A_900], %gather3A_906 : memref<64x128xf32, #tpu.memory_space<vmem>>[vector<16xi32>, vector<16xi32>], vector<16xf32>,
        %add3A_912 = arith.constant 16 : i32
        %add3A_913 = vector.broadcast %add3A_912 : i32 to vector<16xi32>
        %add3A_914 = arith.addi %iota3A, %add3A_913 : vector<16xi32>
        %gather3A_915 = arith.constant 2 : i32
        %gather3A_916 = arith.constant 0 : i32
        %gather3A_917 = arith.constant 0 : i32
        %gather3A_918 = tpu.memref_slice %arg6[%gather3A_915, %gather3A_916, %gather3A_917] : memref<4x128x128xf32, #tpu.memory_space<vmem>> -> memref<1x128x128xf32, #tpu.memory_space<vmem>>
        %gather3A_919 = tpu.memref_squeeze %gather3A_918 : memref<1x128x128xf32, #tpu.memory_space<vmem>> -> memref<128x128xf32, #tpu.memory_space<vmem>>
        %gather3A_920 = tpu.vector_load_idx %gather3A_919[%add3A_914, %and3A_897] : memref<128x128xf32, #tpu.memory_space<vmem>>[vector<16xi32>, vector<16xi32>], vector<16xf32>,
        %scatter3A_921 = arith.constant 2 : i32
        %scatter3A_922 = arith.constant 0 : i32
        %scatter3A_923 = arith.constant 0 : i32
        %scatter3A_924 = tpu.memref_slice %arg7[%scatter3A_921, %scatter3A_922, %scatter3A_923] : memref<4x64x128xf32, #tpu.memory_space<vmem>> -> memref<1x64x128xf32, #tpu.memory_space<vmem>>
        %scatter3A_925 = tpu.memref_squeeze %scatter3A_924 : memref<1x64x128xf32, #tpu.memory_space<vmem>> -> memref<64x128xf32, #tpu.memory_space<vmem>>
        tpu.vector_store_idx %scatter3A_925[%and3A_897, %add3A_914], %gather3A_920 : memref<64x128xf32, #tpu.memory_space<vmem>>[vector<16xi32>, vector<16xi32>], vector<16xf32>,
        %add3A_926 = arith.constant 32 : i32
        %add3A_927 = vector.broadcast %add3A_926 : i32 to vector<16xi32>
        %add3A_928 = arith.addi %iota3A, %add3A_927 : vector<16xi32>
        %gather3A_929 = arith.constant 2 : i32
        %gather3A_930 = arith.constant 0 : i32
        %gather3A_931 = arith.constant 0 : i32
        %gather3A_932 = tpu.memref_slice %arg6[%gather3A_929, %gather3A_930, %gather3A_931] : memref<4x128x128xf32, #tpu.memory_space<vmem>> -> memref<1x128x128xf32, #tpu.memory_space<vmem>>
        %gather3A_933 = tpu.memref_squeeze %gather3A_932 : memref<1x128x128xf32, #tpu.memory_space<vmem>> -> memref<128x128xf32, #tpu.memory_space<vmem>>
        %gather3A_934 = tpu.vector_load_idx %gather3A_933[%add3A_928, %and3A_897] : memref<128x128xf32, #tpu.memory_space<vmem>>[vector<16xi32>, vector<16xi32>], vector<16xf32>,
        %scatter3A_935 = arith.constant 2 : i32
        %scatter3A_936 = arith.constant 0 : i32
        %scatter3A_937 = arith.constant 0 : i32
        %scatter3A_938 = tpu.memref_slice %arg7[%scatter3A_935, %scatter3A_936, %scatter3A_937] : memref<4x64x128xf32, #tpu.memory_space<vmem>> -> memref<1x64x128xf32, #tpu.memory_space<vmem>>
        %scatter3A_939 = tpu.memref_squeeze %scatter3A_938 : memref<1x64x128xf32, #tpu.memory_space<vmem>> -> memref<64x128xf32, #tpu.memory_space<vmem>>
        tpu.vector_store_idx %scatter3A_939[%and3A_897, %add3A_928], %gather3A_934 : memref<64x128xf32, #tpu.memory_space<vmem>>[vector<16xi32>, vector<16xi32>], vector<16xf32>,
        %add3A_940 = arith.constant 48 : i32
        %add3A_941 = vector.broadcast %add3A_940 : i32 to vector<16xi32>
        %add3A_942 = arith.addi %iota3A, %add3A_941 : vector<16xi32>
        %gather3A_943 = arith.constant 2 : i32
        %gather3A_944 = arith.constant 0 : i32
        %gather3A_945 = arith.constant 0 : i32
        %gather3A_946 = tpu.memref_slice %arg6[%gather3A_943, %gather3A_944, %gather3A_945] : memref<4x128x128xf32, #tpu.memory_space<vmem>> -> memref<1x128x128xf32, #tpu.memory_space<vmem>>
        %gather3A_947 = tpu.memref_squeeze %gather3A_946 : memref<1x128x128xf32, #tpu.memory_space<vmem>> -> memref<128x128xf32, #tpu.memory_space<vmem>>
        %gather3A_948 = tpu.vector_load_idx %gather3A_947[%add3A_942, %and3A_897] : memref<128x128xf32, #tpu.memory_space<vmem>>[vector<16xi32>, vector<16xi32>], vector<16xf32>,
        %scatter3A_949 = arith.constant 2 : i32
        %scatter3A_950 = arith.constant 0 : i32
        %scatter3A_951 = arith.constant 0 : i32
        %scatter3A_952 = tpu.memref_slice %arg7[%scatter3A_949, %scatter3A_950, %scatter3A_951] : memref<4x64x128xf32, #tpu.memory_space<vmem>> -> memref<1x64x128xf32, #tpu.memory_space<vmem>>
        %scatter3A_953 = tpu.memref_squeeze %scatter3A_952 : memref<1x64x128xf32, #tpu.memory_space<vmem>> -> memref<64x128xf32, #tpu.memory_space<vmem>>
        tpu.vector_store_idx %scatter3A_953[%and3A_897, %add3A_942], %gather3A_948 : memref<64x128xf32, #tpu.memory_space<vmem>>[vector<16xi32>, vector<16xi32>], vector<16xf32>,
        %add3A_954 = arith.constant 64 : i32
        %add3A_955 = vector.broadcast %add3A_954 : i32 to vector<16xi32>
        %add3A_956 = arith.addi %iota3A, %add3A_955 : vector<16xi32>
        %gather3A_957 = arith.constant 2 : i32
        %gather3A_958 = arith.constant 0 : i32
        %gather3A_959 = arith.constant 0 : i32
        %gather3A_960 = tpu.memref_slice %arg6[%gather3A_957, %gather3A_958, %gather3A_959] : memref<4x128x128xf32, #tpu.memory_space<vmem>> -> memref<1x128x128xf32, #tpu.memory_space<vmem>>
        %gather3A_961 = tpu.memref_squeeze %gather3A_960 : memref<1x128x128xf32, #tpu.memory_space<vmem>> -> memref<128x128xf32, #tpu.memory_space<vmem>>
        %gather3A_962 = tpu.vector_load_idx %gather3A_961[%add3A_956, %and3A_897] : memref<128x128xf32, #tpu.memory_space<vmem>>[vector<16xi32>, vector<16xi32>], vector<16xf32>,
        %scatter3A_963 = arith.constant 2 : i32
        %scatter3A_964 = arith.constant 0 : i32
        %scatter3A_965 = arith.constant 0 : i32
        %scatter3A_966 = tpu.memref_slice %arg7[%scatter3A_963, %scatter3A_964, %scatter3A_965] : memref<4x64x128xf32, #tpu.memory_space<vmem>> -> memref<1x64x128xf32, #tpu.memory_space<vmem>>
        %scatter3A_967 = tpu.memref_squeeze %scatter3A_966 : memref<1x64x128xf32, #tpu.memory_space<vmem>> -> memref<64x128xf32, #tpu.memory_space<vmem>>
        tpu.vector_store_idx %scatter3A_967[%and3A_897, %add3A_956], %gather3A_962 : memref<64x128xf32, #tpu.memory_space<vmem>>[vector<16xi32>, vector<16xi32>], vector<16xf32>,
        %add3A_968 = arith.constant 80 : i32
        %add3A_969 = vector.broadcast %add3A_968 : i32 to vector<16xi32>
        %add3A_970 = arith.addi %iota3A, %add3A_969 : vector<16xi32>
        %gather3A_971 = arith.constant 2 : i32
        %gather3A_972 = arith.constant 0 : i32
        %gather3A_973 = arith.constant 0 : i32
        %gather3A_974 = tpu.memref_slice %arg6[%gather3A_971, %gather3A_972, %gather3A_973] : memref<4x128x128xf32, #tpu.memory_space<vmem>> -> memref<1x128x128xf32, #tpu.memory_space<vmem>>
        %gather3A_975 = tpu.memref_squeeze %gather3A_974 : memref<1x128x128xf32, #tpu.memory_space<vmem>> -> memref<128x128xf32, #tpu.memory_space<vmem>>
        %gather3A_976 = tpu.vector_load_idx %gather3A_975[%add3A_970, %and3A_897] : memref<128x128xf32, #tpu.memory_space<vmem>>[vector<16xi32>, vector<16xi32>], vector<16xf32>,
        %scatter3A_977 = arith.constant 2 : i32
        %scatter3A_978 = arith.constant 0 : i32
        %scatter3A_979 = arith.constant 0 : i32
        %scatter3A_980 = tpu.memref_slice %arg7[%scatter3A_977, %scatter3A_978, %scatter3A_979] : memref<4x64x128xf32, #tpu.memory_space<vmem>> -> memref<1x64x128xf32, #tpu.memory_space<vmem>>
        %scatter3A_981 = tpu.memref_squeeze %scatter3A_980 : memref<1x64x128xf32, #tpu.memory_space<vmem>> -> memref<64x128xf32, #tpu.memory_space<vmem>>
        tpu.vector_store_idx %scatter3A_981[%and3A_897, %add3A_970], %gather3A_976 : memref<64x128xf32, #tpu.memory_space<vmem>>[vector<16xi32>, vector<16xi32>], vector<16xf32>,
        %add3A_982 = arith.constant 96 : i32
        %add3A_983 = vector.broadcast %add3A_982 : i32 to vector<16xi32>
        %add3A_984 = arith.addi %iota3A, %add3A_983 : vector<16xi32>
        %gather3A_985 = arith.constant 2 : i32
        %gather3A_986 = arith.constant 0 : i32
        %gather3A_987 = arith.constant 0 : i32
        %gather3A_988 = tpu.memref_slice %arg6[%gather3A_985, %gather3A_986, %gather3A_987] : memref<4x128x128xf32, #tpu.memory_space<vmem>> -> memref<1x128x128xf32, #tpu.memory_space<vmem>>
        %gather3A_989 = tpu.memref_squeeze %gather3A_988 : memref<1x128x128xf32, #tpu.memory_space<vmem>> -> memref<128x128xf32, #tpu.memory_space<vmem>>
        %gather3A_990 = tpu.vector_load_idx %gather3A_989[%add3A_984, %and3A_897] : memref<128x128xf32, #tpu.memory_space<vmem>>[vector<16xi32>, vector<16xi32>], vector<16xf32>,
        %scatter3A_991 = arith.constant 2 : i32
        %scatter3A_992 = arith.constant 0 : i32
        %scatter3A_993 = arith.constant 0 : i32
        %scatter3A_994 = tpu.memref_slice %arg7[%scatter3A_991, %scatter3A_992, %scatter3A_993] : memref<4x64x128xf32, #tpu.memory_space<vmem>> -> memref<1x64x128xf32, #tpu.memory_space<vmem>>
        %scatter3A_995 = tpu.memref_squeeze %scatter3A_994 : memref<1x64x128xf32, #tpu.memory_space<vmem>> -> memref<64x128xf32, #tpu.memory_space<vmem>>
        tpu.vector_store_idx %scatter3A_995[%and3A_897, %add3A_984], %gather3A_990 : memref<64x128xf32, #tpu.memory_space<vmem>>[vector<16xi32>, vector<16xi32>], vector<16xf32>,
        %add3A_996 = arith.constant 112 : i32
        %add3A_997 = vector.broadcast %add3A_996 : i32 to vector<16xi32>
        %add3A_998 = arith.addi %iota3A, %add3A_997 : vector<16xi32>
        %gather3A_999 = arith.constant 2 : i32
        %gather3A_1000 = arith.constant 0 : i32
        %gather3A_1001 = arith.constant 0 : i32
        %gather3A_1002 = tpu.memref_slice %arg6[%gather3A_999, %gather3A_1000, %gather3A_1001] : memref<4x128x128xf32, #tpu.memory_space<vmem>> -> memref<1x128x128xf32, #tpu.memory_space<vmem>>
        %gather3A_1003 = tpu.memref_squeeze %gather3A_1002 : memref<1x128x128xf32, #tpu.memory_space<vmem>> -> memref<128x128xf32, #tpu.memory_space<vmem>>
        %gather3A_1004 = tpu.vector_load_idx %gather3A_1003[%add3A_998, %and3A_897] : memref<128x128xf32, #tpu.memory_space<vmem>>[vector<16xi32>, vector<16xi32>], vector<16xf32>,
        %scatter3A_1005 = arith.constant 2 : i32
        %scatter3A_1006 = arith.constant 0 : i32
        %scatter3A_1007 = arith.constant 0 : i32
        %scatter3A_1008 = tpu.memref_slice %arg7[%scatter3A_1005, %scatter3A_1006, %scatter3A_1007] : memref<4x64x128xf32, #tpu.memory_space<vmem>> -> memref<1x64x128xf32, #tpu.memory_space<vmem>>
        %scatter3A_1009 = tpu.memref_squeeze %scatter3A_1008 : memref<1x64x128xf32, #tpu.memory_space<vmem>> -> memref<64x128xf32, #tpu.memory_space<vmem>>
        tpu.vector_store_idx %scatter3A_1009[%and3A_897, %add3A_998], %gather3A_1004 : memref<64x128xf32, #tpu.memory_space<vmem>>[vector<16xi32>, vector<16xi32>], vector<16xf32>,
        %scan3A_1010 = arith.constant 2 : i32
        %scan3A_1011 = arith.addi %scan3A_768, %scan3A_1010 : i32
        %mul3A_1012 = arith.constant 1 : i32
        %mul3A_1013 = arith.muli %scan3A_1011, %mul3A_1012 : i32
        %add3A_1014 = arith.constant 0 : i32
        %add3A_1015 = arith.addi %add3A_1014, %mul3A_1013 : i32
        %broadcast_in_dim3A_1016 = vector.broadcast %add3A_1015 : i32 to vector<16xi32>
        %add3A_1017 = arith.addi %broadcast_in_dim3A_1016, %iota3A : vector<16xi32>
        %and3A_1018 = arith.constant 63 : i32
        %and3A_1019 = vector.broadcast %and3A_1018 : i32 to vector<16xi32>
        %and3A_1020 = arith.andi %add3A_1017, %and3A_1019 : vector<16xi32>
        %add3A_1021 = arith.constant 0 : i32
        %add3A_1022 = vector.broadcast %add3A_1021 : i32 to vector<16xi32>
        %add3A_1023 = arith.addi %iota3A, %add3A_1022 : vector<16xi32>
        %gather3A_1024 = arith.constant 2 : i32
        %gather3A_1025 = arith.constant 0 : i32
        %gather3A_1026 = arith.constant 0 : i32
        %gather3A_1027 = tpu.memref_slice %arg6[%gather3A_1024, %gather3A_1025, %gather3A_1026] : memref<4x128x128xf32, #tpu.memory_space<vmem>> -> memref<1x128x128xf32, #tpu.memory_space<vmem>>
        %gather3A_1028 = tpu.memref_squeeze %gather3A_1027 : memref<1x128x128xf32, #tpu.memory_space<vmem>> -> memref<128x128xf32, #tpu.memory_space<vmem>>
        %gather3A_1029 = tpu.vector_load_idx %gather3A_1028[%add3A_1023, %and3A_1020] : memref<128x128xf32, #tpu.memory_space<vmem>>[vector<16xi32>, vector<16xi32>], vector<16xf32>,
        %scatter3A_1030 = arith.constant 2 : i32
        %scatter3A_1031 = arith.constant 0 : i32
        %scatter3A_1032 = arith.constant 0 : i32
        %scatter3A_1033 = tpu.memref_slice %arg7[%scatter3A_1030, %scatter3A_1031, %scatter3A_1032] : memref<4x64x128xf32, #tpu.memory_space<vmem>> -> memref<1x64x128xf32, #tpu.memory_space<vmem>>
        %scatter3A_1034 = tpu.memref_squeeze %scatter3A_1033 : memref<1x64x128xf32, #tpu.memory_space<vmem>> -> memref<64x128xf32, #tpu.memory_space<vmem>>
        tpu.vector_store_idx %scatter3A_1034[%and3A_1020, %add3A_1023], %gather3A_1029 : memref<64x128xf32, #tpu.memory_space<vmem>>[vector<16xi32>, vector<16xi32>], vector<16xf32>,
        %add3A_1035 = arith.constant 16 : i32
        %add3A_1036 = vector.broadcast %add3A_1035 : i32 to vector<16xi32>
        %add3A_1037 = arith.addi %iota3A, %add3A_1036 : vector<16xi32>
        %gather3A_1038 = arith.constant 2 : i32
        %gather3A_1039 = arith.constant 0 : i32
        %gather3A_1040 = arith.constant 0 : i32
        %gather3A_1041 = tpu.memref_slice %arg6[%gather3A_1038, %gather3A_1039, %gather3A_1040] : memref<4x128x128xf32, #tpu.memory_space<vmem>> -> memref<1x128x128xf32, #tpu.memory_space<vmem>>
        %gather3A_1042 = tpu.memref_squeeze %gather3A_1041 : memref<1x128x128xf32, #tpu.memory_space<vmem>> -> memref<128x128xf32, #tpu.memory_space<vmem>>
        %gather3A_1043 = tpu.vector_load_idx %gather3A_1042[%add3A_1037, %and3A_1020] : memref<128x128xf32, #tpu.memory_space<vmem>>[vector<16xi32>, vector<16xi32>], vector<16xf32>,
        %scatter3A_1044 = arith.constant 2 : i32
        %scatter3A_1045 = arith.constant 0 : i32
        %scatter3A_1046 = arith.constant 0 : i32
        %scatter3A_1047 = tpu.memref_slice %arg7[%scatter3A_1044, %scatter3A_1045, %scatter3A_1046] : memref<4x64x128xf32, #tpu.memory_space<vmem>> -> memref<1x64x128xf32, #tpu.memory_space<vmem>>
        %scatter3A_1048 = tpu.memref_squeeze %scatter3A_1047 : memref<1x64x128xf32, #tpu.memory_space<vmem>> -> memref<64x128xf32, #tpu.memory_space<vmem>>
        tpu.vector_store_idx %scatter3A_1048[%and3A_1020, %add3A_1037], %gather3A_1043 : memref<64x128xf32, #tpu.memory_space<vmem>>[vector<16xi32>, vector<16xi32>], vector<16xf32>,
        %add3A_1049 = arith.constant 32 : i32
        %add3A_1050 = vector.broadcast %add3A_1049 : i32 to vector<16xi32>
        %add3A_1051 = arith.addi %iota3A, %add3A_1050 : vector<16xi32>
        %gather3A_1052 = arith.constant 2 : i32
        %gather3A_1053 = arith.constant 0 : i32
        %gather3A_1054 = arith.constant 0 : i32
        %gather3A_1055 = tpu.memref_slice %arg6[%gather3A_1052, %gather3A_1053, %gather3A_1054] : memref<4x128x128xf32, #tpu.memory_space<vmem>> -> memref<1x128x128xf32, #tpu.memory_space<vmem>>
        %gather3A_1056 = tpu.memref_squeeze %gather3A_1055 : memref<1x128x128xf32, #tpu.memory_space<vmem>> -> memref<128x128xf32, #tpu.memory_space<vmem>>
        %gather3A_1057 = tpu.vector_load_idx %gather3A_1056[%add3A_1051, %and3A_1020] : memref<128x128xf32, #tpu.memory_space<vmem>>[vector<16xi32>, vector<16xi32>], vector<16xf32>,
        %scatter3A_1058 = arith.constant 2 : i32
        %scatter3A_1059 = arith.constant 0 : i32
        %scatter3A_1060 = arith.constant 0 : i32
        %scatter3A_1061 = tpu.memref_slice %arg7[%scatter3A_1058, %scatter3A_1059, %scatter3A_1060] : memref<4x64x128xf32, #tpu.memory_space<vmem>> -> memref<1x64x128xf32, #tpu.memory_space<vmem>>
        %scatter3A_1062 = tpu.memref_squeeze %scatter3A_1061 : memref<1x64x128xf32, #tpu.memory_space<vmem>> -> memref<64x128xf32, #tpu.memory_space<vmem>>
        tpu.vector_store_idx %scatter3A_1062[%and3A_1020, %add3A_1051], %gather3A_1057 : memref<64x128xf32, #tpu.memory_space<vmem>>[vector<16xi32>, vector<16xi32>], vector<16xf32>,
        %add3A_1063 = arith.constant 48 : i32
        %add3A_1064 = vector.broadcast %add3A_1063 : i32 to vector<16xi32>
        %add3A_1065 = arith.addi %iota3A, %add3A_1064 : vector<16xi32>
        %gather3A_1066 = arith.constant 2 : i32
        %gather3A_1067 = arith.constant 0 : i32
        %gather3A_1068 = arith.constant 0 : i32
        %gather3A_1069 = tpu.memref_slice %arg6[%gather3A_1066, %gather3A_1067, %gather3A_1068] : memref<4x128x128xf32, #tpu.memory_space<vmem>> -> memref<1x128x128xf32, #tpu.memory_space<vmem>>
        %gather3A_1070 = tpu.memref_squeeze %gather3A_1069 : memref<1x128x128xf32, #tpu.memory_space<vmem>> -> memref<128x128xf32, #tpu.memory_space<vmem>>
        %gather3A_1071 = tpu.vector_load_idx %gather3A_1070[%add3A_1065, %and3A_1020] : memref<128x128xf32, #tpu.memory_space<vmem>>[vector<16xi32>, vector<16xi32>], vector<16xf32>,
        %scatter3A_1072 = arith.constant 2 : i32
        %scatter3A_1073 = arith.constant 0 : i32
        %scatter3A_1074 = arith.constant 0 : i32
        %scatter3A_1075 = tpu.memref_slice %arg7[%scatter3A_1072, %scatter3A_1073, %scatter3A_1074] : memref<4x64x128xf32, #tpu.memory_space<vmem>> -> memref<1x64x128xf32, #tpu.memory_space<vmem>>
        %scatter3A_1076 = tpu.memref_squeeze %scatter3A_1075 : memref<1x64x128xf32, #tpu.memory_space<vmem>> -> memref<64x128xf32, #tpu.memory_space<vmem>>
        tpu.vector_store_idx %scatter3A_1076[%and3A_1020, %add3A_1065], %gather3A_1071 : memref<64x128xf32, #tpu.memory_space<vmem>>[vector<16xi32>, vector<16xi32>], vector<16xf32>,
        %add3A_1077 = arith.constant 64 : i32
        %add3A_1078 = vector.broadcast %add3A_1077 : i32 to vector<16xi32>
        %add3A_1079 = arith.addi %iota3A, %add3A_1078 : vector<16xi32>
        %gather3A_1080 = arith.constant 2 : i32
        %gather3A_1081 = arith.constant 0 : i32
        %gather3A_1082 = arith.constant 0 : i32
        %gather3A_1083 = tpu.memref_slice %arg6[%gather3A_1080, %gather3A_1081, %gather3A_1082] : memref<4x128x128xf32, #tpu.memory_space<vmem>> -> memref<1x128x128xf32, #tpu.memory_space<vmem>>
        %gather3A_1084 = tpu.memref_squeeze %gather3A_1083 : memref<1x128x128xf32, #tpu.memory_space<vmem>> -> memref<128x128xf32, #tpu.memory_space<vmem>>
        %gather3A_1085 = tpu.vector_load_idx %gather3A_1084[%add3A_1079, %and3A_1020] : memref<128x128xf32, #tpu.memory_space<vmem>>[vector<16xi32>, vector<16xi32>], vector<16xf32>,
        %scatter3A_1086 = arith.constant 2 : i32
        %scatter3A_1087 = arith.constant 0 : i32
        %scatter3A_1088 = arith.constant 0 : i32
        %scatter3A_1089 = tpu.memref_slice %arg7[%scatter3A_1086, %scatter3A_1087, %scatter3A_1088] : memref<4x64x128xf32, #tpu.memory_space<vmem>> -> memref<1x64x128xf32, #tpu.memory_space<vmem>>
        %scatter3A_1090 = tpu.memref_squeeze %scatter3A_1089 : memref<1x64x128xf32, #tpu.memory_space<vmem>> -> memref<64x128xf32, #tpu.memory_space<vmem>>
        tpu.vector_store_idx %scatter3A_1090[%and3A_1020, %add3A_1079], %gather3A_1085 : memref<64x128xf32, #tpu.memory_space<vmem>>[vector<16xi32>, vector<16xi32>], vector<16xf32>,
        %add3A_1091 = arith.constant 80 : i32
        %add3A_1092 = vector.broadcast %add3A_1091 : i32 to vector<16xi32>
        %add3A_1093 = arith.addi %iota3A, %add3A_1092 : vector<16xi32>
        %gather3A_1094 = arith.constant 2 : i32
        %gather3A_1095 = arith.constant 0 : i32
        %gather3A_1096 = arith.constant 0 : i32
        %gather3A_1097 = tpu.memref_slice %arg6[%gather3A_1094, %gather3A_1095, %gather3A_1096] : memref<4x128x128xf32, #tpu.memory_space<vmem>> -> memref<1x128x128xf32, #tpu.memory_space<vmem>>
        %gather3A_1098 = tpu.memref_squeeze %gather3A_1097 : memref<1x128x128xf32, #tpu.memory_space<vmem>> -> memref<128x128xf32, #tpu.memory_space<vmem>>
        %gather3A_1099 = tpu.vector_load_idx %gather3A_1098[%add3A_1093, %and3A_1020] : memref<128x128xf32, #tpu.memory_space<vmem>>[vector<16xi32>, vector<16xi32>], vector<16xf32>,
        %scatter3A_1100 = arith.constant 2 : i32
        %scatter3A_1101 = arith.constant 0 : i32
        %scatter3A_1102 = arith.constant 0 : i32
        %scatter3A_1103 = tpu.memref_slice %arg7[%scatter3A_1100, %scatter3A_1101, %scatter3A_1102] : memref<4x64x128xf32, #tpu.memory_space<vmem>> -> memref<1x64x128xf32, #tpu.memory_space<vmem>>
        %scatter3A_1104 = tpu.memref_squeeze %scatter3A_1103 : memref<1x64x128xf32, #tpu.memory_space<vmem>> -> memref<64x128xf32, #tpu.memory_space<vmem>>
        tpu.vector_store_idx %scatter3A_1104[%and3A_1020, %add3A_1093], %gather3A_1099 : memref<64x128xf32, #tpu.memory_space<vmem>>[vector<16xi32>, vector<16xi32>], vector<16xf32>,
        %add3A_1105 = arith.constant 96 : i32
        %add3A_1106 = vector.broadcast %add3A_1105 : i32 to vector<16xi32>
        %add3A_1107 = arith.addi %iota3A, %add3A_1106 : vector<16xi32>
        %gather3A_1108 = arith.constant 2 : i32
        %gather3A_1109 = arith.constant 0 : i32
        %gather3A_1110 = arith.constant 0 : i32
        %gather3A_1111 = tpu.memref_slice %arg6[%gather3A_1108, %gather3A_1109, %gather3A_1110] : memref<4x128x128xf32, #tpu.memory_space<vmem>> -> memref<1x128x128xf32, #tpu.memory_space<vmem>>
        %gather3A_1112 = tpu.memref_squeeze %gather3A_1111 : memref<1x128x128xf32, #tpu.memory_space<vmem>> -> memref<128x128xf32, #tpu.memory_space<vmem>>
        %gather3A_1113 = tpu.vector_load_idx %gather3A_1112[%add3A_1107, %and3A_1020] : memref<128x128xf32, #tpu.memory_space<vmem>>[vector<16xi32>, vector<16xi32>], vector<16xf32>,
        %scatter3A_1114 = arith.constant 2 : i32
        %scatter3A_1115 = arith.constant 0 : i32
        %scatter3A_1116 = arith.constant 0 : i32
        %scatter3A_1117 = tpu.memref_slice %arg7[%scatter3A_1114, %scatter3A_1115, %scatter3A_1116] : memref<4x64x128xf32, #tpu.memory_space<vmem>> -> memref<1x64x128xf32, #tpu.memory_space<vmem>>
        %scatter3A_1118 = tpu.memref_squeeze %scatter3A_1117 : memref<1x64x128xf32, #tpu.memory_space<vmem>> -> memref<64x128xf32, #tpu.memory_space<vmem>>
        tpu.vector_store_idx %scatter3A_1118[%and3A_1020, %add3A_1107], %gather3A_1113 : memref<64x128xf32, #tpu.memory_space<vmem>>[vector<16xi32>, vector<16xi32>], vector<16xf32>,
        %add3A_1119 = arith.constant 112 : i32
        %add3A_1120 = vector.broadcast %add3A_1119 : i32 to vector<16xi32>
        %add3A_1121 = arith.addi %iota3A, %add3A_1120 : vector<16xi32>
        %gather3A_1122 = arith.constant 2 : i32
        %gather3A_1123 = arith.constant 0 : i32
        %gather3A_1124 = arith.constant 0 : i32
        %gather3A_1125 = tpu.memref_slice %arg6[%gather3A_1122, %gather3A_1123, %gather3A_1124] : memref<4x128x128xf32, #tpu.memory_space<vmem>> -> memref<1x128x128xf32, #tpu.memory_space<vmem>>
        %gather3A_1126 = tpu.memref_squeeze %gather3A_1125 : memref<1x128x128xf32, #tpu.memory_space<vmem>> -> memref<128x128xf32, #tpu.memory_space<vmem>>
        %gather3A_1127 = tpu.vector_load_idx %gather3A_1126[%add3A_1121, %and3A_1020] : memref<128x128xf32, #tpu.memory_space<vmem>>[vector<16xi32>, vector<16xi32>], vector<16xf32>,
        %scatter3A_1128 = arith.constant 2 : i32
        %scatter3A_1129 = arith.constant 0 : i32
        %scatter3A_1130 = arith.constant 0 : i32
        %scatter3A_1131 = tpu.memref_slice %arg7[%scatter3A_1128, %scatter3A_1129, %scatter3A_1130] : memref<4x64x128xf32, #tpu.memory_space<vmem>> -> memref<1x64x128xf32, #tpu.memory_space<vmem>>
        %scatter3A_1132 = tpu.memref_squeeze %scatter3A_1131 : memref<1x64x128xf32, #tpu.memory_space<vmem>> -> memref<64x128xf32, #tpu.memory_space<vmem>>
        tpu.vector_store_idx %scatter3A_1132[%and3A_1020, %add3A_1121], %gather3A_1127 : memref<64x128xf32, #tpu.memory_space<vmem>>[vector<16xi32>, vector<16xi32>], vector<16xf32>,
        %scan3A_1133 = arith.constant 3 : i32
        %scan3A_1134 = arith.addi %scan3A_768, %scan3A_1133 : i32
        %mul3A_1135 = arith.constant 1 : i32
        %mul3A_1136 = arith.muli %scan3A_1134, %mul3A_1135 : i32
        %add3A_1137 = arith.constant 0 : i32
        %add3A_1138 = arith.addi %add3A_1137, %mul3A_1136 : i32
        %broadcast_in_dim3A_1139 = vector.broadcast %add3A_1138 : i32 to vector<16xi32>
        %add3A_1140 = arith.addi %broadcast_in_dim3A_1139, %iota3A : vector<16xi32>
        %and3A_1141 = arith.constant 63 : i32
        %and3A_1142 = vector.broadcast %and3A_1141 : i32 to vector<16xi32>
        %and3A_1143 = arith.andi %add3A_1140, %and3A_1142 : vector<16xi32>
        %add3A_1144 = arith.constant 0 : i32
        %add3A_1145 = vector.broadcast %add3A_1144 : i32 to vector<16xi32>
        %add3A_1146 = arith.addi %iota3A, %add3A_1145 : vector<16xi32>
        %gather3A_1147 = arith.constant 2 : i32
        %gather3A_1148 = arith.constant 0 : i32
        %gather3A_1149 = arith.constant 0 : i32
        %gather3A_1150 = tpu.memref_slice %arg6[%gather3A_1147, %gather3A_1148, %gather3A_1149] : memref<4x128x128xf32, #tpu.memory_space<vmem>> -> memref<1x128x128xf32, #tpu.memory_space<vmem>>
        %gather3A_1151 = tpu.memref_squeeze %gather3A_1150 : memref<1x128x128xf32, #tpu.memory_space<vmem>> -> memref<128x128xf32, #tpu.memory_space<vmem>>
        %gather3A_1152 = tpu.vector_load_idx %gather3A_1151[%add3A_1146, %and3A_1143] : memref<128x128xf32, #tpu.memory_space<vmem>>[vector<16xi32>, vector<16xi32>], vector<16xf32>,
        %scatter3A_1153 = arith.constant 2 : i32
        %scatter3A_1154 = arith.constant 0 : i32
        %scatter3A_1155 = arith.constant 0 : i32
        %scatter3A_1156 = tpu.memref_slice %arg7[%scatter3A_1153, %scatter3A_1154, %scatter3A_1155] : memref<4x64x128xf32, #tpu.memory_space<vmem>> -> memref<1x64x128xf32, #tpu.memory_space<vmem>>
        %scatter3A_1157 = tpu.memref_squeeze %scatter3A_1156 : memref<1x64x128xf32, #tpu.memory_space<vmem>> -> memref<64x128xf32, #tpu.memory_space<vmem>>
        tpu.vector_store_idx %scatter3A_1157[%and3A_1143, %add3A_1146], %gather3A_1152 : memref<64x128xf32, #tpu.memory_space<vmem>>[vector<16xi32>, vector<16xi32>], vector<16xf32>,
        %add3A_1158 = arith.constant 16 : i32
        %add3A_1159 = vector.broadcast %add3A_1158 : i32 to vector<16xi32>
        %add3A_1160 = arith.addi %iota3A, %add3A_1159 : vector<16xi32>
        %gather3A_1161 = arith.constant 2 : i32
        %gather3A_1162 = arith.constant 0 : i32
        %gather3A_1163 = arith.constant 0 : i32
        %gather3A_1164 = tpu.memref_slice %arg6[%gather3A_1161, %gather3A_1162, %gather3A_1163] : memref<4x128x128xf32, #tpu.memory_space<vmem>> -> memref<1x128x128xf32, #tpu.memory_space<vmem>>
        %gather3A_1165 = tpu.memref_squeeze %gather3A_1164 : memref<1x128x128xf32, #tpu.memory_space<vmem>> -> memref<128x128xf32, #tpu.memory_space<vmem>>
        %gather3A_1166 = tpu.vector_load_idx %gather3A_1165[%add3A_1160, %and3A_1143] : memref<128x128xf32, #tpu.memory_space<vmem>>[vector<16xi32>, vector<16xi32>], vector<16xf32>,
        %scatter3A_1167 = arith.constant 2 : i32
        %scatter3A_1168 = arith.constant 0 : i32
        %scatter3A_1169 = arith.constant 0 : i32
        %scatter3A_1170 = tpu.memref_slice %arg7[%scatter3A_1167, %scatter3A_1168, %scatter3A_1169] : memref<4x64x128xf32, #tpu.memory_space<vmem>> -> memref<1x64x128xf32, #tpu.memory_space<vmem>>
        %scatter3A_1171 = tpu.memref_squeeze %scatter3A_1170 : memref<1x64x128xf32, #tpu.memory_space<vmem>> -> memref<64x128xf32, #tpu.memory_space<vmem>>
        tpu.vector_store_idx %scatter3A_1171[%and3A_1143, %add3A_1160], %gather3A_1166 : memref<64x128xf32, #tpu.memory_space<vmem>>[vector<16xi32>, vector<16xi32>], vector<16xf32>,
        %add3A_1172 = arith.constant 32 : i32
        %add3A_1173 = vector.broadcast %add3A_1172 : i32 to vector<16xi32>
        %add3A_1174 = arith.addi %iota3A, %add3A_1173 : vector<16xi32>
        %gather3A_1175 = arith.constant 2 : i32
        %gather3A_1176 = arith.constant 0 : i32
        %gather3A_1177 = arith.constant 0 : i32
        %gather3A_1178 = tpu.memref_slice %arg6[%gather3A_1175, %gather3A_1176, %gather3A_1177] : memref<4x128x128xf32, #tpu.memory_space<vmem>> -> memref<1x128x128xf32, #tpu.memory_space<vmem>>
        %gather3A_1179 = tpu.memref_squeeze %gather3A_1178 : memref<1x128x128xf32, #tpu.memory_space<vmem>> -> memref<128x128xf32, #tpu.memory_space<vmem>>
        %gather3A_1180 = tpu.vector_load_idx %gather3A_1179[%add3A_1174, %and3A_1143] : memref<128x128xf32, #tpu.memory_space<vmem>>[vector<16xi32>, vector<16xi32>], vector<16xf32>,
        %scatter3A_1181 = arith.constant 2 : i32
        %scatter3A_1182 = arith.constant 0 : i32
        %scatter3A_1183 = arith.constant 0 : i32
        %scatter3A_1184 = tpu.memref_slice %arg7[%scatter3A_1181, %scatter3A_1182, %scatter3A_1183] : memref<4x64x128xf32, #tpu.memory_space<vmem>> -> memref<1x64x128xf32, #tpu.memory_space<vmem>>
        %scatter3A_1185 = tpu.memref_squeeze %scatter3A_1184 : memref<1x64x128xf32, #tpu.memory_space<vmem>> -> memref<64x128xf32, #tpu.memory_space<vmem>>
        tpu.vector_store_idx %scatter3A_1185[%and3A_1143, %add3A_1174], %gather3A_1180 : memref<64x128xf32, #tpu.memory_space<vmem>>[vector<16xi32>, vector<16xi32>], vector<16xf32>,
        %add3A_1186 = arith.constant 48 : i32
        %add3A_1187 = vector.broadcast %add3A_1186 : i32 to vector<16xi32>
        %add3A_1188 = arith.addi %iota3A, %add3A_1187 : vector<16xi32>
        %gather3A_1189 = arith.constant 2 : i32
        %gather3A_1190 = arith.constant 0 : i32
        %gather3A_1191 = arith.constant 0 : i32
        %gather3A_1192 = tpu.memref_slice %arg6[%gather3A_1189, %gather3A_1190, %gather3A_1191] : memref<4x128x128xf32, #tpu.memory_space<vmem>> -> memref<1x128x128xf32, #tpu.memory_space<vmem>>
        %gather3A_1193 = tpu.memref_squeeze %gather3A_1192 : memref<1x128x128xf32, #tpu.memory_space<vmem>> -> memref<128x128xf32, #tpu.memory_space<vmem>>
        %gather3A_1194 = tpu.vector_load_idx %gather3A_1193[%add3A_1188, %and3A_1143] : memref<128x128xf32, #tpu.memory_space<vmem>>[vector<16xi32>, vector<16xi32>], vector<16xf32>,
        %scatter3A_1195 = arith.constant 2 : i32
        %scatter3A_1196 = arith.constant 0 : i32
        %scatter3A_1197 = arith.constant 0 : i32
        %scatter3A_1198 = tpu.memref_slice %arg7[%scatter3A_1195, %scatter3A_1196, %scatter3A_1197] : memref<4x64x128xf32, #tpu.memory_space<vmem>> -> memref<1x64x128xf32, #tpu.memory_space<vmem>>
        %scatter3A_1199 = tpu.memref_squeeze %scatter3A_1198 : memref<1x64x128xf32, #tpu.memory_space<vmem>> -> memref<64x128xf32, #tpu.memory_space<vmem>>
        tpu.vector_store_idx %scatter3A_1199[%and3A_1143, %add3A_1188], %gather3A_1194 : memref<64x128xf32, #tpu.memory_space<vmem>>[vector<16xi32>, vector<16xi32>], vector<16xf32>,
        %add3A_1200 = arith.constant 64 : i32
        %add3A_1201 = vector.broadcast %add3A_1200 : i32 to vector<16xi32>
        %add3A_1202 = arith.addi %iota3A, %add3A_1201 : vector<16xi32>
        %gather3A_1203 = arith.constant 2 : i32
        %gather3A_1204 = arith.constant 0 : i32
        %gather3A_1205 = arith.constant 0 : i32
        %gather3A_1206 = tpu.memref_slice %arg6[%gather3A_1203, %gather3A_1204, %gather3A_1205] : memref<4x128x128xf32, #tpu.memory_space<vmem>> -> memref<1x128x128xf32, #tpu.memory_space<vmem>>
        %gather3A_1207 = tpu.memref_squeeze %gather3A_1206 : memref<1x128x128xf32, #tpu.memory_space<vmem>> -> memref<128x128xf32, #tpu.memory_space<vmem>>
        %gather3A_1208 = tpu.vector_load_idx %gather3A_1207[%add3A_1202, %and3A_1143] : memref<128x128xf32, #tpu.memory_space<vmem>>[vector<16xi32>, vector<16xi32>], vector<16xf32>,
        %scatter3A_1209 = arith.constant 2 : i32
        %scatter3A_1210 = arith.constant 0 : i32
        %scatter3A_1211 = arith.constant 0 : i32
        %scatter3A_1212 = tpu.memref_slice %arg7[%scatter3A_1209, %scatter3A_1210, %scatter3A_1211] : memref<4x64x128xf32, #tpu.memory_space<vmem>> -> memref<1x64x128xf32, #tpu.memory_space<vmem>>
        %scatter3A_1213 = tpu.memref_squeeze %scatter3A_1212 : memref<1x64x128xf32, #tpu.memory_space<vmem>> -> memref<64x128xf32, #tpu.memory_space<vmem>>
        tpu.vector_store_idx %scatter3A_1213[%and3A_1143, %add3A_1202], %gather3A_1208 : memref<64x128xf32, #tpu.memory_space<vmem>>[vector<16xi32>, vector<16xi32>], vector<16xf32>,
        %add3A_1214 = arith.constant 80 : i32
        %add3A_1215 = vector.broadcast %add3A_1214 : i32 to vector<16xi32>
        %add3A_1216 = arith.addi %iota3A, %add3A_1215 : vector<16xi32>
        %gather3A_1217 = arith.constant 2 : i32
        %gather3A_1218 = arith.constant 0 : i32
        %gather3A_1219 = arith.constant 0 : i32
        %gather3A_1220 = tpu.memref_slice %arg6[%gather3A_1217, %gather3A_1218, %gather3A_1219] : memref<4x128x128xf32, #tpu.memory_space<vmem>> -> memref<1x128x128xf32, #tpu.memory_space<vmem>>
        %gather3A_1221 = tpu.memref_squeeze %gather3A_1220 : memref<1x128x128xf32, #tpu.memory_space<vmem>> -> memref<128x128xf32, #tpu.memory_space<vmem>>
        %gather3A_1222 = tpu.vector_load_idx %gather3A_1221[%add3A_1216, %and3A_1143] : memref<128x128xf32, #tpu.memory_space<vmem>>[vector<16xi32>, vector<16xi32>], vector<16xf32>,
        %scatter3A_1223 = arith.constant 2 : i32
        %scatter3A_1224 = arith.constant 0 : i32
        %scatter3A_1225 = arith.constant 0 : i32
        %scatter3A_1226 = tpu.memref_slice %arg7[%scatter3A_1223, %scatter3A_1224, %scatter3A_1225] : memref<4x64x128xf32, #tpu.memory_space<vmem>> -> memref<1x64x128xf32, #tpu.memory_space<vmem>>
        %scatter3A_1227 = tpu.memref_squeeze %scatter3A_1226 : memref<1x64x128xf32, #tpu.memory_space<vmem>> -> memref<64x128xf32, #tpu.memory_space<vmem>>
        tpu.vector_store_idx %scatter3A_1227[%and3A_1143, %add3A_1216], %gather3A_1222 : memref<64x128xf32, #tpu.memory_space<vmem>>[vector<16xi32>, vector<16xi32>], vector<16xf32>,
        %add3A_1228 = arith.constant 96 : i32
        %add3A_1229 = vector.broadcast %add3A_1228 : i32 to vector<16xi32>
        %add3A_1230 = arith.addi %iota3A, %add3A_1229 : vector<16xi32>
        %gather3A_1231 = arith.constant 2 : i32
        %gather3A_1232 = arith.constant 0 : i32
        %gather3A_1233 = arith.constant 0 : i32
        %gather3A_1234 = tpu.memref_slice %arg6[%gather3A_1231, %gather3A_1232, %gather3A_1233] : memref<4x128x128xf32, #tpu.memory_space<vmem>> -> memref<1x128x128xf32, #tpu.memory_space<vmem>>
        %gather3A_1235 = tpu.memref_squeeze %gather3A_1234 : memref<1x128x128xf32, #tpu.memory_space<vmem>> -> memref<128x128xf32, #tpu.memory_space<vmem>>
        %gather3A_1236 = tpu.vector_load_idx %gather3A_1235[%add3A_1230, %and3A_1143] : memref<128x128xf32, #tpu.memory_space<vmem>>[vector<16xi32>, vector<16xi32>], vector<16xf32>,
        %scatter3A_1237 = arith.constant 2 : i32
        %scatter3A_1238 = arith.constant 0 : i32
        %scatter3A_1239 = arith.constant 0 : i32
        %scatter3A_1240 = tpu.memref_slice %arg7[%scatter3A_1237, %scatter3A_1238, %scatter3A_1239] : memref<4x64x128xf32, #tpu.memory_space<vmem>> -> memref<1x64x128xf32, #tpu.memory_space<vmem>>
        %scatter3A_1241 = tpu.memref_squeeze %scatter3A_1240 : memref<1x64x128xf32, #tpu.memory_space<vmem>> -> memref<64x128xf32, #tpu.memory_space<vmem>>
        tpu.vector_store_idx %scatter3A_1241[%and3A_1143, %add3A_1230], %gather3A_1236 : memref<64x128xf32, #tpu.memory_space<vmem>>[vector<16xi32>, vector<16xi32>], vector<16xf32>,
        %add3A_1242 = arith.constant 112 : i32
        %add3A_1243 = vector.broadcast %add3A_1242 : i32 to vector<16xi32>
        %add3A_1244 = arith.addi %iota3A, %add3A_1243 : vector<16xi32>
        %gather3A_1245 = arith.constant 2 : i32
        %gather3A_1246 = arith.constant 0 : i32
        %gather3A_1247 = arith.constant 0 : i32
        %gather3A_1248 = tpu.memref_slice %arg6[%gather3A_1245, %gather3A_1246, %gather3A_1247] : memref<4x128x128xf32, #tpu.memory_space<vmem>> -> memref<1x128x128xf32, #tpu.memory_space<vmem>>
        %gather3A_1249 = tpu.memref_squeeze %gather3A_1248 : memref<1x128x128xf32, #tpu.memory_space<vmem>> -> memref<128x128xf32, #tpu.memory_space<vmem>>
        %gather3A_1250 = tpu.vector_load_idx %gather3A_1249[%add3A_1244, %and3A_1143] : memref<128x128xf32, #tpu.memory_space<vmem>>[vector<16xi32>, vector<16xi32>], vector<16xf32>,
        %scatter3A_1251 = arith.constant 2 : i32
        %scatter3A_1252 = arith.constant 0 : i32
        %scatter3A_1253 = arith.constant 0 : i32
        %scatter3A_1254 = tpu.memref_slice %arg7[%scatter3A_1251, %scatter3A_1252, %scatter3A_1253] : memref<4x64x128xf32, #tpu.memory_space<vmem>> -> memref<1x64x128xf32, #tpu.memory_space<vmem>>
        %scatter3A_1255 = tpu.memref_squeeze %scatter3A_1254 : memref<1x64x128xf32, #tpu.memory_space<vmem>> -> memref<64x128xf32, #tpu.memory_space<vmem>>
        tpu.vector_store_idx %scatter3A_1255[%and3A_1143, %add3A_1244], %gather3A_1250 : memref<64x128xf32, #tpu.memory_space<vmem>>[vector<16xi32>, vector<16xi32>], vector<16xf32>,
      }
      %scan3A_597 = arith.constant 64 : i32
      %add3A_598 = arith.addi %mul3A_2, %add3A_559 : i32
      %jit3A_599 = arith.constant 32 : i32
      %div3A_600 = arith.divsi %add3A_598, %jit3A_599 : i32
      %sign3A_601 = arith.constant 0 : i32
      %sign3A_602 = arith.cmpi sgt, %add3A_598, %sign3A_601 : i32
      %sign3A_603 = arith.extui %sign3A_602 : i1 to i32
      %sign3A_604 = arith.constant 0 : i32
      %sign3A_605 = arith.cmpi slt, %add3A_598, %sign3A_604 : i32
      %sign3A_606 = arith.extui %sign3A_605 : i1 to i32
      %sign3A_607 = arith.subi %sign3A_603, %sign3A_606 : i32
      %sign3A_608 = arith.constant 0 : i32
      %sign3A_609 = arith.cmpi sgt, %jit3A_599, %sign3A_608 : i32
      %sign3A_610 = arith.extui %sign3A_609 : i1 to i32
      %sign3A_611 = arith.constant 0 : i32
      %sign3A_612 = arith.cmpi slt, %jit3A_599, %sign3A_611 : i32
      %sign3A_613 = arith.extui %sign3A_612 : i1 to i32
      %sign3A_614 = arith.subi %sign3A_610, %sign3A_613 : i32
      %ne3A_615 = arith.cmpi ne, %sign3A_607, %sign3A_614 : i32
      %rem3A_616 = arith.remsi %add3A_598, %jit3A_599 : i32
      %ne3A_617 = arith.constant 0 : i32
      %ne3A_618 = arith.cmpi ne, %rem3A_616, %ne3A_617 : i32
      %and3A_619 = arith.andi %ne3A_615, %ne3A_618 : i1
      %sub3A_620 = arith.constant 1 : i32
      %sub3A_621 = arith.subi %div3A_600, %sub3A_620 : i32
      %select_n3A_622 = arith.select %and3A_619, %sub3A_621, %div3A_600 : i32
      %jit3A_623 = arith.constant 32 : i32
      %eq3A_624 = arith.constant 0 : i32
      %eq3A_625 = arith.cmpi eq, %jit3A_623, %eq3A_624 : i32
      %jit3A_626 = arith.constant 1 : i32
      %select_n3A_627 = arith.select %eq3A_625, %jit3A_626, %jit3A_623 : i32
      %rem3A_628 = arith.remsi %add3A_598, %select_n3A_627 : i32
      %ne3A_629 = arith.constant 0 : i32
      %ne3A_630 = arith.cmpi ne, %rem3A_628, %ne3A_629 : i32
      %lt3A_631 = arith.constant 0 : i32
      %lt3A_632 = arith.cmpi slt, %rem3A_628, %lt3A_631 : i32
      %lt3A_633 = arith.constant 0 : i32
      %lt3A_634 = arith.cmpi slt, %select_n3A_627, %lt3A_633 : i32
      %ne3A_635 = arith.xori %lt3A_632, %lt3A_634 : i1
      %and3A_636 = arith.andi %ne3A_635, %ne3A_630 : i1
      %add3A_637 = arith.addi %rem3A_628, %select_n3A_627 : i32
      %select_n3A_638 = arith.select %and3A_636, %add3A_637, %rem3A_628 : i32
      %mul3A_639 = arith.constant 128 : i32
      %mul3A_640 = arith.muli %select_n3A_638, %mul3A_639 : i32
      %dma_start3A_641 = arith.constant 2 : i32
      %dma_start3A_642 = arith.constant 0 : i32
      %dma_start3A_643 = arith.constant 0 : i32
      %dma_start3A_644 = tpu.memref_slice %arg7[%dma_start3A_641, %dma_start3A_642, %dma_start3A_643] : memref<4x64x128xf32, #tpu.memory_space<vmem>> -> memref<1x64x128xf32, #tpu.memory_space<vmem>>
      %dma_start3A_645 = tpu.memref_squeeze %dma_start3A_644 : memref<1x64x128xf32, #tpu.memory_space<vmem>> -> memref<64x128xf32, #tpu.memory_space<vmem>>
      %dma_start3A_646 = arith.constant 0 : i32
      %dma_start3A_647 = tpu.memref_slice %arg4[%select_n3A_622, %dma_start3A_646, %mul3A_640] : memref<200x64x4096xf32, #tpu.memory_space<hbm>> -> memref<1x64x128xf32, #tpu.memory_space<hbm>>
      %dma_start3A_648 = tpu.memref_squeeze %dma_start3A_647 : memref<1x64x128xf32, #tpu.memory_space<hbm>> -> memref<64x128xf32, #tpu.memory_space<hbm>>
      %dma_start3A_649 = arith.constant 0 : i32
      %dma_start3A_650 = tpu.memref_slice %arg4[%select_n3A_622, %dma_start3A_649, %mul3A_640] : memref<200x64x4096xf32, #tpu.memory_space<hbm>> -> memref<1x64x128xf32, #tpu.memory_space<hbm>>
      %dma_start3A_651 = tpu.memref_squeeze %dma_start3A_650 : memref<1x64x128xf32, #tpu.memory_space<hbm>> -> memref<64x128xf32, #tpu.memory_space<hbm>>
      %dma_start3A_652 = arith.constant 0 : i32
      %dma_start3A_653 = arith.constant 0 : i32
      %dma_start3A_654 = tpu.memref_slice %arg7[%dma_start3A_641, %dma_start3A_652, %dma_start3A_653] : memref<4x64x128xf32, #tpu.memory_space<vmem>> -> memref<1x64x128xf32, #tpu.memory_space<vmem>>
      %dma_start3A_655 = tpu.memref_squeeze %dma_start3A_654 : memref<1x64x128xf32, #tpu.memory_space<vmem>> -> memref<64x128xf32, #tpu.memory_space<vmem>>
      tpu.enqueue_dma source(%dma_start3A_655 : memref<64x128xf32, #tpu.memory_space<vmem>>) target(%dma_start3A_651 : memref<64x128xf32, #tpu.memory_space<hbm>>) target_semaphore(%arg14 : memref<!tpu.dma_semaphore, #tpu.memory_space<semaphore_mem>>)
      %add3A_656 = arith.constant 4 : i32
      %add3A_657 = arith.addi %add3A_559, %add3A_656 : i32
      %lt3A_658 = arith.constant 200 : i32
      %lt3A_659 = arith.cmpi slt, %add3A_657, %lt3A_658 : i32
      %convert_element_type3A_660 = arith.extui %lt3A_659 : i1 to i32
      %cond3A_661 = arith.constant 0 : i32
      %cond3A_662 = arith.cmpi ne, %convert_element_type3A_660, %cond3A_661 : i32
      scf.if %cond3A_662 {
        %add3A_768 = arith.constant 4 : i32
        %add3A_769 = arith.addi %add3A_559, %add3A_768 : i32
        %mul3A_770 = arith.constant 128 : i32
        %mul3A_771 = arith.muli %add3A_769, %mul3A_770 : i32
        %dma_start3A_772 = arith.constant 2 : i32
        %dma_start3A_773 = arith.constant 0 : i32
        %dma_start3A_774 = arith.constant 0 : i32
        %dma_start3A_775 = tpu.memref_slice %arg6[%dma_start3A_772, %dma_start3A_773, %dma_start3A_774] : memref<4x128x128xf32, #tpu.memory_space<vmem>> -> memref<1x128x128xf32, #tpu.memory_space<vmem>>
        %dma_start3A_776 = tpu.memref_squeeze %dma_start3A_775 : memref<1x128x128xf32, #tpu.memory_space<vmem>> -> memref<128x128xf32, #tpu.memory_space<vmem>>
        %dma_start3A_777 = tpu.memref_slice %arg5[%mul3A_771] : memref<25600xi32, #tpu.memory_space<vmem>> -> memref<128xi32, #tpu.memory_space<vmem>>
        %dma_start3A_778 = arith.constant 0 : i32
        %dma_start3A_779 = arith.constant 0 : i32
        %dma_start3A_780 = tpu.memref_slice %arg3[%dma_start3A_778, %dma_start3A_779] : memref<1000000x128xf32, #tpu.memory_space<hbm>> -> memref<1000000x128xf32, #tpu.memory_space<hbm>>
        tpu.enqueue_indirect_dma source(%dma_start3A_780 : memref<1000000x128xf32, #tpu.memory_space<hbm>>) target(%dma_start3A_776 : memref<128x128xf32, #tpu.memory_space<vmem>>) offsets(%dma_start3A_777 : memref<128xi32, #tpu.memory_space<vmem>>) semaphore(%arg10 : memref<!tpu.dma_semaphore, #tpu.memory_space<semaphore_mem>>)
      } else {
      }
      %add3A_663 = arith.constant 3 : i32
      %add3A_664 = arith.addi %add3A_349, %add3A_663 : i32
      %dma_wait3A_665 = arith.constant 3 : i32
      %dma_wait3A_666 = arith.constant 0 : i32
      %dma_wait3A_667 = arith.constant 0 : i32
      %dma_wait3A_668 = tpu.memref_slice %arg6[%dma_wait3A_665, %dma_wait3A_666, %dma_wait3A_667] : memref<4x128x128xf32, #tpu.memory_space<vmem>> -> memref<1x128x128xf32, #tpu.memory_space<vmem>>
      %dma_wait3A_669 = tpu.memref_squeeze %dma_wait3A_668 : memref<1x128x128xf32, #tpu.memory_space<vmem>> -> memref<128x128xf32, #tpu.memory_space<vmem>>
      %dma_wait3A_670 = arith.constant 0 : i32
      %dma_wait3A_671 = arith.constant 0 : i32
      %dma_wait3A_672 = tpu.memref_slice %arg3[%dma_wait3A_670, %dma_wait3A_671] : memref<1000000x128xf32, #tpu.memory_space<hbm>> -> memref<128x128xf32, #tpu.memory_space<hbm>>
      %dma_wait3A_673 = arith.constant 0 : i32
      %dma_wait3A_674 = arith.constant 0 : i32
      %dma_wait3A_675 = tpu.memref_slice %arg6[%dma_wait3A_665, %dma_wait3A_673, %dma_wait3A_674] : memref<4x128x128xf32, #tpu.memory_space<vmem>> -> memref<1x128x128xf32, #tpu.memory_space<vmem>>
      %dma_wait3A_676 = tpu.memref_squeeze %dma_wait3A_675 : memref<1x128x128xf32, #tpu.memory_space<vmem>> -> memref<128x128xf32, #tpu.memory_space<vmem>>
      %dma_wait3A_677 = arith.constant 0 : i32
      %dma_wait3A_678 = arith.constant 0 : i32
      %dma_wait3A_679 = tpu.memref_slice %arg3[%dma_wait3A_677, %dma_wait3A_678] : memref<1000000x128xf32, #tpu.memory_space<hbm>> -> memref<128x128xf32, #tpu.memory_space<hbm>>
      tpu.wait_dma2 semaphore(%arg11 : memref<!tpu.dma_semaphore, #tpu.memory_space<semaphore_mem>>) src(%dma_wait3A_679 : memref<128x128xf32, #tpu.memory_space<hbm>>) dst(%dma_wait3A_676 : memref<128x128xf32, #tpu.memory_space<vmem>>)
      %dma_wait3A_680 = arith.constant 3 : i32
      %dma_wait3A_681 = arith.constant 0 : i32
      %dma_wait3A_682 = arith.constant 0 : i32
      %dma_wait3A_683 = arith.constant 0 : i32
      %dma_wait3A_684 = tpu.memref_slice %arg7[%dma_wait3A_680, %dma_wait3A_682, %dma_wait3A_683] : memref<4x64x128xf32, #tpu.memory_space<vmem>> -> memref<1x64x128xf32, #tpu.memory_space<vmem>>
      %dma_wait3A_685 = tpu.memref_squeeze %dma_wait3A_684 : memref<1x64x128xf32, #tpu.memory_space<vmem>> -> memref<64x128xf32, #tpu.memory_space<vmem>>
      %dma_wait3A_686 = arith.constant 0 : i32
      %dma_wait3A_687 = arith.constant 0 : i32
      %dma_wait3A_688 = tpu.memref_slice %arg4[%dma_wait3A_681, %dma_wait3A_686, %dma_wait3A_687] : memref<200x64x4096xf32, #tpu.memory_space<hbm>> -> memref<1x64x128xf32, #tpu.memory_space<hbm>>
      %dma_wait3A_689 = tpu.memref_squeeze %dma_wait3A_688 : memref<1x64x128xf32, #tpu.memory_space<hbm>> -> memref<64x128xf32, #tpu.memory_space<hbm>>
      %dma_wait3A_690 = arith.constant 0 : i32
      %dma_wait3A_691 = arith.constant 0 : i32
      %dma_wait3A_692 = tpu.memref_slice %arg4[%dma_wait3A_681, %dma_wait3A_690, %dma_wait3A_691] : memref<200x64x4096xf32, #tpu.memory_space<hbm>> -> memref<1x64x128xf32, #tpu.memory_space<hbm>>
      %dma_wait3A_693 = tpu.memref_squeeze %dma_wait3A_692 : memref<1x64x128xf32, #tpu.memory_space<hbm>> -> memref<64x128xf32, #tpu.memory_space<hbm>>
      %dma_wait3A_694 = arith.constant 0 : i32
      %dma_wait3A_695 = arith.constant 0 : i32
      %dma_wait3A_696 = tpu.memref_slice %arg7[%dma_wait3A_680, %dma_wait3A_694, %dma_wait3A_695] : memref<4x64x128xf32, #tpu.memory_space<vmem>> -> memref<1x64x128xf32, #tpu.memory_space<vmem>>
      %dma_wait3A_697 = tpu.memref_squeeze %dma_wait3A_696 : memref<1x64x128xf32, #tpu.memory_space<vmem>> -> memref<64x128xf32, #tpu.memory_space<vmem>>
      tpu.wait_dma2 semaphore(%arg15 : memref<!tpu.dma_semaphore, #tpu.memory_space<semaphore_mem>>) src(%dma_wait3A_697 : memref<64x128xf32, #tpu.memory_space<vmem>>) dst(%dma_wait3A_693 : memref<64x128xf32, #tpu.memory_space<hbm>>)
      %scan3A_698 = arith.constant 0 : i32
      %scan3A_699 = arith.constant 64 : i32
      %scan3A_700 = arith.addi %scan3A_698, %scan3A_699 : i32
      %scan3A_701 = arith.constant 4 : i32
      scf.for %scan3A_768 = %scan3A_698 to %scan3A_700 step %scan3A_701  : i32 {
        %mul3A_769 = arith.constant 1 : i32
        %mul3A_770 = arith.muli %scan3A_768, %mul3A_769 : i32
        %add3A_771 = arith.constant 0 : i32
        %add3A_772 = arith.addi %add3A_771, %mul3A_770 : i32
        %broadcast_in_dim3A = vector.broadcast %add3A_772 : i32 to vector<16xi32>
        %add3A_773 = arith.addi %broadcast_in_dim3A, %iota3A : vector<16xi32>
        %and3A_774 = arith.constant 63 : i32
        %and3A_775 = vector.broadcast %and3A_774 : i32 to vector<16xi32>
        %and3A_776 = arith.andi %add3A_773, %and3A_775 : vector<16xi32>
        %add3A_777 = arith.constant 0 : i32
        %add3A_778 = vector.broadcast %add3A_777 : i32 to vector<16xi32>
        %add3A_779 = arith.addi %iota3A, %add3A_778 : vector<16xi32>
        %gather3A = arith.constant 3 : i32
        %gather3A_780 = arith.constant 0 : i32
        %gather3A_781 = arith.constant 0 : i32
        %gather3A_782 = tpu.memref_slice %arg6[%gather3A, %gather3A_780, %gather3A_781] : memref<4x128x128xf32, #tpu.memory_space<vmem>> -> memref<1x128x128xf32, #tpu.memory_space<vmem>>
        %gather3A_783 = tpu.memref_squeeze %gather3A_782 : memref<1x128x128xf32, #tpu.memory_space<vmem>> -> memref<128x128xf32, #tpu.memory_space<vmem>>
        %gather3A_784 = tpu.vector_load_idx %gather3A_783[%add3A_779, %and3A_776] : memref<128x128xf32, #tpu.memory_space<vmem>>[vector<16xi32>, vector<16xi32>], vector<16xf32>,
        %scatter3A = arith.constant 3 : i32
        %scatter3A_785 = arith.constant 0 : i32
        %scatter3A_786 = arith.constant 0 : i32
        %scatter3A_787 = tpu.memref_slice %arg7[%scatter3A, %scatter3A_785, %scatter3A_786] : memref<4x64x128xf32, #tpu.memory_space<vmem>> -> memref<1x64x128xf32, #tpu.memory_space<vmem>>
        %scatter3A_788 = tpu.memref_squeeze %scatter3A_787 : memref<1x64x128xf32, #tpu.memory_space<vmem>> -> memref<64x128xf32, #tpu.memory_space<vmem>>
        tpu.vector_store_idx %scatter3A_788[%and3A_776, %add3A_779], %gather3A_784 : memref<64x128xf32, #tpu.memory_space<vmem>>[vector<16xi32>, vector<16xi32>], vector<16xf32>,
        %add3A_789 = arith.constant 16 : i32
        %add3A_790 = vector.broadcast %add3A_789 : i32 to vector<16xi32>
        %add3A_791 = arith.addi %iota3A, %add3A_790 : vector<16xi32>
        %gather3A_792 = arith.constant 3 : i32
        %gather3A_793 = arith.constant 0 : i32
        %gather3A_794 = arith.constant 0 : i32
        %gather3A_795 = tpu.memref_slice %arg6[%gather3A_792, %gather3A_793, %gather3A_794] : memref<4x128x128xf32, #tpu.memory_space<vmem>> -> memref<1x128x128xf32, #tpu.memory_space<vmem>>
        %gather3A_796 = tpu.memref_squeeze %gather3A_795 : memref<1x128x128xf32, #tpu.memory_space<vmem>> -> memref<128x128xf32, #tpu.memory_space<vmem>>
        %gather3A_797 = tpu.vector_load_idx %gather3A_796[%add3A_791, %and3A_776] : memref<128x128xf32, #tpu.memory_space<vmem>>[vector<16xi32>, vector<16xi32>], vector<16xf32>,
        %scatter3A_798 = arith.constant 3 : i32
        %scatter3A_799 = arith.constant 0 : i32
        %scatter3A_800 = arith.constant 0 : i32
        %scatter3A_801 = tpu.memref_slice %arg7[%scatter3A_798, %scatter3A_799, %scatter3A_800] : memref<4x64x128xf32, #tpu.memory_space<vmem>> -> memref<1x64x128xf32, #tpu.memory_space<vmem>>
        %scatter3A_802 = tpu.memref_squeeze %scatter3A_801 : memref<1x64x128xf32, #tpu.memory_space<vmem>> -> memref<64x128xf32, #tpu.memory_space<vmem>>
        tpu.vector_store_idx %scatter3A_802[%and3A_776, %add3A_791], %gather3A_797 : memref<64x128xf32, #tpu.memory_space<vmem>>[vector<16xi32>, vector<16xi32>], vector<16xf32>,
        %add3A_803 = arith.constant 32 : i32
        %add3A_804 = vector.broadcast %add3A_803 : i32 to vector<16xi32>
        %add3A_805 = arith.addi %iota3A, %add3A_804 : vector<16xi32>
        %gather3A_806 = arith.constant 3 : i32
        %gather3A_807 = arith.constant 0 : i32
        %gather3A_808 = arith.constant 0 : i32
        %gather3A_809 = tpu.memref_slice %arg6[%gather3A_806, %gather3A_807, %gather3A_808] : memref<4x128x128xf32, #tpu.memory_space<vmem>> -> memref<1x128x128xf32, #tpu.memory_space<vmem>>
        %gather3A_810 = tpu.memref_squeeze %gather3A_809 : memref<1x128x128xf32, #tpu.memory_space<vmem>> -> memref<128x128xf32, #tpu.memory_space<vmem>>
        %gather3A_811 = tpu.vector_load_idx %gather3A_810[%add3A_805, %and3A_776] : memref<128x128xf32, #tpu.memory_space<vmem>>[vector<16xi32>, vector<16xi32>], vector<16xf32>,
        %scatter3A_812 = arith.constant 3 : i32
        %scatter3A_813 = arith.constant 0 : i32
        %scatter3A_814 = arith.constant 0 : i32
        %scatter3A_815 = tpu.memref_slice %arg7[%scatter3A_812, %scatter3A_813, %scatter3A_814] : memref<4x64x128xf32, #tpu.memory_space<vmem>> -> memref<1x64x128xf32, #tpu.memory_space<vmem>>
        %scatter3A_816 = tpu.memref_squeeze %scatter3A_815 : memref<1x64x128xf32, #tpu.memory_space<vmem>> -> memref<64x128xf32, #tpu.memory_space<vmem>>
        tpu.vector_store_idx %scatter3A_816[%and3A_776, %add3A_805], %gather3A_811 : memref<64x128xf32, #tpu.memory_space<vmem>>[vector<16xi32>, vector<16xi32>], vector<16xf32>,
        %add3A_817 = arith.constant 48 : i32
        %add3A_818 = vector.broadcast %add3A_817 : i32 to vector<16xi32>
        %add3A_819 = arith.addi %iota3A, %add3A_818 : vector<16xi32>
        %gather3A_820 = arith.constant 3 : i32
        %gather3A_821 = arith.constant 0 : i32
        %gather3A_822 = arith.constant 0 : i32
        %gather3A_823 = tpu.memref_slice %arg6[%gather3A_820, %gather3A_821, %gather3A_822] : memref<4x128x128xf32, #tpu.memory_space<vmem>> -> memref<1x128x128xf32, #tpu.memory_space<vmem>>
        %gather3A_824 = tpu.memref_squeeze %gather3A_823 : memref<1x128x128xf32, #tpu.memory_space<vmem>> -> memref<128x128xf32, #tpu.memory_space<vmem>>
        %gather3A_825 = tpu.vector_load_idx %gather3A_824[%add3A_819, %and3A_776] : memref<128x128xf32, #tpu.memory_space<vmem>>[vector<16xi32>, vector<16xi32>], vector<16xf32>,
        %scatter3A_826 = arith.constant 3 : i32
        %scatter3A_827 = arith.constant 0 : i32
        %scatter3A_828 = arith.constant 0 : i32
        %scatter3A_829 = tpu.memref_slice %arg7[%scatter3A_826, %scatter3A_827, %scatter3A_828] : memref<4x64x128xf32, #tpu.memory_space<vmem>> -> memref<1x64x128xf32, #tpu.memory_space<vmem>>
        %scatter3A_830 = tpu.memref_squeeze %scatter3A_829 : memref<1x64x128xf32, #tpu.memory_space<vmem>> -> memref<64x128xf32, #tpu.memory_space<vmem>>
        tpu.vector_store_idx %scatter3A_830[%and3A_776, %add3A_819], %gather3A_825 : memref<64x128xf32, #tpu.memory_space<vmem>>[vector<16xi32>, vector<16xi32>], vector<16xf32>,
        %add3A_831 = arith.constant 64 : i32
        %add3A_832 = vector.broadcast %add3A_831 : i32 to vector<16xi32>
        %add3A_833 = arith.addi %iota3A, %add3A_832 : vector<16xi32>
        %gather3A_834 = arith.constant 3 : i32
        %gather3A_835 = arith.constant 0 : i32
        %gather3A_836 = arith.constant 0 : i32
        %gather3A_837 = tpu.memref_slice %arg6[%gather3A_834, %gather3A_835, %gather3A_836] : memref<4x128x128xf32, #tpu.memory_space<vmem>> -> memref<1x128x128xf32, #tpu.memory_space<vmem>>
        %gather3A_838 = tpu.memref_squeeze %gather3A_837 : memref<1x128x128xf32, #tpu.memory_space<vmem>> -> memref<128x128xf32, #tpu.memory_space<vmem>>
        %gather3A_839 = tpu.vector_load_idx %gather3A_838[%add3A_833, %and3A_776] : memref<128x128xf32, #tpu.memory_space<vmem>>[vector<16xi32>, vector<16xi32>], vector<16xf32>,
        %scatter3A_840 = arith.constant 3 : i32
        %scatter3A_841 = arith.constant 0 : i32
        %scatter3A_842 = arith.constant 0 : i32
        %scatter3A_843 = tpu.memref_slice %arg7[%scatter3A_840, %scatter3A_841, %scatter3A_842] : memref<4x64x128xf32, #tpu.memory_space<vmem>> -> memref<1x64x128xf32, #tpu.memory_space<vmem>>
        %scatter3A_844 = tpu.memref_squeeze %scatter3A_843 : memref<1x64x128xf32, #tpu.memory_space<vmem>> -> memref<64x128xf32, #tpu.memory_space<vmem>>
        tpu.vector_store_idx %scatter3A_844[%and3A_776, %add3A_833], %gather3A_839 : memref<64x128xf32, #tpu.memory_space<vmem>>[vector<16xi32>, vector<16xi32>], vector<16xf32>,
        %add3A_845 = arith.constant 80 : i32
        %add3A_846 = vector.broadcast %add3A_845 : i32 to vector<16xi32>
        %add3A_847 = arith.addi %iota3A, %add3A_846 : vector<16xi32>
        %gather3A_848 = arith.constant 3 : i32
        %gather3A_849 = arith.constant 0 : i32
        %gather3A_850 = arith.constant 0 : i32
        %gather3A_851 = tpu.memref_slice %arg6[%gather3A_848, %gather3A_849, %gather3A_850] : memref<4x128x128xf32, #tpu.memory_space<vmem>> -> memref<1x128x128xf32, #tpu.memory_space<vmem>>
        %gather3A_852 = tpu.memref_squeeze %gather3A_851 : memref<1x128x128xf32, #tpu.memory_space<vmem>> -> memref<128x128xf32, #tpu.memory_space<vmem>>
        %gather3A_853 = tpu.vector_load_idx %gather3A_852[%add3A_847, %and3A_776] : memref<128x128xf32, #tpu.memory_space<vmem>>[vector<16xi32>, vector<16xi32>], vector<16xf32>,
        %scatter3A_854 = arith.constant 3 : i32
        %scatter3A_855 = arith.constant 0 : i32
        %scatter3A_856 = arith.constant 0 : i32
        %scatter3A_857 = tpu.memref_slice %arg7[%scatter3A_854, %scatter3A_855, %scatter3A_856] : memref<4x64x128xf32, #tpu.memory_space<vmem>> -> memref<1x64x128xf32, #tpu.memory_space<vmem>>
        %scatter3A_858 = tpu.memref_squeeze %scatter3A_857 : memref<1x64x128xf32, #tpu.memory_space<vmem>> -> memref<64x128xf32, #tpu.memory_space<vmem>>
        tpu.vector_store_idx %scatter3A_858[%and3A_776, %add3A_847], %gather3A_853 : memref<64x128xf32, #tpu.memory_space<vmem>>[vector<16xi32>, vector<16xi32>], vector<16xf32>,
        %add3A_859 = arith.constant 96 : i32
        %add3A_860 = vector.broadcast %add3A_859 : i32 to vector<16xi32>
        %add3A_861 = arith.addi %iota3A, %add3A_860 : vector<16xi32>
        %gather3A_862 = arith.constant 3 : i32
        %gather3A_863 = arith.constant 0 : i32
        %gather3A_864 = arith.constant 0 : i32
        %gather3A_865 = tpu.memref_slice %arg6[%gather3A_862, %gather3A_863, %gather3A_864] : memref<4x128x128xf32, #tpu.memory_space<vmem>> -> memref<1x128x128xf32, #tpu.memory_space<vmem>>
        %gather3A_866 = tpu.memref_squeeze %gather3A_865 : memref<1x128x128xf32, #tpu.memory_space<vmem>> -> memref<128x128xf32, #tpu.memory_space<vmem>>
        %gather3A_867 = tpu.vector_load_idx %gather3A_866[%add3A_861, %and3A_776] : memref<128x128xf32, #tpu.memory_space<vmem>>[vector<16xi32>, vector<16xi32>], vector<16xf32>,
        %scatter3A_868 = arith.constant 3 : i32
        %scatter3A_869 = arith.constant 0 : i32
        %scatter3A_870 = arith.constant 0 : i32
        %scatter3A_871 = tpu.memref_slice %arg7[%scatter3A_868, %scatter3A_869, %scatter3A_870] : memref<4x64x128xf32, #tpu.memory_space<vmem>> -> memref<1x64x128xf32, #tpu.memory_space<vmem>>
        %scatter3A_872 = tpu.memref_squeeze %scatter3A_871 : memref<1x64x128xf32, #tpu.memory_space<vmem>> -> memref<64x128xf32, #tpu.memory_space<vmem>>
        tpu.vector_store_idx %scatter3A_872[%and3A_776, %add3A_861], %gather3A_867 : memref<64x128xf32, #tpu.memory_space<vmem>>[vector<16xi32>, vector<16xi32>], vector<16xf32>,
        %add3A_873 = arith.constant 112 : i32
        %add3A_874 = vector.broadcast %add3A_873 : i32 to vector<16xi32>
        %add3A_875 = arith.addi %iota3A, %add3A_874 : vector<16xi32>
        %gather3A_876 = arith.constant 3 : i32
        %gather3A_877 = arith.constant 0 : i32
        %gather3A_878 = arith.constant 0 : i32
        %gather3A_879 = tpu.memref_slice %arg6[%gather3A_876, %gather3A_877, %gather3A_878] : memref<4x128x128xf32, #tpu.memory_space<vmem>> -> memref<1x128x128xf32, #tpu.memory_space<vmem>>
        %gather3A_880 = tpu.memref_squeeze %gather3A_879 : memref<1x128x128xf32, #tpu.memory_space<vmem>> -> memref<128x128xf32, #tpu.memory_space<vmem>>
        %gather3A_881 = tpu.vector_load_idx %gather3A_880[%add3A_875, %and3A_776] : memref<128x128xf32, #tpu.memory_space<vmem>>[vector<16xi32>, vector<16xi32>], vector<16xf32>,
        %scatter3A_882 = arith.constant 3 : i32
        %scatter3A_883 = arith.constant 0 : i32
        %scatter3A_884 = arith.constant 0 : i32
        %scatter3A_885 = tpu.memref_slice %arg7[%scatter3A_882, %scatter3A_883, %scatter3A_884] : memref<4x64x128xf32, #tpu.memory_space<vmem>> -> memref<1x64x128xf32, #tpu.memory_space<vmem>>
        %scatter3A_886 = tpu.memref_squeeze %scatter3A_885 : memref<1x64x128xf32, #tpu.memory_space<vmem>> -> memref<64x128xf32, #tpu.memory_space<vmem>>
        tpu.vector_store_idx %scatter3A_886[%and3A_776, %add3A_875], %gather3A_881 : memref<64x128xf32, #tpu.memory_space<vmem>>[vector<16xi32>, vector<16xi32>], vector<16xf32>,
        %scan3A_887 = arith.constant 1 : i32
        %scan3A_888 = arith.addi %scan3A_768, %scan3A_887 : i32
        %mul3A_889 = arith.constant 1 : i32
        %mul3A_890 = arith.muli %scan3A_888, %mul3A_889 : i32
        %add3A_891 = arith.constant 0 : i32
        %add3A_892 = arith.addi %add3A_891, %mul3A_890 : i32
        %broadcast_in_dim3A_893 = vector.broadcast %add3A_892 : i32 to vector<16xi32>
        %add3A_894 = arith.addi %broadcast_in_dim3A_893, %iota3A : vector<16xi32>
        %and3A_895 = arith.constant 63 : i32
        %and3A_896 = vector.broadcast %and3A_895 : i32 to vector<16xi32>
        %and3A_897 = arith.andi %add3A_894, %and3A_896 : vector<16xi32>
        %add3A_898 = arith.constant 0 : i32
        %add3A_899 = vector.broadcast %add3A_898 : i32 to vector<16xi32>
        %add3A_900 = arith.addi %iota3A, %add3A_899 : vector<16xi32>
        %gather3A_901 = arith.constant 3 : i32
        %gather3A_902 = arith.constant 0 : i32
        %gather3A_903 = arith.constant 0 : i32
        %gather3A_904 = tpu.memref_slice %arg6[%gather3A_901, %gather3A_902, %gather3A_903] : memref<4x128x128xf32, #tpu.memory_space<vmem>> -> memref<1x128x128xf32, #tpu.memory_space<vmem>>
        %gather3A_905 = tpu.memref_squeeze %gather3A_904 : memref<1x128x128xf32, #tpu.memory_space<vmem>> -> memref<128x128xf32, #tpu.memory_space<vmem>>
        %gather3A_906 = tpu.vector_load_idx %gather3A_905[%add3A_900, %and3A_897] : memref<128x128xf32, #tpu.memory_space<vmem>>[vector<16xi32>, vector<16xi32>], vector<16xf32>,
        %scatter3A_907 = arith.constant 3 : i32
        %scatter3A_908 = arith.constant 0 : i32
        %scatter3A_909 = arith.constant 0 : i32
        %scatter3A_910 = tpu.memref_slice %arg7[%scatter3A_907, %scatter3A_908, %scatter3A_909] : memref<4x64x128xf32, #tpu.memory_space<vmem>> -> memref<1x64x128xf32, #tpu.memory_space<vmem>>
        %scatter3A_911 = tpu.memref_squeeze %scatter3A_910 : memref<1x64x128xf32, #tpu.memory_space<vmem>> -> memref<64x128xf32, #tpu.memory_space<vmem>>
        tpu.vector_store_idx %scatter3A_911[%and3A_897, %add3A_900], %gather3A_906 : memref<64x128xf32, #tpu.memory_space<vmem>>[vector<16xi32>, vector<16xi32>], vector<16xf32>,
        %add3A_912 = arith.constant 16 : i32
        %add3A_913 = vector.broadcast %add3A_912 : i32 to vector<16xi32>
        %add3A_914 = arith.addi %iota3A, %add3A_913 : vector<16xi32>
        %gather3A_915 = arith.constant 3 : i32
        %gather3A_916 = arith.constant 0 : i32
        %gather3A_917 = arith.constant 0 : i32
        %gather3A_918 = tpu.memref_slice %arg6[%gather3A_915, %gather3A_916, %gather3A_917] : memref<4x128x128xf32, #tpu.memory_space<vmem>> -> memref<1x128x128xf32, #tpu.memory_space<vmem>>
        %gather3A_919 = tpu.memref_squeeze %gather3A_918 : memref<1x128x128xf32, #tpu.memory_space<vmem>> -> memref<128x128xf32, #tpu.memory_space<vmem>>
        %gather3A_920 = tpu.vector_load_idx %gather3A_919[%add3A_914, %and3A_897] : memref<128x128xf32, #tpu.memory_space<vmem>>[vector<16xi32>, vector<16xi32>], vector<16xf32>,
        %scatter3A_921 = arith.constant 3 : i32
        %scatter3A_922 = arith.constant 0 : i32
        %scatter3A_923 = arith.constant 0 : i32
        %scatter3A_924 = tpu.memref_slice %arg7[%scatter3A_921, %scatter3A_922, %scatter3A_923] : memref<4x64x128xf32, #tpu.memory_space<vmem>> -> memref<1x64x128xf32, #tpu.memory_space<vmem>>
        %scatter3A_925 = tpu.memref_squeeze %scatter3A_924 : memref<1x64x128xf32, #tpu.memory_space<vmem>> -> memref<64x128xf32, #tpu.memory_space<vmem>>
        tpu.vector_store_idx %scatter3A_925[%and3A_897, %add3A_914], %gather3A_920 : memref<64x128xf32, #tpu.memory_space<vmem>>[vector<16xi32>, vector<16xi32>], vector<16xf32>,
        %add3A_926 = arith.constant 32 : i32
        %add3A_927 = vector.broadcast %add3A_926 : i32 to vector<16xi32>
        %add3A_928 = arith.addi %iota3A, %add3A_927 : vector<16xi32>
        %gather3A_929 = arith.constant 3 : i32
        %gather3A_930 = arith.constant 0 : i32
        %gather3A_931 = arith.constant 0 : i32
        %gather3A_932 = tpu.memref_slice %arg6[%gather3A_929, %gather3A_930, %gather3A_931] : memref<4x128x128xf32, #tpu.memory_space<vmem>> -> memref<1x128x128xf32, #tpu.memory_space<vmem>>
        %gather3A_933 = tpu.memref_squeeze %gather3A_932 : memref<1x128x128xf32, #tpu.memory_space<vmem>> -> memref<128x128xf32, #tpu.memory_space<vmem>>
        %gather3A_934 = tpu.vector_load_idx %gather3A_933[%add3A_928, %and3A_897] : memref<128x128xf32, #tpu.memory_space<vmem>>[vector<16xi32>, vector<16xi32>], vector<16xf32>,
        %scatter3A_935 = arith.constant 3 : i32
        %scatter3A_936 = arith.constant 0 : i32
        %scatter3A_937 = arith.constant 0 : i32
        %scatter3A_938 = tpu.memref_slice %arg7[%scatter3A_935, %scatter3A_936, %scatter3A_937] : memref<4x64x128xf32, #tpu.memory_space<vmem>> -> memref<1x64x128xf32, #tpu.memory_space<vmem>>
        %scatter3A_939 = tpu.memref_squeeze %scatter3A_938 : memref<1x64x128xf32, #tpu.memory_space<vmem>> -> memref<64x128xf32, #tpu.memory_space<vmem>>
        tpu.vector_store_idx %scatter3A_939[%and3A_897, %add3A_928], %gather3A_934 : memref<64x128xf32, #tpu.memory_space<vmem>>[vector<16xi32>, vector<16xi32>], vector<16xf32>,
        %add3A_940 = arith.constant 48 : i32
        %add3A_941 = vector.broadcast %add3A_940 : i32 to vector<16xi32>
        %add3A_942 = arith.addi %iota3A, %add3A_941 : vector<16xi32>
        %gather3A_943 = arith.constant 3 : i32
        %gather3A_944 = arith.constant 0 : i32
        %gather3A_945 = arith.constant 0 : i32
        %gather3A_946 = tpu.memref_slice %arg6[%gather3A_943, %gather3A_944, %gather3A_945] : memref<4x128x128xf32, #tpu.memory_space<vmem>> -> memref<1x128x128xf32, #tpu.memory_space<vmem>>
        %gather3A_947 = tpu.memref_squeeze %gather3A_946 : memref<1x128x128xf32, #tpu.memory_space<vmem>> -> memref<128x128xf32, #tpu.memory_space<vmem>>
        %gather3A_948 = tpu.vector_load_idx %gather3A_947[%add3A_942, %and3A_897] : memref<128x128xf32, #tpu.memory_space<vmem>>[vector<16xi32>, vector<16xi32>], vector<16xf32>,
        %scatter3A_949 = arith.constant 3 : i32
        %scatter3A_950 = arith.constant 0 : i32
        %scatter3A_951 = arith.constant 0 : i32
        %scatter3A_952 = tpu.memref_slice %arg7[%scatter3A_949, %scatter3A_950, %scatter3A_951] : memref<4x64x128xf32, #tpu.memory_space<vmem>> -> memref<1x64x128xf32, #tpu.memory_space<vmem>>
        %scatter3A_953 = tpu.memref_squeeze %scatter3A_952 : memref<1x64x128xf32, #tpu.memory_space<vmem>> -> memref<64x128xf32, #tpu.memory_space<vmem>>
        tpu.vector_store_idx %scatter3A_953[%and3A_897, %add3A_942], %gather3A_948 : memref<64x128xf32, #tpu.memory_space<vmem>>[vector<16xi32>, vector<16xi32>], vector<16xf32>,
        %add3A_954 = arith.constant 64 : i32
        %add3A_955 = vector.broadcast %add3A_954 : i32 to vector<16xi32>
        %add3A_956 = arith.addi %iota3A, %add3A_955 : vector<16xi32>
        %gather3A_957 = arith.constant 3 : i32
        %gather3A_958 = arith.constant 0 : i32
        %gather3A_959 = arith.constant 0 : i32
        %gather3A_960 = tpu.memref_slice %arg6[%gather3A_957, %gather3A_958, %gather3A_959] : memref<4x128x128xf32, #tpu.memory_space<vmem>> -> memref<1x128x128xf32, #tpu.memory_space<vmem>>
        %gather3A_961 = tpu.memref_squeeze %gather3A_960 : memref<1x128x128xf32, #tpu.memory_space<vmem>> -> memref<128x128xf32, #tpu.memory_space<vmem>>
        %gather3A_962 = tpu.vector_load_idx %gather3A_961[%add3A_956, %and3A_897] : memref<128x128xf32, #tpu.memory_space<vmem>>[vector<16xi32>, vector<16xi32>], vector<16xf32>,
        %scatter3A_963 = arith.constant 3 : i32
        %scatter3A_964 = arith.constant 0 : i32
        %scatter3A_965 = arith.constant 0 : i32
        %scatter3A_966 = tpu.memref_slice %arg7[%scatter3A_963, %scatter3A_964, %scatter3A_965] : memref<4x64x128xf32, #tpu.memory_space<vmem>> -> memref<1x64x128xf32, #tpu.memory_space<vmem>>
        %scatter3A_967 = tpu.memref_squeeze %scatter3A_966 : memref<1x64x128xf32, #tpu.memory_space<vmem>> -> memref<64x128xf32, #tpu.memory_space<vmem>>
        tpu.vector_store_idx %scatter3A_967[%and3A_897, %add3A_956], %gather3A_962 : memref<64x128xf32, #tpu.memory_space<vmem>>[vector<16xi32>, vector<16xi32>], vector<16xf32>,
        %add3A_968 = arith.constant 80 : i32
        %add3A_969 = vector.broadcast %add3A_968 : i32 to vector<16xi32>
        %add3A_970 = arith.addi %iota3A, %add3A_969 : vector<16xi32>
        %gather3A_971 = arith.constant 3 : i32
        %gather3A_972 = arith.constant 0 : i32
        %gather3A_973 = arith.constant 0 : i32
        %gather3A_974 = tpu.memref_slice %arg6[%gather3A_971, %gather3A_972, %gather3A_973] : memref<4x128x128xf32, #tpu.memory_space<vmem>> -> memref<1x128x128xf32, #tpu.memory_space<vmem>>
        %gather3A_975 = tpu.memref_squeeze %gather3A_974 : memref<1x128x128xf32, #tpu.memory_space<vmem>> -> memref<128x128xf32, #tpu.memory_space<vmem>>
        %gather3A_976 = tpu.vector_load_idx %gather3A_975[%add3A_970, %and3A_897] : memref<128x128xf32, #tpu.memory_space<vmem>>[vector<16xi32>, vector<16xi32>], vector<16xf32>,
        %scatter3A_977 = arith.constant 3 : i32
        %scatter3A_978 = arith.constant 0 : i32
        %scatter3A_979 = arith.constant 0 : i32
        %scatter3A_980 = tpu.memref_slice %arg7[%scatter3A_977, %scatter3A_978, %scatter3A_979] : memref<4x64x128xf32, #tpu.memory_space<vmem>> -> memref<1x64x128xf32, #tpu.memory_space<vmem>>
        %scatter3A_981 = tpu.memref_squeeze %scatter3A_980 : memref<1x64x128xf32, #tpu.memory_space<vmem>> -> memref<64x128xf32, #tpu.memory_space<vmem>>
        tpu.vector_store_idx %scatter3A_981[%and3A_897, %add3A_970], %gather3A_976 : memref<64x128xf32, #tpu.memory_space<vmem>>[vector<16xi32>, vector<16xi32>], vector<16xf32>,
        %add3A_982 = arith.constant 96 : i32
        %add3A_983 = vector.broadcast %add3A_982 : i32 to vector<16xi32>
        %add3A_984 = arith.addi %iota3A, %add3A_983 : vector<16xi32>
        %gather3A_985 = arith.constant 3 : i32
        %gather3A_986 = arith.constant 0 : i32
        %gather3A_987 = arith.constant 0 : i32
        %gather3A_988 = tpu.memref_slice %arg6[%gather3A_985, %gather3A_986, %gather3A_987] : memref<4x128x128xf32, #tpu.memory_space<vmem>> -> memref<1x128x128xf32, #tpu.memory_space<vmem>>
        %gather3A_989 = tpu.memref_squeeze %gather3A_988 : memref<1x128x128xf32, #tpu.memory_space<vmem>> -> memref<128x128xf32, #tpu.memory_space<vmem>>
        %gather3A_990 = tpu.vector_load_idx %gather3A_989[%add3A_984, %and3A_897] : memref<128x128xf32, #tpu.memory_space<vmem>>[vector<16xi32>, vector<16xi32>], vector<16xf32>,
        %scatter3A_991 = arith.constant 3 : i32
        %scatter3A_992 = arith.constant 0 : i32
        %scatter3A_993 = arith.constant 0 : i32
        %scatter3A_994 = tpu.memref_slice %arg7[%scatter3A_991, %scatter3A_992, %scatter3A_993] : memref<4x64x128xf32, #tpu.memory_space<vmem>> -> memref<1x64x128xf32, #tpu.memory_space<vmem>>
        %scatter3A_995 = tpu.memref_squeeze %scatter3A_994 : memref<1x64x128xf32, #tpu.memory_space<vmem>> -> memref<64x128xf32, #tpu.memory_space<vmem>>
        tpu.vector_store_idx %scatter3A_995[%and3A_897, %add3A_984], %gather3A_990 : memref<64x128xf32, #tpu.memory_space<vmem>>[vector<16xi32>, vector<16xi32>], vector<16xf32>,
        %add3A_996 = arith.constant 112 : i32
        %add3A_997 = vector.broadcast %add3A_996 : i32 to vector<16xi32>
        %add3A_998 = arith.addi %iota3A, %add3A_997 : vector<16xi32>
        %gather3A_999 = arith.constant 3 : i32
        %gather3A_1000 = arith.constant 0 : i32
        %gather3A_1001 = arith.constant 0 : i32
        %gather3A_1002 = tpu.memref_slice %arg6[%gather3A_999, %gather3A_1000, %gather3A_1001] : memref<4x128x128xf32, #tpu.memory_space<vmem>> -> memref<1x128x128xf32, #tpu.memory_space<vmem>>
        %gather3A_1003 = tpu.memref_squeeze %gather3A_1002 : memref<1x128x128xf32, #tpu.memory_space<vmem>> -> memref<128x128xf32, #tpu.memory_space<vmem>>
        %gather3A_1004 = tpu.vector_load_idx %gather3A_1003[%add3A_998, %and3A_897] : memref<128x128xf32, #tpu.memory_space<vmem>>[vector<16xi32>, vector<16xi32>], vector<16xf32>,
        %scatter3A_1005 = arith.constant 3 : i32
        %scatter3A_1006 = arith.constant 0 : i32
        %scatter3A_1007 = arith.constant 0 : i32
        %scatter3A_1008 = tpu.memref_slice %arg7[%scatter3A_1005, %scatter3A_1006, %scatter3A_1007] : memref<4x64x128xf32, #tpu.memory_space<vmem>> -> memref<1x64x128xf32, #tpu.memory_space<vmem>>
        %scatter3A_1009 = tpu.memref_squeeze %scatter3A_1008 : memref<1x64x128xf32, #tpu.memory_space<vmem>> -> memref<64x128xf32, #tpu.memory_space<vmem>>
        tpu.vector_store_idx %scatter3A_1009[%and3A_897, %add3A_998], %gather3A_1004 : memref<64x128xf32, #tpu.memory_space<vmem>>[vector<16xi32>, vector<16xi32>], vector<16xf32>,
        %scan3A_1010 = arith.constant 2 : i32
        %scan3A_1011 = arith.addi %scan3A_768, %scan3A_1010 : i32
        %mul3A_1012 = arith.constant 1 : i32
        %mul3A_1013 = arith.muli %scan3A_1011, %mul3A_1012 : i32
        %add3A_1014 = arith.constant 0 : i32
        %add3A_1015 = arith.addi %add3A_1014, %mul3A_1013 : i32
        %broadcast_in_dim3A_1016 = vector.broadcast %add3A_1015 : i32 to vector<16xi32>
        %add3A_1017 = arith.addi %broadcast_in_dim3A_1016, %iota3A : vector<16xi32>
        %and3A_1018 = arith.constant 63 : i32
        %and3A_1019 = vector.broadcast %and3A_1018 : i32 to vector<16xi32>
        %and3A_1020 = arith.andi %add3A_1017, %and3A_1019 : vector<16xi32>
        %add3A_1021 = arith.constant 0 : i32
        %add3A_1022 = vector.broadcast %add3A_1021 : i32 to vector<16xi32>
        %add3A_1023 = arith.addi %iota3A, %add3A_1022 : vector<16xi32>
        %gather3A_1024 = arith.constant 3 : i32
        %gather3A_1025 = arith.constant 0 : i32
        %gather3A_1026 = arith.constant 0 : i32
        %gather3A_1027 = tpu.memref_slice %arg6[%gather3A_1024, %gather3A_1025, %gather3A_1026] : memref<4x128x128xf32, #tpu.memory_space<vmem>> -> memref<1x128x128xf32, #tpu.memory_space<vmem>>
        %gather3A_1028 = tpu.memref_squeeze %gather3A_1027 : memref<1x128x128xf32, #tpu.memory_space<vmem>> -> memref<128x128xf32, #tpu.memory_space<vmem>>
        %gather3A_1029 = tpu.vector_load_idx %gather3A_1028[%add3A_1023, %and3A_1020] : memref<128x128xf32, #tpu.memory_space<vmem>>[vector<16xi32>, vector<16xi32>], vector<16xf32>,
        %scatter3A_1030 = arith.constant 3 : i32
        %scatter3A_1031 = arith.constant 0 : i32
        %scatter3A_1032 = arith.constant 0 : i32
        %scatter3A_1033 = tpu.memref_slice %arg7[%scatter3A_1030, %scatter3A_1031, %scatter3A_1032] : memref<4x64x128xf32, #tpu.memory_space<vmem>> -> memref<1x64x128xf32, #tpu.memory_space<vmem>>
        %scatter3A_1034 = tpu.memref_squeeze %scatter3A_1033 : memref<1x64x128xf32, #tpu.memory_space<vmem>> -> memref<64x128xf32, #tpu.memory_space<vmem>>
        tpu.vector_store_idx %scatter3A_1034[%and3A_1020, %add3A_1023], %gather3A_1029 : memref<64x128xf32, #tpu.memory_space<vmem>>[vector<16xi32>, vector<16xi32>], vector<16xf32>,
        %add3A_1035 = arith.constant 16 : i32
        %add3A_1036 = vector.broadcast %add3A_1035 : i32 to vector<16xi32>
        %add3A_1037 = arith.addi %iota3A, %add3A_1036 : vector<16xi32>
        %gather3A_1038 = arith.constant 3 : i32
        %gather3A_1039 = arith.constant 0 : i32
        %gather3A_1040 = arith.constant 0 : i32
        %gather3A_1041 = tpu.memref_slice %arg6[%gather3A_1038, %gather3A_1039, %gather3A_1040] : memref<4x128x128xf32, #tpu.memory_space<vmem>> -> memref<1x128x128xf32, #tpu.memory_space<vmem>>
        %gather3A_1042 = tpu.memref_squeeze %gather3A_1041 : memref<1x128x128xf32, #tpu.memory_space<vmem>> -> memref<128x128xf32, #tpu.memory_space<vmem>>
        %gather3A_1043 = tpu.vector_load_idx %gather3A_1042[%add3A_1037, %and3A_1020] : memref<128x128xf32, #tpu.memory_space<vmem>>[vector<16xi32>, vector<16xi32>], vector<16xf32>,
        %scatter3A_1044 = arith.constant 3 : i32
        %scatter3A_1045 = arith.constant 0 : i32
        %scatter3A_1046 = arith.constant 0 : i32
        %scatter3A_1047 = tpu.memref_slice %arg7[%scatter3A_1044, %scatter3A_1045, %scatter3A_1046] : memref<4x64x128xf32, #tpu.memory_space<vmem>> -> memref<1x64x128xf32, #tpu.memory_space<vmem>>
        %scatter3A_1048 = tpu.memref_squeeze %scatter3A_1047 : memref<1x64x128xf32, #tpu.memory_space<vmem>> -> memref<64x128xf32, #tpu.memory_space<vmem>>
        tpu.vector_store_idx %scatter3A_1048[%and3A_1020, %add3A_1037], %gather3A_1043 : memref<64x128xf32, #tpu.memory_space<vmem>>[vector<16xi32>, vector<16xi32>], vector<16xf32>,
        %add3A_1049 = arith.constant 32 : i32
        %add3A_1050 = vector.broadcast %add3A_1049 : i32 to vector<16xi32>
        %add3A_1051 = arith.addi %iota3A, %add3A_1050 : vector<16xi32>
        %gather3A_1052 = arith.constant 3 : i32
        %gather3A_1053 = arith.constant 0 : i32
        %gather3A_1054 = arith.constant 0 : i32
        %gather3A_1055 = tpu.memref_slice %arg6[%gather3A_1052, %gather3A_1053, %gather3A_1054] : memref<4x128x128xf32, #tpu.memory_space<vmem>> -> memref<1x128x128xf32, #tpu.memory_space<vmem>>
        %gather3A_1056 = tpu.memref_squeeze %gather3A_1055 : memref<1x128x128xf32, #tpu.memory_space<vmem>> -> memref<128x128xf32, #tpu.memory_space<vmem>>
        %gather3A_1057 = tpu.vector_load_idx %gather3A_1056[%add3A_1051, %and3A_1020] : memref<128x128xf32, #tpu.memory_space<vmem>>[vector<16xi32>, vector<16xi32>], vector<16xf32>,
        %scatter3A_1058 = arith.constant 3 : i32
        %scatter3A_1059 = arith.constant 0 : i32
        %scatter3A_1060 = arith.constant 0 : i32
        %scatter3A_1061 = tpu.memref_slice %arg7[%scatter3A_1058, %scatter3A_1059, %scatter3A_1060] : memref<4x64x128xf32, #tpu.memory_space<vmem>> -> memref<1x64x128xf32, #tpu.memory_space<vmem>>
        %scatter3A_1062 = tpu.memref_squeeze %scatter3A_1061 : memref<1x64x128xf32, #tpu.memory_space<vmem>> -> memref<64x128xf32, #tpu.memory_space<vmem>>
        tpu.vector_store_idx %scatter3A_1062[%and3A_1020, %add3A_1051], %gather3A_1057 : memref<64x128xf32, #tpu.memory_space<vmem>>[vector<16xi32>, vector<16xi32>], vector<16xf32>,
        %add3A_1063 = arith.constant 48 : i32
        %add3A_1064 = vector.broadcast %add3A_1063 : i32 to vector<16xi32>
        %add3A_1065 = arith.addi %iota3A, %add3A_1064 : vector<16xi32>
        %gather3A_1066 = arith.constant 3 : i32
        %gather3A_1067 = arith.constant 0 : i32
        %gather3A_1068 = arith.constant 0 : i32
        %gather3A_1069 = tpu.memref_slice %arg6[%gather3A_1066, %gather3A_1067, %gather3A_1068] : memref<4x128x128xf32, #tpu.memory_space<vmem>> -> memref<1x128x128xf32, #tpu.memory_space<vmem>>
        %gather3A_1070 = tpu.memref_squeeze %gather3A_1069 : memref<1x128x128xf32, #tpu.memory_space<vmem>> -> memref<128x128xf32, #tpu.memory_space<vmem>>
        %gather3A_1071 = tpu.vector_load_idx %gather3A_1070[%add3A_1065, %and3A_1020] : memref<128x128xf32, #tpu.memory_space<vmem>>[vector<16xi32>, vector<16xi32>], vector<16xf32>,
        %scatter3A_1072 = arith.constant 3 : i32
        %scatter3A_1073 = arith.constant 0 : i32
        %scatter3A_1074 = arith.constant 0 : i32
        %scatter3A_1075 = tpu.memref_slice %arg7[%scatter3A_1072, %scatter3A_1073, %scatter3A_1074] : memref<4x64x128xf32, #tpu.memory_space<vmem>> -> memref<1x64x128xf32, #tpu.memory_space<vmem>>
        %scatter3A_1076 = tpu.memref_squeeze %scatter3A_1075 : memref<1x64x128xf32, #tpu.memory_space<vmem>> -> memref<64x128xf32, #tpu.memory_space<vmem>>
        tpu.vector_store_idx %scatter3A_1076[%and3A_1020, %add3A_1065], %gather3A_1071 : memref<64x128xf32, #tpu.memory_space<vmem>>[vector<16xi32>, vector<16xi32>], vector<16xf32>,
        %add3A_1077 = arith.constant 64 : i32
        %add3A_1078 = vector.broadcast %add3A_1077 : i32 to vector<16xi32>
        %add3A_1079 = arith.addi %iota3A, %add3A_1078 : vector<16xi32>
        %gather3A_1080 = arith.constant 3 : i32
        %gather3A_1081 = arith.constant 0 : i32
        %gather3A_1082 = arith.constant 0 : i32
        %gather3A_1083 = tpu.memref_slice %arg6[%gather3A_1080, %gather3A_1081, %gather3A_1082] : memref<4x128x128xf32, #tpu.memory_space<vmem>> -> memref<1x128x128xf32, #tpu.memory_space<vmem>>
        %gather3A_1084 = tpu.memref_squeeze %gather3A_1083 : memref<1x128x128xf32, #tpu.memory_space<vmem>> -> memref<128x128xf32, #tpu.memory_space<vmem>>
        %gather3A_1085 = tpu.vector_load_idx %gather3A_1084[%add3A_1079, %and3A_1020] : memref<128x128xf32, #tpu.memory_space<vmem>>[vector<16xi32>, vector<16xi32>], vector<16xf32>,
        %scatter3A_1086 = arith.constant 3 : i32
        %scatter3A_1087 = arith.constant 0 : i32
        %scatter3A_1088 = arith.constant 0 : i32
        %scatter3A_1089 = tpu.memref_slice %arg7[%scatter3A_1086, %scatter3A_1087, %scatter3A_1088] : memref<4x64x128xf32, #tpu.memory_space<vmem>> -> memref<1x64x128xf32, #tpu.memory_space<vmem>>
        %scatter3A_1090 = tpu.memref_squeeze %scatter3A_1089 : memref<1x64x128xf32, #tpu.memory_space<vmem>> -> memref<64x128xf32, #tpu.memory_space<vmem>>
        tpu.vector_store_idx %scatter3A_1090[%and3A_1020, %add3A_1079], %gather3A_1085 : memref<64x128xf32, #tpu.memory_space<vmem>>[vector<16xi32>, vector<16xi32>], vector<16xf32>,
        %add3A_1091 = arith.constant 80 : i32
        %add3A_1092 = vector.broadcast %add3A_1091 : i32 to vector<16xi32>
        %add3A_1093 = arith.addi %iota3A, %add3A_1092 : vector<16xi32>
        %gather3A_1094 = arith.constant 3 : i32
        %gather3A_1095 = arith.constant 0 : i32
        %gather3A_1096 = arith.constant 0 : i32
        %gather3A_1097 = tpu.memref_slice %arg6[%gather3A_1094, %gather3A_1095, %gather3A_1096] : memref<4x128x128xf32, #tpu.memory_space<vmem>> -> memref<1x128x128xf32, #tpu.memory_space<vmem>>
        %gather3A_1098 = tpu.memref_squeeze %gather3A_1097 : memref<1x128x128xf32, #tpu.memory_space<vmem>> -> memref<128x128xf32, #tpu.memory_space<vmem>>
        %gather3A_1099 = tpu.vector_load_idx %gather3A_1098[%add3A_1093, %and3A_1020] : memref<128x128xf32, #tpu.memory_space<vmem>>[vector<16xi32>, vector<16xi32>], vector<16xf32>,
        %scatter3A_1100 = arith.constant 3 : i32
        %scatter3A_1101 = arith.constant 0 : i32
        %scatter3A_1102 = arith.constant 0 : i32
        %scatter3A_1103 = tpu.memref_slice %arg7[%scatter3A_1100, %scatter3A_1101, %scatter3A_1102] : memref<4x64x128xf32, #tpu.memory_space<vmem>> -> memref<1x64x128xf32, #tpu.memory_space<vmem>>
        %scatter3A_1104 = tpu.memref_squeeze %scatter3A_1103 : memref<1x64x128xf32, #tpu.memory_space<vmem>> -> memref<64x128xf32, #tpu.memory_space<vmem>>
        tpu.vector_store_idx %scatter3A_1104[%and3A_1020, %add3A_1093], %gather3A_1099 : memref<64x128xf32, #tpu.memory_space<vmem>>[vector<16xi32>, vector<16xi32>], vector<16xf32>,
        %add3A_1105 = arith.constant 96 : i32
        %add3A_1106 = vector.broadcast %add3A_1105 : i32 to vector<16xi32>
        %add3A_1107 = arith.addi %iota3A, %add3A_1106 : vector<16xi32>
        %gather3A_1108 = arith.constant 3 : i32
        %gather3A_1109 = arith.constant 0 : i32
        %gather3A_1110 = arith.constant 0 : i32
        %gather3A_1111 = tpu.memref_slice %arg6[%gather3A_1108, %gather3A_1109, %gather3A_1110] : memref<4x128x128xf32, #tpu.memory_space<vmem>> -> memref<1x128x128xf32, #tpu.memory_space<vmem>>
        %gather3A_1112 = tpu.memref_squeeze %gather3A_1111 : memref<1x128x128xf32, #tpu.memory_space<vmem>> -> memref<128x128xf32, #tpu.memory_space<vmem>>
        %gather3A_1113 = tpu.vector_load_idx %gather3A_1112[%add3A_1107, %and3A_1020] : memref<128x128xf32, #tpu.memory_space<vmem>>[vector<16xi32>, vector<16xi32>], vector<16xf32>,
        %scatter3A_1114 = arith.constant 3 : i32
        %scatter3A_1115 = arith.constant 0 : i32
        %scatter3A_1116 = arith.constant 0 : i32
        %scatter3A_1117 = tpu.memref_slice %arg7[%scatter3A_1114, %scatter3A_1115, %scatter3A_1116] : memref<4x64x128xf32, #tpu.memory_space<vmem>> -> memref<1x64x128xf32, #tpu.memory_space<vmem>>
        %scatter3A_1118 = tpu.memref_squeeze %scatter3A_1117 : memref<1x64x128xf32, #tpu.memory_space<vmem>> -> memref<64x128xf32, #tpu.memory_space<vmem>>
        tpu.vector_store_idx %scatter3A_1118[%and3A_1020, %add3A_1107], %gather3A_1113 : memref<64x128xf32, #tpu.memory_space<vmem>>[vector<16xi32>, vector<16xi32>], vector<16xf32>,
        %add3A_1119 = arith.constant 112 : i32
        %add3A_1120 = vector.broadcast %add3A_1119 : i32 to vector<16xi32>
        %add3A_1121 = arith.addi %iota3A, %add3A_1120 : vector<16xi32>
        %gather3A_1122 = arith.constant 3 : i32
        %gather3A_1123 = arith.constant 0 : i32
        %gather3A_1124 = arith.constant 0 : i32
        %gather3A_1125 = tpu.memref_slice %arg6[%gather3A_1122, %gather3A_1123, %gather3A_1124] : memref<4x128x128xf32, #tpu.memory_space<vmem>> -> memref<1x128x128xf32, #tpu.memory_space<vmem>>
        %gather3A_1126 = tpu.memref_squeeze %gather3A_1125 : memref<1x128x128xf32, #tpu.memory_space<vmem>> -> memref<128x128xf32, #tpu.memory_space<vmem>>
        %gather3A_1127 = tpu.vector_load_idx %gather3A_1126[%add3A_1121, %and3A_1020] : memref<128x128xf32, #tpu.memory_space<vmem>>[vector<16xi32>, vector<16xi32>], vector<16xf32>,
        %scatter3A_1128 = arith.constant 3 : i32
        %scatter3A_1129 = arith.constant 0 : i32
        %scatter3A_1130 = arith.constant 0 : i32
        %scatter3A_1131 = tpu.memref_slice %arg7[%scatter3A_1128, %scatter3A_1129, %scatter3A_1130] : memref<4x64x128xf32, #tpu.memory_space<vmem>> -> memref<1x64x128xf32, #tpu.memory_space<vmem>>
        %scatter3A_1132 = tpu.memref_squeeze %scatter3A_1131 : memref<1x64x128xf32, #tpu.memory_space<vmem>> -> memref<64x128xf32, #tpu.memory_space<vmem>>
        tpu.vector_store_idx %scatter3A_1132[%and3A_1020, %add3A_1121], %gather3A_1127 : memref<64x128xf32, #tpu.memory_space<vmem>>[vector<16xi32>, vector<16xi32>], vector<16xf32>,
        %scan3A_1133 = arith.constant 3 : i32
        %scan3A_1134 = arith.addi %scan3A_768, %scan3A_1133 : i32
        %mul3A_1135 = arith.constant 1 : i32
        %mul3A_1136 = arith.muli %scan3A_1134, %mul3A_1135 : i32
        %add3A_1137 = arith.constant 0 : i32
        %add3A_1138 = arith.addi %add3A_1137, %mul3A_1136 : i32
        %broadcast_in_dim3A_1139 = vector.broadcast %add3A_1138 : i32 to vector<16xi32>
        %add3A_1140 = arith.addi %broadcast_in_dim3A_1139, %iota3A : vector<16xi32>
        %and3A_1141 = arith.constant 63 : i32
        %and3A_1142 = vector.broadcast %and3A_1141 : i32 to vector<16xi32>
        %and3A_1143 = arith.andi %add3A_1140, %and3A_1142 : vector<16xi32>
        %add3A_1144 = arith.constant 0 : i32
        %add3A_1145 = vector.broadcast %add3A_1144 : i32 to vector<16xi32>
        %add3A_1146 = arith.addi %iota3A, %add3A_1145 : vector<16xi32>
        %gather3A_1147 = arith.constant 3 : i32
        %gather3A_1148 = arith.constant 0 : i32
        %gather3A_1149 = arith.constant 0 : i32
        %gather3A_1150 = tpu.memref_slice %arg6[%gather3A_1147, %gather3A_1148, %gather3A_1149] : memref<4x128x128xf32, #tpu.memory_space<vmem>> -> memref<1x128x128xf32, #tpu.memory_space<vmem>>
        %gather3A_1151 = tpu.memref_squeeze %gather3A_1150 : memref<1x128x128xf32, #tpu.memory_space<vmem>> -> memref<128x128xf32, #tpu.memory_space<vmem>>
        %gather3A_1152 = tpu.vector_load_idx %gather3A_1151[%add3A_1146, %and3A_1143] : memref<128x128xf32, #tpu.memory_space<vmem>>[vector<16xi32>, vector<16xi32>], vector<16xf32>,
        %scatter3A_1153 = arith.constant 3 : i32
        %scatter3A_1154 = arith.constant 0 : i32
        %scatter3A_1155 = arith.constant 0 : i32
        %scatter3A_1156 = tpu.memref_slice %arg7[%scatter3A_1153, %scatter3A_1154, %scatter3A_1155] : memref<4x64x128xf32, #tpu.memory_space<vmem>> -> memref<1x64x128xf32, #tpu.memory_space<vmem>>
        %scatter3A_1157 = tpu.memref_squeeze %scatter3A_1156 : memref<1x64x128xf32, #tpu.memory_space<vmem>> -> memref<64x128xf32, #tpu.memory_space<vmem>>
        tpu.vector_store_idx %scatter3A_1157[%and3A_1143, %add3A_1146], %gather3A_1152 : memref<64x128xf32, #tpu.memory_space<vmem>>[vector<16xi32>, vector<16xi32>], vector<16xf32>,
        %add3A_1158 = arith.constant 16 : i32
        %add3A_1159 = vector.broadcast %add3A_1158 : i32 to vector<16xi32>
        %add3A_1160 = arith.addi %iota3A, %add3A_1159 : vector<16xi32>
        %gather3A_1161 = arith.constant 3 : i32
        %gather3A_1162 = arith.constant 0 : i32
        %gather3A_1163 = arith.constant 0 : i32
        %gather3A_1164 = tpu.memref_slice %arg6[%gather3A_1161, %gather3A_1162, %gather3A_1163] : memref<4x128x128xf32, #tpu.memory_space<vmem>> -> memref<1x128x128xf32, #tpu.memory_space<vmem>>
        %gather3A_1165 = tpu.memref_squeeze %gather3A_1164 : memref<1x128x128xf32, #tpu.memory_space<vmem>> -> memref<128x128xf32, #tpu.memory_space<vmem>>
        %gather3A_1166 = tpu.vector_load_idx %gather3A_1165[%add3A_1160, %and3A_1143] : memref<128x128xf32, #tpu.memory_space<vmem>>[vector<16xi32>, vector<16xi32>], vector<16xf32>,
        %scatter3A_1167 = arith.constant 3 : i32
        %scatter3A_1168 = arith.constant 0 : i32
        %scatter3A_1169 = arith.constant 0 : i32
        %scatter3A_1170 = tpu.memref_slice %arg7[%scatter3A_1167, %scatter3A_1168, %scatter3A_1169] : memref<4x64x128xf32, #tpu.memory_space<vmem>> -> memref<1x64x128xf32, #tpu.memory_space<vmem>>
        %scatter3A_1171 = tpu.memref_squeeze %scatter3A_1170 : memref<1x64x128xf32, #tpu.memory_space<vmem>> -> memref<64x128xf32, #tpu.memory_space<vmem>>
        tpu.vector_store_idx %scatter3A_1171[%and3A_1143, %add3A_1160], %gather3A_1166 : memref<64x128xf32, #tpu.memory_space<vmem>>[vector<16xi32>, vector<16xi32>], vector<16xf32>,
        %add3A_1172 = arith.constant 32 : i32
        %add3A_1173 = vector.broadcast %add3A_1172 : i32 to vector<16xi32>
        %add3A_1174 = arith.addi %iota3A, %add3A_1173 : vector<16xi32>
        %gather3A_1175 = arith.constant 3 : i32
        %gather3A_1176 = arith.constant 0 : i32
        %gather3A_1177 = arith.constant 0 : i32
        %gather3A_1178 = tpu.memref_slice %arg6[%gather3A_1175, %gather3A_1176, %gather3A_1177] : memref<4x128x128xf32, #tpu.memory_space<vmem>> -> memref<1x128x128xf32, #tpu.memory_space<vmem>>
        %gather3A_1179 = tpu.memref_squeeze %gather3A_1178 : memref<1x128x128xf32, #tpu.memory_space<vmem>> -> memref<128x128xf32, #tpu.memory_space<vmem>>
        %gather3A_1180 = tpu.vector_load_idx %gather3A_1179[%add3A_1174, %and3A_1143] : memref<128x128xf32, #tpu.memory_space<vmem>>[vector<16xi32>, vector<16xi32>], vector<16xf32>,
        %scatter3A_1181 = arith.constant 3 : i32
        %scatter3A_1182 = arith.constant 0 : i32
        %scatter3A_1183 = arith.constant 0 : i32
        %scatter3A_1184 = tpu.memref_slice %arg7[%scatter3A_1181, %scatter3A_1182, %scatter3A_1183] : memref<4x64x128xf32, #tpu.memory_space<vmem>> -> memref<1x64x128xf32, #tpu.memory_space<vmem>>
        %scatter3A_1185 = tpu.memref_squeeze %scatter3A_1184 : memref<1x64x128xf32, #tpu.memory_space<vmem>> -> memref<64x128xf32, #tpu.memory_space<vmem>>
        tpu.vector_store_idx %scatter3A_1185[%and3A_1143, %add3A_1174], %gather3A_1180 : memref<64x128xf32, #tpu.memory_space<vmem>>[vector<16xi32>, vector<16xi32>], vector<16xf32>,
        %add3A_1186 = arith.constant 48 : i32
        %add3A_1187 = vector.broadcast %add3A_1186 : i32 to vector<16xi32>
        %add3A_1188 = arith.addi %iota3A, %add3A_1187 : vector<16xi32>
        %gather3A_1189 = arith.constant 3 : i32
        %gather3A_1190 = arith.constant 0 : i32
        %gather3A_1191 = arith.constant 0 : i32
        %gather3A_1192 = tpu.memref_slice %arg6[%gather3A_1189, %gather3A_1190, %gather3A_1191] : memref<4x128x128xf32, #tpu.memory_space<vmem>> -> memref<1x128x128xf32, #tpu.memory_space<vmem>>
        %gather3A_1193 = tpu.memref_squeeze %gather3A_1192 : memref<1x128x128xf32, #tpu.memory_space<vmem>> -> memref<128x128xf32, #tpu.memory_space<vmem>>
        %gather3A_1194 = tpu.vector_load_idx %gather3A_1193[%add3A_1188, %and3A_1143] : memref<128x128xf32, #tpu.memory_space<vmem>>[vector<16xi32>, vector<16xi32>], vector<16xf32>,
        %scatter3A_1195 = arith.constant 3 : i32
        %scatter3A_1196 = arith.constant 0 : i32
        %scatter3A_1197 = arith.constant 0 : i32
        %scatter3A_1198 = tpu.memref_slice %arg7[%scatter3A_1195, %scatter3A_1196, %scatter3A_1197] : memref<4x64x128xf32, #tpu.memory_space<vmem>> -> memref<1x64x128xf32, #tpu.memory_space<vmem>>
        %scatter3A_1199 = tpu.memref_squeeze %scatter3A_1198 : memref<1x64x128xf32, #tpu.memory_space<vmem>> -> memref<64x128xf32, #tpu.memory_space<vmem>>
        tpu.vector_store_idx %scatter3A_1199[%and3A_1143, %add3A_1188], %gather3A_1194 : memref<64x128xf32, #tpu.memory_space<vmem>>[vector<16xi32>, vector<16xi32>], vector<16xf32>,
        %add3A_1200 = arith.constant 64 : i32
        %add3A_1201 = vector.broadcast %add3A_1200 : i32 to vector<16xi32>
        %add3A_1202 = arith.addi %iota3A, %add3A_1201 : vector<16xi32>
        %gather3A_1203 = arith.constant 3 : i32
        %gather3A_1204 = arith.constant 0 : i32
        %gather3A_1205 = arith.constant 0 : i32
        %gather3A_1206 = tpu.memref_slice %arg6[%gather3A_1203, %gather3A_1204, %gather3A_1205] : memref<4x128x128xf32, #tpu.memory_space<vmem>> -> memref<1x128x128xf32, #tpu.memory_space<vmem>>
        %gather3A_1207 = tpu.memref_squeeze %gather3A_1206 : memref<1x128x128xf32, #tpu.memory_space<vmem>> -> memref<128x128xf32, #tpu.memory_space<vmem>>
        %gather3A_1208 = tpu.vector_load_idx %gather3A_1207[%add3A_1202, %and3A_1143] : memref<128x128xf32, #tpu.memory_space<vmem>>[vector<16xi32>, vector<16xi32>], vector<16xf32>,
        %scatter3A_1209 = arith.constant 3 : i32
        %scatter3A_1210 = arith.constant 0 : i32
        %scatter3A_1211 = arith.constant 0 : i32
        %scatter3A_1212 = tpu.memref_slice %arg7[%scatter3A_1209, %scatter3A_1210, %scatter3A_1211] : memref<4x64x128xf32, #tpu.memory_space<vmem>> -> memref<1x64x128xf32, #tpu.memory_space<vmem>>
        %scatter3A_1213 = tpu.memref_squeeze %scatter3A_1212 : memref<1x64x128xf32, #tpu.memory_space<vmem>> -> memref<64x128xf32, #tpu.memory_space<vmem>>
        tpu.vector_store_idx %scatter3A_1213[%and3A_1143, %add3A_1202], %gather3A_1208 : memref<64x128xf32, #tpu.memory_space<vmem>>[vector<16xi32>, vector<16xi32>], vector<16xf32>,
        %add3A_1214 = arith.constant 80 : i32
        %add3A_1215 = vector.broadcast %add3A_1214 : i32 to vector<16xi32>
        %add3A_1216 = arith.addi %iota3A, %add3A_1215 : vector<16xi32>
        %gather3A_1217 = arith.constant 3 : i32
        %gather3A_1218 = arith.constant 0 : i32
        %gather3A_1219 = arith.constant 0 : i32
        %gather3A_1220 = tpu.memref_slice %arg6[%gather3A_1217, %gather3A_1218, %gather3A_1219] : memref<4x128x128xf32, #tpu.memory_space<vmem>> -> memref<1x128x128xf32, #tpu.memory_space<vmem>>
        %gather3A_1221 = tpu.memref_squeeze %gather3A_1220 : memref<1x128x128xf32, #tpu.memory_space<vmem>> -> memref<128x128xf32, #tpu.memory_space<vmem>>
        %gather3A_1222 = tpu.vector_load_idx %gather3A_1221[%add3A_1216, %and3A_1143] : memref<128x128xf32, #tpu.memory_space<vmem>>[vector<16xi32>, vector<16xi32>], vector<16xf32>,
        %scatter3A_1223 = arith.constant 3 : i32
        %scatter3A_1224 = arith.constant 0 : i32
        %scatter3A_1225 = arith.constant 0 : i32
        %scatter3A_1226 = tpu.memref_slice %arg7[%scatter3A_1223, %scatter3A_1224, %scatter3A_1225] : memref<4x64x128xf32, #tpu.memory_space<vmem>> -> memref<1x64x128xf32, #tpu.memory_space<vmem>>
        %scatter3A_1227 = tpu.memref_squeeze %scatter3A_1226 : memref<1x64x128xf32, #tpu.memory_space<vmem>> -> memref<64x128xf32, #tpu.memory_space<vmem>>
        tpu.vector_store_idx %scatter3A_1227[%and3A_1143, %add3A_1216], %gather3A_1222 : memref<64x128xf32, #tpu.memory_space<vmem>>[vector<16xi32>, vector<16xi32>], vector<16xf32>,
        %add3A_1228 = arith.constant 96 : i32
        %add3A_1229 = vector.broadcast %add3A_1228 : i32 to vector<16xi32>
        %add3A_1230 = arith.addi %iota3A, %add3A_1229 : vector<16xi32>
        %gather3A_1231 = arith.constant 3 : i32
        %gather3A_1232 = arith.constant 0 : i32
        %gather3A_1233 = arith.constant 0 : i32
        %gather3A_1234 = tpu.memref_slice %arg6[%gather3A_1231, %gather3A_1232, %gather3A_1233] : memref<4x128x128xf32, #tpu.memory_space<vmem>> -> memref<1x128x128xf32, #tpu.memory_space<vmem>>
        %gather3A_1235 = tpu.memref_squeeze %gather3A_1234 : memref<1x128x128xf32, #tpu.memory_space<vmem>> -> memref<128x128xf32, #tpu.memory_space<vmem>>
        %gather3A_1236 = tpu.vector_load_idx %gather3A_1235[%add3A_1230, %and3A_1143] : memref<128x128xf32, #tpu.memory_space<vmem>>[vector<16xi32>, vector<16xi32>], vector<16xf32>,
        %scatter3A_1237 = arith.constant 3 : i32
        %scatter3A_1238 = arith.constant 0 : i32
        %scatter3A_1239 = arith.constant 0 : i32
        %scatter3A_1240 = tpu.memref_slice %arg7[%scatter3A_1237, %scatter3A_1238, %scatter3A_1239] : memref<4x64x128xf32, #tpu.memory_space<vmem>> -> memref<1x64x128xf32, #tpu.memory_space<vmem>>
        %scatter3A_1241 = tpu.memref_squeeze %scatter3A_1240 : memref<1x64x128xf32, #tpu.memory_space<vmem>> -> memref<64x128xf32, #tpu.memory_space<vmem>>
        tpu.vector_store_idx %scatter3A_1241[%and3A_1143, %add3A_1230], %gather3A_1236 : memref<64x128xf32, #tpu.memory_space<vmem>>[vector<16xi32>, vector<16xi32>], vector<16xf32>,
        %add3A_1242 = arith.constant 112 : i32
        %add3A_1243 = vector.broadcast %add3A_1242 : i32 to vector<16xi32>
        %add3A_1244 = arith.addi %iota3A, %add3A_1243 : vector<16xi32>
        %gather3A_1245 = arith.constant 3 : i32
        %gather3A_1246 = arith.constant 0 : i32
        %gather3A_1247 = arith.constant 0 : i32
        %gather3A_1248 = tpu.memref_slice %arg6[%gather3A_1245, %gather3A_1246, %gather3A_1247] : memref<4x128x128xf32, #tpu.memory_space<vmem>> -> memref<1x128x128xf32, #tpu.memory_space<vmem>>
        %gather3A_1249 = tpu.memref_squeeze %gather3A_1248 : memref<1x128x128xf32, #tpu.memory_space<vmem>> -> memref<128x128xf32, #tpu.memory_space<vmem>>
        %gather3A_1250 = tpu.vector_load_idx %gather3A_1249[%add3A_1244, %and3A_1143] : memref<128x128xf32, #tpu.memory_space<vmem>>[vector<16xi32>, vector<16xi32>], vector<16xf32>,
        %scatter3A_1251 = arith.constant 3 : i32
        %scatter3A_1252 = arith.constant 0 : i32
        %scatter3A_1253 = arith.constant 0 : i32
        %scatter3A_1254 = tpu.memref_slice %arg7[%scatter3A_1251, %scatter3A_1252, %scatter3A_1253] : memref<4x64x128xf32, #tpu.memory_space<vmem>> -> memref<1x64x128xf32, #tpu.memory_space<vmem>>
        %scatter3A_1255 = tpu.memref_squeeze %scatter3A_1254 : memref<1x64x128xf32, #tpu.memory_space<vmem>> -> memref<64x128xf32, #tpu.memory_space<vmem>>
        tpu.vector_store_idx %scatter3A_1255[%and3A_1143, %add3A_1244], %gather3A_1250 : memref<64x128xf32, #tpu.memory_space<vmem>>[vector<16xi32>, vector<16xi32>], vector<16xf32>,
      }
      %scan3A_702 = arith.constant 64 : i32
      %add3A_703 = arith.addi %mul3A_2, %add3A_664 : i32
      %jit3A_704 = arith.constant 32 : i32
      %div3A_705 = arith.divsi %add3A_703, %jit3A_704 : i32
      %sign3A_706 = arith.constant 0 : i32
      %sign3A_707 = arith.cmpi sgt, %add3A_703, %sign3A_706 : i32
      %sign3A_708 = arith.extui %sign3A_707 : i1 to i32
      %sign3A_709 = arith.constant 0 : i32
      %sign3A_710 = arith.cmpi slt, %add3A_703, %sign3A_709 : i32
      %sign3A_711 = arith.extui %sign3A_710 : i1 to i32
      %sign3A_712 = arith.subi %sign3A_708, %sign3A_711 : i32
      %sign3A_713 = arith.constant 0 : i32
      %sign3A_714 = arith.cmpi sgt, %jit3A_704, %sign3A_713 : i32
      %sign3A_715 = arith.extui %sign3A_714 : i1 to i32
      %sign3A_716 = arith.constant 0 : i32
      %sign3A_717 = arith.cmpi slt, %jit3A_704, %sign3A_716 : i32
      %sign3A_718 = arith.extui %sign3A_717 : i1 to i32
      %sign3A_719 = arith.subi %sign3A_715, %sign3A_718 : i32
      %ne3A_720 = arith.cmpi ne, %sign3A_712, %sign3A_719 : i32
      %rem3A_721 = arith.remsi %add3A_703, %jit3A_704 : i32
      %ne3A_722 = arith.constant 0 : i32
      %ne3A_723 = arith.cmpi ne, %rem3A_721, %ne3A_722 : i32
      %and3A_724 = arith.andi %ne3A_720, %ne3A_723 : i1
      %sub3A_725 = arith.constant 1 : i32
      %sub3A_726 = arith.subi %div3A_705, %sub3A_725 : i32
      %select_n3A_727 = arith.select %and3A_724, %sub3A_726, %div3A_705 : i32
      %jit3A_728 = arith.constant 32 : i32
      %eq3A_729 = arith.constant 0 : i32
      %eq3A_730 = arith.cmpi eq, %jit3A_728, %eq3A_729 : i32
      %jit3A_731 = arith.constant 1 : i32
      %select_n3A_732 = arith.select %eq3A_730, %jit3A_731, %jit3A_728 : i32
      %rem3A_733 = arith.remsi %add3A_703, %select_n3A_732 : i32
      %ne3A_734 = arith.constant 0 : i32
      %ne3A_735 = arith.cmpi ne, %rem3A_733, %ne3A_734 : i32
      %lt3A_736 = arith.constant 0 : i32
      %lt3A_737 = arith.cmpi slt, %rem3A_733, %lt3A_736 : i32
      %lt3A_738 = arith.constant 0 : i32
      %lt3A_739 = arith.cmpi slt, %select_n3A_732, %lt3A_738 : i32
      %ne3A_740 = arith.xori %lt3A_737, %lt3A_739 : i1
      %and3A_741 = arith.andi %ne3A_740, %ne3A_735 : i1
      %add3A_742 = arith.addi %rem3A_733, %select_n3A_732 : i32
      %select_n3A_743 = arith.select %and3A_741, %add3A_742, %rem3A_733 : i32
      %mul3A_744 = arith.constant 128 : i32
      %mul3A_745 = arith.muli %select_n3A_743, %mul3A_744 : i32
      %dma_start3A_746 = arith.constant 3 : i32
      %dma_start3A_747 = arith.constant 0 : i32
      %dma_start3A_748 = arith.constant 0 : i32
      %dma_start3A_749 = tpu.memref_slice %arg7[%dma_start3A_746, %dma_start3A_747, %dma_start3A_748] : memref<4x64x128xf32, #tpu.memory_space<vmem>> -> memref<1x64x128xf32, #tpu.memory_space<vmem>>
      %dma_start3A_750 = tpu.memref_squeeze %dma_start3A_749 : memref<1x64x128xf32, #tpu.memory_space<vmem>> -> memref<64x128xf32, #tpu.memory_space<vmem>>
      %dma_start3A_751 = arith.constant 0 : i32
      %dma_start3A_752 = tpu.memref_slice %arg4[%select_n3A_727, %dma_start3A_751, %mul3A_745] : memref<200x64x4096xf32, #tpu.memory_space<hbm>> -> memref<1x64x128xf32, #tpu.memory_space<hbm>>
      %dma_start3A_753 = tpu.memref_squeeze %dma_start3A_752 : memref<1x64x128xf32, #tpu.memory_space<hbm>> -> memref<64x128xf32, #tpu.memory_space<hbm>>
      %dma_start3A_754 = arith.constant 0 : i32
      %dma_start3A_755 = tpu.memref_slice %arg4[%select_n3A_727, %dma_start3A_754, %mul3A_745] : memref<200x64x4096xf32, #tpu.memory_space<hbm>> -> memref<1x64x128xf32, #tpu.memory_space<hbm>>
      %dma_start3A_756 = tpu.memref_squeeze %dma_start3A_755 : memref<1x64x128xf32, #tpu.memory_space<hbm>> -> memref<64x128xf32, #tpu.memory_space<hbm>>
      %dma_start3A_757 = arith.constant 0 : i32
      %dma_start3A_758 = arith.constant 0 : i32
      %dma_start3A_759 = tpu.memref_slice %arg7[%dma_start3A_746, %dma_start3A_757, %dma_start3A_758] : memref<4x64x128xf32, #tpu.memory_space<vmem>> -> memref<1x64x128xf32, #tpu.memory_space<vmem>>
      %dma_start3A_760 = tpu.memref_squeeze %dma_start3A_759 : memref<1x64x128xf32, #tpu.memory_space<vmem>> -> memref<64x128xf32, #tpu.memory_space<vmem>>
      tpu.enqueue_dma source(%dma_start3A_760 : memref<64x128xf32, #tpu.memory_space<vmem>>) target(%dma_start3A_756 : memref<64x128xf32, #tpu.memory_space<hbm>>) target_semaphore(%arg15 : memref<!tpu.dma_semaphore, #tpu.memory_space<semaphore_mem>>)
      %add3A_761 = arith.constant 4 : i32
      %add3A_762 = arith.addi %add3A_664, %add3A_761 : i32
      %lt3A_763 = arith.constant 200 : i32
      %lt3A_764 = arith.cmpi slt, %add3A_762, %lt3A_763 : i32
      %convert_element_type3A_765 = arith.extui %lt3A_764 : i1 to i32
      %cond3A_766 = arith.constant 0 : i32
      %cond3A_767 = arith.cmpi ne, %convert_element_type3A_765, %cond3A_766 : i32
      scf.if %cond3A_767 {
        %add3A_768 = arith.constant 4 : i32
        %add3A_769 = arith.addi %add3A_664, %add3A_768 : i32
        %mul3A_770 = arith.constant 128 : i32
        %mul3A_771 = arith.muli %add3A_769, %mul3A_770 : i32
        %dma_start3A_772 = arith.constant 3 : i32
        %dma_start3A_773 = arith.constant 0 : i32
        %dma_start3A_774 = arith.constant 0 : i32
        %dma_start3A_775 = tpu.memref_slice %arg6[%dma_start3A_772, %dma_start3A_773, %dma_start3A_774] : memref<4x128x128xf32, #tpu.memory_space<vmem>> -> memref<1x128x128xf32, #tpu.memory_space<vmem>>
        %dma_start3A_776 = tpu.memref_squeeze %dma_start3A_775 : memref<1x128x128xf32, #tpu.memory_space<vmem>> -> memref<128x128xf32, #tpu.memory_space<vmem>>
        %dma_start3A_777 = tpu.memref_slice %arg5[%mul3A_771] : memref<25600xi32, #tpu.memory_space<vmem>> -> memref<128xi32, #tpu.memory_space<vmem>>
        %dma_start3A_778 = arith.constant 0 : i32
        %dma_start3A_779 = arith.constant 0 : i32
        %dma_start3A_780 = tpu.memref_slice %arg3[%dma_start3A_778, %dma_start3A_779] : memref<1000000x128xf32, #tpu.memory_space<hbm>> -> memref<1000000x128xf32, #tpu.memory_space<hbm>>
        tpu.enqueue_indirect_dma source(%dma_start3A_780 : memref<1000000x128xf32, #tpu.memory_space<hbm>>) target(%dma_start3A_776 : memref<128x128xf32, #tpu.memory_space<vmem>>) offsets(%dma_start3A_777 : memref<128xi32, #tpu.memory_space<vmem>>) semaphore(%arg11 : memref<!tpu.dma_semaphore, #tpu.memory_space<semaphore_mem>>)
      } else {
      }
    }
    %scan3A_273 = arith.constant 50 : i32
    %dma_wait3A = arith.constant 0 : i32
    %dma_wait3A_274 = arith.constant 0 : i32
    %dma_wait3A_275 = arith.constant 0 : i32
    %dma_wait3A_276 = arith.constant 0 : i32
    %dma_wait3A_277 = tpu.memref_slice %arg7[%dma_wait3A, %dma_wait3A_275, %dma_wait3A_276] : memref<4x64x128xf32, #tpu.memory_space<vmem>> -> memref<1x64x128xf32, #tpu.memory_space<vmem>>
    %dma_wait3A_278 = tpu.memref_squeeze %dma_wait3A_277 : memref<1x64x128xf32, #tpu.memory_space<vmem>> -> memref<64x128xf32, #tpu.memory_space<vmem>>
    %dma_wait3A_279 = arith.constant 0 : i32
    %dma_wait3A_280 = arith.constant 0 : i32
    %dma_wait3A_281 = tpu.memref_slice %arg4[%dma_wait3A_274, %dma_wait3A_279, %dma_wait3A_280] : memref<200x64x4096xf32, #tpu.memory_space<hbm>> -> memref<1x64x128xf32, #tpu.memory_space<hbm>>
    %dma_wait3A_282 = tpu.memref_squeeze %dma_wait3A_281 : memref<1x64x128xf32, #tpu.memory_space<hbm>> -> memref<64x128xf32, #tpu.memory_space<hbm>>
    %dma_wait3A_283 = arith.constant 0 : i32
    %dma_wait3A_284 = arith.constant 0 : i32
    %dma_wait3A_285 = tpu.memref_slice %arg4[%dma_wait3A_274, %dma_wait3A_283, %dma_wait3A_284] : memref<200x64x4096xf32, #tpu.memory_space<hbm>> -> memref<1x64x128xf32, #tpu.memory_space<hbm>>
    %dma_wait3A_286 = tpu.memref_squeeze %dma_wait3A_285 : memref<1x64x128xf32, #tpu.memory_space<hbm>> -> memref<64x128xf32, #tpu.memory_space<hbm>>
    %dma_wait3A_287 = arith.constant 0 : i32
    %dma_wait3A_288 = arith.constant 0 : i32
    %dma_wait3A_289 = tpu.memref_slice %arg7[%dma_wait3A, %dma_wait3A_287, %dma_wait3A_288] : memref<4x64x128xf32, #tpu.memory_space<vmem>> -> memref<1x64x128xf32, #tpu.memory_space<vmem>>
    %dma_wait3A_290 = tpu.memref_squeeze %dma_wait3A_289 : memref<1x64x128xf32, #tpu.memory_space<vmem>> -> memref<64x128xf32, #tpu.memory_space<vmem>>
    tpu.wait_dma2 semaphore(%arg12 : memref<!tpu.dma_semaphore, #tpu.memory_space<semaphore_mem>>) src(%dma_wait3A_290 : memref<64x128xf32, #tpu.memory_space<vmem>>) dst(%dma_wait3A_286 : memref<64x128xf32, #tpu.memory_space<hbm>>)
    %dma_wait3A_291 = arith.constant 1 : i32
    %dma_wait3A_292 = arith.constant 0 : i32
    %dma_wait3A_293 = arith.constant 0 : i32
    %dma_wait3A_294 = arith.constant 0 : i32
    %dma_wait3A_295 = tpu.memref_slice %arg7[%dma_wait3A_291, %dma_wait3A_293, %dma_wait3A_294] : memref<4x64x128xf32, #tpu.memory_space<vmem>> -> memref<1x64x128xf32, #tpu.memory_space<vmem>>
    %dma_wait3A_296 = tpu.memref_squeeze %dma_wait3A_295 : memref<1x64x128xf32, #tpu.memory_space<vmem>> -> memref<64x128xf32, #tpu.memory_space<vmem>>
    %dma_wait3A_297 = arith.constant 0 : i32
    %dma_wait3A_298 = arith.constant 0 : i32
    %dma_wait3A_299 = tpu.memref_slice %arg4[%dma_wait3A_292, %dma_wait3A_297, %dma_wait3A_298] : memref<200x64x4096xf32, #tpu.memory_space<hbm>> -> memref<1x64x128xf32, #tpu.memory_space<hbm>>
    %dma_wait3A_300 = tpu.memref_squeeze %dma_wait3A_299 : memref<1x64x128xf32, #tpu.memory_space<hbm>> -> memref<64x128xf32, #tpu.memory_space<hbm>>
    %dma_wait3A_301 = arith.constant 0 : i32
    %dma_wait3A_302 = arith.constant 0 : i32
    %dma_wait3A_303 = tpu.memref_slice %arg4[%dma_wait3A_292, %dma_wait3A_301, %dma_wait3A_302] : memref<200x64x4096xf32, #tpu.memory_space<hbm>> -> memref<1x64x128xf32, #tpu.memory_space<hbm>>
    %dma_wait3A_304 = tpu.memref_squeeze %dma_wait3A_303 : memref<1x64x128xf32, #tpu.memory_space<hbm>> -> memref<64x128xf32, #tpu.memory_space<hbm>>
    %dma_wait3A_305 = arith.constant 0 : i32
    %dma_wait3A_306 = arith.constant 0 : i32
    %dma_wait3A_307 = tpu.memref_slice %arg7[%dma_wait3A_291, %dma_wait3A_305, %dma_wait3A_306] : memref<4x64x128xf32, #tpu.memory_space<vmem>> -> memref<1x64x128xf32, #tpu.memory_space<vmem>>
    %dma_wait3A_308 = tpu.memref_squeeze %dma_wait3A_307 : memref<1x64x128xf32, #tpu.memory_space<vmem>> -> memref<64x128xf32, #tpu.memory_space<vmem>>
    tpu.wait_dma2 semaphore(%arg13 : memref<!tpu.dma_semaphore, #tpu.memory_space<semaphore_mem>>) src(%dma_wait3A_308 : memref<64x128xf32, #tpu.memory_space<vmem>>) dst(%dma_wait3A_304 : memref<64x128xf32, #tpu.memory_space<hbm>>)
    %dma_wait3A_309 = arith.constant 2 : i32
    %dma_wait3A_310 = arith.constant 0 : i32
    %dma_wait3A_311 = arith.constant 0 : i32
    %dma_wait3A_312 = arith.constant 0 : i32
    %dma_wait3A_313 = tpu.memref_slice %arg7[%dma_wait3A_309, %dma_wait3A_311, %dma_wait3A_312] : memref<4x64x128xf32, #tpu.memory_space<vmem>> -> memref<1x64x128xf32, #tpu.memory_space<vmem>>
    %dma_wait3A_314 = tpu.memref_squeeze %dma_wait3A_313 : memref<1x64x128xf32, #tpu.memory_space<vmem>> -> memref<64x128xf32, #tpu.memory_space<vmem>>
    %dma_wait3A_315 = arith.constant 0 : i32
    %dma_wait3A_316 = arith.constant 0 : i32
    %dma_wait3A_317 = tpu.memref_slice %arg4[%dma_wait3A_310, %dma_wait3A_315, %dma_wait3A_316] : memref<200x64x4096xf32, #tpu.memory_space<hbm>> -> memref<1x64x128xf32, #tpu.memory_space<hbm>>
    %dma_wait3A_318 = tpu.memref_squeeze %dma_wait3A_317 : memref<1x64x128xf32, #tpu.memory_space<hbm>> -> memref<64x128xf32, #tpu.memory_space<hbm>>
    %dma_wait3A_319 = arith.constant 0 : i32
    %dma_wait3A_320 = arith.constant 0 : i32
    %dma_wait3A_321 = tpu.memref_slice %arg4[%dma_wait3A_310, %dma_wait3A_319, %dma_wait3A_320] : memref<200x64x4096xf32, #tpu.memory_space<hbm>> -> memref<1x64x128xf32, #tpu.memory_space<hbm>>
    %dma_wait3A_322 = tpu.memref_squeeze %dma_wait3A_321 : memref<1x64x128xf32, #tpu.memory_space<hbm>> -> memref<64x128xf32, #tpu.memory_space<hbm>>
    %dma_wait3A_323 = arith.constant 0 : i32
    %dma_wait3A_324 = arith.constant 0 : i32
    %dma_wait3A_325 = tpu.memref_slice %arg7[%dma_wait3A_309, %dma_wait3A_323, %dma_wait3A_324] : memref<4x64x128xf32, #tpu.memory_space<vmem>> -> memref<1x64x128xf32, #tpu.memory_space<vmem>>
    %dma_wait3A_326 = tpu.memref_squeeze %dma_wait3A_325 : memref<1x64x128xf32, #tpu.memory_space<vmem>> -> memref<64x128xf32, #tpu.memory_space<vmem>>
    tpu.wait_dma2 semaphore(%arg14 : memref<!tpu.dma_semaphore, #tpu.memory_space<semaphore_mem>>) src(%dma_wait3A_326 : memref<64x128xf32, #tpu.memory_space<vmem>>) dst(%dma_wait3A_322 : memref<64x128xf32, #tpu.memory_space<hbm>>)
    %dma_wait3A_327 = arith.constant 3 : i32
    %dma_wait3A_328 = arith.constant 0 : i32
    %dma_wait3A_329 = arith.constant 0 : i32
    %dma_wait3A_330 = arith.constant 0 : i32
    %dma_wait3A_331 = tpu.memref_slice %arg7[%dma_wait3A_327, %dma_wait3A_329, %dma_wait3A_330] : memref<4x64x128xf32, #tpu.memory_space<vmem>> -> memref<1x64x128xf32, #tpu.memory_space<vmem>>
    %dma_wait3A_332 = tpu.memref_squeeze %dma_wait3A_331 : memref<1x64x128xf32, #tpu.memory_space<vmem>> -> memref<64x128xf32, #tpu.memory_space<vmem>>
    %dma_wait3A_333 = arith.constant 0 : i32
    %dma_wait3A_334 = arith.constant 0 : i32
    %dma_wait3A_335 = tpu.memref_slice %arg4[%dma_wait3A_328, %dma_wait3A_333, %dma_wait3A_334] : memref<200x64x4096xf32, #tpu.memory_space<hbm>> -> memref<1x64x128xf32, #tpu.memory_space<hbm>>
    %dma_wait3A_336 = tpu.memref_squeeze %dma_wait3A_335 : memref<1x64x128xf32, #tpu.memory_space<hbm>> -> memref<64x128xf32, #tpu.memory_space<hbm>>
    %dma_wait3A_337 = arith.constant 0 : i32
    %dma_wait3A_338 = arith.constant 0 : i32
    %dma_wait3A_339 = tpu.memref_slice %arg4[%dma_wait3A_328, %dma_wait3A_337, %dma_wait3A_338] : memref<200x64x4096xf32, #tpu.memory_space<hbm>> -> memref<1x64x128xf32, #tpu.memory_space<hbm>>
    %dma_wait3A_340 = tpu.memref_squeeze %dma_wait3A_339 : memref<1x64x128xf32, #tpu.memory_space<hbm>> -> memref<64x128xf32, #tpu.memory_space<hbm>>
    %dma_wait3A_341 = arith.constant 0 : i32
    %dma_wait3A_342 = arith.constant 0 : i32
    %dma_wait3A_343 = tpu.memref_slice %arg7[%dma_wait3A_327, %dma_wait3A_341, %dma_wait3A_342] : memref<4x64x128xf32, #tpu.memory_space<vmem>> -> memref<1x64x128xf32, #tpu.memory_space<vmem>>
    %dma_wait3A_344 = tpu.memref_squeeze %dma_wait3A_343 : memref<1x64x128xf32, #tpu.memory_space<vmem>> -> memref<64x128xf32, #tpu.memory_space<vmem>>
    tpu.wait_dma2 semaphore(%arg15 : memref<!tpu.dma_semaphore, #tpu.memory_space<semaphore_mem>>) src(%dma_wait3A_344 : memref<64x128xf32, #tpu.memory_space<vmem>>) dst(%dma_wait3A_340 : memref<64x128xf32, #tpu.memory_space<hbm>>)
    return
  }
}

</mosaic_0001>

<sc_bundles>
// kernel: kernel.3.cloned.1.call-start
scs
__scs_entry_jumppad:
0x0: {  	(pc) =	sbr.rel $0x88, $3  }
0x1: {  	(tag) =	ssettag $0x0;
	lr =	simm.s32 $0x1  }
0x2: {  	[smem:$0x3F9F] =	sst lr;
	_ =	strace $0xD0000000  }
0x3: {  	_ = 	snop  }
0x4: {  	_ = 	snop  }
0x5: {  	_ = 	snop  }
0x6: {  	_ = 	snop  }
0x7: {  	_ = 	snop  }
__scs_overlays_trampoline_lowered:
0x8: {  	[smem:$0x3FAE] =	sst s0  }
0x9: {  	[smem:$0x3FAF] =	sst s1  }
0xa: {  	[smem:$0x3FB0] =	sst s2  }
0xb: {  	[smem:$0x3FB1] =	sst s3  }
0xc: {  	[smem:$0x3FB2] =	sst s4  }
0xd: {  	[smem:$0x3FB3] =	sst s5  }
0xe: {  	[smem:$0x3FB4] =	sst s6  }
0xf: {  	[smem:$0x3FB5] =	sst s7  }
0x10: {  	[smem:$0x3FB6] =	sst s8  }
0x11: {  	[smem:$0x3FB7] =	sst s9;
	s0 =	simm.s32 @!p0 $0x0  }
0x12: {  	s1 =	sld [smem:$0x3F9D];
	s0 =	simm.s32 @p0 $0x1  }
0x13: {  	[smem:$0x3FB8] =	sst s0;
	s0 =	simm.s32 @!p1 $0x0  }
0x14: {  	s2 =	sld [smem:$0x3F9C];
	s0 =	simm.s32 @p1 $0x1  }
0x15: {  	[smem:$0x3FB9] =	sst s0;
	s0 =	simm.s32 @!p2 $0x0  }
0x16: {  	s3 =	sld [smem:$0x3FDB];
	s0 =	simm.s32 @p2 $0x1  }
0x17: {  	s4 =	simm.s32 $0x1BF5;
	[smem:$0x3FBB] =	sst s0  }
0x18: {  	s0 =	sld [smem:$0x3F9E];
	_ =	swait.ge [sflag:s4], $0x0  }
0x19: {  	s7 =	sld [smem:$0x3F9F]  }
0x1a: {  	s8 =	sadd.s32 $0xFFFFE003, lr  }
0x1b: {  	s9 =	sadd.s32 $0xFFFFFEF7, lr;
	s5 =	simm.s32 $0xFFFFFFFF;
	p2 =	slt.u32 s8, $0xFFFFF086  }
0x1c: {  	p1 =	slt.u32 s9, $0xF7A;
	s5 =	simm.s32 @!p2 $0x0  }
0x1d: {  	s5 =	simm.s32 @p1 $0x1;
	p0 =	seq.s32 s7, s2  }
0x1e: {  	s7 =	smul.u32 @!p0 $0xF7A, s2;
	p2 =	seq.s32 @!p0 s5, $0x0  }
0x1f: {  	s9 =	smul.u32 $0xF7A, s1;
	s8 =	simm.s32 @!p0 $0x1BF5;
	p2 =	por !p2, p0  }
0x20: {  	[sflag:s8] =	ssyncset.s32 @!p0 $0xFFFFF086;
	s6 =	sadd.s32 @!p0 s3, s7;
	s7 =	simm.s32 @!p0 $0x108  }
0x21: {  	s3 =	sadd.s32 s3, s9;
	s6 =	sadd.s32 @!p0 $0x88, s6;
	s7 =	simm.s32 @p2 $0x1082  }
0x22: {  	[simem:s7], [sflag:s8] =	dma.local @!p0 [hbm:s6], $0xF7A  }
0x23: {  	s9 =	sor.u32 $0xD0000000, s2;
	s6 =	simm.s32 $0x108;
	_ =	swait.ge @!p0 [sflag:s8], $0x0  }
0x24: {  	s3 =	sadd.s32 $0x88, s3;
	s6 =	simm.s32 @!p1 $0x1082;
	[sflag:s4] =	ssyncset.s32 $0xFFFFF086  }
0x25: {  	[simem:s6], [sflag:s4] =	dma.local [hbm:s3], $0xF7A  }
0x26: {  	[smem:$0x3F9F] =	sst s1;
	(tag) =	ssettag s2;
	_ =	strace s9  }
0x27: {  	s1 =	sld [smem:$0x3FAF]  }
0x28: {  	s2 =	sld [smem:$0x3FB0]  }
0x29: {  	s4 =	sld [smem:$0x3FB2]  }
0x2a: {  	p0 =	seq.s32 s5, $0x0;
	s5 =	sld [smem:$0x3FB3]  }
0x2b: {  	s6 =	sld [smem:$0x3FB4]  }
0x2c: {  	s7 =	sld [smem:$0x3FB5]  }
0x2d: {  	s3 =	simm.s32 $0x108;
	s8 =	sld [smem:$0x3FB6]  }
0x2e: {  	s3 =	simm.s32 @!p0 $0x1082;
	s9 =	sld [smem:$0x3FB7]  }
0x2f: {  	lr =	sadd.s32 s0, s3;
	s0 =	sld [smem:$0x3FAE]  }
0x30: {  	s3 =	sld [smem:$0x3FB1]  }
0x31: {  	[smem:$0x3FBA] =	sst s10  }
0x32: {  	s10 =	sld [smem:$0x3FB8];
	_ =	sdelay $0x3  }
0x33: {  	p0 =	seq.s32 s10, $0x1;
	s10 =	sld [smem:$0x3FBA];
	_ =	sdelay $0x3  }
0x34: {  	[smem:$0x3FBA] =	sst s10  }
0x35: {  	s10 =	sld [smem:$0x3FB9];
	_ =	sdelay $0x3  }
0x36: {  	p1 =	seq.s32 s10, $0x1;
	s10 =	sld [smem:$0x3FBA];
	_ =	sdelay $0x3  }
0x37: {  	[smem:$0x3FBA] =	sst s10  }
0x38: {  	s10 =	sld [smem:$0x3FBB]  }
0x39: {  	_ = 	snop;
	(pc) =	sbr.ind lr, $3  }
0x3a: {  	_ = 	snop  }
0x3b: {  	_ = 	snop  }
0x3c: {  	p2 =	seq.s32 s10, $0x1;
	s10 =	sld [smem:$0x3FBA]  }
0x3d: {  	_ =	shalt  }
0x3e: {  	_ =	shalt  }
0x3f: {  	_ =	shalt  }
0x40: {  	_ =	shalt  }
0x41: {  	_ =	shalt  }
0x42: {  	_ =	shalt  }
0x43: {  	_ =	shalt  }
0x44: {  	_ =	shalt  }
0x45: {  	_ =	shalt  }
0x46: {  	_ =	shalt  }
0x47: {  	_ =	shalt  }
0x48: {  	_ =	shalt  }
0x49: {  	_ =	shalt  }
0x4a: {  	_ =	shalt  }
0x4b: {  	_ =	shalt  }
0x4c: {  	_ =	shalt  }
0x4d: {  	_ =	shalt  }
0x4e: {  	_ =	shalt  }
0x4f: {  	_ =	shalt  }
0x50: {  	_ =	shalt  }
0x51: {  	_ =	shalt  }
0x52: {  	_ =	shalt  }
0x53: {  	_ =	shalt  }
0x54: {  	_ =	shalt  }
0x55: {  	_ =	shalt  }
0x56: {  	_ =	shalt  }
0x57: {  	_ =	shalt  }
0x58: {  	_ =	shalt  }
0x59: {  	_ =	shalt  }
0x5a: {  	_ =	shalt  }
0x5b: {  	_ =	shalt  }
0x5c: {  	_ =	shalt  }
0x5d: {  	_ =	shalt  }
0x5e: {  	_ =	shalt  }
0x5f: {  	_ =	shalt  }
0x60: {  	_ =	shalt  }
0x61: {  	_ =	shalt  }
0x62: {  	_ =	shalt  }
0x63: {  	_ =	shalt  }
0x64: {  	_ =	shalt  }
0x65: {  	_ =	shalt  }
0x66: {  	_ =	shalt  }
0x67: {  	_ =	shalt  }
0x68: {  	_ =	shalt  }
0x69: {  	_ =	shalt  }
0x6a: {  	_ =	shalt  }
0x6b: {  	_ =	shalt  }
0x6c: {  	_ =	shalt  }
0x6d: {  	_ =	shalt  }
0x6e: {  	_ =	shalt  }
0x6f: {  	_ =	shalt  }
0x70: {  	_ =	shalt  }
0x71: {  	_ =	shalt  }
0x72: {  	_ =	shalt  }
0x73: {  	_ =	shalt  }
0x74: {  	_ =	shalt  }
0x75: {  	_ =	shalt  }
0x76: {  	_ =	shalt  }
0x77: {  	_ =	shalt  }
0x78: {  	_ =	shalt  }
0x79: {  	_ =	shalt  }
0x7a: {  	_ =	shalt  }
0x7b: {  	_ =	shalt  }
0x7c: {  	_ =	shalt  }
0x7d: {  	_ =	shalt  }
0x7e: {  	_ =	shalt  }
0x7f: {  	_ =	shalt  }
0x80: {  	_ =	shalt  }
0x81: {  	_ =	shalt  }
0x82: {  	_ =	shalt  }
0x83: {  	_ =	shalt  }
0x84: {  	_ =	shalt  }
0x85: {  	_ =	shalt  }
0x86: {  	_ =	shalt  }
0x87: {  	_ =	shalt  }
.Lfunc_end0:
.L_simem_size_0:
called_computation_lowered:
.L_overlay_start_0:
0x88: {  	s2 =	sld [smem:$0x3FD9]  }
0x89: {  	s3 =	sld [smem:$0x3FFE];
	_ =	sdelay $0x1  }
0x8a: {  	s1 =	srdreg.scid  }
0x8b: {  	s0 =	sand.u32 $0x1, s1  }
0x8c: {  	s17 =	sshll.u32 s0, $0xA;
	s2 =	sadd.s32 s3, s2  }
0x8d: {  	s2 =	sadd.s32 s2, s17  }
0x8e: {  	[smem:$0x3FC6] =	sst s2  }
0x8f: {  	_ = 	snop  }
0x90: {  	s2 =	sld [smem:$0x3FD0];
	(tm) =	ssettm $0x1  }
0x91: {  	s18 =	sld [smem:$0x3FFB];
	_ =	sdelay $0x3  }
0x92: {  	_ =	strace s18  }
0x93: {  	s3 =	sld [smem:$0x3FFC];
	_ =	sdelay $0x3  }
0x94: {  	_ =	strace s3  }
0x95: {  	s3 =	sld [smem:$0x3FFD];
	_ =	sdelay $0x3  }
0x96: {  	_ =	strace s3  }
0x97: {  	_ =	strace $0x8FFFFFFF  }
0x98: {  	s19 =	sld [smem:$0x3FDB];
	_ =	sdelay $0x1  }
0x99: {  	s4 =	simm.s32 $_scs_section_size  }
0x9a: {  	s5 =	simm.s32 $_size__tile_overlayer_lowered;
	s6 =	simm.s32 $_tile_overlayer_lowered  }
0x9b: {  	s22 =	simm.s32 $0x1BFF;
	s21 =	sshll.u32 s6, $0x1;
	s3 =	sadd.s32 s4, s19  }
0x9c: {  	s7 =	simm.s32 $0x0;
	s20 =	sshll.u32 s5, $0x1;
	s5 =	sadd.s32 s21, s3  }
0x9d: {  	[timem:s7], [sflag:s22] =	dma.local [hbm:s5], s20  }
0x9e: {  	_ =	swait.ge [sflag:s22], s20  }
0x9f: {  	s4 =	ssub.s32 $0x0, s20;
	[sflag:s22] =	ssyncset.done $0x0  }
0xa0: {  	[sflag:s22] =	ssyncadd.s32 s4;
	_ =	sdelay $0x1  }
0xa1: {  	s23 =	simm.s32 $0x1B8B  }
0xa2: {  	_ =	swait.ge [sflag:s23], $0x1  }
0xa3: {  	[sflag:s23] =	ssyncset.done $0x0  }
0xa4: {  	s25 =	simm.s32 $0x1B8E;
	s24 =	sld [smem:$0x3FFE];
	[sflag:s23] =	ssyncadd.s32 $0xFFFFFFFF  }
0xa5: {  	s26 =	simm.s32 $execute0_lowered;
	[smem:$0x3FD2] =	sst s25  }
0xa6: {  	s5 =	sshll.u32 s26, $0x1;
	_ =	strace $0x80000046;
	[dreg:$0x1] =	wrdreg $0xFFFFFFFF  }
0xa7: {  	s28 =	simm.s32 $_size_execute0_lowered;
	s3 =	sadd.s32 s3, s5;
	[dreg:$0x0] =	wrdreg $0x0  }
0xa8: {  	s5 =	sshll.u32 s28, $0x1;
	[dreg:$0x2] =	wrdreg s3  }
0xa9: {  	[dreg:$0x3] =	wrdreg s5  }
0xaa: {  	[dreg:$0x4] =	wrdreg $0xC0  }
0xab: {  	_ =	task [dreg:s7], $0x5FFFF  }
0xac: {  	[dreg:$0x1] =	wrdreg $0xFFFFFFFF  }
0xad: {  	[dreg:$0x0] =	wrdreg $0x60  }
0xae: {  	[dreg:$0x2] =	wrdreg s24  }
0xaf: {  	[dreg:$0x3] =	wrdreg s2  }
0xb0: {  	[dreg:$0x4] =	wrdreg $0x9  }
0xb1: {  	_ =	task.clear_ibuf [dreg:s7], $0x5FFFF;
	_ =	strace $0x90000046  }
0xb2: {  	s29 =	simm.s32 $0x9;
	_ =	strace $0x80000048  }
0xb3: {  	_ =	swait.ge [sflag:s29], $0x1  }
0xb4: {  	[sflag:s29] =	ssyncadd.s32 $0xFFFFFFFF  }
0xb5: {  	_ =	strace $0x90000048  }
0xb6: {  	_ =	sfence  }
0xb7: {  	s30 =	sld [smem:$0x0];
	_ =	sdelay $0x2  }
0xb8: {  	s31 =	sshll.u32 s1, $0xD;
	s1 =	sshrl.u32 s1, $0x2  }
0xb9: {  	s3 =	sand.u32 $0x4000, s31;
	s1 =	sadd.s32 s1, s30  }
0xba: {  	s0 =	sor.u32 s3, s0;
	s1 =	sshll.u32 s1, $0x11  }
0xbb: {  	s0 =	sor.u32 s1, s0  }
0xbc: {  	s0 =	sadd.s32 $0x8F2B, s0  }
0xbd: {  	[sflag:s0] =	ssyncadd.remote.s32 $0x1  }
0xbe: {  	_ =	sfence.sel $0xFFFF  }
0xbf: {  	[dreg:$0x0] =	wrdreg $0xFFFFFFFF;
	(pc) =	sbr.abs _section_cstart, $3  }
0xc0: {  	[dreg:$0x1] =	wrdreg $0xFFFFFFFF  }
0xc1: {  	_ =	task.clear_ibuf [dreg:s7], $0x2FFFF;
	_ =	strace $0x9FFFFFFF  }
0xc2: {  	(tm) =	ssettm $0x7FFFFFFF  }
0xc3: {  	_ =	shalt  }
tec
execute0_lowered:
.L_overlay_start_1:
0x0: {  	(tag) =	ssettag $0x1  }
0x1: {  	s0 =	srdreg.scid;
	s2 =	stileid.u32  }
0x2: {  	s1 =	rddreg [dreg:$0x0];
	s5 =	simm.s32 $0x0;
	s12 =	simm.s32 $0x9  }
0x3: {  	s13 =	simm.s32 $0x80;
	s14 =	simm.s32 $0x6400;
	s15 =	simm.s32 $0xA400  }
0x4: {  	s17 =	simm.s32 $0xE400;
	s19 =	simm.s32 $0x12400;
	s28 =	simm.s32 $0x5  }
0x5: {  	s29 =	simm.s32 $0x2;
	s30 =	simm.s32 $0x6;
	s31 =	simm.s32 $0x3  }
0x6: {  	s16 =	simm.s32 $0x8;
	s0 =	sand.u32 $0x1, s0;
	s3 =	sshll.u32 s2, $0x1  }
0x7: {  	s18 =	simm.s32 $0x0;
	s2 =	rddreg [dreg:$0x1];
	s3 =	sor.u32 s0, s3  }
0x8: {  	[smem:$0x7FF] =	sst s5;
	s0 =	ssub.s32 $0x2, s0;
	s4 =	smul.u32 $0x190000, s3  }
0x9: {  	_ =	strace $0x80000047;
	s20 =	smul.u32 $0xC80, s3;
	s22 =	sshrl.u32 s0, $0x1  }
0xa: {  	s6 =	sshll.u32 s3, $0xD;
	s5 =	smul.u32 $0xC8, s3;
	s0 =	ssub.s32 s0, s22  }
0xb: {  	s22 =	simm.s32 $0x16400;
	s4 =	sor.u32 s6, s4;
	s21 =	sadd.s32 s20, s1  }
0xc: {  	s0 =	smax.u32 s0, $0x1;
	s20 =	simm.s32 $0x400;
	s7 =	sand.u32 $0x3FC6000, s4  }
0xd: {  	s24 =	sadd.s32 $0xF42A00, s21;
	[dreg:$0x8] =	wrdreg s0;
	s23 =	sshrl.u32 s7, $0x3  }
0xe: {  	v0 =	vlaneseq.u32;
	s4 =	sadd.s32 $0xF5BA00, s1;
	[dreg:$0x3] =	wrdreg s24;
	s1 =	sadd.s32 s2, s23  }
.Ltmp0:
0xf: {  	v1 =	vmul.u32 $0x80, v0;
	v3 =	vor.u32 $0x10, v0;
	v5 =	vor.u32 $0x20, v0;
	s25 =	sadd.s32 $0x80, s1;
	[dreg:$0x4] =	wrdreg s1;
	(pc) =	sbr.rel .LBB2_1-.Ltmp0, $4  }
0x10: {  	v7 =	vor.u32 $0x30, v0;
	v9 =	vor.u32 $0x40, v0;
	v11 =	vor.u32 $0x50, v0;
	s21 =	simm.s32 $0x8000;
	s26 =	sadd.s32 $0x100, s1;
	[dreg:$0x5] =	wrdreg s25  }
0x11: {  	v13 =	vor.u32 $0x60, v0;
	v15 =	vor.u32 $0x70, v0;
	v2 =	vor.u32 $0x800, v1;
	s0 =	simm.s32 $0x4;
	s1 =	sadd.s32 $0x180, s1;
	[dreg:$0x6] =	wrdreg s26  }
0x12: {  	v4 =	vor.u32 $0x1000, v1;
	v6 =	vor.u32 $0x1800, v1;
	v8 =	vor.u32 $0x2000, v1;
	s24 =	simm.s32 $0x1A400;
	s23 =	simm.s32 $0x18400;
	[dreg:$0x7] =	wrdreg s1  }
0x13: {  	v10 =	vor.u32 $0x2800, v1;
	v12 =	vor.u32 $0x3000, v1;
	v14 =	vor.u32 $0x3800, v1;
	s25 =	simm.s32 $0x1C400;
	s26 =	simm.s32 $0x1;
	s1 =	simm.s32 $0x7  }
.LBB2_12:
0x14: {  	_ =	swait.ge [sflag:s28], $0x2000  }
0x15: {  	[sflag:s28] =	ssyncset.done $0x0  }
0x16: {  	[sflag:s28] =	ssyncadd.s32 $0xFFFFE000  }
0x17: {  	_ =	swait.ge [sflag:s30], $0x2000  }
0x18: {  	[sflag:s30] =	ssyncset.done $0x0  }
0x19: {  	[sflag:s30] =	ssyncadd.s32 $0xFFFFE000  }
0x1a: {  	_ =	swait.ge [sflag:s1], $0x2000  }
0x1b: {  	[sflag:s1] =	ssyncset.done $0x0  }
0x1c: {  	[sflag:s1] =	ssyncadd.s32 $0xFFFFE000  }
0x1d: {  	_ =	swait.ge [sflag:s16], $0x2000  }
0x1e: {  	s18 =	sadd.s32 $0x1, s18;
	s3 =	rddreg [dreg:$0x8]  }
0x1f: {  	p0 =	sne.s32 s18, s3  }
.Ltmp1:
0x20: {  	_ = 	snop;
	(pc) =	sbr.rel @!p0 .LBB2_13-.Ltmp1, $3  }
0x21: {  	_ =	sdelay $0x1  }
0x22: {  	[sflag:s16] =	ssyncset.done $0x0  }
0x23: {  	[sflag:s16] =	ssyncadd.s32 $0xFFFFE000  }
.LBB2_1:
0x24: {  	s3 =	simm.s32 $0x0;
	s6 =	rddreg [dreg:$0x3]  }
0x25: {  	[tilespmem:s3], [sflag:$0x9] =	stream.linear.gather [hbm4b:s6+s3], $0x6400, $0x38;
	[tilespmem:$0x1E400] =	vst v63  }
0x26: {  	_ =	swait.ge [sflag:s12], $0x6400  }
0x27: {  	[sflag:s12] =	ssyncset.done $0x0  }
0x28: {  	[sflag:s12] =	ssyncadd.s32 $0xFFFF9C00  }
0x29: {  	[tilespmem:s14], [sflag:$0x1] =	stream.indirect.gather [hbm4b:s4+s13], $0x80, s3, s13, $0xb8;
	[tilespmem:$0x1E400] =	vst v63  }
0x2a: {  	_ = 	snop  }
0x2b: {  	[tilespmem:s15], [sflag:$0x2] =	stream.indirect.gather [hbm4b:s4+s13], $0x80, s13, s13, $0xb8;
	[tilespmem:$0x1E400] =	vst v63  }
0x2c: {  	s6 =	simm.s32 $0x100  }
0x2d: {  	[tilespmem:s17], [sflag:$0x3] =	stream.indirect.gather [hbm4b:s4+s13], $0x80, s6, s13, $0xb8;
	[tilespmem:$0x1E400] =	vst v63  }
0x2e: {  	s7 =	simm.s32 $0x180  }
0x2f: {  	[tilespmem:s19], [sflag:$0x4] =	stream.indirect.gather [hbm4b:s4+s13], $0x80, s7, s13, $0xb8;
	[tilespmem:$0x1E400] =	vst v63  }
0x30: {  	s8 =	rddreg [dreg:$0x4]  }
0x31: {  	[hbm4b:s8+s20] =	stream.strided.scatter [tilespmem:s22], [sflag:$0x5], $0x2000, s21, s20, $0x38;
	[tilespmem:$0x1E400] =	vst v63  }
0x32: {  	s9 =	rddreg [dreg:$0x5]  }
0x33: {  	[hbm4b:s9+s20] =	stream.strided.scatter [tilespmem:s23], [sflag:$0x6], $0x2000, s21, s20, $0x38;
	[tilespmem:$0x1E400] =	vst v63  }
0x34: {  	s10 =	rddreg [dreg:$0x6]  }
0x35: {  	[hbm4b:s10+s20] =	stream.strided.scatter [tilespmem:s24], [sflag:$0x7], $0x2000, s21, s20, $0x38;
	[tilespmem:$0x1E400] =	vst v63  }
0x36: {  	s11 =	rddreg [dreg:$0x7];
	s3 =	simm.s32 $0x0  }
0x37: {  	[hbm4b:s11+s20] =	stream.strided.scatter [tilespmem:s25], [sflag:$0x8], $0x2000, s21, s20, $0x38;
	[tilespmem:$0x1E400] =	vst v63  }
.LBB2_2:
0x38: {  	s6 =	simm.s32 $0x0  }
0x39: {  	v16 =	vadd.s32 s6, v0  }
0x3a: {  	_ =	swait.ge [sflag:s26], $0x4000;
	v16 =	vand.u32 $0x3F, v16  }
0x3b: {  	[sflag:s26] =	ssyncset.done $0x0;
	v17 =	vor.u32 v1, v16  }
0x3c: {  	[sflag:s26] =	ssyncadd.s32 $0xFFFFC000  }
0x3d: {  	_ =	swait.ge [sflag:s28], $0x2000  }
0x3e: {  	[sflag:s28] =	ssyncset.done $0x0  }
0x3f: {  	v18 =	vshll.u32 v16, $0x7;
	[sflag:s28] =	ssyncadd.s32 $0xFFFFE000  }
0x40: {  	v19 =	vor.u32 v0, v18;
	v17 =	vld.idx.msk [tilespmem:v17+s14+$0x0], $0xffff  }
0x41: {  	v20 =	vor.u32 v2, v16;
	_ =	sdelay $0x3  }
0x42: {  	[tilespmem:v19+s22+$0x0] =	vst.idx.msk $0xffff, v17  }
0x43: {  	v19 =	vor.u32 v3, v18;
	v17 =	vld.idx.msk [tilespmem:v20+s14+$0x0], $0xffff  }
0x44: {  	v20 =	vor.u32 v4, v16;
	_ =	sdelay $0x3  }
0x45: {  	[tilespmem:v19+s22+$0x0] =	vst.idx.msk $0xffff, v17  }
0x46: {  	v19 =	vor.u32 v5, v18;
	v17 =	vld.idx.msk [tilespmem:v20+s14+$0x0], $0xffff  }
0x47: {  	v20 =	vor.u32 v6, v16;
	_ =	sdelay $0x3  }
0x48: {  	[tilespmem:v19+s22+$0x0] =	vst.idx.msk $0xffff, v17  }
0x49: {  	v19 =	vor.u32 v7, v18;
	v17 =	vld.idx.msk [tilespmem:v20+s14+$0x0], $0xffff  }
0x4a: {  	v20 =	vor.u32 v8, v16;
	_ =	sdelay $0x3  }
0x4b: {  	[tilespmem:v19+s22+$0x0] =	vst.idx.msk $0xffff, v17  }
0x4c: {  	v19 =	vor.u32 v9, v18;
	v17 =	vld.idx.msk [tilespmem:v20+s14+$0x0], $0xffff  }
0x4d: {  	v20 =	vor.u32 v10, v16;
	_ =	sdelay $0x3  }
0x4e: {  	[tilespmem:v19+s22+$0x0] =	vst.idx.msk $0xffff, v17  }
0x4f: {  	v19 =	vor.u32 v11, v18;
	v17 =	vld.idx.msk [tilespmem:v20+s14+$0x0], $0xffff  }
0x50: {  	v20 =	vor.u32 v12, v16;
	_ =	sdelay $0x3  }
0x51: {  	[tilespmem:v19+s22+$0x0] =	vst.idx.msk $0xffff, v17  }
0x52: {  	v19 =	vor.u32 v13, v18;
	v17 =	vld.idx.msk [tilespmem:v20+s14+$0x0], $0xffff  }
0x53: {  	v16 =	vor.u32 v14, v16;
	_ =	sdelay $0x2  }
0x54: {  	s9 =	simm.s32 $0x1  }
0x55: {  	[tilespmem:v19+s22+$0x0] =	vst.idx.msk $0xffff, v17;
	v17 =	vadd.s32 s9, v0  }
0x56: {  	v18 =	vor.u32 v15, v18;
	v16 =	vld.idx.msk [tilespmem:v16+s14+$0x0], $0xffff;
	v17 =	vand.u32 $0x3F, v17  }
0x57: {  	v19 =	vor.u32 v1, v17;
	_ =	sdelay $0x3  }
0x58: {  	[tilespmem:v18+s22+$0x0] =	vst.idx.msk $0xffff, v16;
	v16 =	vshll.u32 v17, $0x7  }
0x59: {  	v18 =	vld.idx.msk [tilespmem:v19+s14+$0x0], $0xffff;
	v19 =	vor.u32 v0, v16  }
0x5a: {  	v20 =	vor.u32 v2, v17;
	_ =	sdelay $0x3  }
0x5b: {  	[tilespmem:v19+s22+$0x0] =	vst.idx.msk $0xffff, v18  }
0x5c: {  	v19 =	vor.u32 v3, v16;
	v18 =	vld.idx.msk [tilespmem:v20+s14+$0x0], $0xffff  }
0x5d: {  	v20 =	vor.u32 v4, v17;
	_ =	sdelay $0x3  }
0x5e: {  	[tilespmem:v19+s22+$0x0] =	vst.idx.msk $0xffff, v18  }
0x5f: {  	v19 =	vor.u32 v5, v16;
	v18 =	vld.idx.msk [tilespmem:v20+s14+$0x0], $0xffff  }
0x60: {  	v20 =	vor.u32 v6, v17;
	_ =	sdelay $0x3  }
0x61: {  	[tilespmem:v19+s22+$0x0] =	vst.idx.msk $0xffff, v18  }
0x62: {  	v19 =	vor.u32 v7, v16;
	v18 =	vld.idx.msk [tilespmem:v20+s14+$0x0], $0xffff  }
0x63: {  	v20 =	vor.u32 v8, v17;
	_ =	sdelay $0x3  }
0x64: {  	[tilespmem:v19+s22+$0x0] =	vst.idx.msk $0xffff, v18  }
0x65: {  	v19 =	vor.u32 v9, v16;
	v18 =	vld.idx.msk [tilespmem:v20+s14+$0x0], $0xffff  }
0x66: {  	v20 =	vor.u32 v10, v17;
	_ =	sdelay $0x3  }
0x67: {  	[tilespmem:v19+s22+$0x0] =	vst.idx.msk $0xffff, v18  }
0x68: {  	v19 =	vor.u32 v11, v16;
	v18 =	vld.idx.msk [tilespmem:v20+s14+$0x0], $0xffff  }
0x69: {  	v20 =	vor.u32 v12, v17;
	_ =	sdelay $0x3  }
0x6a: {  	[tilespmem:v19+s22+$0x0] =	vst.idx.msk $0xffff, v18  }
0x6b: {  	v19 =	vor.u32 v13, v16;
	v18 =	vld.idx.msk [tilespmem:v20+s14+$0x0], $0xffff  }
0x6c: {  	v17 =	vor.u32 v14, v17;
	_ =	sdelay $0x2  }
0x6d: {  	s10 =	simm.s32 $0x2  }
0x6e: {  	[tilespmem:v19+s22+$0x0] =	vst.idx.msk $0xffff, v18;
	v18 =	vadd.s32 s10, v0  }
0x6f: {  	v16 =	vor.u32 v15, v16;
	v17 =	vld.idx.msk [tilespmem:v17+s14+$0x0], $0xffff;
	v18 =	vand.u32 $0x3F, v18  }
0x70: {  	v19 =	vor.u32 v1, v18;
	_ =	sdelay $0x3  }
0x71: {  	[tilespmem:v16+s22+$0x0] =	vst.idx.msk $0xffff, v17;
	v16 =	vshll.u32 v18, $0x7  }
0x72: {  	v17 =	vld.idx.msk [tilespmem:v19+s14+$0x0], $0xffff;
	v19 =	vor.u32 v0, v16  }
0x73: {  	v20 =	vor.u32 v2, v18;
	_ =	sdelay $0x3  }
0x74: {  	[tilespmem:v19+s22+$0x0] =	vst.idx.msk $0xffff, v17  }
0x75: {  	v19 =	vor.u32 v3, v16;
	v17 =	vld.idx.msk [tilespmem:v20+s14+$0x0], $0xffff  }
0x76: {  	v20 =	vor.u32 v4, v18;
	_ =	sdelay $0x3  }
0x77: {  	[tilespmem:v19+s22+$0x0] =	vst.idx.msk $0xffff, v17  }
0x78: {  	v19 =	vor.u32 v5, v16;
	v17 =	vld.idx.msk [tilespmem:v20+s14+$0x0], $0xffff  }
0x79: {  	v20 =	vor.u32 v6, v18;
	_ =	sdelay $0x3  }
0x7a: {  	[tilespmem:v19+s22+$0x0] =	vst.idx.msk $0xffff, v17  }
0x7b: {  	v19 =	vor.u32 v7, v16;
	v17 =	vld.idx.msk [tilespmem:v20+s14+$0x0], $0xffff  }
0x7c: {  	v20 =	vor.u32 v8, v18;
	_ =	sdelay $0x3  }
0x7d: {  	[tilespmem:v19+s22+$0x0] =	vst.idx.msk $0xffff, v17  }
0x7e: {  	v19 =	vor.u32 v9, v16;
	v17 =	vld.idx.msk [tilespmem:v20+s14+$0x0], $0xffff  }
0x7f: {  	v20 =	vor.u32 v10, v18;
	_ =	sdelay $0x3  }
0x80: {  	[tilespmem:v19+s22+$0x0] =	vst.idx.msk $0xffff, v17  }
0x81: {  	v19 =	vor.u32 v11, v16;
	v17 =	vld.idx.msk [tilespmem:v20+s14+$0x0], $0xffff  }
0x82: {  	v20 =	vor.u32 v12, v18;
	_ =	sdelay $0x3  }
0x83: {  	[tilespmem:v19+s22+$0x0] =	vst.idx.msk $0xffff, v17  }
0x84: {  	v19 =	vor.u32 v13, v16;
	v17 =	vld.idx.msk [tilespmem:v20+s14+$0x0], $0xffff  }
0x85: {  	v18 =	vor.u32 v14, v18;
	_ =	sdelay $0x2  }
0x86: {  	s11 =	simm.s32 $0x3  }
0x87: {  	[tilespmem:v19+s22+$0x0] =	vst.idx.msk $0xffff, v17;
	v17 =	vadd.s32 s11, v0  }
0x88: {  	v16 =	vor.u32 v15, v16;
	v18 =	vld.idx.msk [tilespmem:v18+s14+$0x0], $0xffff;
	v17 =	vand.u32 $0x3F, v17  }
0x89: {  	v19 =	vor.u32 v1, v17;
	_ =	sdelay $0x3  }
0x8a: {  	[tilespmem:v16+s22+$0x0] =	vst.idx.msk $0xffff, v18;
	v16 =	vshll.u32 v17, $0x7  }
0x8b: {  	v18 =	vld.idx.msk [tilespmem:v19+s14+$0x0], $0xffff;
	v19 =	vor.u32 v0, v16  }
0x8c: {  	v20 =	vor.u32 v2, v17;
	_ =	sdelay $0x3  }
0x8d: {  	[tilespmem:v19+s22+$0x0] =	vst.idx.msk $0xffff, v18  }
0x8e: {  	v19 =	vor.u32 v3, v16;
	v18 =	vld.idx.msk [tilespmem:v20+s14+$0x0], $0xffff  }
0x8f: {  	v20 =	vor.u32 v4, v17;
	_ =	sdelay $0x3  }
0x90: {  	[tilespmem:v19+s22+$0x0] =	vst.idx.msk $0xffff, v18  }
0x91: {  	v19 =	vor.u32 v5, v16;
	v18 =	vld.idx.msk [tilespmem:v20+s14+$0x0], $0xffff  }
0x92: {  	v20 =	vor.u32 v6, v17;
	_ =	sdelay $0x3  }
0x93: {  	[tilespmem:v19+s22+$0x0] =	vst.idx.msk $0xffff, v18  }
0x94: {  	v19 =	vor.u32 v7, v16;
	v18 =	vld.idx.msk [tilespmem:v20+s14+$0x0], $0xffff  }
0x95: {  	v20 =	vor.u32 v8, v17;
	_ =	sdelay $0x3  }
0x96: {  	[tilespmem:v19+s22+$0x0] =	vst.idx.msk $0xffff, v18  }
0x97: {  	v19 =	vor.u32 v9, v16;
	v18 =	vld.idx.msk [tilespmem:v20+s14+$0x0], $0xffff  }
0x98: {  	v20 =	vor.u32 v10, v17;
	_ =	sdelay $0x3  }
0x99: {  	[tilespmem:v19+s22+$0x0] =	vst.idx.msk $0xffff, v18  }
0x9a: {  	v19 =	vor.u32 v11, v16;
	v18 =	vld.idx.msk [tilespmem:v20+s14+$0x0], $0xffff  }
0x9b: {  	v20 =	vor.u32 v12, v17;
	_ =	sdelay $0x3  }
0x9c: {  	[tilespmem:v19+s22+$0x0] =	vst.idx.msk $0xffff, v18  }
0x9d: {  	v19 =	vor.u32 v13, v16;
	v18 =	vld.idx.msk [tilespmem:v20+s14+$0x0], $0xffff  }
0x9e: {  	v17 =	vor.u32 v14, v17;
	_ =	sdelay $0x3  }
0x9f: {  	s6 =	simm.s32 $0x4;
	[tilespmem:v19+s22+$0x0] =	vst.idx.msk $0xffff, v18  }
0xa0: {  	s8 =	simm.s32 $0x8;
	v18 =	vadd.s32 s6, v0;
	v17 =	vld.idx.msk [tilespmem:v17+s14+$0x0], $0xffff  }
.LBB2_3:
0xa1: {  	p0 =	slt.u32 s8, $0x3C;
	v18 =	vand.u32 $0x3F, v18;
	v16 =	vor.u32 v15, v16  }
0xa2: {  	v19 =	vor.u32 v1, v18;
	_ =	sdelay $0x3  }
0xa3: {  	[tilespmem:v16+s22+$0x0] =	vst.idx.msk $0xffff, v17  }
0xa4: {  	v17 =	vshll.u32 v18, $0x7;
	v16 =	vld.idx.msk [tilespmem:v19+s14+$0x0], $0xffff  }
0xa5: {  	v19 =	vor.u32 v0, v17  }
0xa6: {  	v20 =	vor.u32 v2, v18;
	_ =	sdelay $0x3  }
0xa7: {  	[tilespmem:v19+s22+$0x0] =	vst.idx.msk $0xffff, v16  }
0xa8: {  	v16 =	vld.idx.msk [tilespmem:v20+s14+$0x0], $0xffff  }
0xa9: {  	v19 =	vor.u32 v3, v17  }
0xaa: {  	v20 =	vor.u32 v4, v18;
	_ =	sdelay $0x3  }
0xab: {  	[tilespmem:v19+s22+$0x0] =	vst.idx.msk $0xffff, v16  }
0xac: {  	v16 =	vld.idx.msk [tilespmem:v20+s14+$0x0], $0xffff  }
0xad: {  	v19 =	vor.u32 v5, v17  }
0xae: {  	v20 =	vor.u32 v6, v18;
	_ =	sdelay $0x3  }
0xaf: {  	[tilespmem:v19+s22+$0x0] =	vst.idx.msk $0xffff, v16  }
0xb0: {  	v16 =	vld.idx.msk [tilespmem:v20+s14+$0x0], $0xffff  }
0xb1: {  	v19 =	vor.u32 v7, v17  }
0xb2: {  	v20 =	vor.u32 v8, v18;
	_ =	sdelay $0x3  }
0xb3: {  	[tilespmem:v19+s22+$0x0] =	vst.idx.msk $0xffff, v16  }
0xb4: {  	v16 =	vld.idx.msk [tilespmem:v20+s14+$0x0], $0xffff  }
0xb5: {  	v19 =	vor.u32 v9, v17  }
0xb6: {  	v20 =	vor.u32 v10, v18;
	_ =	sdelay $0x3  }
0xb7: {  	[tilespmem:v19+s22+$0x0] =	vst.idx.msk $0xffff, v16  }
0xb8: {  	v16 =	vld.idx.msk [tilespmem:v20+s14+$0x0], $0xffff  }
0xb9: {  	v19 =	vor.u32 v11, v17  }
0xba: {  	v20 =	vor.u32 v12, v18;
	_ =	sdelay $0x3  }
0xbb: {  	[tilespmem:v19+s22+$0x0] =	vst.idx.msk $0xffff, v16  }
0xbc: {  	v16 =	vld.idx.msk [tilespmem:v20+s14+$0x0], $0xffff  }
0xbd: {  	v19 =	vor.u32 v13, v17  }
0xbe: {  	v18 =	vor.u32 v14, v18;
	_ =	sdelay $0x3  }
0xbf: {  	s9 =	sadd.s32 $0x1, s6;
	[tilespmem:v19+s22+$0x0] =	vst.idx.msk $0xffff, v16  }
0xc0: {  	v16 =	vld.idx.msk [tilespmem:v18+s14+$0x0], $0xffff;
	v18 =	vadd.s32 s9, v0  }
0xc1: {  	v17 =	vor.u32 v15, v17;
	v18 =	vand.u32 $0x3F, v18  }
0xc2: {  	v19 =	vor.u32 v1, v18;
	_ =	sdelay $0x3  }
0xc3: {  	[tilespmem:v17+s22+$0x0] =	vst.idx.msk $0xffff, v16  }
0xc4: {  	v17 =	vshll.u32 v18, $0x7;
	v16 =	vld.idx.msk [tilespmem:v19+s14+$0x0], $0xffff  }
0xc5: {  	v19 =	vor.u32 v0, v17  }
0xc6: {  	v20 =	vor.u32 v2, v18;
	_ =	sdelay $0x3  }
0xc7: {  	[tilespmem:v19+s22+$0x0] =	vst.idx.msk $0xffff, v16  }
0xc8: {  	v16 =	vld.idx.msk [tilespmem:v20+s14+$0x0], $0xffff  }
0xc9: {  	v19 =	vor.u32 v3, v17  }
0xca: {  	v20 =	vor.u32 v4, v18;
	_ =	sdelay $0x3  }
0xcb: {  	[tilespmem:v19+s22+$0x0] =	vst.idx.msk $0xffff, v16  }
0xcc: {  	v16 =	vld.idx.msk [tilespmem:v20+s14+$0x0], $0xffff  }
0xcd: {  	v19 =	vor.u32 v5, v17  }
0xce: {  	v20 =	vor.u32 v6, v18;
	_ =	sdelay $0x3  }
0xcf: {  	[tilespmem:v19+s22+$0x0] =	vst.idx.msk $0xffff, v16  }
0xd0: {  	v16 =	vld.idx.msk [tilespmem:v20+s14+$0x0], $0xffff  }
0xd1: {  	v19 =	vor.u32 v7, v17  }
0xd2: {  	v20 =	vor.u32 v8, v18;
	_ =	sdelay $0x3  }
0xd3: {  	[tilespmem:v19+s22+$0x0] =	vst.idx.msk $0xffff, v16  }
0xd4: {  	v16 =	vld.idx.msk [tilespmem:v20+s14+$0x0], $0xffff  }
0xd5: {  	v19 =	vor.u32 v9, v17  }
0xd6: {  	v20 =	vor.u32 v10, v18;
	_ =	sdelay $0x3  }
0xd7: {  	[tilespmem:v19+s22+$0x0] =	vst.idx.msk $0xffff, v16  }
0xd8: {  	v16 =	vld.idx.msk [tilespmem:v20+s14+$0x0], $0xffff  }
0xd9: {  	v19 =	vor.u32 v11, v17  }
0xda: {  	v20 =	vor.u32 v12, v18;
	_ =	sdelay $0x3  }
0xdb: {  	[tilespmem:v19+s22+$0x0] =	vst.idx.msk $0xffff, v16  }
0xdc: {  	v16 =	vld.idx.msk [tilespmem:v20+s14+$0x0], $0xffff  }
0xdd: {  	v19 =	vor.u32 v13, v17  }
0xde: {  	v18 =	vor.u32 v14, v18;
	_ =	sdelay $0x3  }
0xdf: {  	s9 =	sadd.s32 $0x2, s6;
	[tilespmem:v19+s22+$0x0] =	vst.idx.msk $0xffff, v16  }
0xe0: {  	v16 =	vld.idx.msk [tilespmem:v18+s14+$0x0], $0xffff;
	v18 =	vadd.s32 s9, v0  }
0xe1: {  	v17 =	vor.u32 v15, v17;
	v18 =	vand.u32 $0x3F, v18  }
0xe2: {  	v19 =	vor.u32 v1, v18;
	_ =	sdelay $0x3  }
0xe3: {  	[tilespmem:v17+s22+$0x0] =	vst.idx.msk $0xffff, v16  }
0xe4: {  	v17 =	vshll.u32 v18, $0x7;
	v16 =	vld.idx.msk [tilespmem:v19+s14+$0x0], $0xffff  }
0xe5: {  	v19 =	vor.u32 v0, v17  }
0xe6: {  	v20 =	vor.u32 v2, v18;
	_ =	sdelay $0x3  }
0xe7: {  	[tilespmem:v19+s22+$0x0] =	vst.idx.msk $0xffff, v16  }
0xe8: {  	v16 =	vld.idx.msk [tilespmem:v20+s14+$0x0], $0xffff  }
0xe9: {  	v19 =	vor.u32 v3, v17  }
0xea: {  	v20 =	vor.u32 v4, v18;
	_ =	sdelay $0x3  }
0xeb: {  	[tilespmem:v19+s22+$0x0] =	vst.idx.msk $0xffff, v16  }
0xec: {  	v16 =	vld.idx.msk [tilespmem:v20+s14+$0x0], $0xffff  }
0xed: {  	v19 =	vor.u32 v5, v17  }
0xee: {  	v20 =	vor.u32 v6, v18;
	_ =	sdelay $0x3  }
0xef: {  	[tilespmem:v19+s22+$0x0] =	vst.idx.msk $0xffff, v16  }
0xf0: {  	v16 =	vld.idx.msk [tilespmem:v20+s14+$0x0], $0xffff  }
0xf1: {  	v19 =	vor.u32 v7, v17  }
0xf2: {  	v20 =	vor.u32 v8, v18;
	_ =	sdelay $0x3  }
0xf3: {  	[tilespmem:v19+s22+$0x0] =	vst.idx.msk $0xffff, v16  }
0xf4: {  	v16 =	vld.idx.msk [tilespmem:v20+s14+$0x0], $0xffff  }
0xf5: {  	v19 =	vor.u32 v9, v17  }
0xf6: {  	v20 =	vor.u32 v10, v18;
	_ =	sdelay $0x3  }
0xf7: {  	[tilespmem:v19+s22+$0x0] =	vst.idx.msk $0xffff, v16  }
0xf8: {  	v16 =	vld.idx.msk [tilespmem:v20+s14+$0x0], $0xffff  }
0xf9: {  	v19 =	vor.u32 v11, v17  }
0xfa: {  	v20 =	vor.u32 v12, v18;
	_ =	sdelay $0x3  }
0xfb: {  	[tilespmem:v19+s22+$0x0] =	vst.idx.msk $0xffff, v16  }
0xfc: {  	v16 =	vld.idx.msk [tilespmem:v20+s14+$0x0], $0xffff  }
0xfd: {  	v19 =	vor.u32 v13, v17  }
0xfe: {  	v18 =	vor.u32 v14, v18;
	_ =	sdelay $0x3  }
0xff: {  	s9 =	sadd.s32 $0x3, s6;
	s6 =	smov.u32 s8;
	[tilespmem:v19+s22+$0x0] =	vst.idx.msk $0xffff, v16  }
0x100: {  	v16 =	vld.idx.msk [tilespmem:v18+s14+$0x0], $0xffff;
	v18 =	vadd.s32 s9, v0  }
0x101: {  	v17 =	vor.u32 v15, v17;
	v18 =	vand.u32 $0x3F, v18  }
0x102: {  	v19 =	vor.u32 v1, v18;
	_ =	sdelay $0x3  }
0x103: {  	[tilespmem:v17+s22+$0x0] =	vst.idx.msk $0xffff, v16  }
0x104: {  	v16 =	vshll.u32 v18, $0x7;
	v17 =	vld.idx.msk [tilespmem:v19+s14+$0x0], $0xffff  }
0x105: {  	v19 =	vor.u32 v0, v16  }
0x106: {  	v20 =	vor.u32 v2, v18;
	_ =	sdelay $0x3  }
0x107: {  	[tilespmem:v19+s22+$0x0] =	vst.idx.msk $0xffff, v17  }
0x108: {  	v17 =	vld.idx.msk [tilespmem:v20+s14+$0x0], $0xffff  }
0x109: {  	v19 =	vor.u32 v3, v16  }
0x10a: {  	v20 =	vor.u32 v4, v18;
	_ =	sdelay $0x3  }
0x10b: {  	[tilespmem:v19+s22+$0x0] =	vst.idx.msk $0xffff, v17  }
0x10c: {  	v17 =	vld.idx.msk [tilespmem:v20+s14+$0x0], $0xffff  }
0x10d: {  	v19 =	vor.u32 v5, v16  }
0x10e: {  	v20 =	vor.u32 v6, v18;
	_ =	sdelay $0x3  }
0x10f: {  	[tilespmem:v19+s22+$0x0] =	vst.idx.msk $0xffff, v17  }
0x110: {  	v17 =	vld.idx.msk [tilespmem:v20+s14+$0x0], $0xffff  }
0x111: {  	v19 =	vor.u32 v7, v16  }
0x112: {  	v20 =	vor.u32 v8, v18;
	_ =	sdelay $0x3  }
0x113: {  	[tilespmem:v19+s22+$0x0] =	vst.idx.msk $0xffff, v17  }
0x114: {  	v17 =	vld.idx.msk [tilespmem:v20+s14+$0x0], $0xffff  }
0x115: {  	v19 =	vor.u32 v9, v16  }
0x116: {  	v20 =	vor.u32 v10, v18;
	_ =	sdelay $0x3  }
0x117: {  	[tilespmem:v19+s22+$0x0] =	vst.idx.msk $0xffff, v17  }
0x118: {  	v17 =	vld.idx.msk [tilespmem:v20+s14+$0x0], $0xffff  }
0x119: {  	v19 =	vor.u32 v11, v16  }
0x11a: {  	v20 =	vor.u32 v12, v18;
	_ =	sdelay $0x3  }
0x11b: {  	[tilespmem:v19+s22+$0x0] =	vst.idx.msk $0xffff, v17  }
0x11c: {  	v17 =	vld.idx.msk [tilespmem:v20+s14+$0x0], $0xffff  }
0x11d: {  	v19 =	vor.u32 v13, v16  }
0x11e: {  	v20 =	vor.u32 v14, v18  }
.Ltmp2:
0x11f: {  	(pc) =	sbr.rel @p0 .LBB2_3-.Ltmp2, $3  }
0x120: {  	_ =	sdelay $0x1  }
0x121: {  	[tilespmem:v19+s22+$0x0] =	vst.idx.msk $0xffff, v17  }
0x122: {  	s8 =	sadd.s32 $0x4, s8;
	v18 =	vadd.s32 s6, v0;
	v17 =	vld.idx.msk [tilespmem:v20+s14+$0x0], $0xffff  }
0x123: {  	v18 =	vand.u32 $0x3F, v18;
	v16 =	vor.u32 v15, v16  }
0x124: {  	v19 =	vor.u32 v1, v18;
	_ =	sdelay $0x3  }
0x125: {  	[tilespmem:v16+s22+$0x0] =	vst.idx.msk $0xffff, v17;
	v16 =	vshll.u32 v18, $0x7  }
0x126: {  	v17 =	vld.idx.msk [tilespmem:v19+s14+$0x0], $0xffff;
	v19 =	vor.u32 v0, v16  }
0x127: {  	v20 =	vor.u32 v2, v18;
	_ =	sdelay $0x3  }
0x128: {  	[tilespmem:v19+s22+$0x0] =	vst.idx.msk $0xffff, v17  }
0x129: {  	v19 =	vor.u32 v3, v16;
	v17 =	vld.idx.msk [tilespmem:v20+s14+$0x0], $0xffff  }
0x12a: {  	v20 =	vor.u32 v4, v18;
	_ =	sdelay $0x3  }
0x12b: {  	[tilespmem:v19+s22+$0x0] =	vst.idx.msk $0xffff, v17  }
0x12c: {  	v19 =	vor.u32 v5, v16;
	v17 =	vld.idx.msk [tilespmem:v20+s14+$0x0], $0xffff  }
0x12d: {  	v20 =	vor.u32 v6, v18;
	_ =	sdelay $0x3  }
0x12e: {  	[tilespmem:v19+s22+$0x0] =	vst.idx.msk $0xffff, v17  }
0x12f: {  	v19 =	vor.u32 v7, v16;
	v17 =	vld.idx.msk [tilespmem:v20+s14+$0x0], $0xffff  }
0x130: {  	v20 =	vor.u32 v8, v18;
	_ =	sdelay $0x3  }
0x131: {  	[tilespmem:v19+s22+$0x0] =	vst.idx.msk $0xffff, v17  }
0x132: {  	v19 =	vor.u32 v9, v16;
	v17 =	vld.idx.msk [tilespmem:v20+s14+$0x0], $0xffff  }
0x133: {  	v20 =	vor.u32 v10, v18;
	_ =	sdelay $0x3  }
0x134: {  	[tilespmem:v19+s22+$0x0] =	vst.idx.msk $0xffff, v17  }
0x135: {  	v19 =	vor.u32 v11, v16;
	v17 =	vld.idx.msk [tilespmem:v20+s14+$0x0], $0xffff  }
0x136: {  	v20 =	vor.u32 v12, v18;
	_ =	sdelay $0x3  }
0x137: {  	[tilespmem:v19+s22+$0x0] =	vst.idx.msk $0xffff, v17  }
0x138: {  	v19 =	vor.u32 v13, v16;
	v17 =	vld.idx.msk [tilespmem:v20+s14+$0x0], $0xffff  }
0x139: {  	v18 =	vor.u32 v14, v18;
	_ =	sdelay $0x2  }
0x13a: {  	s8 =	sadd.s32 $0x1, s6  }
0x13b: {  	[tilespmem:v19+s22+$0x0] =	vst.idx.msk $0xffff, v17;
	v17 =	vadd.s32 s8, v0  }
0x13c: {  	v16 =	vor.u32 v15, v16;
	v18 =	vld.idx.msk [tilespmem:v18+s14+$0x0], $0xffff;
	v17 =	vand.u32 $0x3F, v17  }
0x13d: {  	v19 =	vor.u32 v1, v17;
	_ =	sdelay $0x3  }
0x13e: {  	[tilespmem:v16+s22+$0x0] =	vst.idx.msk $0xffff, v18;
	v16 =	vshll.u32 v17, $0x7  }
0x13f: {  	v18 =	vld.idx.msk [tilespmem:v19+s14+$0x0], $0xffff;
	v19 =	vor.u32 v0, v16  }
0x140: {  	v20 =	vor.u32 v2, v17;
	_ =	sdelay $0x3  }
0x141: {  	[tilespmem:v19+s22+$0x0] =	vst.idx.msk $0xffff, v18  }
0x142: {  	v19 =	vor.u32 v3, v16;
	v18 =	vld.idx.msk [tilespmem:v20+s14+$0x0], $0xffff  }
0x143: {  	v20 =	vor.u32 v4, v17;
	_ =	sdelay $0x3  }
0x144: {  	[tilespmem:v19+s22+$0x0] =	vst.idx.msk $0xffff, v18  }
0x145: {  	v19 =	vor.u32 v5, v16;
	v18 =	vld.idx.msk [tilespmem:v20+s14+$0x0], $0xffff  }
0x146: {  	v20 =	vor.u32 v6, v17;
	_ =	sdelay $0x3  }
0x147: {  	[tilespmem:v19+s22+$0x0] =	vst.idx.msk $0xffff, v18  }
0x148: {  	v19 =	vor.u32 v7, v16;
	v18 =	vld.idx.msk [tilespmem:v20+s14+$0x0], $0xffff  }
0x149: {  	v20 =	vor.u32 v8, v17;
	_ =	sdelay $0x3  }
0x14a: {  	[tilespmem:v19+s22+$0x0] =	vst.idx.msk $0xffff, v18  }
0x14b: {  	v19 =	vor.u32 v9, v16;
	v18 =	vld.idx.msk [tilespmem:v20+s14+$0x0], $0xffff  }
0x14c: {  	v20 =	vor.u32 v10, v17;
	_ =	sdelay $0x3  }
0x14d: {  	[tilespmem:v19+s22+$0x0] =	vst.idx.msk $0xffff, v18  }
0x14e: {  	v19 =	vor.u32 v11, v16;
	v18 =	vld.idx.msk [tilespmem:v20+s14+$0x0], $0xffff  }
0x14f: {  	v20 =	vor.u32 v12, v17;
	_ =	sdelay $0x3  }
0x150: {  	[tilespmem:v19+s22+$0x0] =	vst.idx.msk $0xffff, v18  }
0x151: {  	v19 =	vor.u32 v13, v16;
	v18 =	vld.idx.msk [tilespmem:v20+s14+$0x0], $0xffff  }
0x152: {  	v17 =	vor.u32 v14, v17;
	_ =	sdelay $0x2  }
0x153: {  	s10 =	sadd.s32 $0x2, s6  }
0x154: {  	[tilespmem:v19+s22+$0x0] =	vst.idx.msk $0xffff, v18;
	v18 =	vadd.s32 s10, v0  }
0x155: {  	v16 =	vor.u32 v15, v16;
	v17 =	vld.idx.msk [tilespmem:v17+s14+$0x0], $0xffff;
	v18 =	vand.u32 $0x3F, v18  }
0x156: {  	v19 =	vor.u32 v1, v18;
	_ =	sdelay $0x3  }
0x157: {  	[tilespmem:v16+s22+$0x0] =	vst.idx.msk $0xffff, v17;
	v16 =	vshll.u32 v18, $0x7  }
0x158: {  	v17 =	vld.idx.msk [tilespmem:v19+s14+$0x0], $0xffff;
	v19 =	vor.u32 v0, v16  }
0x159: {  	v20 =	vor.u32 v2, v18;
	_ =	sdelay $0x3  }
0x15a: {  	[tilespmem:v19+s22+$0x0] =	vst.idx.msk $0xffff, v17  }
0x15b: {  	v19 =	vor.u32 v3, v16;
	v17 =	vld.idx.msk [tilespmem:v20+s14+$0x0], $0xffff  }
0x15c: {  	v20 =	vor.u32 v4, v18;
	_ =	sdelay $0x3  }
0x15d: {  	[tilespmem:v19+s22+$0x0] =	vst.idx.msk $0xffff, v17  }
0x15e: {  	v19 =	vor.u32 v5, v16;
	v17 =	vld.idx.msk [tilespmem:v20+s14+$0x0], $0xffff  }
0x15f: {  	v20 =	vor.u32 v6, v18;
	_ =	sdelay $0x3  }
0x160: {  	[tilespmem:v19+s22+$0x0] =	vst.idx.msk $0xffff, v17  }
0x161: {  	v19 =	vor.u32 v7, v16;
	v17 =	vld.idx.msk [tilespmem:v20+s14+$0x0], $0xffff  }
0x162: {  	v20 =	vor.u32 v8, v18;
	_ =	sdelay $0x3  }
0x163: {  	[tilespmem:v19+s22+$0x0] =	vst.idx.msk $0xffff, v17  }
0x164: {  	v19 =	vor.u32 v9, v16;
	v17 =	vld.idx.msk [tilespmem:v20+s14+$0x0], $0xffff  }
0x165: {  	v20 =	vor.u32 v10, v18;
	_ =	sdelay $0x3  }
0x166: {  	[tilespmem:v19+s22+$0x0] =	vst.idx.msk $0xffff, v17  }
0x167: {  	v19 =	vor.u32 v11, v16;
	v17 =	vld.idx.msk [tilespmem:v20+s14+$0x0], $0xffff  }
0x168: {  	v20 =	vor.u32 v12, v18;
	_ =	sdelay $0x3  }
0x169: {  	[tilespmem:v19+s22+$0x0] =	vst.idx.msk $0xffff, v17  }
0x16a: {  	v19 =	vor.u32 v13, v16;
	v17 =	vld.idx.msk [tilespmem:v20+s14+$0x0], $0xffff  }
0x16b: {  	v18 =	vor.u32 v14, v18;
	_ =	sdelay $0x2  }
0x16c: {  	s11 =	sadd.s32 $0x3, s6  }
0x16d: {  	[tilespmem:v19+s22+$0x0] =	vst.idx.msk $0xffff, v17;
	v17 =	vadd.s32 s11, v0  }
0x16e: {  	v16 =	vor.u32 v15, v16;
	v18 =	vld.idx.msk [tilespmem:v18+s14+$0x0], $0xffff;
	v17 =	vand.u32 $0x3F, v17  }
0x16f: {  	v19 =	vor.u32 v1, v17;
	_ =	sdelay $0x3  }
0x170: {  	[tilespmem:v16+s22+$0x0] =	vst.idx.msk $0xffff, v18;
	v16 =	vshll.u32 v17, $0x7  }
0x171: {  	v18 =	vld.idx.msk [tilespmem:v19+s14+$0x0], $0xffff;
	v19 =	vor.u32 v0, v16  }
0x172: {  	v20 =	vor.u32 v2, v17;
	_ =	sdelay $0x3  }
0x173: {  	[tilespmem:v19+s22+$0x0] =	vst.idx.msk $0xffff, v18  }
0x174: {  	v19 =	vor.u32 v3, v16;
	v18 =	vld.idx.msk [tilespmem:v20+s14+$0x0], $0xffff  }
0x175: {  	v20 =	vor.u32 v4, v17;
	_ =	sdelay $0x3  }
0x176: {  	[tilespmem:v19+s22+$0x0] =	vst.idx.msk $0xffff, v18  }
0x177: {  	v19 =	vor.u32 v5, v16;
	v18 =	vld.idx.msk [tilespmem:v20+s14+$0x0], $0xffff  }
0x178: {  	v20 =	vor.u32 v6, v17;
	_ =	sdelay $0x3  }
0x179: {  	[tilespmem:v19+s22+$0x0] =	vst.idx.msk $0xffff, v18  }
0x17a: {  	v19 =	vor.u32 v7, v16;
	v18 =	vld.idx.msk [tilespmem:v20+s14+$0x0], $0xffff  }
0x17b: {  	v20 =	vor.u32 v8, v17;
	_ =	sdelay $0x3  }
0x17c: {  	[tilespmem:v19+s22+$0x0] =	vst.idx.msk $0xffff, v18  }
0x17d: {  	v19 =	vor.u32 v9, v16;
	v18 =	vld.idx.msk [tilespmem:v20+s14+$0x0], $0xffff  }
0x17e: {  	v20 =	vor.u32 v10, v17;
	_ =	sdelay $0x3  }
0x17f: {  	[tilespmem:v19+s22+$0x0] =	vst.idx.msk $0xffff, v18  }
0x180: {  	v19 =	vor.u32 v11, v16;
	v18 =	vld.idx.msk [tilespmem:v20+s14+$0x0], $0xffff  }
0x181: {  	v20 =	vor.u32 v12, v17;
	_ =	sdelay $0x3  }
0x182: {  	[tilespmem:v19+s22+$0x0] =	vst.idx.msk $0xffff, v18  }
0x183: {  	v19 =	vor.u32 v13, v16;
	v18 =	vld.idx.msk [tilespmem:v20+s14+$0x0], $0xffff  }
0x184: {  	v17 =	vor.u32 v14, v17;
	_ =	sdelay $0x3  }
0x185: {  	[tilespmem:v19+s22+$0x0] =	vst.idx.msk $0xffff, v18  }
0x186: {  	s8 =	sshll.u32 s3, $0x2;
	v16 =	vor.u32 v15, v16;
	v17 =	vld.idx.msk [tilespmem:v17+s14+$0x0], $0xffff  }
0x187: {  	s7 =	sadd.s32 s5, s8  }
0x188: {  	s9 =	sshll.u32 s7, $0x7  }
0x189: {  	s6 =	sshll.u32 s7, $0xA;
	s9 =	sand.u32 $0xE00, s9  }
0x18a: {  	s6 =	sand.u32 $0xFFF8000, s6;
	s9 =	sadd.s32 s2, s9  }
0x18b: {  	p0 =	seq.s32 s3, $0x31;
	s6 =	sadd.s32 s6, s9;
	[tilespmem:v16+s22+$0x0] =	vst.idx.msk $0xffff, v17  }
0x18c: {  	[hbm4b:s6+s20] =	stream.strided.scatter [tilespmem:s22], [sflag:$0x5], $0x2000, s21, s20, $0x38;
	[tilespmem:$0x1E400] =	vst v63  }
0x18d: {  	s6 =	sshll.u32 @!p0 s3, $0x9  }
0x18e: {  	s7 =	simm.s32 $0x0;
	s6 =	sand.u32 @!p0 $0x3FFFFE00, s6  }
0x18f: {  	s10 =	simm.s32 @!p0 $0x80;
	s11 =	simm.s32 @!p0 $0x6400;
	s9 =	sadd.s32 @!p0 $0x200, s6  }
0x190: {  	v16 =	vadd.s32 s7, v0;
	[tilespmem:s11], [sflag:$0x1] =	stream.indirect.gather @!p0 [hbm4b:s4+s10], $0x80, s9, s10, $0xb8;
	[tilespmem:$0x1E400] =	vst v63  }
0x191: {  	v16 =	vand.u32 $0x3F, v16;
	_ =	swait.ge [sflag:s29], $0x4000  }
0x192: {  	v17 =	vor.u32 v1, v16;
	[sflag:s29] =	ssyncset.done $0x0  }
0x193: {  	[sflag:s29] =	ssyncadd.s32 $0xFFFFC000  }
0x194: {  	_ =	swait.ge [sflag:s30], $0x2000  }
0x195: {  	[sflag:s30] =	ssyncset.done $0x0  }
0x196: {  	v18 =	vshll.u32 v16, $0x7;
	[sflag:s30] =	ssyncadd.s32 $0xFFFFE000  }
0x197: {  	v19 =	vor.u32 v0, v18;
	v17 =	vld.idx.msk [tilespmem:v17+s15+$0x0], $0xffff  }
0x198: {  	v20 =	vor.u32 v2, v16;
	_ =	sdelay $0x3  }
0x199: {  	[tilespmem:v19+s23+$0x0] =	vst.idx.msk $0xffff, v17  }
0x19a: {  	v19 =	vor.u32 v3, v18;
	v17 =	vld.idx.msk [tilespmem:v20+s15+$0x0], $0xffff  }
0x19b: {  	v20 =	vor.u32 v4, v16;
	_ =	sdelay $0x3  }
0x19c: {  	[tilespmem:v19+s23+$0x0] =	vst.idx.msk $0xffff, v17  }
0x19d: {  	v19 =	vor.u32 v5, v18;
	v17 =	vld.idx.msk [tilespmem:v20+s15+$0x0], $0xffff  }
0x19e: {  	v20 =	vor.u32 v6, v16;
	_ =	sdelay $0x3  }
0x19f: {  	[tilespmem:v19+s23+$0x0] =	vst.idx.msk $0xffff, v17  }
0x1a0: {  	v19 =	vor.u32 v7, v18;
	v17 =	vld.idx.msk [tilespmem:v20+s15+$0x0], $0xffff  }
0x1a1: {  	v20 =	vor.u32 v8, v16;
	_ =	sdelay $0x3  }
0x1a2: {  	[tilespmem:v19+s23+$0x0] =	vst.idx.msk $0xffff, v17  }
0x1a3: {  	v19 =	vor.u32 v9, v18;
	v17 =	vld.idx.msk [tilespmem:v20+s15+$0x0], $0xffff  }
0x1a4: {  	v20 =	vor.u32 v10, v16;
	_ =	sdelay $0x3  }
0x1a5: {  	[tilespmem:v19+s23+$0x0] =	vst.idx.msk $0xffff, v17  }
0x1a6: {  	v19 =	vor.u32 v11, v18;
	v17 =	vld.idx.msk [tilespmem:v20+s15+$0x0], $0xffff  }
0x1a7: {  	v20 =	vor.u32 v12, v16;
	_ =	sdelay $0x3  }
0x1a8: {  	[tilespmem:v19+s23+$0x0] =	vst.idx.msk $0xffff, v17  }
0x1a9: {  	v19 =	vor.u32 v13, v18;
	v17 =	vld.idx.msk [tilespmem:v20+s15+$0x0], $0xffff  }
0x1aa: {  	v16 =	vor.u32 v14, v16;
	_ =	sdelay $0x2  }
0x1ab: {  	s9 =	simm.s32 $0x1  }
0x1ac: {  	[tilespmem:v19+s23+$0x0] =	vst.idx.msk $0xffff, v17;
	v17 =	vadd.s32 s9, v0  }
0x1ad: {  	v18 =	vor.u32 v15, v18;
	v16 =	vld.idx.msk [tilespmem:v16+s15+$0x0], $0xffff;
	v17 =	vand.u32 $0x3F, v17  }
0x1ae: {  	v19 =	vor.u32 v1, v17;
	_ =	sdelay $0x3  }
0x1af: {  	[tilespmem:v18+s23+$0x0] =	vst.idx.msk $0xffff, v16;
	v16 =	vshll.u32 v17, $0x7  }
0x1b0: {  	v18 =	vld.idx.msk [tilespmem:v19+s15+$0x0], $0xffff;
	v19 =	vor.u32 v0, v16  }
0x1b1: {  	v20 =	vor.u32 v2, v17;
	_ =	sdelay $0x3  }
0x1b2: {  	[tilespmem:v19+s23+$0x0] =	vst.idx.msk $0xffff, v18  }
0x1b3: {  	v19 =	vor.u32 v3, v16;
	v18 =	vld.idx.msk [tilespmem:v20+s15+$0x0], $0xffff  }
0x1b4: {  	v20 =	vor.u32 v4, v17;
	_ =	sdelay $0x3  }
0x1b5: {  	[tilespmem:v19+s23+$0x0] =	vst.idx.msk $0xffff, v18  }
0x1b6: {  	v19 =	vor.u32 v5, v16;
	v18 =	vld.idx.msk [tilespmem:v20+s15+$0x0], $0xffff  }
0x1b7: {  	v20 =	vor.u32 v6, v17;
	_ =	sdelay $0x3  }
0x1b8: {  	[tilespmem:v19+s23+$0x0] =	vst.idx.msk $0xffff, v18  }
0x1b9: {  	v19 =	vor.u32 v7, v16;
	v18 =	vld.idx.msk [tilespmem:v20+s15+$0x0], $0xffff  }
0x1ba: {  	v20 =	vor.u32 v8, v17;
	_ =	sdelay $0x3  }
0x1bb: {  	[tilespmem:v19+s23+$0x0] =	vst.idx.msk $0xffff, v18  }
0x1bc: {  	v19 =	vor.u32 v9, v16;
	v18 =	vld.idx.msk [tilespmem:v20+s15+$0x0], $0xffff  }
0x1bd: {  	v20 =	vor.u32 v10, v17;
	_ =	sdelay $0x3  }
0x1be: {  	[tilespmem:v19+s23+$0x0] =	vst.idx.msk $0xffff, v18  }
0x1bf: {  	v19 =	vor.u32 v11, v16;
	v18 =	vld.idx.msk [tilespmem:v20+s15+$0x0], $0xffff  }
0x1c0: {  	v20 =	vor.u32 v12, v17;
	_ =	sdelay $0x3  }
0x1c1: {  	[tilespmem:v19+s23+$0x0] =	vst.idx.msk $0xffff, v18  }
0x1c2: {  	v19 =	vor.u32 v13, v16;
	v18 =	vld.idx.msk [tilespmem:v20+s15+$0x0], $0xffff  }
0x1c3: {  	v17 =	vor.u32 v14, v17;
	_ =	sdelay $0x2  }
0x1c4: {  	s10 =	simm.s32 $0x2  }
0x1c5: {  	[tilespmem:v19+s23+$0x0] =	vst.idx.msk $0xffff, v18;
	v18 =	vadd.s32 s10, v0  }
0x1c6: {  	v16 =	vor.u32 v15, v16;
	v17 =	vld.idx.msk [tilespmem:v17+s15+$0x0], $0xffff;
	v18 =	vand.u32 $0x3F, v18  }
0x1c7: {  	v19 =	vor.u32 v1, v18;
	_ =	sdelay $0x3  }
0x1c8: {  	[tilespmem:v16+s23+$0x0] =	vst.idx.msk $0xffff, v17;
	v16 =	vshll.u32 v18, $0x7  }
0x1c9: {  	v17 =	vld.idx.msk [tilespmem:v19+s15+$0x0], $0xffff;
	v19 =	vor.u32 v0, v16  }
0x1ca: {  	v20 =	vor.u32 v2, v18;
	_ =	sdelay $0x3  }
0x1cb: {  	[tilespmem:v19+s23+$0x0] =	vst.idx.msk $0xffff, v17  }
0x1cc: {  	v19 =	vor.u32 v3, v16;
	v17 =	vld.idx.msk [tilespmem:v20+s15+$0x0], $0xffff  }
0x1cd: {  	v20 =	vor.u32 v4, v18;
	_ =	sdelay $0x3  }
0x1ce: {  	[tilespmem:v19+s23+$0x0] =	vst.idx.msk $0xffff, v17  }
0x1cf: {  	v19 =	vor.u32 v5, v16;
	v17 =	vld.idx.msk [tilespmem:v20+s15+$0x0], $0xffff  }
0x1d0: {  	v20 =	vor.u32 v6, v18;
	_ =	sdelay $0x3  }
0x1d1: {  	[tilespmem:v19+s23+$0x0] =	vst.idx.msk $0xffff, v17  }
0x1d2: {  	v19 =	vor.u32 v7, v16;
	v17 =	vld.idx.msk [tilespmem:v20+s15+$0x0], $0xffff  }
0x1d3: {  	v20 =	vor.u32 v8, v18;
	_ =	sdelay $0x3  }
0x1d4: {  	[tilespmem:v19+s23+$0x0] =	vst.idx.msk $0xffff, v17  }
0x1d5: {  	v19 =	vor.u32 v9, v16;
	v17 =	vld.idx.msk [tilespmem:v20+s15+$0x0], $0xffff  }
0x1d6: {  	v20 =	vor.u32 v10, v18;
	_ =	sdelay $0x3  }
0x1d7: {  	[tilespmem:v19+s23+$0x0] =	vst.idx.msk $0xffff, v17  }
0x1d8: {  	v19 =	vor.u32 v11, v16;
	v17 =	vld.idx.msk [tilespmem:v20+s15+$0x0], $0xffff  }
0x1d9: {  	v20 =	vor.u32 v12, v18;
	_ =	sdelay $0x3  }
0x1da: {  	[tilespmem:v19+s23+$0x0] =	vst.idx.msk $0xffff, v17  }
0x1db: {  	v19 =	vor.u32 v13, v16;
	v17 =	vld.idx.msk [tilespmem:v20+s15+$0x0], $0xffff  }
0x1dc: {  	v18 =	vor.u32 v14, v18;
	_ =	sdelay $0x2  }
0x1dd: {  	s11 =	simm.s32 $0x3  }
0x1de: {  	[tilespmem:v19+s23+$0x0] =	vst.idx.msk $0xffff, v17;
	v17 =	vadd.s32 s11, v0  }
0x1df: {  	v16 =	vor.u32 v15, v16;
	v18 =	vld.idx.msk [tilespmem:v18+s15+$0x0], $0xffff;
	v17 =	vand.u32 $0x3F, v17  }
0x1e0: {  	v19 =	vor.u32 v1, v17;
	_ =	sdelay $0x3  }
0x1e1: {  	[tilespmem:v16+s23+$0x0] =	vst.idx.msk $0xffff, v18;
	v16 =	vshll.u32 v17, $0x7  }
0x1e2: {  	v18 =	vld.idx.msk [tilespmem:v19+s15+$0x0], $0xffff;
	v19 =	vor.u32 v0, v16  }
0x1e3: {  	v20 =	vor.u32 v2, v17;
	_ =	sdelay $0x3  }
0x1e4: {  	[tilespmem:v19+s23+$0x0] =	vst.idx.msk $0xffff, v18  }
0x1e5: {  	v19 =	vor.u32 v3, v16;
	v18 =	vld.idx.msk [tilespmem:v20+s15+$0x0], $0xffff  }
0x1e6: {  	v20 =	vor.u32 v4, v17;
	_ =	sdelay $0x3  }
0x1e7: {  	[tilespmem:v19+s23+$0x0] =	vst.idx.msk $0xffff, v18  }
0x1e8: {  	v19 =	vor.u32 v5, v16;
	v18 =	vld.idx.msk [tilespmem:v20+s15+$0x0], $0xffff  }
0x1e9: {  	v20 =	vor.u32 v6, v17;
	_ =	sdelay $0x3  }
0x1ea: {  	[tilespmem:v19+s23+$0x0] =	vst.idx.msk $0xffff, v18  }
0x1eb: {  	v19 =	vor.u32 v7, v16;
	v18 =	vld.idx.msk [tilespmem:v20+s15+$0x0], $0xffff  }
0x1ec: {  	v20 =	vor.u32 v8, v17;
	_ =	sdelay $0x3  }
0x1ed: {  	[tilespmem:v19+s23+$0x0] =	vst.idx.msk $0xffff, v18  }
0x1ee: {  	v19 =	vor.u32 v9, v16;
	v18 =	vld.idx.msk [tilespmem:v20+s15+$0x0], $0xffff  }
0x1ef: {  	v20 =	vor.u32 v10, v17;
	_ =	sdelay $0x3  }
0x1f0: {  	[tilespmem:v19+s23+$0x0] =	vst.idx.msk $0xffff, v18  }
0x1f1: {  	v19 =	vor.u32 v11, v16;
	v18 =	vld.idx.msk [tilespmem:v20+s15+$0x0], $0xffff  }
0x1f2: {  	v20 =	vor.u32 v12, v17;
	_ =	sdelay $0x3  }
0x1f3: {  	[tilespmem:v19+s23+$0x0] =	vst.idx.msk $0xffff, v18  }
0x1f4: {  	v19 =	vor.u32 v13, v16;
	v18 =	vld.idx.msk [tilespmem:v20+s15+$0x0], $0xffff  }
0x1f5: {  	v17 =	vor.u32 v14, v17;
	_ =	sdelay $0x3  }
0x1f6: {  	s9 =	simm.s32 $0x4;
	[tilespmem:v19+s23+$0x0] =	vst.idx.msk $0xffff, v18  }
0x1f7: {  	s10 =	simm.s32 $0x8;
	v18 =	vadd.s32 s9, v0;
	v17 =	vld.idx.msk [tilespmem:v17+s15+$0x0], $0xffff  }
.LBB2_5:
0x1f8: {  	p1 =	slt.u32 s10, $0x3C;
	v18 =	vand.u32 $0x3F, v18;
	v16 =	vor.u32 v15, v16  }
0x1f9: {  	v19 =	vor.u32 v1, v18;
	_ =	sdelay $0x3  }
0x1fa: {  	[tilespmem:v16+s23+$0x0] =	vst.idx.msk $0xffff, v17  }
0x1fb: {  	v17 =	vshll.u32 v18, $0x7;
	v16 =	vld.idx.msk [tilespmem:v19+s15+$0x0], $0xffff  }
0x1fc: {  	v19 =	vor.u32 v0, v17  }
0x1fd: {  	v20 =	vor.u32 v2, v18;
	_ =	sdelay $0x3  }
0x1fe: {  	[tilespmem:v19+s23+$0x0] =	vst.idx.msk $0xffff, v16  }
0x1ff: {  	v16 =	vld.idx.msk [tilespmem:v20+s15+$0x0], $0xffff  }
0x200: {  	v19 =	vor.u32 v3, v17  }
0x201: {  	v20 =	vor.u32 v4, v18;
	_ =	sdelay $0x3  }
0x202: {  	[tilespmem:v19+s23+$0x0] =	vst.idx.msk $0xffff, v16  }
0x203: {  	v16 =	vld.idx.msk [tilespmem:v20+s15+$0x0], $0xffff  }
0x204: {  	v19 =	vor.u32 v5, v17  }
0x205: {  	v20 =	vor.u32 v6, v18;
	_ =	sdelay $0x3  }
0x206: {  	[tilespmem:v19+s23+$0x0] =	vst.idx.msk $0xffff, v16  }
0x207: {  	v16 =	vld.idx.msk [tilespmem:v20+s15+$0x0], $0xffff  }
0x208: {  	v19 =	vor.u32 v7, v17  }
0x209: {  	v20 =	vor.u32 v8, v18;
	_ =	sdelay $0x3  }
0x20a: {  	[tilespmem:v19+s23+$0x0] =	vst.idx.msk $0xffff, v16  }
0x20b: {  	v16 =	vld.idx.msk [tilespmem:v20+s15+$0x0], $0xffff  }
0x20c: {  	v19 =	vor.u32 v9, v17  }
0x20d: {  	v20 =	vor.u32 v10, v18;
	_ =	sdelay $0x3  }
0x20e: {  	[tilespmem:v19+s23+$0x0] =	vst.idx.msk $0xffff, v16  }
0x20f: {  	v16 =	vld.idx.msk [tilespmem:v20+s15+$0x0], $0xffff  }
0x210: {  	v19 =	vor.u32 v11, v17  }
0x211: {  	v20 =	vor.u32 v12, v18;
	_ =	sdelay $0x3  }
0x212: {  	[tilespmem:v19+s23+$0x0] =	vst.idx.msk $0xffff, v16  }
0x213: {  	v16 =	vld.idx.msk [tilespmem:v20+s15+$0x0], $0xffff  }
0x214: {  	v19 =	vor.u32 v13, v17  }
0x215: {  	v18 =	vor.u32 v14, v18;
	_ =	sdelay $0x3  }
0x216: {  	s7 =	sadd.s32 $0x1, s9;
	[tilespmem:v19+s23+$0x0] =	vst.idx.msk $0xffff, v16  }
0x217: {  	v16 =	vld.idx.msk [tilespmem:v18+s15+$0x0], $0xffff;
	v18 =	vadd.s32 s7, v0  }
0x218: {  	v17 =	vor.u32 v15, v17;
	v18 =	vand.u32 $0x3F, v18  }
0x219: {  	v19 =	vor.u32 v1, v18;
	_ =	sdelay $0x3  }
0x21a: {  	[tilespmem:v17+s23+$0x0] =	vst.idx.msk $0xffff, v16  }
0x21b: {  	v17 =	vshll.u32 v18, $0x7;
	v16 =	vld.idx.msk [tilespmem:v19+s15+$0x0], $0xffff  }
0x21c: {  	v19 =	vor.u32 v0, v17  }
0x21d: {  	v20 =	vor.u32 v2, v18;
	_ =	sdelay $0x3  }
0x21e: {  	[tilespmem:v19+s23+$0x0] =	vst.idx.msk $0xffff, v16  }
0x21f: {  	v16 =	vld.idx.msk [tilespmem:v20+s15+$0x0], $0xffff  }
0x220: {  	v19 =	vor.u32 v3, v17  }
0x221: {  	v20 =	vor.u32 v4, v18;
	_ =	sdelay $0x3  }
0x222: {  	[tilespmem:v19+s23+$0x0] =	vst.idx.msk $0xffff, v16  }
0x223: {  	v16 =	vld.idx.msk [tilespmem:v20+s15+$0x0], $0xffff  }
0x224: {  	v19 =	vor.u32 v5, v17  }
0x225: {  	v20 =	vor.u32 v6, v18;
	_ =	sdelay $0x3  }
0x226: {  	[tilespmem:v19+s23+$0x0] =	vst.idx.msk $0xffff, v16  }
0x227: {  	v16 =	vld.idx.msk [tilespmem:v20+s15+$0x0], $0xffff  }
0x228: {  	v19 =	vor.u32 v7, v17  }
0x229: {  	v20 =	vor.u32 v8, v18;
	_ =	sdelay $0x3  }
0x22a: {  	[tilespmem:v19+s23+$0x0] =	vst.idx.msk $0xffff, v16  }
0x22b: {  	v16 =	vld.idx.msk [tilespmem:v20+s15+$0x0], $0xffff  }
0x22c: {  	v19 =	vor.u32 v9, v17  }
0x22d: {  	v20 =	vor.u32 v10, v18;
	_ =	sdelay $0x3  }
0x22e: {  	[tilespmem:v19+s23+$0x0] =	vst.idx.msk $0xffff, v16  }
0x22f: {  	v16 =	vld.idx.msk [tilespmem:v20+s15+$0x0], $0xffff  }
0x230: {  	v19 =	vor.u32 v11, v17  }
0x231: {  	v20 =	vor.u32 v12, v18;
	_ =	sdelay $0x3  }
0x232: {  	[tilespmem:v19+s23+$0x0] =	vst.idx.msk $0xffff, v16  }
0x233: {  	v16 =	vld.idx.msk [tilespmem:v20+s15+$0x0], $0xffff  }
0x234: {  	v19 =	vor.u32 v13, v17  }
0x235: {  	v18 =	vor.u32 v14, v18;
	_ =	sdelay $0x3  }
0x236: {  	s7 =	sadd.s32 $0x2, s9;
	[tilespmem:v19+s23+$0x0] =	vst.idx.msk $0xffff, v16  }
0x237: {  	v16 =	vld.idx.msk [tilespmem:v18+s15+$0x0], $0xffff;
	v18 =	vadd.s32 s7, v0  }
0x238: {  	v17 =	vor.u32 v15, v17;
	v18 =	vand.u32 $0x3F, v18  }
0x239: {  	v19 =	vor.u32 v1, v18;
	_ =	sdelay $0x3  }
0x23a: {  	[tilespmem:v17+s23+$0x0] =	vst.idx.msk $0xffff, v16  }
0x23b: {  	v17 =	vshll.u32 v18, $0x7;
	v16 =	vld.idx.msk [tilespmem:v19+s15+$0x0], $0xffff  }
0x23c: {  	v19 =	vor.u32 v0, v17  }
0x23d: {  	v20 =	vor.u32 v2, v18;
	_ =	sdelay $0x3  }
0x23e: {  	[tilespmem:v19+s23+$0x0] =	vst.idx.msk $0xffff, v16  }
0x23f: {  	v16 =	vld.idx.msk [tilespmem:v20+s15+$0x0], $0xffff  }
0x240: {  	v19 =	vor.u32 v3, v17  }
0x241: {  	v20 =	vor.u32 v4, v18;
	_ =	sdelay $0x3  }
0x242: {  	[tilespmem:v19+s23+$0x0] =	vst.idx.msk $0xffff, v16  }
0x243: {  	v16 =	vld.idx.msk [tilespmem:v20+s15+$0x0], $0xffff  }
0x244: {  	v19 =	vor.u32 v5, v17  }
0x245: {  	v20 =	vor.u32 v6, v18;
	_ =	sdelay $0x3  }
0x246: {  	[tilespmem:v19+s23+$0x0] =	vst.idx.msk $0xffff, v16  }
0x247: {  	v16 =	vld.idx.msk [tilespmem:v20+s15+$0x0], $0xffff  }
0x248: {  	v19 =	vor.u32 v7, v17  }
0x249: {  	v20 =	vor.u32 v8, v18;
	_ =	sdelay $0x3  }
0x24a: {  	[tilespmem:v19+s23+$0x0] =	vst.idx.msk $0xffff, v16  }
0x24b: {  	v16 =	vld.idx.msk [tilespmem:v20+s15+$0x0], $0xffff  }
0x24c: {  	v19 =	vor.u32 v9, v17  }
0x24d: {  	v20 =	vor.u32 v10, v18;
	_ =	sdelay $0x3  }
0x24e: {  	[tilespmem:v19+s23+$0x0] =	vst.idx.msk $0xffff, v16  }
0x24f: {  	v16 =	vld.idx.msk [tilespmem:v20+s15+$0x0], $0xffff  }
0x250: {  	v19 =	vor.u32 v11, v17  }
0x251: {  	v20 =	vor.u32 v12, v18;
	_ =	sdelay $0x3  }
0x252: {  	[tilespmem:v19+s23+$0x0] =	vst.idx.msk $0xffff, v16  }
0x253: {  	v16 =	vld.idx.msk [tilespmem:v20+s15+$0x0], $0xffff  }
0x254: {  	v19 =	vor.u32 v13, v17  }
0x255: {  	v18 =	vor.u32 v14, v18;
	_ =	sdelay $0x3  }
0x256: {  	s7 =	sadd.s32 $0x3, s9;
	s9 =	smov.u32 s10;
	[tilespmem:v19+s23+$0x0] =	vst.idx.msk $0xffff, v16  }
0x257: {  	v16 =	vld.idx.msk [tilespmem:v18+s15+$0x0], $0xffff;
	v18 =	vadd.s32 s7, v0  }
0x258: {  	v17 =	vor.u32 v15, v17;
	v18 =	vand.u32 $0x3F, v18  }
0x259: {  	v19 =	vor.u32 v1, v18;
	_ =	sdelay $0x3  }
0x25a: {  	[tilespmem:v17+s23+$0x0] =	vst.idx.msk $0xffff, v16  }
0x25b: {  	v16 =	vshll.u32 v18, $0x7;
	v17 =	vld.idx.msk [tilespmem:v19+s15+$0x0], $0xffff  }
0x25c: {  	v19 =	vor.u32 v0, v16  }
0x25d: {  	v20 =	vor.u32 v2, v18;
	_ =	sdelay $0x3  }
0x25e: {  	[tilespmem:v19+s23+$0x0] =	vst.idx.msk $0xffff, v17  }
0x25f: {  	v17 =	vld.idx.msk [tilespmem:v20+s15+$0x0], $0xffff  }
0x260: {  	v19 =	vor.u32 v3, v16  }
0x261: {  	v20 =	vor.u32 v4, v18;
	_ =	sdelay $0x3  }
0x262: {  	[tilespmem:v19+s23+$0x0] =	vst.idx.msk $0xffff, v17  }
0x263: {  	v17 =	vld.idx.msk [tilespmem:v20+s15+$0x0], $0xffff  }
0x264: {  	v19 =	vor.u32 v5, v16  }
0x265: {  	v20 =	vor.u32 v6, v18;
	_ =	sdelay $0x3  }
0x266: {  	[tilespmem:v19+s23+$0x0] =	vst.idx.msk $0xffff, v17  }
0x267: {  	v17 =	vld.idx.msk [tilespmem:v20+s15+$0x0], $0xffff  }
0x268: {  	v19 =	vor.u32 v7, v16  }
0x269: {  	v20 =	vor.u32 v8, v18;
	_ =	sdelay $0x3  }
0x26a: {  	[tilespmem:v19+s23+$0x0] =	vst.idx.msk $0xffff, v17  }
0x26b: {  	v17 =	vld.idx.msk [tilespmem:v20+s15+$0x0], $0xffff  }
0x26c: {  	v19 =	vor.u32 v9, v16  }
0x26d: {  	v20 =	vor.u32 v10, v18;
	_ =	sdelay $0x3  }
0x26e: {  	[tilespmem:v19+s23+$0x0] =	vst.idx.msk $0xffff, v17  }
0x26f: {  	v17 =	vld.idx.msk [tilespmem:v20+s15+$0x0], $0xffff  }
0x270: {  	v19 =	vor.u32 v11, v16  }
0x271: {  	v20 =	vor.u32 v12, v18;
	_ =	sdelay $0x3  }
0x272: {  	[tilespmem:v19+s23+$0x0] =	vst.idx.msk $0xffff, v17  }
0x273: {  	v17 =	vld.idx.msk [tilespmem:v20+s15+$0x0], $0xffff  }
0x274: {  	v19 =	vor.u32 v13, v16  }
0x275: {  	v20 =	vor.u32 v14, v18  }
.Ltmp3:
0x276: {  	(pc) =	sbr.rel @p1 .LBB2_5-.Ltmp3, $3  }
0x277: {  	_ =	sdelay $0x1  }
0x278: {  	[tilespmem:v19+s23+$0x0] =	vst.idx.msk $0xffff, v17  }
0x279: {  	s10 =	sadd.s32 $0x4, s10;
	v18 =	vadd.s32 s9, v0;
	v17 =	vld.idx.msk [tilespmem:v20+s15+$0x0], $0xffff  }
0x27a: {  	v18 =	vand.u32 $0x3F, v18;
	v16 =	vor.u32 v15, v16  }
0x27b: {  	v19 =	vor.u32 v1, v18;
	_ =	sdelay $0x3  }
0x27c: {  	[tilespmem:v16+s23+$0x0] =	vst.idx.msk $0xffff, v17;
	v16 =	vshll.u32 v18, $0x7  }
0x27d: {  	v17 =	vld.idx.msk [tilespmem:v19+s15+$0x0], $0xffff;
	v19 =	vor.u32 v0, v16  }
0x27e: {  	v20 =	vor.u32 v2, v18;
	_ =	sdelay $0x3  }
0x27f: {  	[tilespmem:v19+s23+$0x0] =	vst.idx.msk $0xffff, v17  }
0x280: {  	v19 =	vor.u32 v3, v16;
	v17 =	vld.idx.msk [tilespmem:v20+s15+$0x0], $0xffff  }
0x281: {  	v20 =	vor.u32 v4, v18;
	_ =	sdelay $0x3  }
0x282: {  	[tilespmem:v19+s23+$0x0] =	vst.idx.msk $0xffff, v17  }
0x283: {  	v19 =	vor.u32 v5, v16;
	v17 =	vld.idx.msk [tilespmem:v20+s15+$0x0], $0xffff  }
0x284: {  	v20 =	vor.u32 v6, v18;
	_ =	sdelay $0x3  }
0x285: {  	[tilespmem:v19+s23+$0x0] =	vst.idx.msk $0xffff, v17  }
0x286: {  	v19 =	vor.u32 v7, v16;
	v17 =	vld.idx.msk [tilespmem:v20+s15+$0x0], $0xffff  }
0x287: {  	v20 =	vor.u32 v8, v18;
	_ =	sdelay $0x3  }
0x288: {  	[tilespmem:v19+s23+$0x0] =	vst.idx.msk $0xffff, v17  }
0x289: {  	v19 =	vor.u32 v9, v16;
	v17 =	vld.idx.msk [tilespmem:v20+s15+$0x0], $0xffff  }
0x28a: {  	v20 =	vor.u32 v10, v18;
	_ =	sdelay $0x3  }
0x28b: {  	[tilespmem:v19+s23+$0x0] =	vst.idx.msk $0xffff, v17  }
0x28c: {  	v19 =	vor.u32 v11, v16;
	v17 =	vld.idx.msk [tilespmem:v20+s15+$0x0], $0xffff  }
0x28d: {  	v20 =	vor.u32 v12, v18;
	_ =	sdelay $0x3  }
0x28e: {  	[tilespmem:v19+s23+$0x0] =	vst.idx.msk $0xffff, v17  }
0x28f: {  	v19 =	vor.u32 v13, v16;
	v17 =	vld.idx.msk [tilespmem:v20+s15+$0x0], $0xffff  }
0x290: {  	v18 =	vor.u32 v14, v18;
	_ =	sdelay $0x2  }
0x291: {  	s7 =	sadd.s32 $0x1, s9  }
0x292: {  	[tilespmem:v19+s23+$0x0] =	vst.idx.msk $0xffff, v17;
	v17 =	vadd.s32 s7, v0  }
0x293: {  	v16 =	vor.u32 v15, v16;
	v18 =	vld.idx.msk [tilespmem:v18+s15+$0x0], $0xffff;
	v17 =	vand.u32 $0x3F, v17  }
0x294: {  	v19 =	vor.u32 v1, v17;
	_ =	sdelay $0x3  }
0x295: {  	[tilespmem:v16+s23+$0x0] =	vst.idx.msk $0xffff, v18;
	v16 =	vshll.u32 v17, $0x7  }
0x296: {  	v18 =	vld.idx.msk [tilespmem:v19+s15+$0x0], $0xffff;
	v19 =	vor.u32 v0, v16  }
0x297: {  	v20 =	vor.u32 v2, v17;
	_ =	sdelay $0x3  }
0x298: {  	[tilespmem:v19+s23+$0x0] =	vst.idx.msk $0xffff, v18  }
0x299: {  	v19 =	vor.u32 v3, v16;
	v18 =	vld.idx.msk [tilespmem:v20+s15+$0x0], $0xffff  }
0x29a: {  	v20 =	vor.u32 v4, v17;
	_ =	sdelay $0x3  }
0x29b: {  	[tilespmem:v19+s23+$0x0] =	vst.idx.msk $0xffff, v18  }
0x29c: {  	v19 =	vor.u32 v5, v16;
	v18 =	vld.idx.msk [tilespmem:v20+s15+$0x0], $0xffff  }
0x29d: {  	v20 =	vor.u32 v6, v17;
	_ =	sdelay $0x3  }
0x29e: {  	[tilespmem:v19+s23+$0x0] =	vst.idx.msk $0xffff, v18  }
0x29f: {  	v19 =	vor.u32 v7, v16;
	v18 =	vld.idx.msk [tilespmem:v20+s15+$0x0], $0xffff  }
0x2a0: {  	v20 =	vor.u32 v8, v17;
	_ =	sdelay $0x3  }
0x2a1: {  	[tilespmem:v19+s23+$0x0] =	vst.idx.msk $0xffff, v18  }
0x2a2: {  	v19 =	vor.u32 v9, v16;
	v18 =	vld.idx.msk [tilespmem:v20+s15+$0x0], $0xffff  }
0x2a3: {  	v20 =	vor.u32 v10, v17;
	_ =	sdelay $0x3  }
0x2a4: {  	[tilespmem:v19+s23+$0x0] =	vst.idx.msk $0xffff, v18  }
0x2a5: {  	v19 =	vor.u32 v11, v16;
	v18 =	vld.idx.msk [tilespmem:v20+s15+$0x0], $0xffff  }
0x2a6: {  	v20 =	vor.u32 v12, v17;
	_ =	sdelay $0x3  }
0x2a7: {  	[tilespmem:v19+s23+$0x0] =	vst.idx.msk $0xffff, v18  }
0x2a8: {  	v19 =	vor.u32 v13, v16;
	v18 =	vld.idx.msk [tilespmem:v20+s15+$0x0], $0xffff  }
0x2a9: {  	v17 =	vor.u32 v14, v17;
	_ =	sdelay $0x2  }
0x2aa: {  	s11 =	sadd.s32 $0x2, s9  }
0x2ab: {  	[tilespmem:v19+s23+$0x0] =	vst.idx.msk $0xffff, v18;
	v18 =	vadd.s32 s11, v0  }
0x2ac: {  	v16 =	vor.u32 v15, v16;
	v17 =	vld.idx.msk [tilespmem:v17+s15+$0x0], $0xffff;
	v18 =	vand.u32 $0x3F, v18  }
0x2ad: {  	v19 =	vor.u32 v1, v18;
	_ =	sdelay $0x3  }
0x2ae: {  	[tilespmem:v16+s23+$0x0] =	vst.idx.msk $0xffff, v17;
	v16 =	vshll.u32 v18, $0x7  }
0x2af: {  	v17 =	vld.idx.msk [tilespmem:v19+s15+$0x0], $0xffff;
	v19 =	vor.u32 v0, v16  }
0x2b0: {  	v20 =	vor.u32 v2, v18;
	_ =	sdelay $0x3  }
0x2b1: {  	[tilespmem:v19+s23+$0x0] =	vst.idx.msk $0xffff, v17  }
0x2b2: {  	v19 =	vor.u32 v3, v16;
	v17 =	vld.idx.msk [tilespmem:v20+s15+$0x0], $0xffff  }
0x2b3: {  	v20 =	vor.u32 v4, v18;
	_ =	sdelay $0x3  }
0x2b4: {  	[tilespmem:v19+s23+$0x0] =	vst.idx.msk $0xffff, v17  }
0x2b5: {  	v19 =	vor.u32 v5, v16;
	v17 =	vld.idx.msk [tilespmem:v20+s15+$0x0], $0xffff  }
0x2b6: {  	v20 =	vor.u32 v6, v18;
	_ =	sdelay $0x3  }
0x2b7: {  	[tilespmem:v19+s23+$0x0] =	vst.idx.msk $0xffff, v17  }
0x2b8: {  	v19 =	vor.u32 v7, v16;
	v17 =	vld.idx.msk [tilespmem:v20+s15+$0x0], $0xffff  }
0x2b9: {  	v20 =	vor.u32 v8, v18;
	_ =	sdelay $0x3  }
0x2ba: {  	[tilespmem:v19+s23+$0x0] =	vst.idx.msk $0xffff, v17  }
0x2bb: {  	v19 =	vor.u32 v9, v16;
	v17 =	vld.idx.msk [tilespmem:v20+s15+$0x0], $0xffff  }
0x2bc: {  	v20 =	vor.u32 v10, v18;
	_ =	sdelay $0x3  }
0x2bd: {  	[tilespmem:v19+s23+$0x0] =	vst.idx.msk $0xffff, v17  }
0x2be: {  	v19 =	vor.u32 v11, v16;
	v17 =	vld.idx.msk [tilespmem:v20+s15+$0x0], $0xffff  }
0x2bf: {  	v20 =	vor.u32 v12, v18;
	_ =	sdelay $0x3  }
0x2c0: {  	[tilespmem:v19+s23+$0x0] =	vst.idx.msk $0xffff, v17  }
0x2c1: {  	v19 =	vor.u32 v13, v16;
	v17 =	vld.idx.msk [tilespmem:v20+s15+$0x0], $0xffff  }
0x2c2: {  	v18 =	vor.u32 v14, v18;
	_ =	sdelay $0x2  }
0x2c3: {  	s9 =	sadd.s32 $0x3, s9  }
0x2c4: {  	[tilespmem:v19+s23+$0x0] =	vst.idx.msk $0xffff, v17;
	v17 =	vadd.s32 s9, v0  }
0x2c5: {  	v16 =	vor.u32 v15, v16;
	v18 =	vld.idx.msk [tilespmem:v18+s15+$0x0], $0xffff;
	v17 =	vand.u32 $0x3F, v17  }
0x2c6: {  	v19 =	vor.u32 v1, v17;
	_ =	sdelay $0x3  }
0x2c7: {  	[tilespmem:v16+s23+$0x0] =	vst.idx.msk $0xffff, v18;
	v16 =	vshll.u32 v17, $0x7  }
0x2c8: {  	v18 =	vld.idx.msk [tilespmem:v19+s15+$0x0], $0xffff;
	v19 =	vor.u32 v0, v16  }
0x2c9: {  	v20 =	vor.u32 v2, v17;
	_ =	sdelay $0x3  }
0x2ca: {  	[tilespmem:v19+s23+$0x0] =	vst.idx.msk $0xffff, v18  }
0x2cb: {  	v19 =	vor.u32 v3, v16;
	v18 =	vld.idx.msk [tilespmem:v20+s15+$0x0], $0xffff  }
0x2cc: {  	v20 =	vor.u32 v4, v17;
	_ =	sdelay $0x3  }
0x2cd: {  	[tilespmem:v19+s23+$0x0] =	vst.idx.msk $0xffff, v18  }
0x2ce: {  	v19 =	vor.u32 v5, v16;
	v18 =	vld.idx.msk [tilespmem:v20+s15+$0x0], $0xffff  }
0x2cf: {  	v20 =	vor.u32 v6, v17;
	_ =	sdelay $0x3  }
0x2d0: {  	[tilespmem:v19+s23+$0x0] =	vst.idx.msk $0xffff, v18  }
0x2d1: {  	v19 =	vor.u32 v7, v16;
	v18 =	vld.idx.msk [tilespmem:v20+s15+$0x0], $0xffff  }
0x2d2: {  	v20 =	vor.u32 v8, v17;
	_ =	sdelay $0x3  }
0x2d3: {  	[tilespmem:v19+s23+$0x0] =	vst.idx.msk $0xffff, v18  }
0x2d4: {  	v19 =	vor.u32 v9, v16;
	v18 =	vld.idx.msk [tilespmem:v20+s15+$0x0], $0xffff  }
0x2d5: {  	v20 =	vor.u32 v10, v17;
	_ =	sdelay $0x3  }
0x2d6: {  	[tilespmem:v19+s23+$0x0] =	vst.idx.msk $0xffff, v18  }
0x2d7: {  	v19 =	vor.u32 v11, v16;
	v18 =	vld.idx.msk [tilespmem:v20+s15+$0x0], $0xffff  }
0x2d8: {  	v20 =	vor.u32 v12, v17;
	_ =	sdelay $0x3  }
0x2d9: {  	[tilespmem:v19+s23+$0x0] =	vst.idx.msk $0xffff, v18  }
0x2da: {  	v19 =	vor.u32 v13, v16;
	v18 =	vld.idx.msk [tilespmem:v20+s15+$0x0], $0xffff  }
0x2db: {  	v17 =	vor.u32 v14, v17;
	_ =	sdelay $0x3  }
0x2dc: {  	[tilespmem:v19+s23+$0x0] =	vst.idx.msk $0xffff, v18  }
0x2dd: {  	s8 =	sadd.s32 s8, s5;
	v16 =	vor.u32 v15, v16;
	v17 =	vld.idx.msk [tilespmem:v17+s15+$0x0], $0xffff  }
0x2de: {  	s10 =	sadd.s32 $0x1, s8  }
0x2df: {  	s11 =	sshll.u32 s10, $0x7  }
0x2e0: {  	s7 =	sshll.u32 s10, $0xA;
	s9 =	sand.u32 $0xE80, s11  }
0x2e1: {  	s7 =	sand.u32 $0xFFF8000, s7;
	s9 =	sadd.s32 s2, s9  }
0x2e2: {  	s10 =	simm.s32 @!p0 $0xA400;
	s7 =	sadd.s32 s7, s9;
	[tilespmem:v16+s23+$0x0] =	vst.idx.msk $0xffff, v17  }
0x2e3: {  	[hbm4b:s7+s20] =	stream.strided.scatter [tilespmem:s23], [sflag:$0x6], $0x2000, s21, s20, $0x38;
	[tilespmem:$0x1E400] =	vst v63  }
0x2e4: {  	s11 =	simm.s32 $0x0;
	s9 =	simm.s32 @!p0 $0x80;
	s7 =	sadd.s32 @!p0 $0x280, s6  }
0x2e5: {  	v16 =	vadd.s32 s11, v0;
	[tilespmem:s10], [sflag:$0x2] =	stream.indirect.gather @!p0 [hbm4b:s4+s9], $0x80, s7, s9, $0xb8;
	[tilespmem:$0x1E400] =	vst v63  }
0x2e6: {  	v16 =	vand.u32 $0x3F, v16;
	_ =	swait.ge [sflag:s31], $0x4000  }
0x2e7: {  	v17 =	vor.u32 v1, v16;
	[sflag:s31] =	ssyncset.done $0x0  }
0x2e8: {  	[sflag:s31] =	ssyncadd.s32 $0xFFFFC000  }
0x2e9: {  	_ =	swait.ge [sflag:s1], $0x2000  }
0x2ea: {  	[sflag:s1] =	ssyncset.done $0x0  }
0x2eb: {  	v18 =	vshll.u32 v16, $0x7;
	[sflag:s1] =	ssyncadd.s32 $0xFFFFE000  }
0x2ec: {  	v19 =	vor.u32 v0, v18;
	v17 =	vld.idx.msk [tilespmem:v17+s17+$0x0], $0xffff  }
0x2ed: {  	v20 =	vor.u32 v2, v16;
	_ =	sdelay $0x3  }
0x2ee: {  	[tilespmem:v19+s24+$0x0] =	vst.idx.msk $0xffff, v17  }
0x2ef: {  	v19 =	vor.u32 v3, v18;
	v17 =	vld.idx.msk [tilespmem:v20+s17+$0x0], $0xffff  }
0x2f0: {  	v20 =	vor.u32 v4, v16;
	_ =	sdelay $0x3  }
0x2f1: {  	[tilespmem:v19+s24+$0x0] =	vst.idx.msk $0xffff, v17  }
0x2f2: {  	v19 =	vor.u32 v5, v18;
	v17 =	vld.idx.msk [tilespmem:v20+s17+$0x0], $0xffff  }
0x2f3: {  	v20 =	vor.u32 v6, v16;
	_ =	sdelay $0x3  }
0x2f4: {  	[tilespmem:v19+s24+$0x0] =	vst.idx.msk $0xffff, v17  }
0x2f5: {  	v19 =	vor.u32 v7, v18;
	v17 =	vld.idx.msk [tilespmem:v20+s17+$0x0], $0xffff  }
0x2f6: {  	v20 =	vor.u32 v8, v16;
	_ =	sdelay $0x3  }
0x2f7: {  	[tilespmem:v19+s24+$0x0] =	vst.idx.msk $0xffff, v17  }
0x2f8: {  	v19 =	vor.u32 v9, v18;
	v17 =	vld.idx.msk [tilespmem:v20+s17+$0x0], $0xffff  }
0x2f9: {  	v20 =	vor.u32 v10, v16;
	_ =	sdelay $0x3  }
0x2fa: {  	[tilespmem:v19+s24+$0x0] =	vst.idx.msk $0xffff, v17  }
0x2fb: {  	v19 =	vor.u32 v11, v18;
	v17 =	vld.idx.msk [tilespmem:v20+s17+$0x0], $0xffff  }
0x2fc: {  	v20 =	vor.u32 v12, v16;
	_ =	sdelay $0x3  }
0x2fd: {  	[tilespmem:v19+s24+$0x0] =	vst.idx.msk $0xffff, v17  }
0x2fe: {  	v19 =	vor.u32 v13, v18;
	v17 =	vld.idx.msk [tilespmem:v20+s17+$0x0], $0xffff  }
0x2ff: {  	v16 =	vor.u32 v14, v16;
	_ =	sdelay $0x2  }
0x300: {  	s9 =	simm.s32 $0x1  }
0x301: {  	[tilespmem:v19+s24+$0x0] =	vst.idx.msk $0xffff, v17;
	v17 =	vadd.s32 s9, v0  }
0x302: {  	v18 =	vor.u32 v15, v18;
	v16 =	vld.idx.msk [tilespmem:v16+s17+$0x0], $0xffff;
	v17 =	vand.u32 $0x3F, v17  }
0x303: {  	v19 =	vor.u32 v1, v17;
	_ =	sdelay $0x3  }
0x304: {  	[tilespmem:v18+s24+$0x0] =	vst.idx.msk $0xffff, v16;
	v16 =	vshll.u32 v17, $0x7  }
0x305: {  	v18 =	vld.idx.msk [tilespmem:v19+s17+$0x0], $0xffff;
	v19 =	vor.u32 v0, v16  }
0x306: {  	v20 =	vor.u32 v2, v17;
	_ =	sdelay $0x3  }
0x307: {  	[tilespmem:v19+s24+$0x0] =	vst.idx.msk $0xffff, v18  }
0x308: {  	v19 =	vor.u32 v3, v16;
	v18 =	vld.idx.msk [tilespmem:v20+s17+$0x0], $0xffff  }
0x309: {  	v20 =	vor.u32 v4, v17;
	_ =	sdelay $0x3  }
0x30a: {  	[tilespmem:v19+s24+$0x0] =	vst.idx.msk $0xffff, v18  }
0x30b: {  	v19 =	vor.u32 v5, v16;
	v18 =	vld.idx.msk [tilespmem:v20+s17+$0x0], $0xffff  }
0x30c: {  	v20 =	vor.u32 v6, v17;
	_ =	sdelay $0x3  }
0x30d: {  	[tilespmem:v19+s24+$0x0] =	vst.idx.msk $0xffff, v18  }
0x30e: {  	v19 =	vor.u32 v7, v16;
	v18 =	vld.idx.msk [tilespmem:v20+s17+$0x0], $0xffff  }
0x30f: {  	v20 =	vor.u32 v8, v17;
	_ =	sdelay $0x3  }
0x310: {  	[tilespmem:v19+s24+$0x0] =	vst.idx.msk $0xffff, v18  }
0x311: {  	v19 =	vor.u32 v9, v16;
	v18 =	vld.idx.msk [tilespmem:v20+s17+$0x0], $0xffff  }
0x312: {  	v20 =	vor.u32 v10, v17;
	_ =	sdelay $0x3  }
0x313: {  	[tilespmem:v19+s24+$0x0] =	vst.idx.msk $0xffff, v18  }
0x314: {  	v19 =	vor.u32 v11, v16;
	v18 =	vld.idx.msk [tilespmem:v20+s17+$0x0], $0xffff  }
0x315: {  	v20 =	vor.u32 v12, v17;
	_ =	sdelay $0x3  }
0x316: {  	[tilespmem:v19+s24+$0x0] =	vst.idx.msk $0xffff, v18  }
0x317: {  	v19 =	vor.u32 v13, v16;
	v18 =	vld.idx.msk [tilespmem:v20+s17+$0x0], $0xffff  }
0x318: {  	v17 =	vor.u32 v14, v17;
	_ =	sdelay $0x2  }
0x319: {  	s10 =	simm.s32 $0x2  }
0x31a: {  	[tilespmem:v19+s24+$0x0] =	vst.idx.msk $0xffff, v18;
	v18 =	vadd.s32 s10, v0  }
0x31b: {  	v16 =	vor.u32 v15, v16;
	v17 =	vld.idx.msk [tilespmem:v17+s17+$0x0], $0xffff;
	v18 =	vand.u32 $0x3F, v18  }
0x31c: {  	v19 =	vor.u32 v1, v18;
	_ =	sdelay $0x3  }
0x31d: {  	[tilespmem:v16+s24+$0x0] =	vst.idx.msk $0xffff, v17;
	v16 =	vshll.u32 v18, $0x7  }
0x31e: {  	v17 =	vld.idx.msk [tilespmem:v19+s17+$0x0], $0xffff;
	v19 =	vor.u32 v0, v16  }
0x31f: {  	v20 =	vor.u32 v2, v18;
	_ =	sdelay $0x3  }
0x320: {  	[tilespmem:v19+s24+$0x0] =	vst.idx.msk $0xffff, v17  }
0x321: {  	v19 =	vor.u32 v3, v16;
	v17 =	vld.idx.msk [tilespmem:v20+s17+$0x0], $0xffff  }
0x322: {  	v20 =	vor.u32 v4, v18;
	_ =	sdelay $0x3  }
0x323: {  	[tilespmem:v19+s24+$0x0] =	vst.idx.msk $0xffff, v17  }
0x324: {  	v19 =	vor.u32 v5, v16;
	v17 =	vld.idx.msk [tilespmem:v20+s17+$0x0], $0xffff  }
0x325: {  	v20 =	vor.u32 v6, v18;
	_ =	sdelay $0x3  }
0x326: {  	[tilespmem:v19+s24+$0x0] =	vst.idx.msk $0xffff, v17  }
0x327: {  	v19 =	vor.u32 v7, v16;
	v17 =	vld.idx.msk [tilespmem:v20+s17+$0x0], $0xffff  }
0x328: {  	v20 =	vor.u32 v8, v18;
	_ =	sdelay $0x3  }
0x329: {  	[tilespmem:v19+s24+$0x0] =	vst.idx.msk $0xffff, v17  }
0x32a: {  	v19 =	vor.u32 v9, v16;
	v17 =	vld.idx.msk [tilespmem:v20+s17+$0x0], $0xffff  }
0x32b: {  	v20 =	vor.u32 v10, v18;
	_ =	sdelay $0x3  }
0x32c: {  	[tilespmem:v19+s24+$0x0] =	vst.idx.msk $0xffff, v17  }
0x32d: {  	v19 =	vor.u32 v11, v16;
	v17 =	vld.idx.msk [tilespmem:v20+s17+$0x0], $0xffff  }
0x32e: {  	v20 =	vor.u32 v12, v18;
	_ =	sdelay $0x3  }
0x32f: {  	[tilespmem:v19+s24+$0x0] =	vst.idx.msk $0xffff, v17  }
0x330: {  	v19 =	vor.u32 v13, v16;
	v17 =	vld.idx.msk [tilespmem:v20+s17+$0x0], $0xffff  }
0x331: {  	v18 =	vor.u32 v14, v18;
	_ =	sdelay $0x2  }
0x332: {  	s11 =	simm.s32 $0x3  }
0x333: {  	[tilespmem:v19+s24+$0x0] =	vst.idx.msk $0xffff, v17;
	v17 =	vadd.s32 s11, v0  }
0x334: {  	v16 =	vor.u32 v15, v16;
	v18 =	vld.idx.msk [tilespmem:v18+s17+$0x0], $0xffff;
	v17 =	vand.u32 $0x3F, v17  }
0x335: {  	v19 =	vor.u32 v1, v17;
	_ =	sdelay $0x3  }
0x336: {  	[tilespmem:v16+s24+$0x0] =	vst.idx.msk $0xffff, v18;
	v16 =	vshll.u32 v17, $0x7  }
0x337: {  	v18 =	vld.idx.msk [tilespmem:v19+s17+$0x0], $0xffff;
	v19 =	vor.u32 v0, v16  }
0x338: {  	v20 =	vor.u32 v2, v17;
	_ =	sdelay $0x3  }
0x339: {  	[tilespmem:v19+s24+$0x0] =	vst.idx.msk $0xffff, v18  }
0x33a: {  	v19 =	vor.u32 v3, v16;
	v18 =	vld.idx.msk [tilespmem:v20+s17+$0x0], $0xffff  }
0x33b: {  	v20 =	vor.u32 v4, v17;
	_ =	sdelay $0x3  }
0x33c: {  	[tilespmem:v19+s24+$0x0] =	vst.idx.msk $0xffff, v18  }
0x33d: {  	v19 =	vor.u32 v5, v16;
	v18 =	vld.idx.msk [tilespmem:v20+s17+$0x0], $0xffff  }
0x33e: {  	v20 =	vor.u32 v6, v17;
	_ =	sdelay $0x3  }
0x33f: {  	[tilespmem:v19+s24+$0x0] =	vst.idx.msk $0xffff, v18  }
0x340: {  	v19 =	vor.u32 v7, v16;
	v18 =	vld.idx.msk [tilespmem:v20+s17+$0x0], $0xffff  }
0x341: {  	v20 =	vor.u32 v8, v17;
	_ =	sdelay $0x3  }
0x342: {  	[tilespmem:v19+s24+$0x0] =	vst.idx.msk $0xffff, v18  }
0x343: {  	v19 =	vor.u32 v9, v16;
	v18 =	vld.idx.msk [tilespmem:v20+s17+$0x0], $0xffff  }
0x344: {  	v20 =	vor.u32 v10, v17;
	_ =	sdelay $0x3  }
0x345: {  	[tilespmem:v19+s24+$0x0] =	vst.idx.msk $0xffff, v18  }
0x346: {  	v19 =	vor.u32 v11, v16;
	v18 =	vld.idx.msk [tilespmem:v20+s17+$0x0], $0xffff  }
0x347: {  	v20 =	vor.u32 v12, v17;
	_ =	sdelay $0x3  }
0x348: {  	[tilespmem:v19+s24+$0x0] =	vst.idx.msk $0xffff, v18  }
0x349: {  	v19 =	vor.u32 v13, v16;
	v18 =	vld.idx.msk [tilespmem:v20+s17+$0x0], $0xffff  }
0x34a: {  	v17 =	vor.u32 v14, v17;
	_ =	sdelay $0x3  }
0x34b: {  	s9 =	simm.s32 $0x4;
	[tilespmem:v19+s24+$0x0] =	vst.idx.msk $0xffff, v18  }
0x34c: {  	s10 =	simm.s32 $0x8;
	v18 =	vadd.s32 s9, v0;
	v17 =	vld.idx.msk [tilespmem:v17+s17+$0x0], $0xffff  }
.LBB2_7:
0x34d: {  	p1 =	slt.u32 s10, $0x3C;
	v18 =	vand.u32 $0x3F, v18;
	v16 =	vor.u32 v15, v16  }
0x34e: {  	v19 =	vor.u32 v1, v18;
	_ =	sdelay $0x3  }
0x34f: {  	[tilespmem:v16+s24+$0x0] =	vst.idx.msk $0xffff, v17  }
0x350: {  	v17 =	vshll.u32 v18, $0x7;
	v16 =	vld.idx.msk [tilespmem:v19+s17+$0x0], $0xffff  }
0x351: {  	v19 =	vor.u32 v0, v17  }
0x352: {  	v20 =	vor.u32 v2, v18;
	_ =	sdelay $0x3  }
0x353: {  	[tilespmem:v19+s24+$0x0] =	vst.idx.msk $0xffff, v16  }
0x354: {  	v16 =	vld.idx.msk [tilespmem:v20+s17+$0x0], $0xffff  }
0x355: {  	v19 =	vor.u32 v3, v17  }
0x356: {  	v20 =	vor.u32 v4, v18;
	_ =	sdelay $0x3  }
0x357: {  	[tilespmem:v19+s24+$0x0] =	vst.idx.msk $0xffff, v16  }
0x358: {  	v16 =	vld.idx.msk [tilespmem:v20+s17+$0x0], $0xffff  }
0x359: {  	v19 =	vor.u32 v5, v17  }
0x35a: {  	v20 =	vor.u32 v6, v18;
	_ =	sdelay $0x3  }
0x35b: {  	[tilespmem:v19+s24+$0x0] =	vst.idx.msk $0xffff, v16  }
0x35c: {  	v16 =	vld.idx.msk [tilespmem:v20+s17+$0x0], $0xffff  }
0x35d: {  	v19 =	vor.u32 v7, v17  }
0x35e: {  	v20 =	vor.u32 v8, v18;
	_ =	sdelay $0x3  }
0x35f: {  	[tilespmem:v19+s24+$0x0] =	vst.idx.msk $0xffff, v16  }
0x360: {  	v16 =	vld.idx.msk [tilespmem:v20+s17+$0x0], $0xffff  }
0x361: {  	v19 =	vor.u32 v9, v17  }
0x362: {  	v20 =	vor.u32 v10, v18;
	_ =	sdelay $0x3  }
0x363: {  	[tilespmem:v19+s24+$0x0] =	vst.idx.msk $0xffff, v16  }
0x364: {  	v16 =	vld.idx.msk [tilespmem:v20+s17+$0x0], $0xffff  }
0x365: {  	v19 =	vor.u32 v11, v17  }
0x366: {  	v20 =	vor.u32 v12, v18;
	_ =	sdelay $0x3  }
0x367: {  	[tilespmem:v19+s24+$0x0] =	vst.idx.msk $0xffff, v16  }
0x368: {  	v16 =	vld.idx.msk [tilespmem:v20+s17+$0x0], $0xffff  }
0x369: {  	v19 =	vor.u32 v13, v17  }
0x36a: {  	v18 =	vor.u32 v14, v18;
	_ =	sdelay $0x3  }
0x36b: {  	s7 =	sadd.s32 $0x1, s9;
	[tilespmem:v19+s24+$0x0] =	vst.idx.msk $0xffff, v16  }
0x36c: {  	v16 =	vld.idx.msk [tilespmem:v18+s17+$0x0], $0xffff;
	v18 =	vadd.s32 s7, v0  }
0x36d: {  	v17 =	vor.u32 v15, v17;
	v18 =	vand.u32 $0x3F, v18  }
0x36e: {  	v19 =	vor.u32 v1, v18;
	_ =	sdelay $0x3  }
0x36f: {  	[tilespmem:v17+s24+$0x0] =	vst.idx.msk $0xffff, v16  }
0x370: {  	v17 =	vshll.u32 v18, $0x7;
	v16 =	vld.idx.msk [tilespmem:v19+s17+$0x0], $0xffff  }
0x371: {  	v19 =	vor.u32 v0, v17  }
0x372: {  	v20 =	vor.u32 v2, v18;
	_ =	sdelay $0x3  }
0x373: {  	[tilespmem:v19+s24+$0x0] =	vst.idx.msk $0xffff, v16  }
0x374: {  	v16 =	vld.idx.msk [tilespmem:v20+s17+$0x0], $0xffff  }
0x375: {  	v19 =	vor.u32 v3, v17  }
0x376: {  	v20 =	vor.u32 v4, v18;
	_ =	sdelay $0x3  }
0x377: {  	[tilespmem:v19+s24+$0x0] =	vst.idx.msk $0xffff, v16  }
0x378: {  	v16 =	vld.idx.msk [tilespmem:v20+s17+$0x0], $0xffff  }
0x379: {  	v19 =	vor.u32 v5, v17  }
0x37a: {  	v20 =	vor.u32 v6, v18;
	_ =	sdelay $0x3  }
0x37b: {  	[tilespmem:v19+s24+$0x0] =	vst.idx.msk $0xffff, v16  }
0x37c: {  	v16 =	vld.idx.msk [tilespmem:v20+s17+$0x0], $0xffff  }
0x37d: {  	v19 =	vor.u32 v7, v17  }
0x37e: {  	v20 =	vor.u32 v8, v18;
	_ =	sdelay $0x3  }
0x37f: {  	[tilespmem:v19+s24+$0x0] =	vst.idx.msk $0xffff, v16  }
0x380: {  	v16 =	vld.idx.msk [tilespmem:v20+s17+$0x0], $0xffff  }
0x381: {  	v19 =	vor.u32 v9, v17  }
0x382: {  	v20 =	vor.u32 v10, v18;
	_ =	sdelay $0x3  }
0x383: {  	[tilespmem:v19+s24+$0x0] =	vst.idx.msk $0xffff, v16  }
0x384: {  	v16 =	vld.idx.msk [tilespmem:v20+s17+$0x0], $0xffff  }
0x385: {  	v19 =	vor.u32 v11, v17  }
0x386: {  	v20 =	vor.u32 v12, v18;
	_ =	sdelay $0x3  }
0x387: {  	[tilespmem:v19+s24+$0x0] =	vst.idx.msk $0xffff, v16  }
0x388: {  	v16 =	vld.idx.msk [tilespmem:v20+s17+$0x0], $0xffff  }
0x389: {  	v19 =	vor.u32 v13, v17  }
0x38a: {  	v18 =	vor.u32 v14, v18;
	_ =	sdelay $0x3  }
0x38b: {  	s7 =	sadd.s32 $0x2, s9;
	[tilespmem:v19+s24+$0x0] =	vst.idx.msk $0xffff, v16  }
0x38c: {  	v16 =	vld.idx.msk [tilespmem:v18+s17+$0x0], $0xffff;
	v18 =	vadd.s32 s7, v0  }
0x38d: {  	v17 =	vor.u32 v15, v17;
	v18 =	vand.u32 $0x3F, v18  }
0x38e: {  	v19 =	vor.u32 v1, v18;
	_ =	sdelay $0x3  }
0x38f: {  	[tilespmem:v17+s24+$0x0] =	vst.idx.msk $0xffff, v16  }
0x390: {  	v17 =	vshll.u32 v18, $0x7;
	v16 =	vld.idx.msk [tilespmem:v19+s17+$0x0], $0xffff  }
0x391: {  	v19 =	vor.u32 v0, v17  }
0x392: {  	v20 =	vor.u32 v2, v18;
	_ =	sdelay $0x3  }
0x393: {  	[tilespmem:v19+s24+$0x0] =	vst.idx.msk $0xffff, v16  }
0x394: {  	v16 =	vld.idx.msk [tilespmem:v20+s17+$0x0], $0xffff  }
0x395: {  	v19 =	vor.u32 v3, v17  }
0x396: {  	v20 =	vor.u32 v4, v18;
	_ =	sdelay $0x3  }
0x397: {  	[tilespmem:v19+s24+$0x0] =	vst.idx.msk $0xffff, v16  }
0x398: {  	v16 =	vld.idx.msk [tilespmem:v20+s17+$0x0], $0xffff  }
0x399: {  	v19 =	vor.u32 v5, v17  }
0x39a: {  	v20 =	vor.u32 v6, v18;
	_ =	sdelay $0x3  }
0x39b: {  	[tilespmem:v19+s24+$0x0] =	vst.idx.msk $0xffff, v16  }
0x39c: {  	v16 =	vld.idx.msk [tilespmem:v20+s17+$0x0], $0xffff  }
0x39d: {  	v19 =	vor.u32 v7, v17  }
0x39e: {  	v20 =	vor.u32 v8, v18;
	_ =	sdelay $0x3  }
0x39f: {  	[tilespmem:v19+s24+$0x0] =	vst.idx.msk $0xffff, v16  }
0x3a0: {  	v16 =	vld.idx.msk [tilespmem:v20+s17+$0x0], $0xffff  }
0x3a1: {  	v19 =	vor.u32 v9, v17  }
0x3a2: {  	v20 =	vor.u32 v10, v18;
	_ =	sdelay $0x3  }
0x3a3: {  	[tilespmem:v19+s24+$0x0] =	vst.idx.msk $0xffff, v16  }
0x3a4: {  	v16 =	vld.idx.msk [tilespmem:v20+s17+$0x0], $0xffff  }
0x3a5: {  	v19 =	vor.u32 v11, v17  }
0x3a6: {  	v20 =	vor.u32 v12, v18;
	_ =	sdelay $0x3  }
0x3a7: {  	[tilespmem:v19+s24+$0x0] =	vst.idx.msk $0xffff, v16  }
0x3a8: {  	v16 =	vld.idx.msk [tilespmem:v20+s17+$0x0], $0xffff  }
0x3a9: {  	v19 =	vor.u32 v13, v17  }
0x3aa: {  	v18 =	vor.u32 v14, v18;
	_ =	sdelay $0x3  }
0x3ab: {  	s7 =	sadd.s32 $0x3, s9;
	s9 =	smov.u32 s10;
	[tilespmem:v19+s24+$0x0] =	vst.idx.msk $0xffff, v16  }
0x3ac: {  	v16 =	vld.idx.msk [tilespmem:v18+s17+$0x0], $0xffff;
	v18 =	vadd.s32 s7, v0  }
0x3ad: {  	v17 =	vor.u32 v15, v17;
	v18 =	vand.u32 $0x3F, v18  }
0x3ae: {  	v19 =	vor.u32 v1, v18;
	_ =	sdelay $0x3  }
0x3af: {  	[tilespmem:v17+s24+$0x0] =	vst.idx.msk $0xffff, v16  }
0x3b0: {  	v16 =	vshll.u32 v18, $0x7;
	v17 =	vld.idx.msk [tilespmem:v19+s17+$0x0], $0xffff  }
0x3b1: {  	v19 =	vor.u32 v0, v16  }
0x3b2: {  	v20 =	vor.u32 v2, v18;
	_ =	sdelay $0x3  }
0x3b3: {  	[tilespmem:v19+s24+$0x0] =	vst.idx.msk $0xffff, v17  }
0x3b4: {  	v17 =	vld.idx.msk [tilespmem:v20+s17+$0x0], $0xffff  }
0x3b5: {  	v19 =	vor.u32 v3, v16  }
0x3b6: {  	v20 =	vor.u32 v4, v18;
	_ =	sdelay $0x3  }
0x3b7: {  	[tilespmem:v19+s24+$0x0] =	vst.idx.msk $0xffff, v17  }
0x3b8: {  	v17 =	vld.idx.msk [tilespmem:v20+s17+$0x0], $0xffff  }
0x3b9: {  	v19 =	vor.u32 v5, v16  }
0x3ba: {  	v20 =	vor.u32 v6, v18;
	_ =	sdelay $0x3  }
0x3bb: {  	[tilespmem:v19+s24+$0x0] =	vst.idx.msk $0xffff, v17  }
0x3bc: {  	v17 =	vld.idx.msk [tilespmem:v20+s17+$0x0], $0xffff  }
0x3bd: {  	v19 =	vor.u32 v7, v16  }
0x3be: {  	v20 =	vor.u32 v8, v18;
	_ =	sdelay $0x3  }
0x3bf: {  	[tilespmem:v19+s24+$0x0] =	vst.idx.msk $0xffff, v17  }
0x3c0: {  	v17 =	vld.idx.msk [tilespmem:v20+s17+$0x0], $0xffff  }
0x3c1: {  	v19 =	vor.u32 v9, v16  }
0x3c2: {  	v20 =	vor.u32 v10, v18;
	_ =	sdelay $0x3  }
0x3c3: {  	[tilespmem:v19+s24+$0x0] =	vst.idx.msk $0xffff, v17  }
0x3c4: {  	v17 =	vld.idx.msk [tilespmem:v20+s17+$0x0], $0xffff  }
0x3c5: {  	v19 =	vor.u32 v11, v16  }
0x3c6: {  	v20 =	vor.u32 v12, v18;
	_ =	sdelay $0x3  }
0x3c7: {  	[tilespmem:v19+s24+$0x0] =	vst.idx.msk $0xffff, v17  }
0x3c8: {  	v17 =	vld.idx.msk [tilespmem:v20+s17+$0x0], $0xffff  }
0x3c9: {  	v19 =	vor.u32 v13, v16  }
0x3ca: {  	v20 =	vor.u32 v14, v18  }
.Ltmp4:
0x3cb: {  	(pc) =	sbr.rel @p1 .LBB2_7-.Ltmp4, $3  }
0x3cc: {  	_ =	sdelay $0x1  }
0x3cd: {  	[tilespmem:v19+s24+$0x0] =	vst.idx.msk $0xffff, v17  }
0x3ce: {  	s10 =	sadd.s32 $0x4, s10;
	v18 =	vadd.s32 s9, v0;
	v17 =	vld.idx.msk [tilespmem:v20+s17+$0x0], $0xffff  }
0x3cf: {  	v18 =	vand.u32 $0x3F, v18;
	v16 =	vor.u32 v15, v16  }
0x3d0: {  	v19 =	vor.u32 v1, v18;
	_ =	sdelay $0x3  }
0x3d1: {  	[tilespmem:v16+s24+$0x0] =	vst.idx.msk $0xffff, v17;
	v16 =	vshll.u32 v18, $0x7  }
0x3d2: {  	v17 =	vld.idx.msk [tilespmem:v19+s17+$0x0], $0xffff;
	v19 =	vor.u32 v0, v16  }
0x3d3: {  	v20 =	vor.u32 v2, v18;
	_ =	sdelay $0x3  }
0x3d4: {  	[tilespmem:v19+s24+$0x0] =	vst.idx.msk $0xffff, v17  }
0x3d5: {  	v19 =	vor.u32 v3, v16;
	v17 =	vld.idx.msk [tilespmem:v20+s17+$0x0], $0xffff  }
0x3d6: {  	v20 =	vor.u32 v4, v18;
	_ =	sdelay $0x3  }
0x3d7: {  	[tilespmem:v19+s24+$0x0] =	vst.idx.msk $0xffff, v17  }
0x3d8: {  	v19 =	vor.u32 v5, v16;
	v17 =	vld.idx.msk [tilespmem:v20+s17+$0x0], $0xffff  }
0x3d9: {  	v20 =	vor.u32 v6, v18;
	_ =	sdelay $0x3  }
0x3da: {  	[tilespmem:v19+s24+$0x0] =	vst.idx.msk $0xffff, v17  }
0x3db: {  	v19 =	vor.u32 v7, v16;
	v17 =	vld.idx.msk [tilespmem:v20+s17+$0x0], $0xffff  }
0x3dc: {  	v20 =	vor.u32 v8, v18;
	_ =	sdelay $0x3  }
0x3dd: {  	[tilespmem:v19+s24+$0x0] =	vst.idx.msk $0xffff, v17  }
0x3de: {  	v19 =	vor.u32 v9, v16;
	v17 =	vld.idx.msk [tilespmem:v20+s17+$0x0], $0xffff  }
0x3df: {  	v20 =	vor.u32 v10, v18;
	_ =	sdelay $0x3  }
0x3e0: {  	[tilespmem:v19+s24+$0x0] =	vst.idx.msk $0xffff, v17  }
0x3e1: {  	v19 =	vor.u32 v11, v16;
	v17 =	vld.idx.msk [tilespmem:v20+s17+$0x0], $0xffff  }
0x3e2: {  	v20 =	vor.u32 v12, v18;
	_ =	sdelay $0x3  }
0x3e3: {  	[tilespmem:v19+s24+$0x0] =	vst.idx.msk $0xffff, v17  }
0x3e4: {  	v19 =	vor.u32 v13, v16;
	v17 =	vld.idx.msk [tilespmem:v20+s17+$0x0], $0xffff  }
0x3e5: {  	v18 =	vor.u32 v14, v18;
	_ =	sdelay $0x2  }
0x3e6: {  	s7 =	sadd.s32 $0x1, s9  }
0x3e7: {  	[tilespmem:v19+s24+$0x0] =	vst.idx.msk $0xffff, v17;
	v17 =	vadd.s32 s7, v0  }
0x3e8: {  	v16 =	vor.u32 v15, v16;
	v18 =	vld.idx.msk [tilespmem:v18+s17+$0x0], $0xffff;
	v17 =	vand.u32 $0x3F, v17  }
0x3e9: {  	v19 =	vor.u32 v1, v17;
	_ =	sdelay $0x3  }
0x3ea: {  	[tilespmem:v16+s24+$0x0] =	vst.idx.msk $0xffff, v18;
	v16 =	vshll.u32 v17, $0x7  }
0x3eb: {  	v18 =	vld.idx.msk [tilespmem:v19+s17+$0x0], $0xffff;
	v19 =	vor.u32 v0, v16  }
0x3ec: {  	v20 =	vor.u32 v2, v17;
	_ =	sdelay $0x3  }
0x3ed: {  	[tilespmem:v19+s24+$0x0] =	vst.idx.msk $0xffff, v18  }
0x3ee: {  	v19 =	vor.u32 v3, v16;
	v18 =	vld.idx.msk [tilespmem:v20+s17+$0x0], $0xffff  }
0x3ef: {  	v20 =	vor.u32 v4, v17;
	_ =	sdelay $0x3  }
0x3f0: {  	[tilespmem:v19+s24+$0x0] =	vst.idx.msk $0xffff, v18  }
0x3f1: {  	v19 =	vor.u32 v5, v16;
	v18 =	vld.idx.msk [tilespmem:v20+s17+$0x0], $0xffff  }
0x3f2: {  	v20 =	vor.u32 v6, v17;
	_ =	sdelay $0x3  }
0x3f3: {  	[tilespmem:v19+s24+$0x0] =	vst.idx.msk $0xffff, v18  }
0x3f4: {  	v19 =	vor.u32 v7, v16;
	v18 =	vld.idx.msk [tilespmem:v20+s17+$0x0], $0xffff  }
0x3f5: {  	v20 =	vor.u32 v8, v17;
	_ =	sdelay $0x3  }
0x3f6: {  	[tilespmem:v19+s24+$0x0] =	vst.idx.msk $0xffff, v18  }
0x3f7: {  	v19 =	vor.u32 v9, v16;
	v18 =	vld.idx.msk [tilespmem:v20+s17+$0x0], $0xffff  }
0x3f8: {  	v20 =	vor.u32 v10, v17;
	_ =	sdelay $0x3  }
0x3f9: {  	[tilespmem:v19+s24+$0x0] =	vst.idx.msk $0xffff, v18  }
0x3fa: {  	v19 =	vor.u32 v11, v16;
	v18 =	vld.idx.msk [tilespmem:v20+s17+$0x0], $0xffff  }
0x3fb: {  	v20 =	vor.u32 v12, v17;
	_ =	sdelay $0x3  }
0x3fc: {  	[tilespmem:v19+s24+$0x0] =	vst.idx.msk $0xffff, v18  }
0x3fd: {  	v19 =	vor.u32 v13, v16;
	v18 =	vld.idx.msk [tilespmem:v20+s17+$0x0], $0xffff  }
0x3fe: {  	v17 =	vor.u32 v14, v17;
	_ =	sdelay $0x2  }
0x3ff: {  	s11 =	sadd.s32 $0x2, s9  }
0x400: {  	[tilespmem:v19+s24+$0x0] =	vst.idx.msk $0xffff, v18;
	v18 =	vadd.s32 s11, v0  }
0x401: {  	v16 =	vor.u32 v15, v16;
	v17 =	vld.idx.msk [tilespmem:v17+s17+$0x0], $0xffff;
	v18 =	vand.u32 $0x3F, v18  }
0x402: {  	v19 =	vor.u32 v1, v18;
	_ =	sdelay $0x3  }
0x403: {  	[tilespmem:v16+s24+$0x0] =	vst.idx.msk $0xffff, v17;
	v16 =	vshll.u32 v18, $0x7  }
0x404: {  	v17 =	vld.idx.msk [tilespmem:v19+s17+$0x0], $0xffff;
	v19 =	vor.u32 v0, v16  }
0x405: {  	v20 =	vor.u32 v2, v18;
	_ =	sdelay $0x3  }
0x406: {  	[tilespmem:v19+s24+$0x0] =	vst.idx.msk $0xffff, v17  }
0x407: {  	v19 =	vor.u32 v3, v16;
	v17 =	vld.idx.msk [tilespmem:v20+s17+$0x0], $0xffff  }
0x408: {  	v20 =	vor.u32 v4, v18;
	_ =	sdelay $0x3  }
0x409: {  	[tilespmem:v19+s24+$0x0] =	vst.idx.msk $0xffff, v17  }
0x40a: {  	v19 =	vor.u32 v5, v16;
	v17 =	vld.idx.msk [tilespmem:v20+s17+$0x0], $0xffff  }
0x40b: {  	v20 =	vor.u32 v6, v18;
	_ =	sdelay $0x3  }
0x40c: {  	[tilespmem:v19+s24+$0x0] =	vst.idx.msk $0xffff, v17  }
0x40d: {  	v19 =	vor.u32 v7, v16;
	v17 =	vld.idx.msk [tilespmem:v20+s17+$0x0], $0xffff  }
0x40e: {  	v20 =	vor.u32 v8, v18;
	_ =	sdelay $0x3  }
0x40f: {  	[tilespmem:v19+s24+$0x0] =	vst.idx.msk $0xffff, v17  }
0x410: {  	v19 =	vor.u32 v9, v16;
	v17 =	vld.idx.msk [tilespmem:v20+s17+$0x0], $0xffff  }
0x411: {  	v20 =	vor.u32 v10, v18;
	_ =	sdelay $0x3  }
0x412: {  	[tilespmem:v19+s24+$0x0] =	vst.idx.msk $0xffff, v17  }
0x413: {  	v19 =	vor.u32 v11, v16;
	v17 =	vld.idx.msk [tilespmem:v20+s17+$0x0], $0xffff  }
0x414: {  	v20 =	vor.u32 v12, v18;
	_ =	sdelay $0x3  }
0x415: {  	[tilespmem:v19+s24+$0x0] =	vst.idx.msk $0xffff, v17  }
0x416: {  	v19 =	vor.u32 v13, v16;
	v17 =	vld.idx.msk [tilespmem:v20+s17+$0x0], $0xffff  }
0x417: {  	v18 =	vor.u32 v14, v18;
	_ =	sdelay $0x2  }
0x418: {  	s9 =	sadd.s32 $0x3, s9  }
0x419: {  	[tilespmem:v19+s24+$0x0] =	vst.idx.msk $0xffff, v17;
	v17 =	vadd.s32 s9, v0  }
0x41a: {  	v16 =	vor.u32 v15, v16;
	v18 =	vld.idx.msk [tilespmem:v18+s17+$0x0], $0xffff;
	v17 =	vand.u32 $0x3F, v17  }
0x41b: {  	v19 =	vor.u32 v1, v17;
	_ =	sdelay $0x3  }
0x41c: {  	[tilespmem:v16+s24+$0x0] =	vst.idx.msk $0xffff, v18;
	v16 =	vshll.u32 v17, $0x7  }
0x41d: {  	v18 =	vld.idx.msk [tilespmem:v19+s17+$0x0], $0xffff;
	v19 =	vor.u32 v0, v16  }
0x41e: {  	v20 =	vor.u32 v2, v17;
	_ =	sdelay $0x3  }
0x41f: {  	[tilespmem:v19+s24+$0x0] =	vst.idx.msk $0xffff, v18  }
0x420: {  	v19 =	vor.u32 v3, v16;
	v18 =	vld.idx.msk [tilespmem:v20+s17+$0x0], $0xffff  }
0x421: {  	v20 =	vor.u32 v4, v17;
	_ =	sdelay $0x3  }
0x422: {  	[tilespmem:v19+s24+$0x0] =	vst.idx.msk $0xffff, v18  }
0x423: {  	v19 =	vor.u32 v5, v16;
	v18 =	vld.idx.msk [tilespmem:v20+s17+$0x0], $0xffff  }
0x424: {  	v20 =	vor.u32 v6, v17;
	_ =	sdelay $0x3  }
0x425: {  	[tilespmem:v19+s24+$0x0] =	vst.idx.msk $0xffff, v18  }
0x426: {  	v19 =	vor.u32 v7, v16;
	v18 =	vld.idx.msk [tilespmem:v20+s17+$0x0], $0xffff  }
0x427: {  	v20 =	vor.u32 v8, v17;
	_ =	sdelay $0x3  }
0x428: {  	[tilespmem:v19+s24+$0x0] =	vst.idx.msk $0xffff, v18  }
0x429: {  	v19 =	vor.u32 v9, v16;
	v18 =	vld.idx.msk [tilespmem:v20+s17+$0x0], $0xffff  }
0x42a: {  	v20 =	vor.u32 v10, v17;
	_ =	sdelay $0x3  }
0x42b: {  	[tilespmem:v19+s24+$0x0] =	vst.idx.msk $0xffff, v18  }
0x42c: {  	v19 =	vor.u32 v11, v16;
	v18 =	vld.idx.msk [tilespmem:v20+s17+$0x0], $0xffff  }
0x42d: {  	v20 =	vor.u32 v12, v17;
	_ =	sdelay $0x3  }
0x42e: {  	[tilespmem:v19+s24+$0x0] =	vst.idx.msk $0xffff, v18  }
0x42f: {  	v19 =	vor.u32 v13, v16;
	v18 =	vld.idx.msk [tilespmem:v20+s17+$0x0], $0xffff  }
0x430: {  	v17 =	vor.u32 v14, v17;
	_ =	sdelay $0x3  }
0x431: {  	[tilespmem:v19+s24+$0x0] =	vst.idx.msk $0xffff, v18  }
0x432: {  	v16 =	vor.u32 v15, v16;
	v17 =	vld.idx.msk [tilespmem:v17+s17+$0x0], $0xffff  }
0x433: {  	s10 =	sadd.s32 $0x2, s8  }
0x434: {  	s11 =	sshll.u32 s10, $0x7  }
0x435: {  	s7 =	sshll.u32 s10, $0xA;
	s9 =	sand.u32 $0xF00, s11  }
0x436: {  	s7 =	sand.u32 $0xFFF8000, s7;
	s9 =	sadd.s32 s2, s9  }
0x437: {  	s6 =	sadd.s32 @!p0 $0x300, s6;
	s7 =	sadd.s32 s7, s9;
	[tilespmem:v16+s24+$0x0] =	vst.idx.msk $0xffff, v17  }
0x438: {  	[hbm4b:s7+s20] =	stream.strided.scatter [tilespmem:s24], [sflag:$0x7], $0x2000, s21, s20, $0x38;
	[tilespmem:$0x1E400] =	vst v63  }
0x439: {  	s10 =	simm.s32 $0x0;
	s9 =	simm.s32 @!p0 $0xE400;
	s7 =	simm.s32 @!p0 $0x80  }
0x43a: {  	v16 =	vadd.s32 s10, v0;
	[tilespmem:s9], [sflag:$0x3] =	stream.indirect.gather @!p0 [hbm4b:s4+s7], $0x80, s6, s7, $0xb8;
	[tilespmem:$0x1E400] =	vst v63  }
0x43b: {  	v16 =	vand.u32 $0x3F, v16;
	_ =	swait.ge [sflag:s0], $0x4000  }
0x43c: {  	v17 =	vor.u32 v1, v16;
	[sflag:s0] =	ssyncset.done $0x0  }
0x43d: {  	[sflag:s0] =	ssyncadd.s32 $0xFFFFC000  }
0x43e: {  	_ =	swait.ge [sflag:s16], $0x2000  }
0x43f: {  	[sflag:s16] =	ssyncset.done $0x0  }
0x440: {  	v18 =	vshll.u32 v16, $0x7;
	[sflag:s16] =	ssyncadd.s32 $0xFFFFE000  }
0x441: {  	v19 =	vor.u32 v0, v18;
	v17 =	vld.idx.msk [tilespmem:v17+s19+$0x0], $0xffff  }
0x442: {  	v20 =	vor.u32 v2, v16;
	_ =	sdelay $0x3  }
0x443: {  	[tilespmem:v19+s25+$0x0] =	vst.idx.msk $0xffff, v17  }
0x444: {  	v19 =	vor.u32 v3, v18;
	v17 =	vld.idx.msk [tilespmem:v20+s19+$0x0], $0xffff  }
0x445: {  	v20 =	vor.u32 v4, v16;
	_ =	sdelay $0x3  }
0x446: {  	[tilespmem:v19+s25+$0x0] =	vst.idx.msk $0xffff, v17  }
0x447: {  	v19 =	vor.u32 v5, v18;
	v17 =	vld.idx.msk [tilespmem:v20+s19+$0x0], $0xffff  }
0x448: {  	v20 =	vor.u32 v6, v16;
	_ =	sdelay $0x3  }
0x449: {  	[tilespmem:v19+s25+$0x0] =	vst.idx.msk $0xffff, v17  }
0x44a: {  	v19 =	vor.u32 v7, v18;
	v17 =	vld.idx.msk [tilespmem:v20+s19+$0x0], $0xffff  }
0x44b: {  	v20 =	vor.u32 v8, v16;
	_ =	sdelay $0x3  }
0x44c: {  	[tilespmem:v19+s25+$0x0] =	vst.idx.msk $0xffff, v17  }
0x44d: {  	v19 =	vor.u32 v9, v18;
	v17 =	vld.idx.msk [tilespmem:v20+s19+$0x0], $0xffff  }
0x44e: {  	v20 =	vor.u32 v10, v16;
	_ =	sdelay $0x3  }
0x44f: {  	[tilespmem:v19+s25+$0x0] =	vst.idx.msk $0xffff, v17  }
0x450: {  	v19 =	vor.u32 v11, v18;
	v17 =	vld.idx.msk [tilespmem:v20+s19+$0x0], $0xffff  }
0x451: {  	v20 =	vor.u32 v12, v16;
	_ =	sdelay $0x3  }
0x452: {  	[tilespmem:v19+s25+$0x0] =	vst.idx.msk $0xffff, v17  }
0x453: {  	v19 =	vor.u32 v13, v18;
	v17 =	vld.idx.msk [tilespmem:v20+s19+$0x0], $0xffff  }
0x454: {  	v16 =	vor.u32 v14, v16;
	_ =	sdelay $0x2  }
0x455: {  	s9 =	simm.s32 $0x1  }
0x456: {  	[tilespmem:v19+s25+$0x0] =	vst.idx.msk $0xffff, v17;
	v17 =	vadd.s32 s9, v0  }
0x457: {  	v18 =	vor.u32 v15, v18;
	v16 =	vld.idx.msk [tilespmem:v16+s19+$0x0], $0xffff;
	v17 =	vand.u32 $0x3F, v17  }
0x458: {  	v19 =	vor.u32 v1, v17;
	_ =	sdelay $0x3  }
0x459: {  	[tilespmem:v18+s25+$0x0] =	vst.idx.msk $0xffff, v16;
	v16 =	vshll.u32 v17, $0x7  }
0x45a: {  	v18 =	vld.idx.msk [tilespmem:v19+s19+$0x0], $0xffff;
	v19 =	vor.u32 v0, v16  }
0x45b: {  	v20 =	vor.u32 v2, v17;
	_ =	sdelay $0x3  }
0x45c: {  	[tilespmem:v19+s25+$0x0] =	vst.idx.msk $0xffff, v18  }
0x45d: {  	v19 =	vor.u32 v3, v16;
	v18 =	vld.idx.msk [tilespmem:v20+s19+$0x0], $0xffff  }
0x45e: {  	v20 =	vor.u32 v4, v17;
	_ =	sdelay $0x3  }
0x45f: {  	[tilespmem:v19+s25+$0x0] =	vst.idx.msk $0xffff, v18  }
0x460: {  	v19 =	vor.u32 v5, v16;
	v18 =	vld.idx.msk [tilespmem:v20+s19+$0x0], $0xffff  }
0x461: {  	v20 =	vor.u32 v6, v17;
	_ =	sdelay $0x3  }
0x462: {  	[tilespmem:v19+s25+$0x0] =	vst.idx.msk $0xffff, v18  }
0x463: {  	v19 =	vor.u32 v7, v16;
	v18 =	vld.idx.msk [tilespmem:v20+s19+$0x0], $0xffff  }
0x464: {  	v20 =	vor.u32 v8, v17;
	_ =	sdelay $0x3  }
0x465: {  	[tilespmem:v19+s25+$0x0] =	vst.idx.msk $0xffff, v18  }
0x466: {  	v19 =	vor.u32 v9, v16;
	v18 =	vld.idx.msk [tilespmem:v20+s19+$0x0], $0xffff  }
0x467: {  	v20 =	vor.u32 v10, v17;
	_ =	sdelay $0x3  }
0x468: {  	[tilespmem:v19+s25+$0x0] =	vst.idx.msk $0xffff, v18  }
0x469: {  	v19 =	vor.u32 v11, v16;
	v18 =	vld.idx.msk [tilespmem:v20+s19+$0x0], $0xffff  }
0x46a: {  	v20 =	vor.u32 v12, v17;
	_ =	sdelay $0x3  }
0x46b: {  	[tilespmem:v19+s25+$0x0] =	vst.idx.msk $0xffff, v18  }
0x46c: {  	v19 =	vor.u32 v13, v16;
	v18 =	vld.idx.msk [tilespmem:v20+s19+$0x0], $0xffff  }
0x46d: {  	v17 =	vor.u32 v14, v17;
	_ =	sdelay $0x2  }
0x46e: {  	s10 =	simm.s32 $0x2  }
0x46f: {  	[tilespmem:v19+s25+$0x0] =	vst.idx.msk $0xffff, v18;
	v18 =	vadd.s32 s10, v0  }
0x470: {  	v16 =	vor.u32 v15, v16;
	v17 =	vld.idx.msk [tilespmem:v17+s19+$0x0], $0xffff;
	v18 =	vand.u32 $0x3F, v18  }
0x471: {  	v19 =	vor.u32 v1, v18;
	_ =	sdelay $0x3  }
0x472: {  	[tilespmem:v16+s25+$0x0] =	vst.idx.msk $0xffff, v17;
	v16 =	vshll.u32 v18, $0x7  }
0x473: {  	v17 =	vld.idx.msk [tilespmem:v19+s19+$0x0], $0xffff;
	v19 =	vor.u32 v0, v16  }
0x474: {  	v20 =	vor.u32 v2, v18;
	_ =	sdelay $0x3  }
0x475: {  	[tilespmem:v19+s25+$0x0] =	vst.idx.msk $0xffff, v17  }
0x476: {  	v19 =	vor.u32 v3, v16;
	v17 =	vld.idx.msk [tilespmem:v20+s19+$0x0], $0xffff  }
0x477: {  	v20 =	vor.u32 v4, v18;
	_ =	sdelay $0x3  }
0x478: {  	[tilespmem:v19+s25+$0x0] =	vst.idx.msk $0xffff, v17  }
0x479: {  	v19 =	vor.u32 v5, v16;
	v17 =	vld.idx.msk [tilespmem:v20+s19+$0x0], $0xffff  }
0x47a: {  	v20 =	vor.u32 v6, v18;
	_ =	sdelay $0x3  }
0x47b: {  	[tilespmem:v19+s25+$0x0] =	vst.idx.msk $0xffff, v17  }
0x47c: {  	v19 =	vor.u32 v7, v16;
	v17 =	vld.idx.msk [tilespmem:v20+s19+$0x0], $0xffff  }
0x47d: {  	v20 =	vor.u32 v8, v18;
	_ =	sdelay $0x3  }
0x47e: {  	[tilespmem:v19+s25+$0x0] =	vst.idx.msk $0xffff, v17  }
0x47f: {  	v19 =	vor.u32 v9, v16;
	v17 =	vld.idx.msk [tilespmem:v20+s19+$0x0], $0xffff  }
0x480: {  	v20 =	vor.u32 v10, v18;
	_ =	sdelay $0x3  }
0x481: {  	[tilespmem:v19+s25+$0x0] =	vst.idx.msk $0xffff, v17  }
0x482: {  	v19 =	vor.u32 v11, v16;
	v17 =	vld.idx.msk [tilespmem:v20+s19+$0x0], $0xffff  }
0x483: {  	v20 =	vor.u32 v12, v18;
	_ =	sdelay $0x3  }
0x484: {  	[tilespmem:v19+s25+$0x0] =	vst.idx.msk $0xffff, v17  }
0x485: {  	v19 =	vor.u32 v13, v16;
	v17 =	vld.idx.msk [tilespmem:v20+s19+$0x0], $0xffff  }
0x486: {  	v18 =	vor.u32 v14, v18;
	_ =	sdelay $0x2  }
0x487: {  	s11 =	simm.s32 $0x3  }
0x488: {  	[tilespmem:v19+s25+$0x0] =	vst.idx.msk $0xffff, v17;
	v17 =	vadd.s32 s11, v0  }
0x489: {  	v16 =	vor.u32 v15, v16;
	v18 =	vld.idx.msk [tilespmem:v18+s19+$0x0], $0xffff;
	v17 =	vand.u32 $0x3F, v17  }
0x48a: {  	v19 =	vor.u32 v1, v17;
	_ =	sdelay $0x3  }
0x48b: {  	[tilespmem:v16+s25+$0x0] =	vst.idx.msk $0xffff, v18;
	v16 =	vshll.u32 v17, $0x7  }
0x48c: {  	v18 =	vld.idx.msk [tilespmem:v19+s19+$0x0], $0xffff;
	v19 =	vor.u32 v0, v16  }
0x48d: {  	v20 =	vor.u32 v2, v17;
	_ =	sdelay $0x3  }
0x48e: {  	[tilespmem:v19+s25+$0x0] =	vst.idx.msk $0xffff, v18  }
0x48f: {  	v19 =	vor.u32 v3, v16;
	v18 =	vld.idx.msk [tilespmem:v20+s19+$0x0], $0xffff  }
0x490: {  	v20 =	vor.u32 v4, v17;
	_ =	sdelay $0x3  }
0x491: {  	[tilespmem:v19+s25+$0x0] =	vst.idx.msk $0xffff, v18  }
0x492: {  	v19 =	vor.u32 v5, v16;
	v18 =	vld.idx.msk [tilespmem:v20+s19+$0x0], $0xffff  }
0x493: {  	v20 =	vor.u32 v6, v17;
	_ =	sdelay $0x3  }
0x494: {  	[tilespmem:v19+s25+$0x0] =	vst.idx.msk $0xffff, v18  }
0x495: {  	v19 =	vor.u32 v7, v16;
	v18 =	vld.idx.msk [tilespmem:v20+s19+$0x0], $0xffff  }
0x496: {  	v20 =	vor.u32 v8, v17;
	_ =	sdelay $0x3  }
0x497: {  	[tilespmem:v19+s25+$0x0] =	vst.idx.msk $0xffff, v18  }
0x498: {  	v19 =	vor.u32 v9, v16;
	v18 =	vld.idx.msk [tilespmem:v20+s19+$0x0], $0xffff  }
0x499: {  	v20 =	vor.u32 v10, v17;
	_ =	sdelay $0x3  }
0x49a: {  	[tilespmem:v19+s25+$0x0] =	vst.idx.msk $0xffff, v18  }
0x49b: {  	v19 =	vor.u32 v11, v16;
	v18 =	vld.idx.msk [tilespmem:v20+s19+$0x0], $0xffff  }
0x49c: {  	v20 =	vor.u32 v12, v17;
	_ =	sdelay $0x3  }
0x49d: {  	[tilespmem:v19+s25+$0x0] =	vst.idx.msk $0xffff, v18  }
0x49e: {  	v19 =	vor.u32 v13, v16;
	v18 =	vld.idx.msk [tilespmem:v20+s19+$0x0], $0xffff  }
0x49f: {  	v17 =	vor.u32 v14, v17;
	_ =	sdelay $0x3  }
0x4a0: {  	s6 =	simm.s32 $0x4;
	[tilespmem:v19+s25+$0x0] =	vst.idx.msk $0xffff, v18  }
0x4a1: {  	s9 =	simm.s32 $0x8;
	v18 =	vadd.s32 s6, v0;
	v17 =	vld.idx.msk [tilespmem:v17+s19+$0x0], $0xffff  }
.LBB2_9:
0x4a2: {  	p1 =	slt.u32 s9, $0x3C;
	v18 =	vand.u32 $0x3F, v18;
	v16 =	vor.u32 v15, v16  }
0x4a3: {  	v19 =	vor.u32 v1, v18;
	_ =	sdelay $0x3  }
0x4a4: {  	[tilespmem:v16+s25+$0x0] =	vst.idx.msk $0xffff, v17  }
0x4a5: {  	v17 =	vshll.u32 v18, $0x7;
	v16 =	vld.idx.msk [tilespmem:v19+s19+$0x0], $0xffff  }
0x4a6: {  	v19 =	vor.u32 v0, v17  }
0x4a7: {  	v20 =	vor.u32 v2, v18;
	_ =	sdelay $0x3  }
0x4a8: {  	[tilespmem:v19+s25+$0x0] =	vst.idx.msk $0xffff, v16  }
0x4a9: {  	v16 =	vld.idx.msk [tilespmem:v20+s19+$0x0], $0xffff  }
0x4aa: {  	v19 =	vor.u32 v3, v17  }
0x4ab: {  	v20 =	vor.u32 v4, v18;
	_ =	sdelay $0x3  }
0x4ac: {  	[tilespmem:v19+s25+$0x0] =	vst.idx.msk $0xffff, v16  }
0x4ad: {  	v16 =	vld.idx.msk [tilespmem:v20+s19+$0x0], $0xffff  }
0x4ae: {  	v19 =	vor.u32 v5, v17  }
0x4af: {  	v20 =	vor.u32 v6, v18;
	_ =	sdelay $0x3  }
0x4b0: {  	[tilespmem:v19+s25+$0x0] =	vst.idx.msk $0xffff, v16  }
0x4b1: {  	v16 =	vld.idx.msk [tilespmem:v20+s19+$0x0], $0xffff  }
0x4b2: {  	v19 =	vor.u32 v7, v17  }
0x4b3: {  	v20 =	vor.u32 v8, v18;
	_ =	sdelay $0x3  }
0x4b4: {  	[tilespmem:v19+s25+$0x0] =	vst.idx.msk $0xffff, v16  }
0x4b5: {  	v16 =	vld.idx.msk [tilespmem:v20+s19+$0x0], $0xffff  }
0x4b6: {  	v19 =	vor.u32 v9, v17  }
0x4b7: {  	v20 =	vor.u32 v10, v18;
	_ =	sdelay $0x3  }
0x4b8: {  	[tilespmem:v19+s25+$0x0] =	vst.idx.msk $0xffff, v16  }
0x4b9: {  	v16 =	vld.idx.msk [tilespmem:v20+s19+$0x0], $0xffff  }
0x4ba: {  	v19 =	vor.u32 v11, v17  }
0x4bb: {  	v20 =	vor.u32 v12, v18;
	_ =	sdelay $0x3  }
0x4bc: {  	[tilespmem:v19+s25+$0x0] =	vst.idx.msk $0xffff, v16  }
0x4bd: {  	v16 =	vld.idx.msk [tilespmem:v20+s19+$0x0], $0xffff  }
0x4be: {  	v19 =	vor.u32 v13, v17  }
0x4bf: {  	v18 =	vor.u32 v14, v18;
	_ =	sdelay $0x3  }
0x4c0: {  	s7 =	sadd.s32 $0x1, s6;
	[tilespmem:v19+s25+$0x0] =	vst.idx.msk $0xffff, v16  }
0x4c1: {  	v16 =	vld.idx.msk [tilespmem:v18+s19+$0x0], $0xffff;
	v18 =	vadd.s32 s7, v0  }
0x4c2: {  	v17 =	vor.u32 v15, v17;
	v18 =	vand.u32 $0x3F, v18  }
0x4c3: {  	v19 =	vor.u32 v1, v18;
	_ =	sdelay $0x3  }
0x4c4: {  	[tilespmem:v17+s25+$0x0] =	vst.idx.msk $0xffff, v16  }
0x4c5: {  	v17 =	vshll.u32 v18, $0x7;
	v16 =	vld.idx.msk [tilespmem:v19+s19+$0x0], $0xffff  }
0x4c6: {  	v19 =	vor.u32 v0, v17  }
0x4c7: {  	v20 =	vor.u32 v2, v18;
	_ =	sdelay $0x3  }
0x4c8: {  	[tilespmem:v19+s25+$0x0] =	vst.idx.msk $0xffff, v16  }
0x4c9: {  	v16 =	vld.idx.msk [tilespmem:v20+s19+$0x0], $0xffff  }
0x4ca: {  	v19 =	vor.u32 v3, v17  }
0x4cb: {  	v20 =	vor.u32 v4, v18;
	_ =	sdelay $0x3  }
0x4cc: {  	[tilespmem:v19+s25+$0x0] =	vst.idx.msk $0xffff, v16  }
0x4cd: {  	v16 =	vld.idx.msk [tilespmem:v20+s19+$0x0], $0xffff  }
0x4ce: {  	v19 =	vor.u32 v5, v17  }
0x4cf: {  	v20 =	vor.u32 v6, v18;
	_ =	sdelay $0x3  }
0x4d0: {  	[tilespmem:v19+s25+$0x0] =	vst.idx.msk $0xffff, v16  }
0x4d1: {  	v16 =	vld.idx.msk [tilespmem:v20+s19+$0x0], $0xffff  }
0x4d2: {  	v19 =	vor.u32 v7, v17  }
0x4d3: {  	v20 =	vor.u32 v8, v18;
	_ =	sdelay $0x3  }
0x4d4: {  	[tilespmem:v19+s25+$0x0] =	vst.idx.msk $0xffff, v16  }
0x4d5: {  	v16 =	vld.idx.msk [tilespmem:v20+s19+$0x0], $0xffff  }
0x4d6: {  	v19 =	vor.u32 v9, v17  }
0x4d7: {  	v20 =	vor.u32 v10, v18;
	_ =	sdelay $0x3  }
0x4d8: {  	[tilespmem:v19+s25+$0x0] =	vst.idx.msk $0xffff, v16  }
0x4d9: {  	v16 =	vld.idx.msk [tilespmem:v20+s19+$0x0], $0xffff  }
0x4da: {  	v19 =	vor.u32 v11, v17  }
0x4db: {  	v20 =	vor.u32 v12, v18;
	_ =	sdelay $0x3  }
0x4dc: {  	[tilespmem:v19+s25+$0x0] =	vst.idx.msk $0xffff, v16  }
0x4dd: {  	v16 =	vld.idx.msk [tilespmem:v20+s19+$0x0], $0xffff  }
0x4de: {  	v19 =	vor.u32 v13, v17  }
0x4df: {  	v18 =	vor.u32 v14, v18;
	_ =	sdelay $0x3  }
0x4e0: {  	s7 =	sadd.s32 $0x2, s6;
	[tilespmem:v19+s25+$0x0] =	vst.idx.msk $0xffff, v16  }
0x4e1: {  	v16 =	vld.idx.msk [tilespmem:v18+s19+$0x0], $0xffff;
	v18 =	vadd.s32 s7, v0  }
0x4e2: {  	v17 =	vor.u32 v15, v17;
	v18 =	vand.u32 $0x3F, v18  }
0x4e3: {  	v19 =	vor.u32 v1, v18;
	_ =	sdelay $0x3  }
0x4e4: {  	[tilespmem:v17+s25+$0x0] =	vst.idx.msk $0xffff, v16  }
0x4e5: {  	v17 =	vshll.u32 v18, $0x7;
	v16 =	vld.idx.msk [tilespmem:v19+s19+$0x0], $0xffff  }
0x4e6: {  	v19 =	vor.u32 v0, v17  }
0x4e7: {  	v20 =	vor.u32 v2, v18;
	_ =	sdelay $0x3  }
0x4e8: {  	[tilespmem:v19+s25+$0x0] =	vst.idx.msk $0xffff, v16  }
0x4e9: {  	v16 =	vld.idx.msk [tilespmem:v20+s19+$0x0], $0xffff  }
0x4ea: {  	v19 =	vor.u32 v3, v17  }
0x4eb: {  	v20 =	vor.u32 v4, v18;
	_ =	sdelay $0x3  }
0x4ec: {  	[tilespmem:v19+s25+$0x0] =	vst.idx.msk $0xffff, v16  }
0x4ed: {  	v16 =	vld.idx.msk [tilespmem:v20+s19+$0x0], $0xffff  }
0x4ee: {  	v19 =	vor.u32 v5, v17  }
0x4ef: {  	v20 =	vor.u32 v6, v18;
	_ =	sdelay $0x3  }
0x4f0: {  	[tilespmem:v19+s25+$0x0] =	vst.idx.msk $0xffff, v16  }
0x4f1: {  	v16 =	vld.idx.msk [tilespmem:v20+s19+$0x0], $0xffff  }
0x4f2: {  	v19 =	vor.u32 v7, v17  }
0x4f3: {  	v20 =	vor.u32 v8, v18;
	_ =	sdelay $0x3  }
0x4f4: {  	[tilespmem:v19+s25+$0x0] =	vst.idx.msk $0xffff, v16  }
0x4f5: {  	v16 =	vld.idx.msk [tilespmem:v20+s19+$0x0], $0xffff  }
0x4f6: {  	v19 =	vor.u32 v9, v17  }
0x4f7: {  	v20 =	vor.u32 v10, v18;
	_ =	sdelay $0x3  }
0x4f8: {  	[tilespmem:v19+s25+$0x0] =	vst.idx.msk $0xffff, v16  }
0x4f9: {  	v16 =	vld.idx.msk [tilespmem:v20+s19+$0x0], $0xffff  }
0x4fa: {  	v19 =	vor.u32 v11, v17  }
0x4fb: {  	v20 =	vor.u32 v12, v18;
	_ =	sdelay $0x3  }
0x4fc: {  	[tilespmem:v19+s25+$0x0] =	vst.idx.msk $0xffff, v16  }
0x4fd: {  	v16 =	vld.idx.msk [tilespmem:v20+s19+$0x0], $0xffff  }
0x4fe: {  	v19 =	vor.u32 v13, v17  }
0x4ff: {  	v18 =	vor.u32 v14, v18;
	_ =	sdelay $0x3  }
0x500: {  	s7 =	sadd.s32 $0x3, s6;
	s6 =	smov.u32 s9;
	[tilespmem:v19+s25+$0x0] =	vst.idx.msk $0xffff, v16  }
0x501: {  	v16 =	vld.idx.msk [tilespmem:v18+s19+$0x0], $0xffff;
	v18 =	vadd.s32 s7, v0  }
0x502: {  	v17 =	vor.u32 v15, v17;
	v18 =	vand.u32 $0x3F, v18  }
0x503: {  	v19 =	vor.u32 v1, v18;
	_ =	sdelay $0x3  }
0x504: {  	[tilespmem:v17+s25+$0x0] =	vst.idx.msk $0xffff, v16  }
0x505: {  	v16 =	vshll.u32 v18, $0x7;
	v17 =	vld.idx.msk [tilespmem:v19+s19+$0x0], $0xffff  }
0x506: {  	v19 =	vor.u32 v0, v16  }
0x507: {  	v20 =	vor.u32 v2, v18;
	_ =	sdelay $0x3  }
0x508: {  	[tilespmem:v19+s25+$0x0] =	vst.idx.msk $0xffff, v17  }
0x509: {  	v17 =	vld.idx.msk [tilespmem:v20+s19+$0x0], $0xffff  }
0x50a: {  	v19 =	vor.u32 v3, v16  }
0x50b: {  	v20 =	vor.u32 v4, v18;
	_ =	sdelay $0x3  }
0x50c: {  	[tilespmem:v19+s25+$0x0] =	vst.idx.msk $0xffff, v17  }
0x50d: {  	v17 =	vld.idx.msk [tilespmem:v20+s19+$0x0], $0xffff  }
0x50e: {  	v19 =	vor.u32 v5, v16  }
0x50f: {  	v20 =	vor.u32 v6, v18;
	_ =	sdelay $0x3  }
0x510: {  	[tilespmem:v19+s25+$0x0] =	vst.idx.msk $0xffff, v17  }
0x511: {  	v17 =	vld.idx.msk [tilespmem:v20+s19+$0x0], $0xffff  }
0x512: {  	v19 =	vor.u32 v7, v16  }
0x513: {  	v20 =	vor.u32 v8, v18;
	_ =	sdelay $0x3  }
0x514: {  	[tilespmem:v19+s25+$0x0] =	vst.idx.msk $0xffff, v17  }
0x515: {  	v17 =	vld.idx.msk [tilespmem:v20+s19+$0x0], $0xffff  }
0x516: {  	v19 =	vor.u32 v9, v16  }
0x517: {  	v20 =	vor.u32 v10, v18;
	_ =	sdelay $0x3  }
0x518: {  	[tilespmem:v19+s25+$0x0] =	vst.idx.msk $0xffff, v17  }
0x519: {  	v17 =	vld.idx.msk [tilespmem:v20+s19+$0x0], $0xffff  }
0x51a: {  	v19 =	vor.u32 v11, v16  }
0x51b: {  	v20 =	vor.u32 v12, v18;
	_ =	sdelay $0x3  }
0x51c: {  	[tilespmem:v19+s25+$0x0] =	vst.idx.msk $0xffff, v17  }
0x51d: {  	v17 =	vld.idx.msk [tilespmem:v20+s19+$0x0], $0xffff  }
0x51e: {  	v19 =	vor.u32 v13, v16  }
0x51f: {  	v20 =	vor.u32 v14, v18  }
.Ltmp5:
0x520: {  	(pc) =	sbr.rel @p1 .LBB2_9-.Ltmp5, $3  }
0x521: {  	_ =	sdelay $0x1  }
0x522: {  	[tilespmem:v19+s25+$0x0] =	vst.idx.msk $0xffff, v17  }
0x523: {  	s9 =	sadd.s32 $0x4, s9;
	v18 =	vadd.s32 s6, v0;
	v17 =	vld.idx.msk [tilespmem:v20+s19+$0x0], $0xffff  }
0x524: {  	v18 =	vand.u32 $0x3F, v18;
	v16 =	vor.u32 v15, v16  }
0x525: {  	v19 =	vor.u32 v1, v18;
	_ =	sdelay $0x3  }
0x526: {  	[tilespmem:v16+s25+$0x0] =	vst.idx.msk $0xffff, v17;
	v16 =	vshll.u32 v18, $0x7  }
0x527: {  	v17 =	vld.idx.msk [tilespmem:v19+s19+$0x0], $0xffff;
	v49 =	vor.u32 v0, v16  }
0x528: {  	v20 =	vor.u32 v2, v18;
	_ =	sdelay $0x3  }
0x529: {  	[tilespmem:v49+s25+$0x0] =	vst.idx.msk $0xffff, v17  }
0x52a: {  	v50 =	vor.u32 v3, v16;
	v17 =	vld.idx.msk [tilespmem:v20+s19+$0x0], $0xffff  }
0x52b: {  	v51 =	vor.u32 v4, v18;
	_ =	sdelay $0x3  }
0x52c: {  	[tilespmem:v50+s25+$0x0] =	vst.idx.msk $0xffff, v17  }
0x52d: {  	v52 =	vor.u32 v5, v16;
	v17 =	vld.idx.msk [tilespmem:v51+s19+$0x0], $0xffff  }
0x52e: {  	v53 =	vor.u32 v6, v18;
	_ =	sdelay $0x3  }
0x52f: {  	[tilespmem:v52+s25+$0x0] =	vst.idx.msk $0xffff, v17  }
0x530: {  	v54 =	vor.u32 v7, v16;
	v17 =	vld.idx.msk [tilespmem:v53+s19+$0x0], $0xffff  }
0x531: {  	v55 =	vor.u32 v8, v18;
	_ =	sdelay $0x3  }
0x532: {  	[tilespmem:v54+s25+$0x0] =	vst.idx.msk $0xffff, v17  }
0x533: {  	v56 =	vor.u32 v9, v16;
	v17 =	vld.idx.msk [tilespmem:v55+s19+$0x0], $0xffff  }
0x534: {  	v57 =	vor.u32 v10, v18;
	_ =	sdelay $0x3  }
0x535: {  	[tilespmem:v56+s25+$0x0] =	vst.idx.msk $0xffff, v17  }
0x536: {  	v58 =	vor.u32 v11, v16;
	v17 =	vld.idx.msk [tilespmem:v57+s19+$0x0], $0xffff  }
0x537: {  	v59 =	vor.u32 v12, v18;
	_ =	sdelay $0x3  }
0x538: {  	[tilespmem:v58+s25+$0x0] =	vst.idx.msk $0xffff, v17  }
0x539: {  	v60 =	vor.u32 v13, v16;
	v17 =	vld.idx.msk [tilespmem:v59+s19+$0x0], $0xffff  }
0x53a: {  	v18 =	vor.u32 v14, v18;
	_ =	sdelay $0x2  }
0x53b: {  	s7 =	sadd.s32 $0x1, s6  }
0x53c: {  	[tilespmem:v60+s25+$0x0] =	vst.idx.msk $0xffff, v17;
	v17 =	vadd.s32 s7, v0  }
0x53d: {  	v16 =	vor.u32 v15, v16;
	v18 =	vld.idx.msk [tilespmem:v18+s19+$0x0], $0xffff;
	v17 =	vand.u32 $0x3F, v17  }
0x53e: {  	v61 =	vor.u32 v1, v17;
	_ =	sdelay $0x3  }
0x53f: {  	[tilespmem:v16+s25+$0x0] =	vst.idx.msk $0xffff, v18;
	v16 =	vshll.u32 v17, $0x7  }
0x540: {  	v18 =	vld.idx.msk [tilespmem:v61+s19+$0x0], $0xffff;
	v62 =	vor.u32 v0, v16  }
0x541: {  	v63 =	vor.u32 v2, v17;
	_ =	sdelay $0x3  }
0x542: {  	[tilespmem:v62+s25+$0x0] =	vst.idx.msk $0xffff, v18  }
0x543: {  	v24 =	vor.u32 v3, v16;
	v18 =	vld.idx.msk [tilespmem:v63+s19+$0x0], $0xffff  }
0x544: {  	v25 =	vor.u32 v4, v17;
	_ =	sdelay $0x3  }
0x545: {  	[tilespmem:v24+s25+$0x0] =	vst.idx.msk $0xffff, v18  }
0x546: {  	v26 =	vor.u32 v5, v16;
	v18 =	vld.idx.msk [tilespmem:v25+s19+$0x0], $0xffff  }
0x547: {  	v27 =	vor.u32 v6, v17;
	_ =	sdelay $0x3  }
0x548: {  	[tilespmem:v26+s25+$0x0] =	vst.idx.msk $0xffff, v18  }
0x549: {  	v28 =	vor.u32 v7, v16;
	v18 =	vld.idx.msk [tilespmem:v27+s19+$0x0], $0xffff  }
0x54a: {  	v29 =	vor.u32 v8, v17;
	_ =	sdelay $0x3  }
0x54b: {  	[tilespmem:v28+s25+$0x0] =	vst.idx.msk $0xffff, v18  }
0x54c: {  	v30 =	vor.u32 v9, v16;
	v18 =	vld.idx.msk [tilespmem:v29+s19+$0x0], $0xffff  }
0x54d: {  	v31 =	vor.u32 v10, v17;
	_ =	sdelay $0x3  }
0x54e: {  	[tilespmem:v30+s25+$0x0] =	vst.idx.msk $0xffff, v18  }
0x54f: {  	v32 =	vor.u32 v11, v16;
	v18 =	vld.idx.msk [tilespmem:v31+s19+$0x0], $0xffff  }
0x550: {  	v33 =	vor.u32 v12, v17;
	_ =	sdelay $0x3  }
0x551: {  	[tilespmem:v32+s25+$0x0] =	vst.idx.msk $0xffff, v18  }
0x552: {  	v34 =	vor.u32 v13, v16;
	v18 =	vld.idx.msk [tilespmem:v33+s19+$0x0], $0xffff  }
0x553: {  	v17 =	vor.u32 v14, v17;
	_ =	sdelay $0x2  }
0x554: {  	s11 =	sadd.s32 $0x2, s6  }
0x555: {  	v35 =	vadd.s32 s11, v0;
	[tilespmem:v34+s25+$0x0] =	vst.idx.msk $0xffff, v18  }
0x556: {  	v16 =	vor.u32 v15, v16;
	v18 =	vand.u32 $0x3F, v35;
	v17 =	vld.idx.msk [tilespmem:v17+s19+$0x0], $0xffff  }
0x557: {  	v36 =	vor.u32 v1, v18;
	_ =	sdelay $0x3  }
0x558: {  	[tilespmem:v16+s25+$0x0] =	vst.idx.msk $0xffff, v17;
	v16 =	vshll.u32 v18, $0x7  }
0x559: {  	v17 =	vld.idx.msk [tilespmem:v36+s19+$0x0], $0xffff;
	v37 =	vor.u32 v0, v16  }
0x55a: {  	v38 =	vor.u32 v2, v18;
	_ =	sdelay $0x3  }
0x55b: {  	[tilespmem:v37+s25+$0x0] =	vst.idx.msk $0xffff, v17  }
0x55c: {  	v39 =	vor.u32 v3, v16;
	v17 =	vld.idx.msk [tilespmem:v38+s19+$0x0], $0xffff  }
0x55d: {  	v40 =	vor.u32 v4, v18;
	_ =	sdelay $0x3  }
0x55e: {  	[tilespmem:v39+s25+$0x0] =	vst.idx.msk $0xffff, v17  }
0x55f: {  	v41 =	vor.u32 v5, v16;
	v17 =	vld.idx.msk [tilespmem:v40+s19+$0x0], $0xffff  }
0x560: {  	v42 =	vor.u32 v6, v18;
	_ =	sdelay $0x3  }
0x561: {  	[tilespmem:v41+s25+$0x0] =	vst.idx.msk $0xffff, v17  }
0x562: {  	v43 =	vor.u32 v7, v16;
	v17 =	vld.idx.msk [tilespmem:v42+s19+$0x0], $0xffff  }
0x563: {  	v44 =	vor.u32 v8, v18;
	_ =	sdelay $0x3  }
0x564: {  	[tilespmem:v43+s25+$0x0] =	vst.idx.msk $0xffff, v17  }
0x565: {  	v45 =	vor.u32 v9, v16;
	v17 =	vld.idx.msk [tilespmem:v44+s19+$0x0], $0xffff  }
0x566: {  	v46 =	vor.u32 v10, v18;
	_ =	sdelay $0x3  }
0x567: {  	[tilespmem:v45+s25+$0x0] =	vst.idx.msk $0xffff, v17  }
0x568: {  	v47 =	vor.u32 v11, v16;
	v17 =	vld.idx.msk [tilespmem:v46+s19+$0x0], $0xffff  }
0x569: {  	v48 =	vor.u32 v12, v18;
	_ =	sdelay $0x3  }
0x56a: {  	[tilespmem:v47+s25+$0x0] =	vst.idx.msk $0xffff, v17  }
0x56b: {  	v49 =	vor.u32 v13, v16;
	v17 =	vld.idx.msk [tilespmem:v48+s19+$0x0], $0xffff  }
0x56c: {  	v18 =	vor.u32 v14, v18;
	_ =	sdelay $0x2  }
0x56d: {  	s9 =	sadd.s32 $0x3, s6  }
0x56e: {  	[tilespmem:v49+s25+$0x0] =	vst.idx.msk $0xffff, v17;
	v17 =	vadd.s32 s9, v0  }
0x56f: {  	v16 =	vor.u32 v15, v16;
	v18 =	vld.idx.msk [tilespmem:v18+s19+$0x0], $0xffff;
	v17 =	vand.u32 $0x3F, v17  }
0x570: {  	v50 =	vor.u32 v1, v17;
	_ =	sdelay $0x3  }
0x571: {  	[tilespmem:v16+s25+$0x0] =	vst.idx.msk $0xffff, v18;
	v16 =	vshll.u32 v17, $0x7  }
0x572: {  	v18 =	vld.idx.msk [tilespmem:v50+s19+$0x0], $0xffff;
	v51 =	vor.u32 v0, v16  }
0x573: {  	v52 =	vor.u32 v2, v17;
	_ =	sdelay $0x3  }
0x574: {  	[tilespmem:v51+s25+$0x0] =	vst.idx.msk $0xffff, v18  }
0x575: {  	v53 =	vor.u32 v3, v16;
	v18 =	vld.idx.msk [tilespmem:v52+s19+$0x0], $0xffff  }
0x576: {  	v54 =	vor.u32 v4, v17;
	_ =	sdelay $0x3  }
0x577: {  	[tilespmem:v53+s25+$0x0] =	vst.idx.msk $0xffff, v18  }
0x578: {  	v55 =	vor.u32 v5, v16;
	v18 =	vld.idx.msk [tilespmem:v54+s19+$0x0], $0xffff  }
0x579: {  	v56 =	vor.u32 v6, v17;
	_ =	sdelay $0x3  }
0x57a: {  	[tilespmem:v55+s25+$0x0] =	vst.idx.msk $0xffff, v18  }
0x57b: {  	v57 =	vor.u32 v7, v16;
	v18 =	vld.idx.msk [tilespmem:v56+s19+$0x0], $0xffff  }
0x57c: {  	v58 =	vor.u32 v8, v17;
	_ =	sdelay $0x3  }
0x57d: {  	[tilespmem:v57+s25+$0x0] =	vst.idx.msk $0xffff, v18  }
0x57e: {  	v59 =	vor.u32 v9, v16;
	v18 =	vld.idx.msk [tilespmem:v58+s19+$0x0], $0xffff  }
0x57f: {  	v60 =	vor.u32 v10, v17;
	_ =	sdelay $0x3  }
0x580: {  	[tilespmem:v59+s25+$0x0] =	vst.idx.msk $0xffff, v18  }
0x581: {  	v61 =	vor.u32 v11, v16;
	v18 =	vld.idx.msk [tilespmem:v60+s19+$0x0], $0xffff  }
0x582: {  	v62 =	vor.u32 v12, v17;
	_ =	sdelay $0x3  }
0x583: {  	[tilespmem:v61+s25+$0x0] =	vst.idx.msk $0xffff, v18  }
0x584: {  	v63 =	vor.u32 v13, v16;
	v18 =	vld.idx.msk [tilespmem:v62+s19+$0x0], $0xffff  }
0x585: {  	v17 =	vor.u32 v14, v17;
	_ =	sdelay $0x3  }
0x586: {  	[tilespmem:v63+s25+$0x0] =	vst.idx.msk $0xffff, v18  }
0x587: {  	v16 =	vor.u32 v15, v16;
	v17 =	vld.idx.msk [tilespmem:v17+s19+$0x0], $0xffff  }
0x588: {  	s10 =	sadd.s32 $0x3, s8  }
.Ltmp6:
0x589: {  	s11 =	sshll.u32 s10, $0x7;
	(pc) =	sbr.rel @p0 .LBB2_12-.Ltmp6, $4  }
0x58a: {  	s6 =	sshll.u32 s10, $0xA;
	s7 =	sand.u32 $0xF80, s11  }
0x58b: {  	s6 =	sand.u32 $0xFFF8000, s6;
	s7 =	sadd.s32 s2, s7  }
0x58c: {  	s6 =	sadd.s32 s6, s7;
	[tilespmem:v16+s25+$0x0] =	vst.idx.msk $0xffff, v17  }
0x58d: {  	[hbm4b:s6+s20] =	stream.strided.scatter [tilespmem:s25], [sflag:$0x8], $0x2000, s21, s20, $0x38;
	[tilespmem:$0x1E400] =	vst v63  }
.Ltmp7:
0x58e: {  	(pc) =	sbr.rel .LBB2_2-.Ltmp7, $4  }
0x58f: {  	s6 =	sshll.u32 s3, $0x9  }
0x590: {  	s6 =	sand.u32 $0x3FFFFE00, s6  }
0x591: {  	s3 =	sadd.s32 $0x1, s3;
	s6 =	sadd.s32 $0x380, s6  }
0x592: {  	[tilespmem:s19], [sflag:$0x4] =	stream.indirect.gather [hbm4b:s4+s13], $0x80, s6, s13, $0xb8;
	[tilespmem:$0x1E400] =	vst v63  }
.LBB2_13:
0x593: {  	_ =	sfence.sel $0x180000  }
0x594: {  	[bflag:$0x0] =	sbarrier.arrive $0xFFFF  }
0x595: {  	_ =	strace $0x90000047  }
0x596: {  	s0 =	stileid.u32;
	[bflag:$0x2] =	sbarrier.arrive $0xFFFF  }
0x597: {  	p0 =	sne.s32 s0, $0x0;
	s0 =	rddreg [dreg:$0x2]  }
0x598: {  	s0 =	sadd.s32 @!p0 $0x100000, s0  }
0x599: {  	[sflag:s0] =	ssyncadd.tile.s32 @!p0 $0x1;
	_ =	shalt  }
.Lfunc_end2:
_tile_overlayer_lowered:
.L_overlay_start_2:
0x59a: {  	(tag) =	ssettag $0x2  }
0x59b: {  	s0 =	rddreg [dreg:$0x0];
	s2 =	stileid.u32  }
0x59c: {  	s1 =	rddreg [dreg:$0x1];
	p0 =	sne.s32 s2, $0x0  }
0x59d: {  	s3 =	rddreg [dreg:$0x2];
	[bflag:$0x3] =	sbarrier.arrive $0xFFFF;
	s2 =	simm.s32 @!p0 $0x1C09  }
0x59e: {  	[timem:s3], [sflag:s2] =	dma.local @!p0 [hbm:s0], s1  }
0x59f: {  	s0 =	simm.s32 @!p0 $0x9  }
0x5a0: {  	_ =	swait.ge @!p0 [sflag:s0], s1  }
0x5a1: {  	s1 =	ssub.s32 @!p0 $0x0, s1;
	[sflag:s0] =	ssyncset.done @!p0 $0x0  }
0x5a2: {  	[sflag:s0] =	ssyncadd.s32 @!p0 s1  }
0x5a3: {  	[bflag:$0x3] =	sbarrier.arrive $0xFFFF  }
0x5a4: {  	_ =	shalt  }

</sc_bundles>
